<compile_context>
chip_gen: v7x
topology: tpu7x:2x2x1
jax: 0.10.2.dev20260603
libtpu: 0.0.44.dev20260713+nightly
codegen_flags: <defaults>
</compile_context>

<pallas_src>
import functools

import jax
import jax.numpy as jnp
from jax import lax
from jax.experimental import pallas as pl
from jax.experimental.pallas import tpu as pltpu
from jax.experimental.pallas import tpu_sc as plsc

B = 4096
L = 200
DIM = 64
PAD = 128
N = B * L
NK = DIM // 16
NB = 4

NC = 2
NS = 16
NW = NC * NS
ROWS_W = B // NW

_mesh = plsc.VectorSubcoreMesh(core_axis_name="c", subcore_axis_name="s")


@functools.partial(
    pl.kernel,
    out_type=jax.ShapeDtypeStruct((B, L, PAD), jnp.float32),
    mesh=_mesh,
    scratch_types=[
        [pltpu.VMEM((L,), jnp.int32)] * NB,
        [pltpu.VMEM((L,), jnp.int32)] * NB,
        [pltpu.VMEM((L, PAD), jnp.float32)] * NB,
        pltpu.VMEM_SHARED((L, PAD), jnp.float32),
        pltpu.VMEM((DIM,), jnp.float32),
        pltpu.VMEM((DIM,), jnp.float32),
        [pltpu.SemaphoreType.DMA] * NB,
        [pltpu.SemaphoreType.DMA] * NB,
        [pltpu.SemaphoreType.DMA] * NB,
        [pltpu.SemaphoreType.DMA] * NB,
    ],
)
def _embed_ln_kernel(tok_hbm, pos_hbm, ttab_hbm, ptab_hbm, gamma_hbm, beta_hbm,
                     out_hbm,
                     idxt, idxp, erows, ptab_sh,
                     gamma_v, beta_v, sem_i, sem_p, sem_t, sem_o):
    sid = lax.axis_index("s")
    wid = sid * NC + lax.axis_index("c")
    base_b = wid * ROWS_W

    pltpu.sync_copy(gamma_hbm, gamma_v)
    pltpu.sync_copy(beta_hbm, beta_v)

    @pl.when(sid == 0)
    def _():
        pltpu.sync_copy(ptab_hbm, erows[0])
        pltpu.sync_copy(erows[0], ptab_sh)

    plsc.subcore_barrier()

    lane = lax.iota(jnp.int32, 16)
    perms = [lane ^ sh for sh in (1, 2, 4, 8)]

    g = [gamma_v[pl.ds(k * 16, 16)] for k in range(NK)]
    bt = [beta_v[pl.ds(k * 16, 16)] for k in range(NK)]

    def allsum(v):
        for p in perms:
            v = v + v.at[p].get(mode="promise_in_bounds")
        return v

    def stage_idx(gi, b):
        bi = base_b + gi
        pltpu.async_copy(tok_hbm.at[bi], idxt[b], sem_i[b])
        pltpu.async_copy(pos_hbm.at[bi], idxp[b], sem_i[b])

    def wait_idx(b):
        pltpu.make_async_copy(tok_hbm.at[0], idxt[b], sem_i[b]).wait()
        pltpu.make_async_copy(pos_hbm.at[0], idxp[b], sem_i[b]).wait()

    def stage_pos(gi, b):
        @pl.when(gi >= NB)
        def _():
            pltpu.make_async_copy(erows[b], out_hbm.at[base_b + gi],
                                  sem_o[b]).wait()
        wait_idx(b)
        pltpu.async_copy(ptab_sh.at[idxp[b]], erows[b], sem_p[b])

    def stage_tok(b):
        pltpu.make_async_copy(ptab_sh.at[idxp[b]], erows[b], sem_p[b]).wait()
        pltpu.async_copy(ttab_hbm.at[idxt[b]], erows[b], sem_t[b], add=True)

    def compute_chunk(b):
        @plsc.parallel_loop(0, L, unroll=4)
        def tok_body(t):
            e = [erows[b][t, pl.ds(k * 16, 16)] for k in range(NK)]
            s = (e[0] + e[1]) + (e[2] + e[3])
            q = (e[0] * e[0] + e[1] * e[1]) + (e[2] * e[2] + e[3] * e[3])
            mean = allsum(s) * (1.0 / DIM)
            var = allsum(q) * (1.0 / DIM) - mean * mean
            xv = jnp.maximum(var, 0.0) + 1e-12
            iv = lax.bitcast_convert_type(xv, jnp.int32)
            iv = 0x5F3759DF - (iv >> 1)
            y = lax.bitcast_convert_type(iv, jnp.float32)
            hx = xv * 0.5
            for _ in range(2):
                y = y * (1.5 - hx * y * y)
            for k in range(NK):
                erows[b][t, pl.ds(k * 16, 16)] = \
                    (e[k] - mean) * y * g[k] + bt[k]

    stage_idx(0, 0)
    stage_idx(1, 1)
    stage_idx(2, 2)
    stage_pos(0, 0)
    stage_pos(1, 1)
    stage_tok(0)

    def body4(ch, carry):
        for j in range(NB):
            gi = NB * ch + j

            @pl.when(gi + 3 < ROWS_W)
            def _():
                stage_idx(gi + 3, (j + 3) % NB)

            @pl.when(gi + 2 < ROWS_W)
            def _():
                stage_pos(gi + 2, (j + 2) % NB)

            @pl.when(gi + 1 < ROWS_W)
            def _():
                stage_tok((j + 1) % NB)

            pltpu.make_async_copy(ttab_hbm.at[idxt[j]], erows[j],
                                  sem_t[j]).wait()
            compute_chunk(j)
            pltpu.async_copy(erows[j], out_hbm.at[base_b + gi], sem_o[j])
        return carry

    lax.fori_loop(0, ROWS_W // NB, body4, 0)

    for b in range(NB):
        pltpu.make_async_copy(erows[b], out_hbm.at[base_b], sem_o[b]).wait()


def kernel(input_token_id, input_position_id, token_table, pos_table,
           ln_gamma, ln_beta):
    tok = jnp.asarray(input_token_id, jnp.int32)
    pos = jnp.asarray(input_position_id, jnp.int32)
    ttab = jnp.pad(token_table, ((0, 0), (0, PAD - DIM)))
    ptab = jnp.pad(pos_table[:L], ((0, 0), (0, PAD - DIM)))
    out = _embed_ln_kernel(tok, pos, ttab, ptab, ln_gamma, ln_beta)
    return out[:, :, :DIM]

# --- scband reference (transcript-rebuilt; emitter-appended) ---
"""Pipeline reference for scband-embedder-1151051235773 (READ-ONLY COPY).

The authoritative reference and input builder live on the scoring server;
editing this copy changes nothing except your own understanding.
"""

import jax, jax.numpy as jnp
import numpy as np

VOCAB = 100000
DIM = 64
B = 4096
L = 200

def setup_inputs(seed: int = 0) -> dict:
    key = jax.random.key(seed)
    k1, k2, k3, k4 = jax.random.split(key, 4)
    input_token_id = jax.random.randint(k1, (B, L), 0, VOCAB, dtype=jnp.int64 if jax.config.jax_enable_x64 else jnp.int32)
    input_position_id = jax.random.randint(k2, (B, L), 0, L, dtype=jnp.int64 if jax.config.jax_enable_x64 else jnp.int32)
    token_table = jax.random.normal(k3, (VOCAB, DIM), dtype=jnp.float32) * 0.02
    pos_table = jax.random.normal(k4, (VOCAB, DIM), dtype=jnp.float32) * 0.02
    ln_gamma = jnp.ones((DIM,), dtype=jnp.float32)
    ln_beta = jnp.zeros((DIM,), dtype=jnp.float32)
    return {
        'input_token_id': input_token_id,
        'input_position_id': input_position_id,
        'token_table': token_table,
        'pos_table': pos_table,
        'ln_gamma': ln_gamma,
        'ln_beta': ln_beta,
    }

def reference(input_token_id, input_position_id, token_table, pos_table, ln_gamma, ln_beta):
    # token embedding lookup (gather)
    token_encoding = jnp.take(token_table, input_token_id, axis=0)
    # position embedding lookup (gather)
    position_encoding = jnp.take(pos_table, input_position_id, axis=0)
    embeddings = token_encoding + position_encoding
    # LayerNorm over last dim, eps=1e-12
    mean = jnp.mean(embeddings, axis=-1, keepdims=True)
    var = jnp.mean(jnp.square(embeddings - mean), axis=-1, keepdims=True)
    normed = (embeddings - mean) / jnp.sqrt(var + 1e-12)
    out = normed * ln_gamma + ln_beta
    return out

if __name__ == "__main__":
    import jax
    _d = setup_inputs()
    print(jax.jit(kernel)(*tuple(_d.values())))

</pallas_src>

<mosaic_0001>
#map = affine_map<(d0, d1) -> (0, 0)>
#map1 = affine_map<(d0, d1) -> (0)>
#map2 = affine_map<(d0, d1) -> (0, 0, 0)>
module attributes {stable_mosaic.version = 14 : i64} {
  func.func @_embed_ln_kernel(%arg0: i32, %arg1: i32, %arg2: memref<4096x200xi32, #tpu.memory_space<hbm>>, %arg3: memref<4096x200xi32, #tpu.memory_space<hbm>>, %arg4: memref<100000x128xf32, #tpu.memory_space<hbm>>, %arg5: memref<200x128xf32, #tpu.memory_space<hbm>>, %arg6: memref<64xf32, #tpu.memory_space<hbm>>, %arg7: memref<64xf32, #tpu.memory_space<hbm>>, %arg8: memref<4096x200x128xf32, #tpu.memory_space<hbm>>, %arg9: memref<200xi32, #tpu.memory_space<vmem>>, %arg10: memref<200xi32, #tpu.memory_space<vmem>>, %arg11: memref<200xi32, #tpu.memory_space<vmem>>, %arg12: memref<200xi32, #tpu.memory_space<vmem>>, %arg13: memref<200xi32, #tpu.memory_space<vmem>>, %arg14: memref<200xi32, #tpu.memory_space<vmem>>, %arg15: memref<200xi32, #tpu.memory_space<vmem>>, %arg16: memref<200xi32, #tpu.memory_space<vmem>>, %arg17: memref<200x128xf32, #tpu.memory_space<vmem>>, %arg18: memref<200x128xf32, #tpu.memory_space<vmem>>, %arg19: memref<200x128xf32, #tpu.memory_space<vmem>>, %arg20: memref<200x128xf32, #tpu.memory_space<vmem>>, %arg21: memref<200x128xf32, #tpu.memory_space<vmem_shared>>, %arg22: memref<64xf32, #tpu.memory_space<vmem>>, %arg23: memref<64xf32, #tpu.memory_space<vmem>>, %arg24: memref<!tpu.dma_semaphore, #tpu.memory_space<semaphore_mem>>, %arg25: memref<!tpu.dma_semaphore, #tpu.memory_space<semaphore_mem>>, %arg26: memref<!tpu.dma_semaphore, #tpu.memory_space<semaphore_mem>>, %arg27: memref<!tpu.dma_semaphore, #tpu.memory_space<semaphore_mem>>, %arg28: memref<!tpu.dma_semaphore, #tpu.memory_space<semaphore_mem>>, %arg29: memref<!tpu.dma_semaphore, #tpu.memory_space<semaphore_mem>>, %arg30: memref<!tpu.dma_semaphore, #tpu.memory_space<semaphore_mem>>, %arg31: memref<!tpu.dma_semaphore, #tpu.memory_space<semaphore_mem>>, %arg32: memref<!tpu.dma_semaphore, #tpu.memory_space<semaphore_mem>>, %arg33: memref<!tpu.dma_semaphore, #tpu.memory_space<semaphore_mem>>, %arg34: memref<!tpu.dma_semaphore, #tpu.memory_space<semaphore_mem>>, %arg35: memref<!tpu.dma_semaphore, #tpu.memory_space<semaphore_mem>>, %arg36: memref<!tpu.dma_semaphore, #tpu.memory_space<semaphore_mem>>, %arg37: memref<!tpu.dma_semaphore, #tpu.memory_space<semaphore_mem>>, %arg38: memref<!tpu.dma_semaphore, #tpu.memory_space<semaphore_mem>>, %arg39: memref<!tpu.dma_semaphore, #tpu.memory_space<semaphore_mem>>) attributes {dimension_semantics = [#tpu.dimension_semantics<core_parallel>, #tpu.dimension_semantics<subcore_parallel>], iteration_bounds = array<i64: 2, 16>, scalar_prefetch = 0 : i64, scratch_operands = 31 : i64, tpu.core_type = #tpu.core_type<sc_vector_subcore>, window_params = [{transform_indices = #map}, {transform_indices = #map}, {transform_indices = #map}, {transform_indices = #map}, {transform_indices = #map1}, {transform_indices = #map1}, {transform_indices = #map2}]} {
    %mul3A = arith.constant 2 : i32
    %mul3A_0 = arith.muli %arg1, %mul3A : i32
    %add3A = arith.addi %mul3A_0, %arg0 : i32
    %mul3A_1 = arith.constant 128 : i32
    %mul3A_2 = arith.muli %add3A, %mul3A_1 : i32
    "tpu.region"() ({
      %run_scoped3A = tpu.sem_alloc : memref<!tpu.dma_semaphore, #tpu.memory_space<semaphore_mem>>
      tpu.enqueue_dma source(%arg6 : memref<64xf32, #tpu.memory_space<hbm>>) target(%arg22 : memref<64xf32, #tpu.memory_space<vmem>>) target_semaphore(%run_scoped3A : memref<!tpu.dma_semaphore, #tpu.memory_space<semaphore_mem>>)
      tpu.wait_dma2 semaphore(%run_scoped3A : memref<!tpu.dma_semaphore, #tpu.memory_space<semaphore_mem>>) src(%arg6 : memref<64xf32, #tpu.memory_space<hbm>>) dst(%arg22 : memref<64xf32, #tpu.memory_space<vmem>>)
      tpu.yield
    }) : () -> ()
    "tpu.region"() ({
      %run_scoped3A = tpu.sem_alloc : memref<!tpu.dma_semaphore, #tpu.memory_space<semaphore_mem>>
      tpu.enqueue_dma source(%arg7 : memref<64xf32, #tpu.memory_space<hbm>>) target(%arg23 : memref<64xf32, #tpu.memory_space<vmem>>) target_semaphore(%run_scoped3A : memref<!tpu.dma_semaphore, #tpu.memory_space<semaphore_mem>>)
      tpu.wait_dma2 semaphore(%run_scoped3A : memref<!tpu.dma_semaphore, #tpu.memory_space<semaphore_mem>>) src(%arg7 : memref<64xf32, #tpu.memory_space<hbm>>) dst(%arg23 : memref<64xf32, #tpu.memory_space<vmem>>)
      tpu.yield
    }) : () -> ()
    %eq3A = arith.constant 0 : i32
    %eq3A_3 = arith.cmpi eq, %arg1, %eq3A : i32
    %convert_element_type3A = arith.extui %eq3A_3 : i1 to i32
    %cond3A = arith.constant 0 : i32
    %cond3A_4 = arith.cmpi ne, %convert_element_type3A, %cond3A : i32
    scf.if %cond3A_4 {
      "tpu.region"() ({
        %run_scoped3A = tpu.sem_alloc : memref<!tpu.dma_semaphore, #tpu.memory_space<semaphore_mem>>
        tpu.enqueue_dma source(%arg5 : memref<200x128xf32, #tpu.memory_space<hbm>>) target(%arg17 : memref<200x128xf32, #tpu.memory_space<vmem>>) target_semaphore(%run_scoped3A : memref<!tpu.dma_semaphore, #tpu.memory_space<semaphore_mem>>)
        tpu.wait_dma2 semaphore(%run_scoped3A : memref<!tpu.dma_semaphore, #tpu.memory_space<semaphore_mem>>) src(%arg5 : memref<200x128xf32, #tpu.memory_space<hbm>>) dst(%arg17 : memref<200x128xf32, #tpu.memory_space<vmem>>)
        tpu.yield
      }) : () -> ()
      "tpu.region"() ({
        %run_scoped3A = tpu.sem_alloc : memref<!tpu.dma_semaphore, #tpu.memory_space<semaphore_mem>>
        tpu.enqueue_dma source(%arg17 : memref<200x128xf32, #tpu.memory_space<vmem>>) target(%arg21 : memref<200x128xf32, #tpu.memory_space<vmem_shared>>) target_semaphore(%run_scoped3A : memref<!tpu.dma_semaphore, #tpu.memory_space<semaphore_mem>>)
        tpu.wait_dma2 semaphore(%run_scoped3A : memref<!tpu.dma_semaphore, #tpu.memory_space<semaphore_mem>>) src(%arg17 : memref<200x128xf32, #tpu.memory_space<vmem>>) dst(%arg21 : memref<200x128xf32, #tpu.memory_space<vmem_shared>>)
        tpu.yield
      }) : () -> ()
    } else {
    }
    %barrier3A = arith.constant 0 : index
    tpu.barrier barrier_id(%barrier3A)
    %iota3A = tpu.iota {dimensions = array<i32: 0>} : vector<16xi32>
    %xor3A = arith.constant 1 : i32
    %xor3A_5 = vector.broadcast %xor3A : i32 to vector<16xi32>
    %xor3A_6 = arith.xori %iota3A, %xor3A_5 : vector<16xi32>
    %xor3A_7 = arith.constant 2 : i32
    %xor3A_8 = vector.broadcast %xor3A_7 : i32 to vector<16xi32>
    %xor3A_9 = arith.xori %iota3A, %xor3A_8 : vector<16xi32>
    %xor3A_10 = arith.constant 4 : i32
    %xor3A_11 = vector.broadcast %xor3A_10 : i32 to vector<16xi32>
    %xor3A_12 = arith.xori %iota3A, %xor3A_11 : vector<16xi32>
    %xor3A_13 = arith.constant 8 : i32
    %xor3A_14 = vector.broadcast %xor3A_13 : i32 to vector<16xi32>
    %xor3A_15 = arith.xori %iota3A, %xor3A_14 : vector<16xi32>
    %get3A = arith.constant 0 : index
    %get3A_16 = tpu.vector_load %arg22[%get3A] {strides = array<i32>} : memref<64xf32, #tpu.memory_space<vmem>>, vector<16xf32>,
    %get3A_17 = vector.shape_cast %get3A_16 : vector<16xf32> to vector<16xf32>
    %get3A_18 = arith.constant 16 : index
    %get3A_19 = tpu.vector_load %arg22[%get3A_18] {strides = array<i32>} : memref<64xf32, #tpu.memory_space<vmem>>, vector<16xf32>,
    %get3A_20 = vector.shape_cast %get3A_19 : vector<16xf32> to vector<16xf32>
    %get3A_21 = arith.constant 32 : index
    %get3A_22 = tpu.vector_load %arg22[%get3A_21] {strides = array<i32>} : memref<64xf32, #tpu.memory_space<vmem>>, vector<16xf32>,
    %get3A_23 = vector.shape_cast %get3A_22 : vector<16xf32> to vector<16xf32>
    %get3A_24 = arith.constant 48 : index
    %get3A_25 = tpu.vector_load %arg22[%get3A_24] {strides = array<i32>} : memref<64xf32, #tpu.memory_space<vmem>>, vector<16xf32>,
    %get3A_26 = vector.shape_cast %get3A_25 : vector<16xf32> to vector<16xf32>
    %get3A_27 = arith.constant 0 : index
    %get3A_28 = tpu.vector_load %arg23[%get3A_27] {strides = array<i32>} : memref<64xf32, #tpu.memory_space<vmem>>, vector<16xf32>,
    %get3A_29 = vector.shape_cast %get3A_28 : vector<16xf32> to vector<16xf32>
    %get3A_30 = arith.constant 16 : index
    %get3A_31 = tpu.vector_load %arg23[%get3A_30] {strides = array<i32>} : memref<64xf32, #tpu.memory_space<vmem>>, vector<16xf32>,
    %get3A_32 = vector.shape_cast %get3A_31 : vector<16xf32> to vector<16xf32>
    %get3A_33 = arith.constant 32 : index
    %get3A_34 = tpu.vector_load %arg23[%get3A_33] {strides = array<i32>} : memref<64xf32, #tpu.memory_space<vmem>>, vector<16xf32>,
    %get3A_35 = vector.shape_cast %get3A_34 : vector<16xf32> to vector<16xf32>
    %get3A_36 = arith.constant 48 : index
    %get3A_37 = tpu.vector_load %arg23[%get3A_36] {strides = array<i32>} : memref<64xf32, #tpu.memory_space<vmem>>, vector<16xf32>,
    %get3A_38 = vector.shape_cast %get3A_37 : vector<16xf32> to vector<16xf32>
    %add3A_39 = arith.constant 0 : i32
    %add3A_40 = arith.addi %mul3A_2, %add3A_39 : i32
    %dma_start3A = arith.constant 0 : i32
    %dma_start3A_41 = tpu.memref_slice %arg2[%add3A_40, %dma_start3A] : memref<4096x200xi32, #tpu.memory_space<hbm>> -> memref<1x200xi32, #tpu.memory_space<hbm>>
    %dma_start3A_42 = tpu.memref_squeeze %dma_start3A_41 : memref<1x200xi32, #tpu.memory_space<hbm>> -> memref<200xi32, #tpu.memory_space<hbm>>
    %dma_start3A_43 = arith.constant 0 : i32
    %dma_start3A_44 = tpu.memref_slice %arg2[%add3A_40, %dma_start3A_43] : memref<4096x200xi32, #tpu.memory_space<hbm>> -> memref<1x200xi32, #tpu.memory_space<hbm>>
    %dma_start3A_45 = tpu.memref_squeeze %dma_start3A_44 : memref<1x200xi32, #tpu.memory_space<hbm>> -> memref<200xi32, #tpu.memory_space<hbm>>
    tpu.enqueue_dma source(%dma_start3A_45 : memref<200xi32, #tpu.memory_space<hbm>>) target(%arg9 : memref<200xi32, #tpu.memory_space<vmem>>) target_semaphore(%arg24 : memref<!tpu.dma_semaphore, #tpu.memory_space<semaphore_mem>>)
    %dma_start3A_46 = arith.constant 0 : i32
    %dma_start3A_47 = tpu.memref_slice %arg3[%add3A_40, %dma_start3A_46] : memref<4096x200xi32, #tpu.memory_space<hbm>> -> memref<1x200xi32, #tpu.memory_space<hbm>>
    %dma_start3A_48 = tpu.memref_squeeze %dma_start3A_47 : memref<1x200xi32, #tpu.memory_space<hbm>> -> memref<200xi32, #tpu.memory_space<hbm>>
    %dma_start3A_49 = arith.constant 0 : i32
    %dma_start3A_50 = tpu.memref_slice %arg3[%add3A_40, %dma_start3A_49] : memref<4096x200xi32, #tpu.memory_space<hbm>> -> memref<1x200xi32, #tpu.memory_space<hbm>>
    %dma_start3A_51 = tpu.memref_squeeze %dma_start3A_50 : memref<1x200xi32, #tpu.memory_space<hbm>> -> memref<200xi32, #tpu.memory_space<hbm>>
    tpu.enqueue_dma source(%dma_start3A_51 : memref<200xi32, #tpu.memory_space<hbm>>) target(%arg13 : memref<200xi32, #tpu.memory_space<vmem>>) target_semaphore(%arg24 : memref<!tpu.dma_semaphore, #tpu.memory_space<semaphore_mem>>)
    %add3A_52 = arith.constant 1 : i32
    %add3A_53 = arith.addi %mul3A_2, %add3A_52 : i32
    %dma_start3A_54 = arith.constant 0 : i32
    %dma_start3A_55 = tpu.memref_slice %arg2[%add3A_53, %dma_start3A_54] : memref<4096x200xi32, #tpu.memory_space<hbm>> -> memref<1x200xi32, #tpu.memory_space<hbm>>
    %dma_start3A_56 = tpu.memref_squeeze %dma_start3A_55 : memref<1x200xi32, #tpu.memory_space<hbm>> -> memref<200xi32, #tpu.memory_space<hbm>>
    %dma_start3A_57 = arith.constant 0 : i32
    %dma_start3A_58 = tpu.memref_slice %arg2[%add3A_53, %dma_start3A_57] : memref<4096x200xi32, #tpu.memory_space<hbm>> -> memref<1x200xi32, #tpu.memory_space<hbm>>
    %dma_start3A_59 = tpu.memref_squeeze %dma_start3A_58 : memref<1x200xi32, #tpu.memory_space<hbm>> -> memref<200xi32, #tpu.memory_space<hbm>>
    tpu.enqueue_dma source(%dma_start3A_59 : memref<200xi32, #tpu.memory_space<hbm>>) target(%arg10 : memref<200xi32, #tpu.memory_space<vmem>>) target_semaphore(%arg25 : memref<!tpu.dma_semaphore, #tpu.memory_space<semaphore_mem>>)
    %dma_start3A_60 = arith.constant 0 : i32
    %dma_start3A_61 = tpu.memref_slice %arg3[%add3A_53, %dma_start3A_60] : memref<4096x200xi32, #tpu.memory_space<hbm>> -> memref<1x200xi32, #tpu.memory_space<hbm>>
    %dma_start3A_62 = tpu.memref_squeeze %dma_start3A_61 : memref<1x200xi32, #tpu.memory_space<hbm>> -> memref<200xi32, #tpu.memory_space<hbm>>
    %dma_start3A_63 = arith.constant 0 : i32
    %dma_start3A_64 = tpu.memref_slice %arg3[%add3A_53, %dma_start3A_63] : memref<4096x200xi32, #tpu.memory_space<hbm>> -> memref<1x200xi32, #tpu.memory_space<hbm>>
    %dma_start3A_65 = tpu.memref_squeeze %dma_start3A_64 : memref<1x200xi32, #tpu.memory_space<hbm>> -> memref<200xi32, #tpu.memory_space<hbm>>
    tpu.enqueue_dma source(%dma_start3A_65 : memref<200xi32, #tpu.memory_space<hbm>>) target(%arg14 : memref<200xi32, #tpu.memory_space<vmem>>) target_semaphore(%arg25 : memref<!tpu.dma_semaphore, #tpu.memory_space<semaphore_mem>>)
    %add3A_66 = arith.constant 2 : i32
    %add3A_67 = arith.addi %mul3A_2, %add3A_66 : i32
    %dma_start3A_68 = arith.constant 0 : i32
    %dma_start3A_69 = tpu.memref_slice %arg2[%add3A_67, %dma_start3A_68] : memref<4096x200xi32, #tpu.memory_space<hbm>> -> memref<1x200xi32, #tpu.memory_space<hbm>>
    %dma_start3A_70 = tpu.memref_squeeze %dma_start3A_69 : memref<1x200xi32, #tpu.memory_space<hbm>> -> memref<200xi32, #tpu.memory_space<hbm>>
    %dma_start3A_71 = arith.constant 0 : i32
    %dma_start3A_72 = tpu.memref_slice %arg2[%add3A_67, %dma_start3A_71] : memref<4096x200xi32, #tpu.memory_space<hbm>> -> memref<1x200xi32, #tpu.memory_space<hbm>>
    %dma_start3A_73 = tpu.memref_squeeze %dma_start3A_72 : memref<1x200xi32, #tpu.memory_space<hbm>> -> memref<200xi32, #tpu.memory_space<hbm>>
    tpu.enqueue_dma source(%dma_start3A_73 : memref<200xi32, #tpu.memory_space<hbm>>) target(%arg11 : memref<200xi32, #tpu.memory_space<vmem>>) target_semaphore(%arg26 : memref<!tpu.dma_semaphore, #tpu.memory_space<semaphore_mem>>)
    %dma_start3A_74 = arith.constant 0 : i32
    %dma_start3A_75 = tpu.memref_slice %arg3[%add3A_67, %dma_start3A_74] : memref<4096x200xi32, #tpu.memory_space<hbm>> -> memref<1x200xi32, #tpu.memory_space<hbm>>
    %dma_start3A_76 = tpu.memref_squeeze %dma_start3A_75 : memref<1x200xi32, #tpu.memory_space<hbm>> -> memref<200xi32, #tpu.memory_space<hbm>>
    %dma_start3A_77 = arith.constant 0 : i32
    %dma_start3A_78 = tpu.memref_slice %arg3[%add3A_67, %dma_start3A_77] : memref<4096x200xi32, #tpu.memory_space<hbm>> -> memref<1x200xi32, #tpu.memory_space<hbm>>
    %dma_start3A_79 = tpu.memref_squeeze %dma_start3A_78 : memref<1x200xi32, #tpu.memory_space<hbm>> -> memref<200xi32, #tpu.memory_space<hbm>>
    tpu.enqueue_dma source(%dma_start3A_79 : memref<200xi32, #tpu.memory_space<hbm>>) target(%arg15 : memref<200xi32, #tpu.memory_space<vmem>>) target_semaphore(%arg26 : memref<!tpu.dma_semaphore, #tpu.memory_space<semaphore_mem>>)
    %dma_wait3A = arith.constant 0 : i32
    %dma_wait3A_80 = arith.constant 0 : i32
    %dma_wait3A_81 = tpu.memref_slice %arg2[%dma_wait3A, %dma_wait3A_80] : memref<4096x200xi32, #tpu.memory_space<hbm>> -> memref<1x200xi32, #tpu.memory_space<hbm>>
    %dma_wait3A_82 = tpu.memref_squeeze %dma_wait3A_81 : memref<1x200xi32, #tpu.memory_space<hbm>> -> memref<200xi32, #tpu.memory_space<hbm>>
    %dma_wait3A_83 = arith.constant 0 : i32
    %dma_wait3A_84 = tpu.memref_slice %arg2[%dma_wait3A, %dma_wait3A_83] : memref<4096x200xi32, #tpu.memory_space<hbm>> -> memref<1x200xi32, #tpu.memory_space<hbm>>
    %dma_wait3A_85 = tpu.memref_squeeze %dma_wait3A_84 : memref<1x200xi32, #tpu.memory_space<hbm>> -> memref<200xi32, #tpu.memory_space<hbm>>
    tpu.wait_dma2 semaphore(%arg24 : memref<!tpu.dma_semaphore, #tpu.memory_space<semaphore_mem>>) src(%dma_wait3A_85 : memref<200xi32, #tpu.memory_space<hbm>>) dst(%arg9 : memref<200xi32, #tpu.memory_space<vmem>>)
    %dma_wait3A_86 = arith.constant 0 : i32
    %dma_wait3A_87 = arith.constant 0 : i32
    %dma_wait3A_88 = tpu.memref_slice %arg3[%dma_wait3A_86, %dma_wait3A_87] : memref<4096x200xi32, #tpu.memory_space<hbm>> -> memref<1x200xi32, #tpu.memory_space<hbm>>
    %dma_wait3A_89 = tpu.memref_squeeze %dma_wait3A_88 : memref<1x200xi32, #tpu.memory_space<hbm>> -> memref<200xi32, #tpu.memory_space<hbm>>
    %dma_wait3A_90 = arith.constant 0 : i32
    %dma_wait3A_91 = tpu.memref_slice %arg3[%dma_wait3A_86, %dma_wait3A_90] : memref<4096x200xi32, #tpu.memory_space<hbm>> -> memref<1x200xi32, #tpu.memory_space<hbm>>
    %dma_wait3A_92 = tpu.memref_squeeze %dma_wait3A_91 : memref<1x200xi32, #tpu.memory_space<hbm>> -> memref<200xi32, #tpu.memory_space<hbm>>
    tpu.wait_dma2 semaphore(%arg24 : memref<!tpu.dma_semaphore, #tpu.memory_space<semaphore_mem>>) src(%dma_wait3A_92 : memref<200xi32, #tpu.memory_space<hbm>>) dst(%arg13 : memref<200xi32, #tpu.memory_space<vmem>>)
    %dma_start3A_93 = arith.constant 0 : i32
    %dma_start3A_94 = arith.constant 0 : i32
    %dma_start3A_95 = tpu.memref_slice %arg21[%dma_start3A_93, %dma_start3A_94] : memref<200x128xf32, #tpu.memory_space<vmem_shared>> -> memref<200x128xf32, #tpu.memory_space<vmem_shared>>
    tpu.enqueue_indirect_dma source(%dma_start3A_95 : memref<200x128xf32, #tpu.memory_space<vmem_shared>>) target(%arg17 : memref<200x128xf32, #tpu.memory_space<vmem>>) offsets(%arg13 : memref<200xi32, #tpu.memory_space<vmem>>) semaphore(%arg28 : memref<!tpu.dma_semaphore, #tpu.memory_space<semaphore_mem>>)
    %dma_wait3A_96 = arith.constant 0 : i32
    %dma_wait3A_97 = arith.constant 0 : i32
    %dma_wait3A_98 = tpu.memref_slice %arg2[%dma_wait3A_96, %dma_wait3A_97] : memref<4096x200xi32, #tpu.memory_space<hbm>> -> memref<1x200xi32, #tpu.memory_space<hbm>>
    %dma_wait3A_99 = tpu.memref_squeeze %dma_wait3A_98 : memref<1x200xi32, #tpu.memory_space<hbm>> -> memref<200xi32, #tpu.memory_space<hbm>>
    %dma_wait3A_100 = arith.constant 0 : i32
    %dma_wait3A_101 = tpu.memref_slice %arg2[%dma_wait3A_96, %dma_wait3A_100] : memref<4096x200xi32, #tpu.memory_space<hbm>> -> memref<1x200xi32, #tpu.memory_space<hbm>>
    %dma_wait3A_102 = tpu.memref_squeeze %dma_wait3A_101 : memref<1x200xi32, #tpu.memory_space<hbm>> -> memref<200xi32, #tpu.memory_space<hbm>>
    tpu.wait_dma2 semaphore(%arg25 : memref<!tpu.dma_semaphore, #tpu.memory_space<semaphore_mem>>) src(%dma_wait3A_102 : memref<200xi32, #tpu.memory_space<hbm>>) dst(%arg10 : memref<200xi32, #tpu.memory_space<vmem>>)
    %dma_wait3A_103 = arith.constant 0 : i32
    %dma_wait3A_104 = arith.constant 0 : i32
    %dma_wait3A_105 = tpu.memref_slice %arg3[%dma_wait3A_103, %dma_wait3A_104] : memref<4096x200xi32, #tpu.memory_space<hbm>> -> memref<1x200xi32, #tpu.memory_space<hbm>>
    %dma_wait3A_106 = tpu.memref_squeeze %dma_wait3A_105 : memref<1x200xi32, #tpu.memory_space<hbm>> -> memref<200xi32, #tpu.memory_space<hbm>>
    %dma_wait3A_107 = arith.constant 0 : i32
    %dma_wait3A_108 = tpu.memref_slice %arg3[%dma_wait3A_103, %dma_wait3A_107] : memref<4096x200xi32, #tpu.memory_space<hbm>> -> memref<1x200xi32, #tpu.memory_space<hbm>>
    %dma_wait3A_109 = tpu.memref_squeeze %dma_wait3A_108 : memref<1x200xi32, #tpu.memory_space<hbm>> -> memref<200xi32, #tpu.memory_space<hbm>>
    tpu.wait_dma2 semaphore(%arg25 : memref<!tpu.dma_semaphore, #tpu.memory_space<semaphore_mem>>) src(%dma_wait3A_109 : memref<200xi32, #tpu.memory_space<hbm>>) dst(%arg14 : memref<200xi32, #tpu.memory_space<vmem>>)
    %dma_start3A_110 = arith.constant 0 : i32
    %dma_start3A_111 = arith.constant 0 : i32
    %dma_start3A_112 = tpu.memref_slice %arg21[%dma_start3A_110, %dma_start3A_111] : memref<200x128xf32, #tpu.memory_space<vmem_shared>> -> memref<200x128xf32, #tpu.memory_space<vmem_shared>>
    tpu.enqueue_indirect_dma source(%dma_start3A_112 : memref<200x128xf32, #tpu.memory_space<vmem_shared>>) target(%arg18 : memref<200x128xf32, #tpu.memory_space<vmem>>) offsets(%arg14 : memref<200xi32, #tpu.memory_space<vmem>>) semaphore(%arg29 : memref<!tpu.dma_semaphore, #tpu.memory_space<semaphore_mem>>)
    %dma_wait3A_113 = arith.constant 0 : i32
    %dma_wait3A_114 = arith.constant 0 : i32
    %dma_wait3A_115 = tpu.memref_slice %arg21[%dma_wait3A_113, %dma_wait3A_114] : memref<200x128xf32, #tpu.memory_space<vmem_shared>> -> memref<200x128xf32, #tpu.memory_space<vmem_shared>>
    tpu.wait_indirect_dma semaphore(%arg28 : memref<!tpu.dma_semaphore, #tpu.memory_space<semaphore_mem>>) src(%dma_wait3A_115 : memref<200x128xf32, #tpu.memory_space<vmem_shared>>) dst(%arg17 : memref<200x128xf32, #tpu.memory_space<vmem>>)
    %dma_start3A_116 = arith.constant 0 : i32
    %dma_start3A_117 = arith.constant 0 : i32
    %dma_start3A_118 = tpu.memref_slice %arg4[%dma_start3A_116, %dma_start3A_117] : memref<100000x128xf32, #tpu.memory_space<hbm>> -> memref<100000x128xf32, #tpu.memory_space<hbm>>
    tpu.enqueue_indirect_dma source(%dma_start3A_118 : memref<100000x128xf32, #tpu.memory_space<hbm>>) target(%arg17 : memref<200x128xf32, #tpu.memory_space<vmem>>) offsets(%arg9 : memref<200xi32, #tpu.memory_space<vmem>>) semaphore(%arg32 : memref<!tpu.dma_semaphore, #tpu.memory_space<semaphore_mem>>) {add = true}
    %scan3A = arith.constant 0 : i32
    %scan3A_119 = arith.constant 0 : i32
    %scan3A_120 = arith.constant 32 : i32
    %scan3A_121 = arith.addi %scan3A_119, %scan3A_120 : i32
    %scan3A_122 = arith.constant 1 : i32
    scf.for %scan3A_156 = %scan3A_119 to %scan3A_121 step %scan3A_122  : i32 {
      %mul3A_157 = arith.constant 4 : i32
      %mul3A_158 = arith.muli %mul3A_157, %scan3A_156 : i32
      %add3A_159 = arith.constant 0 : i32
      %add3A_160 = arith.addi %mul3A_158, %add3A_159 : i32
      %add3A_161 = arith.constant 3 : i32
      %add3A_162 = arith.addi %add3A_160, %add3A_161 : i32
      %lt3A = arith.constant 128 : i32
      %lt3A_163 = arith.cmpi slt, %add3A_162, %lt3A : i32
      %convert_element_type3A_164 = arith.extui %lt3A_163 : i1 to i32
      %cond3A_165 = arith.constant 0 : i32
      %cond3A_166 = arith.cmpi ne, %convert_element_type3A_164, %cond3A_165 : i32
      scf.if %cond3A_166 {
        %add3A_315 = arith.constant 3 : i32
        %add3A_316 = arith.addi %add3A_160, %add3A_315 : i32
        %add3A_317 = arith.addi %mul3A_2, %add3A_316 : i32
        %dma_start3A_318 = arith.constant 0 : i32
        %dma_start3A_319 = tpu.memref_slice %arg2[%add3A_317, %dma_start3A_318] : memref<4096x200xi32, #tpu.memory_space<hbm>> -> memref<1x200xi32, #tpu.memory_space<hbm>>
        %dma_start3A_320 = tpu.memref_squeeze %dma_start3A_319 : memref<1x200xi32, #tpu.memory_space<hbm>> -> memref<200xi32, #tpu.memory_space<hbm>>
        %dma_start3A_321 = arith.constant 0 : i32
        %dma_start3A_322 = tpu.memref_slice %arg2[%add3A_317, %dma_start3A_321] : memref<4096x200xi32, #tpu.memory_space<hbm>> -> memref<1x200xi32, #tpu.memory_space<hbm>>
        %dma_start3A_323 = tpu.memref_squeeze %dma_start3A_322 : memref<1x200xi32, #tpu.memory_space<hbm>> -> memref<200xi32, #tpu.memory_space<hbm>>
        tpu.enqueue_dma source(%dma_start3A_323 : memref<200xi32, #tpu.memory_space<hbm>>) target(%arg12 : memref<200xi32, #tpu.memory_space<vmem>>) target_semaphore(%arg27 : memref<!tpu.dma_semaphore, #tpu.memory_space<semaphore_mem>>)
        %dma_start3A_324 = arith.constant 0 : i32
        %dma_start3A_325 = tpu.memref_slice %arg3[%add3A_317, %dma_start3A_324] : memref<4096x200xi32, #tpu.memory_space<hbm>> -> memref<1x200xi32, #tpu.memory_space<hbm>>
        %dma_start3A_326 = tpu.memref_squeeze %dma_start3A_325 : memref<1x200xi32, #tpu.memory_space<hbm>> -> memref<200xi32, #tpu.memory_space<hbm>>
        %dma_start3A_327 = arith.constant 0 : i32
        %dma_start3A_328 = tpu.memref_slice %arg3[%add3A_317, %dma_start3A_327] : memref<4096x200xi32, #tpu.memory_space<hbm>> -> memref<1x200xi32, #tpu.memory_space<hbm>>
        %dma_start3A_329 = tpu.memref_squeeze %dma_start3A_328 : memref<1x200xi32, #tpu.memory_space<hbm>> -> memref<200xi32, #tpu.memory_space<hbm>>
        tpu.enqueue_dma source(%dma_start3A_329 : memref<200xi32, #tpu.memory_space<hbm>>) target(%arg16 : memref<200xi32, #tpu.memory_space<vmem>>) target_semaphore(%arg27 : memref<!tpu.dma_semaphore, #tpu.memory_space<semaphore_mem>>)
      } else {
      }
      %add3A_167 = arith.constant 2 : i32
      %add3A_168 = arith.addi %add3A_160, %add3A_167 : i32
      %lt3A_169 = arith.constant 128 : i32
      %lt3A_170 = arith.cmpi slt, %add3A_168, %lt3A_169 : i32
      %convert_element_type3A_171 = arith.extui %lt3A_170 : i1 to i32
      %cond3A_172 = arith.constant 0 : i32
      %cond3A_173 = arith.cmpi ne, %convert_element_type3A_171, %cond3A_172 : i32
      scf.if %cond3A_173 {
        %add3A_315 = arith.constant 2 : i32
        %add3A_316 = arith.addi %add3A_160, %add3A_315 : i32
        %ge3A = arith.constant 4 : i32
        %ge3A_317 = arith.cmpi sge, %add3A_316, %ge3A : i32
        %convert_element_type3A_318 = arith.extui %ge3A_317 : i1 to i32
        %cond3A_319 = arith.constant 0 : i32
        %cond3A_320 = arith.cmpi ne, %convert_element_type3A_318, %cond3A_319 : i32
        scf.if %cond3A_320 {
          %add3A_338 = arith.addi %mul3A_2, %add3A_316 : i32
          %dma_wait3A_339 = arith.constant 0 : i32
          %dma_wait3A_340 = arith.constant 0 : i32
          %dma_wait3A_341 = tpu.memref_slice %arg8[%add3A_338, %dma_wait3A_339, %dma_wait3A_340] : memref<4096x200x128xf32, #tpu.memory_space<hbm>> -> memref<1x200x128xf32, #tpu.memory_space<hbm>>
          %dma_wait3A_342 = tpu.memref_squeeze %dma_wait3A_341 : memref<1x200x128xf32, #tpu.memory_space<hbm>> -> memref<200x128xf32, #tpu.memory_space<hbm>>
          %dma_wait3A_343 = arith.constant 0 : i32
          %dma_wait3A_344 = arith.constant 0 : i32
          %dma_wait3A_345 = tpu.memref_slice %arg8[%add3A_338, %dma_wait3A_343, %dma_wait3A_344] : memref<4096x200x128xf32, #tpu.memory_space<hbm>> -> memref<1x200x128xf32, #tpu.memory_space<hbm>>
          %dma_wait3A_346 = tpu.memref_squeeze %dma_wait3A_345 : memref<1x200x128xf32, #tpu.memory_space<hbm>> -> memref<200x128xf32, #tpu.memory_space<hbm>>
          tpu.wait_dma2 semaphore(%arg38 : memref<!tpu.dma_semaphore, #tpu.memory_space<semaphore_mem>>) src(%arg19 : memref<200x128xf32, #tpu.memory_space<vmem>>) dst(%dma_wait3A_346 : memref<200x128xf32, #tpu.memory_space<hbm>>)
        } else {
        }
        %dma_wait3A_321 = arith.constant 0 : i32
        %dma_wait3A_322 = arith.constant 0 : i32
        %dma_wait3A_323 = tpu.memref_slice %arg2[%dma_wait3A_321, %dma_wait3A_322] : memref<4096x200xi32, #tpu.memory_space<hbm>> -> memref<1x200xi32, #tpu.memory_space<hbm>>
        %dma_wait3A_324 = tpu.memref_squeeze %dma_wait3A_323 : memref<1x200xi32, #tpu.memory_space<hbm>> -> memref<200xi32, #tpu.memory_space<hbm>>
        %dma_wait3A_325 = arith.constant 0 : i32
        %dma_wait3A_326 = tpu.memref_slice %arg2[%dma_wait3A_321, %dma_wait3A_325] : memref<4096x200xi32, #tpu.memory_space<hbm>> -> memref<1x200xi32, #tpu.memory_space<hbm>>
        %dma_wait3A_327 = tpu.memref_squeeze %dma_wait3A_326 : memref<1x200xi32, #tpu.memory_space<hbm>> -> memref<200xi32, #tpu.memory_space<hbm>>
        tpu.wait_dma2 semaphore(%arg26 : memref<!tpu.dma_semaphore, #tpu.memory_space<semaphore_mem>>) src(%dma_wait3A_327 : memref<200xi32, #tpu.memory_space<hbm>>) dst(%arg11 : memref<200xi32, #tpu.memory_space<vmem>>)
        %dma_wait3A_328 = arith.constant 0 : i32
        %dma_wait3A_329 = arith.constant 0 : i32
        %dma_wait3A_330 = tpu.memref_slice %arg3[%dma_wait3A_328, %dma_wait3A_329] : memref<4096x200xi32, #tpu.memory_space<hbm>> -> memref<1x200xi32, #tpu.memory_space<hbm>>
        %dma_wait3A_331 = tpu.memref_squeeze %dma_wait3A_330 : memref<1x200xi32, #tpu.memory_space<hbm>> -> memref<200xi32, #tpu.memory_space<hbm>>
        %dma_wait3A_332 = arith.constant 0 : i32
        %dma_wait3A_333 = tpu.memref_slice %arg3[%dma_wait3A_328, %dma_wait3A_332] : memref<4096x200xi32, #tpu.memory_space<hbm>> -> memref<1x200xi32, #tpu.memory_space<hbm>>
        %dma_wait3A_334 = tpu.memref_squeeze %dma_wait3A_333 : memref<1x200xi32, #tpu.memory_space<hbm>> -> memref<200xi32, #tpu.memory_space<hbm>>
        tpu.wait_dma2 semaphore(%arg26 : memref<!tpu.dma_semaphore, #tpu.memory_space<semaphore_mem>>) src(%dma_wait3A_334 : memref<200xi32, #tpu.memory_space<hbm>>) dst(%arg15 : memref<200xi32, #tpu.memory_space<vmem>>)
        %dma_start3A_335 = arith.constant 0 : i32
        %dma_start3A_336 = arith.constant 0 : i32
        %dma_start3A_337 = tpu.memref_slice %arg21[%dma_start3A_335, %dma_start3A_336] : memref<200x128xf32, #tpu.memory_space<vmem_shared>> -> memref<200x128xf32, #tpu.memory_space<vmem_shared>>
        tpu.enqueue_indirect_dma source(%dma_start3A_337 : memref<200x128xf32, #tpu.memory_space<vmem_shared>>) target(%arg19 : memref<200x128xf32, #tpu.memory_space<vmem>>) offsets(%arg15 : memref<200xi32, #tpu.memory_space<vmem>>) semaphore(%arg30 : memref<!tpu.dma_semaphore, #tpu.memory_space<semaphore_mem>>)
      } else {
      }
      %add3A_174 = arith.constant 1 : i32
      %add3A_175 = arith.addi %add3A_160, %add3A_174 : i32
      %lt3A_176 = arith.constant 128 : i32
      %lt3A_177 = arith.cmpi slt, %add3A_175, %lt3A_176 : i32
      %convert_element_type3A_178 = arith.extui %lt3A_177 : i1 to i32
      %cond3A_179 = arith.constant 0 : i32
      %cond3A_180 = arith.cmpi ne, %convert_element_type3A_178, %cond3A_179 : i32
      scf.if %cond3A_180 {
        %dma_wait3A_315 = arith.constant 0 : i32
        %dma_wait3A_316 = arith.constant 0 : i32
        %dma_wait3A_317 = tpu.memref_slice %arg21[%dma_wait3A_315, %dma_wait3A_316] : memref<200x128xf32, #tpu.memory_space<vmem_shared>> -> memref<200x128xf32, #tpu.memory_space<vmem_shared>>
        tpu.wait_indirect_dma semaphore(%arg29 : memref<!tpu.dma_semaphore, #tpu.memory_space<semaphore_mem>>) src(%dma_wait3A_317 : memref<200x128xf32, #tpu.memory_space<vmem_shared>>) dst(%arg18 : memref<200x128xf32, #tpu.memory_space<vmem>>)
        %dma_start3A_318 = arith.constant 0 : i32
        %dma_start3A_319 = arith.constant 0 : i32
        %dma_start3A_320 = tpu.memref_slice %arg4[%dma_start3A_318, %dma_start3A_319] : memref<100000x128xf32, #tpu.memory_space<hbm>> -> memref<100000x128xf32, #tpu.memory_space<hbm>>
        tpu.enqueue_indirect_dma source(%dma_start3A_320 : memref<100000x128xf32, #tpu.memory_space<hbm>>) target(%arg18 : memref<200x128xf32, #tpu.memory_space<vmem>>) offsets(%arg10 : memref<200xi32, #tpu.memory_space<vmem>>) semaphore(%arg33 : memref<!tpu.dma_semaphore, #tpu.memory_space<semaphore_mem>>) {add = true}
      } else {
      }
      %dma_wait3A_181 = arith.constant 0 : i32
      %dma_wait3A_182 = arith.constant 0 : i32
      %dma_wait3A_183 = tpu.memref_slice %arg4[%dma_wait3A_181, %dma_wait3A_182] : memref<100000x128xf32, #tpu.memory_space<hbm>> -> memref<100000x128xf32, #tpu.memory_space<hbm>>
      tpu.wait_indirect_dma semaphore(%arg32 : memref<!tpu.dma_semaphore, #tpu.memory_space<semaphore_mem>>) src(%dma_wait3A_183 : memref<100000x128xf32, #tpu.memory_space<hbm>>) dst(%arg17 : memref<200x128xf32, #tpu.memory_space<vmem>>)
      %parallel_loop3A = arith.constant 0 : i32
      %parallel_loop3A_184 = arith.constant 200 : i32
      %parallel_loop3A_185 = arith.constant 1 : i32
      scf.for %parallel_loop3A_315 = %parallel_loop3A to %parallel_loop3A_184 step %parallel_loop3A_185  : i32 {
        %parallel_loop3A_316 = arith.index_cast %parallel_loop3A_315 : i32 to index
        %parallel_loop3A_317 = arith.constant 0 : index
        %parallel_loop3A_318 = tpu.vector_load %arg17[%parallel_loop3A_316, %parallel_loop3A_317] {strides = array<i32>} : memref<200x128xf32, #tpu.memory_space<vmem>>, vector<1x16xf32>,
        %parallel_loop3A_319 = vector.shape_cast %parallel_loop3A_318 : vector<1x16xf32> to vector<16xf32>
        %parallel_loop3A_320 = arith.index_cast %parallel_loop3A_315 : i32 to index
        %parallel_loop3A_321 = arith.constant 16 : index
        %parallel_loop3A_322 = tpu.vector_load %arg17[%parallel_loop3A_320, %parallel_loop3A_321] {strides = array<i32>} : memref<200x128xf32, #tpu.memory_space<vmem>>, vector<1x16xf32>,
        %parallel_loop3A_323 = vector.shape_cast %parallel_loop3A_322 : vector<1x16xf32> to vector<16xf32>
        %parallel_loop3A_324 = arith.index_cast %parallel_loop3A_315 : i32 to index
        %parallel_loop3A_325 = arith.constant 32 : index
        %parallel_loop3A_326 = tpu.vector_load %arg17[%parallel_loop3A_324, %parallel_loop3A_325] {strides = array<i32>} : memref<200x128xf32, #tpu.memory_space<vmem>>, vector<1x16xf32>,
        %parallel_loop3A_327 = vector.shape_cast %parallel_loop3A_326 : vector<1x16xf32> to vector<16xf32>
        %parallel_loop3A_328 = arith.index_cast %parallel_loop3A_315 : i32 to index
        %parallel_loop3A_329 = arith.constant 48 : index
        %parallel_loop3A_330 = tpu.vector_load %arg17[%parallel_loop3A_328, %parallel_loop3A_329] {strides = array<i32>} : memref<200x128xf32, #tpu.memory_space<vmem>>, vector<1x16xf32>,
        %parallel_loop3A_331 = vector.shape_cast %parallel_loop3A_330 : vector<1x16xf32> to vector<16xf32>
        %parallel_loop3A_332 = arith.addf %parallel_loop3A_319, %parallel_loop3A_323 : vector<16xf32>
        %parallel_loop3A_333 = arith.addf %parallel_loop3A_327, %parallel_loop3A_331 : vector<16xf32>
        %parallel_loop3A_334 = arith.addf %parallel_loop3A_332, %parallel_loop3A_333 : vector<16xf32>
        %parallel_loop3A_335 = arith.mulf %parallel_loop3A_319, %parallel_loop3A_319 : vector<16xf32>
        %parallel_loop3A_336 = arith.mulf %parallel_loop3A_323, %parallel_loop3A_323 : vector<16xf32>
        %parallel_loop3A_337 = arith.addf %parallel_loop3A_335, %parallel_loop3A_336 : vector<16xf32>
        %parallel_loop3A_338 = arith.mulf %parallel_loop3A_327, %parallel_loop3A_327 : vector<16xf32>
        %parallel_loop3A_339 = arith.mulf %parallel_loop3A_331, %parallel_loop3A_331 : vector<16xf32>
        %parallel_loop3A_340 = arith.addf %parallel_loop3A_338, %parallel_loop3A_339 : vector<16xf32>
        %parallel_loop3A_341 = arith.addf %parallel_loop3A_337, %parallel_loop3A_340 : vector<16xf32>
        %parallel_loop3A_342 = arith.constant 0 : i32
        %parallel_loop3A_343 = vector.broadcast %parallel_loop3A_342 : i32 to vector<16xi32>
        %parallel_loop3A_344 = arith.cmpi slt, %xor3A_6, %parallel_loop3A_343 : vector<16xi32>
        %parallel_loop3A_345 = arith.constant 16 : i32
        %parallel_loop3A_346 = vector.broadcast %parallel_loop3A_345 : i32 to vector<16xi32>
        %parallel_loop3A_347 = arith.addi %xor3A_6, %parallel_loop3A_346 : vector<16xi32>
        %parallel_loop3A_348 = arith.select %parallel_loop3A_344, %parallel_loop3A_347, %xor3A_6 : vector<16xi1>, vector<16xi32>
        %parallel_loop3A_349 = vector.shape_cast %parallel_loop3A_348 : vector<16xi32> to vector<16x1xi32>
        %parallel_loop3A_350 = vector.shape_cast %parallel_loop3A_349 : vector<16x1xi32> to vector<16xi32>
        %parallel_loop3A_351 = tpu.dynamic_gather %parallel_loop3A_334[%parallel_loop3A_350] in [0] : vector<16xf32>, vector<16xi32> -> vector<16xf32>
        %parallel_loop3A_352 = arith.addf %parallel_loop3A_334, %parallel_loop3A_351 : vector<16xf32>
        %parallel_loop3A_353 = arith.constant 0 : i32
        %parallel_loop3A_354 = vector.broadcast %parallel_loop3A_353 : i32 to vector<16xi32>
        %parallel_loop3A_355 = arith.cmpi slt, %xor3A_9, %parallel_loop3A_354 : vector<16xi32>
        %parallel_loop3A_356 = arith.constant 16 : i32
        %parallel_loop3A_357 = vector.broadcast %parallel_loop3A_356 : i32 to vector<16xi32>
        %parallel_loop3A_358 = arith.addi %xor3A_9, %parallel_loop3A_357 : vector<16xi32>
        %parallel_loop3A_359 = arith.select %parallel_loop3A_355, %parallel_loop3A_358, %xor3A_9 : vector<16xi1>, vector<16xi32>
        %parallel_loop3A_360 = vector.shape_cast %parallel_loop3A_359 : vector<16xi32> to vector<16x1xi32>
        %parallel_loop3A_361 = vector.shape_cast %parallel_loop3A_360 : vector<16x1xi32> to vector<16xi32>
        %parallel_loop3A_362 = tpu.dynamic_gather %parallel_loop3A_352[%parallel_loop3A_361] in [0] : vector<16xf32>, vector<16xi32> -> vector<16xf32>
        %parallel_loop3A_363 = arith.addf %parallel_loop3A_352, %parallel_loop3A_362 : vector<16xf32>
        %parallel_loop3A_364 = arith.constant 0 : i32
        %parallel_loop3A_365 = vector.broadcast %parallel_loop3A_364 : i32 to vector<16xi32>
        %parallel_loop3A_366 = arith.cmpi slt, %xor3A_12, %parallel_loop3A_365 : vector<16xi32>
        %parallel_loop3A_367 = arith.constant 16 : i32
        %parallel_loop3A_368 = vector.broadcast %parallel_loop3A_367 : i32 to vector<16xi32>
        %parallel_loop3A_369 = arith.addi %xor3A_12, %parallel_loop3A_368 : vector<16xi32>
        %parallel_loop3A_370 = arith.select %parallel_loop3A_366, %parallel_loop3A_369, %xor3A_12 : vector<16xi1>, vector<16xi32>
        %parallel_loop3A_371 = vector.shape_cast %parallel_loop3A_370 : vector<16xi32> to vector<16x1xi32>
        %parallel_loop3A_372 = vector.shape_cast %parallel_loop3A_371 : vector<16x1xi32> to vector<16xi32>
        %parallel_loop3A_373 = tpu.dynamic_gather %parallel_loop3A_363[%parallel_loop3A_372] in [0] : vector<16xf32>, vector<16xi32> -> vector<16xf32>
        %parallel_loop3A_374 = arith.addf %parallel_loop3A_363, %parallel_loop3A_373 : vector<16xf32>
        %parallel_loop3A_375 = arith.constant 0 : i32
        %parallel_loop3A_376 = vector.broadcast %parallel_loop3A_375 : i32 to vector<16xi32>
        %parallel_loop3A_377 = arith.cmpi slt, %xor3A_15, %parallel_loop3A_376 : vector<16xi32>
        %parallel_loop3A_378 = arith.constant 16 : i32
        %parallel_loop3A_379 = vector.broadcast %parallel_loop3A_378 : i32 to vector<16xi32>
        %parallel_loop3A_380 = arith.addi %xor3A_15, %parallel_loop3A_379 : vector<16xi32>
        %parallel_loop3A_381 = arith.select %parallel_loop3A_377, %parallel_loop3A_380, %xor3A_15 : vector<16xi1>, vector<16xi32>
        %parallel_loop3A_382 = vector.shape_cast %parallel_loop3A_381 : vector<16xi32> to vector<16x1xi32>
        %parallel_loop3A_383 = vector.shape_cast %parallel_loop3A_382 : vector<16x1xi32> to vector<16xi32>
        %parallel_loop3A_384 = tpu.dynamic_gather %parallel_loop3A_374[%parallel_loop3A_383] in [0] : vector<16xf32>, vector<16xi32> -> vector<16xf32>
        %parallel_loop3A_385 = arith.addf %parallel_loop3A_374, %parallel_loop3A_384 : vector<16xf32>
        %parallel_loop3A_386 = arith.constant 1.562500e-02 : f32
        %parallel_loop3A_387 = vector.broadcast %parallel_loop3A_386 : f32 to vector<16xf32>
        %parallel_loop3A_388 = arith.mulf %parallel_loop3A_385, %parallel_loop3A_387 : vector<16xf32>
        %parallel_loop3A_389 = arith.constant 0 : i32
        %parallel_loop3A_390 = vector.broadcast %parallel_loop3A_389 : i32 to vector<16xi32>
        %parallel_loop3A_391 = arith.cmpi slt, %xor3A_6, %parallel_loop3A_390 : vector<16xi32>
        %parallel_loop3A_392 = arith.constant 16 : i32
        %parallel_loop3A_393 = vector.broadcast %parallel_loop3A_392 : i32 to vector<16xi32>
        %parallel_loop3A_394 = arith.addi %xor3A_6, %parallel_loop3A_393 : vector<16xi32>
        %parallel_loop3A_395 = arith.select %parallel_loop3A_391, %parallel_loop3A_394, %xor3A_6 : vector<16xi1>, vector<16xi32>
        %parallel_loop3A_396 = vector.shape_cast %parallel_loop3A_395 : vector<16xi32> to vector<16x1xi32>
        %parallel_loop3A_397 = vector.shape_cast %parallel_loop3A_396 : vector<16x1xi32> to vector<16xi32>
        %parallel_loop3A_398 = tpu.dynamic_gather %parallel_loop3A_341[%parallel_loop3A_397] in [0] : vector<16xf32>, vector<16xi32> -> vector<16xf32>
        %parallel_loop3A_399 = arith.addf %parallel_loop3A_341, %parallel_loop3A_398 : vector<16xf32>
        %parallel_loop3A_400 = arith.constant 0 : i32
        %parallel_loop3A_401 = vector.broadcast %parallel_loop3A_400 : i32 to vector<16xi32>
        %parallel_loop3A_402 = arith.cmpi slt, %xor3A_9, %parallel_loop3A_401 : vector<16xi32>
        %parallel_loop3A_403 = arith.constant 16 : i32
        %parallel_loop3A_404 = vector.broadcast %parallel_loop3A_403 : i32 to vector<16xi32>
        %parallel_loop3A_405 = arith.addi %xor3A_9, %parallel_loop3A_404 : vector<16xi32>
        %parallel_loop3A_406 = arith.select %parallel_loop3A_402, %parallel_loop3A_405, %xor3A_9 : vector<16xi1>, vector<16xi32>
        %parallel_loop3A_407 = vector.shape_cast %parallel_loop3A_406 : vector<16xi32> to vector<16x1xi32>
        %parallel_loop3A_408 = vector.shape_cast %parallel_loop3A_407 : vector<16x1xi32> to vector<16xi32>
        %parallel_loop3A_409 = tpu.dynamic_gather %parallel_loop3A_399[%parallel_loop3A_408] in [0] : vector<16xf32>, vector<16xi32> -> vector<16xf32>
        %parallel_loop3A_410 = arith.addf %parallel_loop3A_399, %parallel_loop3A_409 : vector<16xf32>
        %parallel_loop3A_411 = arith.constant 0 : i32
        %parallel_loop3A_412 = vector.broadcast %parallel_loop3A_411 : i32 to vector<16xi32>
        %parallel_loop3A_413 = arith.cmpi slt, %xor3A_12, %parallel_loop3A_412 : vector<16xi32>
        %parallel_loop3A_414 = arith.constant 16 : i32
        %parallel_loop3A_415 = vector.broadcast %parallel_loop3A_414 : i32 to vector<16xi32>
        %parallel_loop3A_416 = arith.addi %xor3A_12, %parallel_loop3A_415 : vector<16xi32>
        %parallel_loop3A_417 = arith.select %parallel_loop3A_413, %parallel_loop3A_416, %xor3A_12 : vector<16xi1>, vector<16xi32>
        %parallel_loop3A_418 = vector.shape_cast %parallel_loop3A_417 : vector<16xi32> to vector<16x1xi32>
        %parallel_loop3A_419 = vector.shape_cast %parallel_loop3A_418 : vector<16x1xi32> to vector<16xi32>
        %parallel_loop3A_420 = tpu.dynamic_gather %parallel_loop3A_410[%parallel_loop3A_419] in [0] : vector<16xf32>, vector<16xi32> -> vector<16xf32>
        %parallel_loop3A_421 = arith.addf %parallel_loop3A_410, %parallel_loop3A_420 : vector<16xf32>
        %parallel_loop3A_422 = arith.constant 0 : i32
        %parallel_loop3A_423 = vector.broadcast %parallel_loop3A_422 : i32 to vector<16xi32>
        %parallel_loop3A_424 = arith.cmpi slt, %xor3A_15, %parallel_loop3A_423 : vector<16xi32>
        %parallel_loop3A_425 = arith.constant 16 : i32
        %parallel_loop3A_426 = vector.broadcast %parallel_loop3A_425 : i32 to vector<16xi32>
        %parallel_loop3A_427 = arith.addi %xor3A_15, %parallel_loop3A_426 : vector<16xi32>
        %parallel_loop3A_428 = arith.select %parallel_loop3A_424, %parallel_loop3A_427, %xor3A_15 : vector<16xi1>, vector<16xi32>
        %parallel_loop3A_429 = vector.shape_cast %parallel_loop3A_428 : vector<16xi32> to vector<16x1xi32>
        %parallel_loop3A_430 = vector.shape_cast %parallel_loop3A_429 : vector<16x1xi32> to vector<16xi32>
        %parallel_loop3A_431 = tpu.dynamic_gather %parallel_loop3A_421[%parallel_loop3A_430] in [0] : vector<16xf32>, vector<16xi32> -> vector<16xf32>
        %parallel_loop3A_432 = arith.addf %parallel_loop3A_421, %parallel_loop3A_431 : vector<16xf32>
        %parallel_loop3A_433 = arith.constant 1.562500e-02 : f32
        %parallel_loop3A_434 = vector.broadcast %parallel_loop3A_433 : f32 to vector<16xf32>
        %parallel_loop3A_435 = arith.mulf %parallel_loop3A_432, %parallel_loop3A_434 : vector<16xf32>
        %parallel_loop3A_436 = arith.mulf %parallel_loop3A_388, %parallel_loop3A_388 : vector<16xf32>
        %parallel_loop3A_437 = arith.subf %parallel_loop3A_435, %parallel_loop3A_436 : vector<16xf32>
        %parallel_loop3A_438 = arith.constant 0.000000e+00 : f32
        %parallel_loop3A_439 = vector.broadcast %parallel_loop3A_438 : f32 to vector<16xf32>
        %parallel_loop3A_440 = arith.maximumf %parallel_loop3A_437, %parallel_loop3A_439 : vector<16xf32>
        %parallel_loop3A_441 = arith.constant 9.99999996E-13 : f32
        %parallel_loop3A_442 = vector.broadcast %parallel_loop3A_441 : f32 to vector<16xf32>
        %parallel_loop3A_443 = arith.addf %parallel_loop3A_440, %parallel_loop3A_442 : vector<16xf32>
        %parallel_loop3A_444 = tpu.bitcast %parallel_loop3A_443 : vector<16xf32> -> vector<16xi32>
        %parallel_loop3A_445 = arith.constant 1 : i32
        %parallel_loop3A_446 = vector.broadcast %parallel_loop3A_445 : i32 to vector<16xi32>
        %parallel_loop3A_447 = arith.shrsi %parallel_loop3A_444, %parallel_loop3A_446 : vector<16xi32>
        %parallel_loop3A_448 = arith.constant 1597463007 : i32
        %parallel_loop3A_449 = vector.broadcast %parallel_loop3A_448 : i32 to vector<16xi32>
        %parallel_loop3A_450 = arith.subi %parallel_loop3A_449, %parallel_loop3A_447 : vector<16xi32>
        %parallel_loop3A_451 = tpu.bitcast %parallel_loop3A_450 : vector<16xi32> -> vector<16xf32>
        %parallel_loop3A_452 = arith.constant 5.000000e-01 : f32
        %parallel_loop3A_453 = vector.broadcast %parallel_loop3A_452 : f32 to vector<16xf32>
        %parallel_loop3A_454 = arith.mulf %parallel_loop3A_443, %parallel_loop3A_453 : vector<16xf32>
        %parallel_loop3A_455 = arith.mulf %parallel_loop3A_454, %parallel_loop3A_451 : vector<16xf32>
        %parallel_loop3A_456 = arith.mulf %parallel_loop3A_455, %parallel_loop3A_451 : vector<16xf32>
        %parallel_loop3A_457 = arith.constant 1.500000e+00 : f32
        %parallel_loop3A_458 = vector.broadcast %parallel_loop3A_457 : f32 to vector<16xf32>
        %parallel_loop3A_459 = arith.subf %parallel_loop3A_458, %parallel_loop3A_456 : vector<16xf32>
        %parallel_loop3A_460 = arith.mulf %parallel_loop3A_451, %parallel_loop3A_459 : vector<16xf32>
        %parallel_loop3A_461 = arith.mulf %parallel_loop3A_454, %parallel_loop3A_460 : vector<16xf32>
        %parallel_loop3A_462 = arith.mulf %parallel_loop3A_461, %parallel_loop3A_460 : vector<16xf32>
        %parallel_loop3A_463 = arith.constant 1.500000e+00 : f32
        %parallel_loop3A_464 = vector.broadcast %parallel_loop3A_463 : f32 to vector<16xf32>
        %parallel_loop3A_465 = arith.subf %parallel_loop3A_464, %parallel_loop3A_462 : vector<16xf32>
        %parallel_loop3A_466 = arith.mulf %parallel_loop3A_460, %parallel_loop3A_465 : vector<16xf32>
        %parallel_loop3A_467 = arith.subf %parallel_loop3A_319, %parallel_loop3A_388 : vector<16xf32>
        %parallel_loop3A_468 = arith.mulf %parallel_loop3A_467, %parallel_loop3A_466 : vector<16xf32>
        %parallel_loop3A_469 = arith.mulf %parallel_loop3A_468, %get3A_17 : vector<16xf32>
        %parallel_loop3A_470 = arith.addf %parallel_loop3A_469, %get3A_29 : vector<16xf32>
        %parallel_loop3A_471 = arith.index_cast %parallel_loop3A_315 : i32 to index
        %parallel_loop3A_472 = arith.constant 0 : index
        %parallel_loop3A_473 = tpu.vector_load %arg17[%parallel_loop3A_471, %parallel_loop3A_472] {strides = array<i32>} : memref<200x128xf32, #tpu.memory_space<vmem>>, vector<1x16xf32>,
        %parallel_loop3A_474 = vector.shape_cast %parallel_loop3A_473 : vector<1x16xf32> to vector<16xf32>
        %parallel_loop3A_475 = vector.shape_cast %parallel_loop3A_470 : vector<16xf32> to vector<1x16xf32>
        tpu.vector_store %arg17[%parallel_loop3A_471, %parallel_loop3A_472], %parallel_loop3A_475 {strides = array<i32>} : memref<200x128xf32, #tpu.memory_space<vmem>>, vector<1x16xf32>,
        %parallel_loop3A_476 = arith.subf %parallel_loop3A_323, %parallel_loop3A_388 : vector<16xf32>
        %parallel_loop3A_477 = arith.mulf %parallel_loop3A_476, %parallel_loop3A_466 : vector<16xf32>
        %parallel_loop3A_478 = arith.mulf %parallel_loop3A_477, %get3A_20 : vector<16xf32>
        %parallel_loop3A_479 = arith.addf %parallel_loop3A_478, %get3A_32 : vector<16xf32>
        %parallel_loop3A_480 = arith.index_cast %parallel_loop3A_315 : i32 to index
        %parallel_loop3A_481 = arith.constant 16 : index
        %parallel_loop3A_482 = tpu.vector_load %arg17[%parallel_loop3A_480, %parallel_loop3A_481] {strides = array<i32>} : memref<200x128xf32, #tpu.memory_space<vmem>>, vector<1x16xf32>,
        %parallel_loop3A_483 = vector.shape_cast %parallel_loop3A_482 : vector<1x16xf32> to vector<16xf32>
        %parallel_loop3A_484 = vector.shape_cast %parallel_loop3A_479 : vector<16xf32> to vector<1x16xf32>
        tpu.vector_store %arg17[%parallel_loop3A_480, %parallel_loop3A_481], %parallel_loop3A_484 {strides = array<i32>} : memref<200x128xf32, #tpu.memory_space<vmem>>, vector<1x16xf32>,
        %parallel_loop3A_485 = arith.subf %parallel_loop3A_327, %parallel_loop3A_388 : vector<16xf32>
        %parallel_loop3A_486 = arith.mulf %parallel_loop3A_485, %parallel_loop3A_466 : vector<16xf32>
        %parallel_loop3A_487 = arith.mulf %parallel_loop3A_486, %get3A_23 : vector<16xf32>
        %parallel_loop3A_488 = arith.addf %parallel_loop3A_487, %get3A_35 : vector<16xf32>
        %parallel_loop3A_489 = arith.index_cast %parallel_loop3A_315 : i32 to index
        %parallel_loop3A_490 = arith.constant 32 : index
        %parallel_loop3A_491 = tpu.vector_load %arg17[%parallel_loop3A_489, %parallel_loop3A_490] {strides = array<i32>} : memref<200x128xf32, #tpu.memory_space<vmem>>, vector<1x16xf32>,
        %parallel_loop3A_492 = vector.shape_cast %parallel_loop3A_491 : vector<1x16xf32> to vector<16xf32>
        %parallel_loop3A_493 = vector.shape_cast %parallel_loop3A_488 : vector<16xf32> to vector<1x16xf32>
        tpu.vector_store %arg17[%parallel_loop3A_489, %parallel_loop3A_490], %parallel_loop3A_493 {strides = array<i32>} : memref<200x128xf32, #tpu.memory_space<vmem>>, vector<1x16xf32>,
        %parallel_loop3A_494 = arith.subf %parallel_loop3A_331, %parallel_loop3A_388 : vector<16xf32>
        %parallel_loop3A_495 = arith.mulf %parallel_loop3A_494, %parallel_loop3A_466 : vector<16xf32>
        %parallel_loop3A_496 = arith.mulf %parallel_loop3A_495, %get3A_26 : vector<16xf32>
        %parallel_loop3A_497 = arith.addf %parallel_loop3A_496, %get3A_38 : vector<16xf32>
        %parallel_loop3A_498 = arith.index_cast %parallel_loop3A_315 : i32 to index
        %parallel_loop3A_499 = arith.constant 48 : index
        %parallel_loop3A_500 = tpu.vector_load %arg17[%parallel_loop3A_498, %parallel_loop3A_499] {strides = array<i32>} : memref<200x128xf32, #tpu.memory_space<vmem>>, vector<1x16xf32>,
        %parallel_loop3A_501 = vector.shape_cast %parallel_loop3A_500 : vector<1x16xf32> to vector<16xf32>
        %parallel_loop3A_502 = vector.shape_cast %parallel_loop3A_497 : vector<16xf32> to vector<1x16xf32>
        tpu.vector_store %arg17[%parallel_loop3A_498, %parallel_loop3A_499], %parallel_loop3A_502 {strides = array<i32>} : memref<200x128xf32, #tpu.memory_space<vmem>>, vector<1x16xf32>,
      } {sc.loop_unroll_factor = 4 : i64, sc.parallel_access}
      %add3A_186 = arith.addi %mul3A_2, %add3A_160 : i32
      %dma_start3A_187 = arith.constant 0 : i32
      %dma_start3A_188 = arith.constant 0 : i32
      %dma_start3A_189 = tpu.memref_slice %arg8[%add3A_186, %dma_start3A_187, %dma_start3A_188] : memref<4096x200x128xf32, #tpu.memory_space<hbm>> -> memref<1x200x128xf32, #tpu.memory_space<hbm>>
      %dma_start3A_190 = tpu.memref_squeeze %dma_start3A_189 : memref<1x200x128xf32, #tpu.memory_space<hbm>> -> memref<200x128xf32, #tpu.memory_space<hbm>>
      %dma_start3A_191 = arith.constant 0 : i32
      %dma_start3A_192 = arith.constant 0 : i32
      %dma_start3A_193 = tpu.memref_slice %arg8[%add3A_186, %dma_start3A_191, %dma_start3A_192] : memref<4096x200x128xf32, #tpu.memory_space<hbm>> -> memref<1x200x128xf32, #tpu.memory_space<hbm>>
      %dma_start3A_194 = tpu.memref_squeeze %dma_start3A_193 : memref<1x200x128xf32, #tpu.memory_space<hbm>> -> memref<200x128xf32, #tpu.memory_space<hbm>>
      tpu.enqueue_dma source(%arg17 : memref<200x128xf32, #tpu.memory_space<vmem>>) target(%dma_start3A_194 : memref<200x128xf32, #tpu.memory_space<hbm>>) target_semaphore(%arg36 : memref<!tpu.dma_semaphore, #tpu.memory_space<semaphore_mem>>)
      %mul3A_195 = arith.constant 4 : i32
      %mul3A_196 = arith.muli %mul3A_195, %scan3A_156 : i32
      %add3A_197 = arith.constant 1 : i32
      %add3A_198 = arith.addi %mul3A_196, %add3A_197 : i32
      %add3A_199 = arith.constant 3 : i32
      %add3A_200 = arith.addi %add3A_198, %add3A_199 : i32
      %lt3A_201 = arith.constant 128 : i32
      %lt3A_202 = arith.cmpi slt, %add3A_200, %lt3A_201 : i32
      %convert_element_type3A_203 = arith.extui %lt3A_202 : i1 to i32
      %cond3A_204 = arith.constant 0 : i32
      %cond3A_205 = arith.cmpi ne, %convert_element_type3A_203, %cond3A_204 : i32
      scf.if %cond3A_205 {
        %add3A_315 = arith.constant 3 : i32
        %add3A_316 = arith.addi %add3A_198, %add3A_315 : i32
        %add3A_317 = arith.addi %mul3A_2, %add3A_316 : i32
        %dma_start3A_318 = arith.constant 0 : i32
        %dma_start3A_319 = tpu.memref_slice %arg2[%add3A_317, %dma_start3A_318] : memref<4096x200xi32, #tpu.memory_space<hbm>> -> memref<1x200xi32, #tpu.memory_space<hbm>>
        %dma_start3A_320 = tpu.memref_squeeze %dma_start3A_319 : memref<1x200xi32, #tpu.memory_space<hbm>> -> memref<200xi32, #tpu.memory_space<hbm>>
        %dma_start3A_321 = arith.constant 0 : i32
        %dma_start3A_322 = tpu.memref_slice %arg2[%add3A_317, %dma_start3A_321] : memref<4096x200xi32, #tpu.memory_space<hbm>> -> memref<1x200xi32, #tpu.memory_space<hbm>>
        %dma_start3A_323 = tpu.memref_squeeze %dma_start3A_322 : memref<1x200xi32, #tpu.memory_space<hbm>> -> memref<200xi32, #tpu.memory_space<hbm>>
        tpu.enqueue_dma source(%dma_start3A_323 : memref<200xi32, #tpu.memory_space<hbm>>) target(%arg9 : memref<200xi32, #tpu.memory_space<vmem>>) target_semaphore(%arg24 : memref<!tpu.dma_semaphore, #tpu.memory_space<semaphore_mem>>)
        %dma_start3A_324 = arith.constant 0 : i32
        %dma_start3A_325 = tpu.memref_slice %arg3[%add3A_317, %dma_start3A_324] : memref<4096x200xi32, #tpu.memory_space<hbm>> -> memref<1x200xi32, #tpu.memory_space<hbm>>
        %dma_start3A_326 = tpu.memref_squeeze %dma_start3A_325 : memref<1x200xi32, #tpu.memory_space<hbm>> -> memref<200xi32, #tpu.memory_space<hbm>>
        %dma_start3A_327 = arith.constant 0 : i32
        %dma_start3A_328 = tpu.memref_slice %arg3[%add3A_317, %dma_start3A_327] : memref<4096x200xi32, #tpu.memory_space<hbm>> -> memref<1x200xi32, #tpu.memory_space<hbm>>
        %dma_start3A_329 = tpu.memref_squeeze %dma_start3A_328 : memref<1x200xi32, #tpu.memory_space<hbm>> -> memref<200xi32, #tpu.memory_space<hbm>>
        tpu.enqueue_dma source(%dma_start3A_329 : memref<200xi32, #tpu.memory_space<hbm>>) target(%arg13 : memref<200xi32, #tpu.memory_space<vmem>>) target_semaphore(%arg24 : memref<!tpu.dma_semaphore, #tpu.memory_space<semaphore_mem>>)
      } else {
      }
      %add3A_206 = arith.constant 2 : i32
      %add3A_207 = arith.addi %add3A_198, %add3A_206 : i32
      %lt3A_208 = arith.constant 128 : i32
      %lt3A_209 = arith.cmpi slt, %add3A_207, %lt3A_208 : i32
      %convert_element_type3A_210 = arith.extui %lt3A_209 : i1 to i32
      %cond3A_211 = arith.constant 0 : i32
      %cond3A_212 = arith.cmpi ne, %convert_element_type3A_210, %cond3A_211 : i32
      scf.if %cond3A_212 {
        %add3A_315 = arith.constant 2 : i32
        %add3A_316 = arith.addi %add3A_198, %add3A_315 : i32
        %ge3A = arith.constant 4 : i32
        %ge3A_317 = arith.cmpi sge, %add3A_316, %ge3A : i32
        %convert_element_type3A_318 = arith.extui %ge3A_317 : i1 to i32
        %cond3A_319 = arith.constant 0 : i32
        %cond3A_320 = arith.cmpi ne, %convert_element_type3A_318, %cond3A_319 : i32
        scf.if %cond3A_320 {
          %add3A_338 = arith.addi %mul3A_2, %add3A_316 : i32
          %dma_wait3A_339 = arith.constant 0 : i32
          %dma_wait3A_340 = arith.constant 0 : i32
          %dma_wait3A_341 = tpu.memref_slice %arg8[%add3A_338, %dma_wait3A_339, %dma_wait3A_340] : memref<4096x200x128xf32, #tpu.memory_space<hbm>> -> memref<1x200x128xf32, #tpu.memory_space<hbm>>
          %dma_wait3A_342 = tpu.memref_squeeze %dma_wait3A_341 : memref<1x200x128xf32, #tpu.memory_space<hbm>> -> memref<200x128xf32, #tpu.memory_space<hbm>>
          %dma_wait3A_343 = arith.constant 0 : i32
          %dma_wait3A_344 = arith.constant 0 : i32
          %dma_wait3A_345 = tpu.memref_slice %arg8[%add3A_338, %dma_wait3A_343, %dma_wait3A_344] : memref<4096x200x128xf32, #tpu.memory_space<hbm>> -> memref<1x200x128xf32, #tpu.memory_space<hbm>>
          %dma_wait3A_346 = tpu.memref_squeeze %dma_wait3A_345 : memref<1x200x128xf32, #tpu.memory_space<hbm>> -> memref<200x128xf32, #tpu.memory_space<hbm>>
          tpu.wait_dma2 semaphore(%arg39 : memref<!tpu.dma_semaphore, #tpu.memory_space<semaphore_mem>>) src(%arg20 : memref<200x128xf32, #tpu.memory_space<vmem>>) dst(%dma_wait3A_346 : memref<200x128xf32, #tpu.memory_space<hbm>>)
        } else {
        }
        %dma_wait3A_321 = arith.constant 0 : i32
        %dma_wait3A_322 = arith.constant 0 : i32
        %dma_wait3A_323 = tpu.memref_slice %arg2[%dma_wait3A_321, %dma_wait3A_322] : memref<4096x200xi32, #tpu.memory_space<hbm>> -> memref<1x200xi32, #tpu.memory_space<hbm>>
        %dma_wait3A_324 = tpu.memref_squeeze %dma_wait3A_323 : memref<1x200xi32, #tpu.memory_space<hbm>> -> memref<200xi32, #tpu.memory_space<hbm>>
        %dma_wait3A_325 = arith.constant 0 : i32
        %dma_wait3A_326 = tpu.memref_slice %arg2[%dma_wait3A_321, %dma_wait3A_325] : memref<4096x200xi32, #tpu.memory_space<hbm>> -> memref<1x200xi32, #tpu.memory_space<hbm>>
        %dma_wait3A_327 = tpu.memref_squeeze %dma_wait3A_326 : memref<1x200xi32, #tpu.memory_space<hbm>> -> memref<200xi32, #tpu.memory_space<hbm>>
        tpu.wait_dma2 semaphore(%arg27 : memref<!tpu.dma_semaphore, #tpu.memory_space<semaphore_mem>>) src(%dma_wait3A_327 : memref<200xi32, #tpu.memory_space<hbm>>) dst(%arg12 : memref<200xi32, #tpu.memory_space<vmem>>)
        %dma_wait3A_328 = arith.constant 0 : i32
        %dma_wait3A_329 = arith.constant 0 : i32
        %dma_wait3A_330 = tpu.memref_slice %arg3[%dma_wait3A_328, %dma_wait3A_329] : memref<4096x200xi32, #tpu.memory_space<hbm>> -> memref<1x200xi32, #tpu.memory_space<hbm>>
        %dma_wait3A_331 = tpu.memref_squeeze %dma_wait3A_330 : memref<1x200xi32, #tpu.memory_space<hbm>> -> memref<200xi32, #tpu.memory_space<hbm>>
        %dma_wait3A_332 = arith.constant 0 : i32
        %dma_wait3A_333 = tpu.memref_slice %arg3[%dma_wait3A_328, %dma_wait3A_332] : memref<4096x200xi32, #tpu.memory_space<hbm>> -> memref<1x200xi32, #tpu.memory_space<hbm>>
        %dma_wait3A_334 = tpu.memref_squeeze %dma_wait3A_333 : memref<1x200xi32, #tpu.memory_space<hbm>> -> memref<200xi32, #tpu.memory_space<hbm>>
        tpu.wait_dma2 semaphore(%arg27 : memref<!tpu.dma_semaphore, #tpu.memory_space<semaphore_mem>>) src(%dma_wait3A_334 : memref<200xi32, #tpu.memory_space<hbm>>) dst(%arg16 : memref<200xi32, #tpu.memory_space<vmem>>)
        %dma_start3A_335 = arith.constant 0 : i32
        %dma_start3A_336 = arith.constant 0 : i32
        %dma_start3A_337 = tpu.memref_slice %arg21[%dma_start3A_335, %dma_start3A_336] : memref<200x128xf32, #tpu.memory_space<vmem_shared>> -> memref<200x128xf32, #tpu.memory_space<vmem_shared>>
        tpu.enqueue_indirect_dma source(%dma_start3A_337 : memref<200x128xf32, #tpu.memory_space<vmem_shared>>) target(%arg20 : memref<200x128xf32, #tpu.memory_space<vmem>>) offsets(%arg16 : memref<200xi32, #tpu.memory_space<vmem>>) semaphore(%arg31 : memref<!tpu.dma_semaphore, #tpu.memory_space<semaphore_mem>>)
      } else {
      }
      %add3A_213 = arith.constant 1 : i32
      %add3A_214 = arith.addi %add3A_198, %add3A_213 : i32
      %lt3A_215 = arith.constant 128 : i32
      %lt3A_216 = arith.cmpi slt, %add3A_214, %lt3A_215 : i32
      %convert_element_type3A_217 = arith.extui %lt3A_216 : i1 to i32
      %cond3A_218 = arith.constant 0 : i32
      %cond3A_219 = arith.cmpi ne, %convert_element_type3A_217, %cond3A_218 : i32
      scf.if %cond3A_219 {
        %dma_wait3A_315 = arith.constant 0 : i32
        %dma_wait3A_316 = arith.constant 0 : i32
        %dma_wait3A_317 = tpu.memref_slice %arg21[%dma_wait3A_315, %dma_wait3A_316] : memref<200x128xf32, #tpu.memory_space<vmem_shared>> -> memref<200x128xf32, #tpu.memory_space<vmem_shared>>
        tpu.wait_indirect_dma semaphore(%arg30 : memref<!tpu.dma_semaphore, #tpu.memory_space<semaphore_mem>>) src(%dma_wait3A_317 : memref<200x128xf32, #tpu.memory_space<vmem_shared>>) dst(%arg19 : memref<200x128xf32, #tpu.memory_space<vmem>>)
        %dma_start3A_318 = arith.constant 0 : i32
        %dma_start3A_319 = arith.constant 0 : i32
        %dma_start3A_320 = tpu.memref_slice %arg4[%dma_start3A_318, %dma_start3A_319] : memref<100000x128xf32, #tpu.memory_space<hbm>> -> memref<100000x128xf32, #tpu.memory_space<hbm>>
        tpu.enqueue_indirect_dma source(%dma_start3A_320 : memref<100000x128xf32, #tpu.memory_space<hbm>>) target(%arg19 : memref<200x128xf32, #tpu.memory_space<vmem>>) offsets(%arg11 : memref<200xi32, #tpu.memory_space<vmem>>) semaphore(%arg34 : memref<!tpu.dma_semaphore, #tpu.memory_space<semaphore_mem>>) {add = true}
      } else {
      }
      %dma_wait3A_220 = arith.constant 0 : i32
      %dma_wait3A_221 = arith.constant 0 : i32
      %dma_wait3A_222 = tpu.memref_slice %arg4[%dma_wait3A_220, %dma_wait3A_221] : memref<100000x128xf32, #tpu.memory_space<hbm>> -> memref<100000x128xf32, #tpu.memory_space<hbm>>
      tpu.wait_indirect_dma semaphore(%arg33 : memref<!tpu.dma_semaphore, #tpu.memory_space<semaphore_mem>>) src(%dma_wait3A_222 : memref<100000x128xf32, #tpu.memory_space<hbm>>) dst(%arg18 : memref<200x128xf32, #tpu.memory_space<vmem>>)
      %parallel_loop3A_223 = arith.constant 0 : i32
      %parallel_loop3A_224 = arith.constant 200 : i32
      %parallel_loop3A_225 = arith.constant 1 : i32
      scf.for %parallel_loop3A_315 = %parallel_loop3A_223 to %parallel_loop3A_224 step %parallel_loop3A_225  : i32 {
        %parallel_loop3A_316 = arith.index_cast %parallel_loop3A_315 : i32 to index
        %parallel_loop3A_317 = arith.constant 0 : index
        %parallel_loop3A_318 = tpu.vector_load %arg18[%parallel_loop3A_316, %parallel_loop3A_317] {strides = array<i32>} : memref<200x128xf32, #tpu.memory_space<vmem>>, vector<1x16xf32>,
        %parallel_loop3A_319 = vector.shape_cast %parallel_loop3A_318 : vector<1x16xf32> to vector<16xf32>
        %parallel_loop3A_320 = arith.index_cast %parallel_loop3A_315 : i32 to index
        %parallel_loop3A_321 = arith.constant 16 : index
        %parallel_loop3A_322 = tpu.vector_load %arg18[%parallel_loop3A_320, %parallel_loop3A_321] {strides = array<i32>} : memref<200x128xf32, #tpu.memory_space<vmem>>, vector<1x16xf32>,
        %parallel_loop3A_323 = vector.shape_cast %parallel_loop3A_322 : vector<1x16xf32> to vector<16xf32>
        %parallel_loop3A_324 = arith.index_cast %parallel_loop3A_315 : i32 to index
        %parallel_loop3A_325 = arith.constant 32 : index
        %parallel_loop3A_326 = tpu.vector_load %arg18[%parallel_loop3A_324, %parallel_loop3A_325] {strides = array<i32>} : memref<200x128xf32, #tpu.memory_space<vmem>>, vector<1x16xf32>,
        %parallel_loop3A_327 = vector.shape_cast %parallel_loop3A_326 : vector<1x16xf32> to vector<16xf32>
        %parallel_loop3A_328 = arith.index_cast %parallel_loop3A_315 : i32 to index
        %parallel_loop3A_329 = arith.constant 48 : index
        %parallel_loop3A_330 = tpu.vector_load %arg18[%parallel_loop3A_328, %parallel_loop3A_329] {strides = array<i32>} : memref<200x128xf32, #tpu.memory_space<vmem>>, vector<1x16xf32>,
        %parallel_loop3A_331 = vector.shape_cast %parallel_loop3A_330 : vector<1x16xf32> to vector<16xf32>
        %parallel_loop3A_332 = arith.addf %parallel_loop3A_319, %parallel_loop3A_323 : vector<16xf32>
        %parallel_loop3A_333 = arith.addf %parallel_loop3A_327, %parallel_loop3A_331 : vector<16xf32>
        %parallel_loop3A_334 = arith.addf %parallel_loop3A_332, %parallel_loop3A_333 : vector<16xf32>
        %parallel_loop3A_335 = arith.mulf %parallel_loop3A_319, %parallel_loop3A_319 : vector<16xf32>
        %parallel_loop3A_336 = arith.mulf %parallel_loop3A_323, %parallel_loop3A_323 : vector<16xf32>
        %parallel_loop3A_337 = arith.addf %parallel_loop3A_335, %parallel_loop3A_336 : vector<16xf32>
        %parallel_loop3A_338 = arith.mulf %parallel_loop3A_327, %parallel_loop3A_327 : vector<16xf32>
        %parallel_loop3A_339 = arith.mulf %parallel_loop3A_331, %parallel_loop3A_331 : vector<16xf32>
        %parallel_loop3A_340 = arith.addf %parallel_loop3A_338, %parallel_loop3A_339 : vector<16xf32>
        %parallel_loop3A_341 = arith.addf %parallel_loop3A_337, %parallel_loop3A_340 : vector<16xf32>
        %parallel_loop3A_342 = arith.constant 0 : i32
        %parallel_loop3A_343 = vector.broadcast %parallel_loop3A_342 : i32 to vector<16xi32>
        %parallel_loop3A_344 = arith.cmpi slt, %xor3A_6, %parallel_loop3A_343 : vector<16xi32>
        %parallel_loop3A_345 = arith.constant 16 : i32
        %parallel_loop3A_346 = vector.broadcast %parallel_loop3A_345 : i32 to vector<16xi32>
        %parallel_loop3A_347 = arith.addi %xor3A_6, %parallel_loop3A_346 : vector<16xi32>
        %parallel_loop3A_348 = arith.select %parallel_loop3A_344, %parallel_loop3A_347, %xor3A_6 : vector<16xi1>, vector<16xi32>
        %parallel_loop3A_349 = vector.shape_cast %parallel_loop3A_348 : vector<16xi32> to vector<16x1xi32>
        %parallel_loop3A_350 = vector.shape_cast %parallel_loop3A_349 : vector<16x1xi32> to vector<16xi32>
        %parallel_loop3A_351 = tpu.dynamic_gather %parallel_loop3A_334[%parallel_loop3A_350] in [0] : vector<16xf32>, vector<16xi32> -> vector<16xf32>
        %parallel_loop3A_352 = arith.addf %parallel_loop3A_334, %parallel_loop3A_351 : vector<16xf32>
        %parallel_loop3A_353 = arith.constant 0 : i32
        %parallel_loop3A_354 = vector.broadcast %parallel_loop3A_353 : i32 to vector<16xi32>
        %parallel_loop3A_355 = arith.cmpi slt, %xor3A_9, %parallel_loop3A_354 : vector<16xi32>
        %parallel_loop3A_356 = arith.constant 16 : i32
        %parallel_loop3A_357 = vector.broadcast %parallel_loop3A_356 : i32 to vector<16xi32>
        %parallel_loop3A_358 = arith.addi %xor3A_9, %parallel_loop3A_357 : vector<16xi32>
        %parallel_loop3A_359 = arith.select %parallel_loop3A_355, %parallel_loop3A_358, %xor3A_9 : vector<16xi1>, vector<16xi32>
        %parallel_loop3A_360 = vector.shape_cast %parallel_loop3A_359 : vector<16xi32> to vector<16x1xi32>
        %parallel_loop3A_361 = vector.shape_cast %parallel_loop3A_360 : vector<16x1xi32> to vector<16xi32>
        %parallel_loop3A_362 = tpu.dynamic_gather %parallel_loop3A_352[%parallel_loop3A_361] in [0] : vector<16xf32>, vector<16xi32> -> vector<16xf32>
        %parallel_loop3A_363 = arith.addf %parallel_loop3A_352, %parallel_loop3A_362 : vector<16xf32>
        %parallel_loop3A_364 = arith.constant 0 : i32
        %parallel_loop3A_365 = vector.broadcast %parallel_loop3A_364 : i32 to vector<16xi32>
        %parallel_loop3A_366 = arith.cmpi slt, %xor3A_12, %parallel_loop3A_365 : vector<16xi32>
        %parallel_loop3A_367 = arith.constant 16 : i32
        %parallel_loop3A_368 = vector.broadcast %parallel_loop3A_367 : i32 to vector<16xi32>
        %parallel_loop3A_369 = arith.addi %xor3A_12, %parallel_loop3A_368 : vector<16xi32>
        %parallel_loop3A_370 = arith.select %parallel_loop3A_366, %parallel_loop3A_369, %xor3A_12 : vector<16xi1>, vector<16xi32>
        %parallel_loop3A_371 = vector.shape_cast %parallel_loop3A_370 : vector<16xi32> to vector<16x1xi32>
        %parallel_loop3A_372 = vector.shape_cast %parallel_loop3A_371 : vector<16x1xi32> to vector<16xi32>
        %parallel_loop3A_373 = tpu.dynamic_gather %parallel_loop3A_363[%parallel_loop3A_372] in [0] : vector<16xf32>, vector<16xi32> -> vector<16xf32>
        %parallel_loop3A_374 = arith.addf %parallel_loop3A_363, %parallel_loop3A_373 : vector<16xf32>
        %parallel_loop3A_375 = arith.constant 0 : i32
        %parallel_loop3A_376 = vector.broadcast %parallel_loop3A_375 : i32 to vector<16xi32>
        %parallel_loop3A_377 = arith.cmpi slt, %xor3A_15, %parallel_loop3A_376 : vector<16xi32>
        %parallel_loop3A_378 = arith.constant 16 : i32
        %parallel_loop3A_379 = vector.broadcast %parallel_loop3A_378 : i32 to vector<16xi32>
        %parallel_loop3A_380 = arith.addi %xor3A_15, %parallel_loop3A_379 : vector<16xi32>
        %parallel_loop3A_381 = arith.select %parallel_loop3A_377, %parallel_loop3A_380, %xor3A_15 : vector<16xi1>, vector<16xi32>
        %parallel_loop3A_382 = vector.shape_cast %parallel_loop3A_381 : vector<16xi32> to vector<16x1xi32>
        %parallel_loop3A_383 = vector.shape_cast %parallel_loop3A_382 : vector<16x1xi32> to vector<16xi32>
        %parallel_loop3A_384 = tpu.dynamic_gather %parallel_loop3A_374[%parallel_loop3A_383] in [0] : vector<16xf32>, vector<16xi32> -> vector<16xf32>
        %parallel_loop3A_385 = arith.addf %parallel_loop3A_374, %parallel_loop3A_384 : vector<16xf32>
        %parallel_loop3A_386 = arith.constant 1.562500e-02 : f32
        %parallel_loop3A_387 = vector.broadcast %parallel_loop3A_386 : f32 to vector<16xf32>
        %parallel_loop3A_388 = arith.mulf %parallel_loop3A_385, %parallel_loop3A_387 : vector<16xf32>
        %parallel_loop3A_389 = arith.constant 0 : i32
        %parallel_loop3A_390 = vector.broadcast %parallel_loop3A_389 : i32 to vector<16xi32>
        %parallel_loop3A_391 = arith.cmpi slt, %xor3A_6, %parallel_loop3A_390 : vector<16xi32>
        %parallel_loop3A_392 = arith.constant 16 : i32
        %parallel_loop3A_393 = vector.broadcast %parallel_loop3A_392 : i32 to vector<16xi32>
        %parallel_loop3A_394 = arith.addi %xor3A_6, %parallel_loop3A_393 : vector<16xi32>
        %parallel_loop3A_395 = arith.select %parallel_loop3A_391, %parallel_loop3A_394, %xor3A_6 : vector<16xi1>, vector<16xi32>
        %parallel_loop3A_396 = vector.shape_cast %parallel_loop3A_395 : vector<16xi32> to vector<16x1xi32>
        %parallel_loop3A_397 = vector.shape_cast %parallel_loop3A_396 : vector<16x1xi32> to vector<16xi32>
        %parallel_loop3A_398 = tpu.dynamic_gather %parallel_loop3A_341[%parallel_loop3A_397] in [0] : vector<16xf32>, vector<16xi32> -> vector<16xf32>
        %parallel_loop3A_399 = arith.addf %parallel_loop3A_341, %parallel_loop3A_398 : vector<16xf32>
        %parallel_loop3A_400 = arith.constant 0 : i32
        %parallel_loop3A_401 = vector.broadcast %parallel_loop3A_400 : i32 to vector<16xi32>
        %parallel_loop3A_402 = arith.cmpi slt, %xor3A_9, %parallel_loop3A_401 : vector<16xi32>
        %parallel_loop3A_403 = arith.constant 16 : i32
        %parallel_loop3A_404 = vector.broadcast %parallel_loop3A_403 : i32 to vector<16xi32>
        %parallel_loop3A_405 = arith.addi %xor3A_9, %parallel_loop3A_404 : vector<16xi32>
        %parallel_loop3A_406 = arith.select %parallel_loop3A_402, %parallel_loop3A_405, %xor3A_9 : vector<16xi1>, vector<16xi32>
        %parallel_loop3A_407 = vector.shape_cast %parallel_loop3A_406 : vector<16xi32> to vector<16x1xi32>
        %parallel_loop3A_408 = vector.shape_cast %parallel_loop3A_407 : vector<16x1xi32> to vector<16xi32>
        %parallel_loop3A_409 = tpu.dynamic_gather %parallel_loop3A_399[%parallel_loop3A_408] in [0] : vector<16xf32>, vector<16xi32> -> vector<16xf32>
        %parallel_loop3A_410 = arith.addf %parallel_loop3A_399, %parallel_loop3A_409 : vector<16xf32>
        %parallel_loop3A_411 = arith.constant 0 : i32
        %parallel_loop3A_412 = vector.broadcast %parallel_loop3A_411 : i32 to vector<16xi32>
        %parallel_loop3A_413 = arith.cmpi slt, %xor3A_12, %parallel_loop3A_412 : vector<16xi32>
        %parallel_loop3A_414 = arith.constant 16 : i32
        %parallel_loop3A_415 = vector.broadcast %parallel_loop3A_414 : i32 to vector<16xi32>
        %parallel_loop3A_416 = arith.addi %xor3A_12, %parallel_loop3A_415 : vector<16xi32>
        %parallel_loop3A_417 = arith.select %parallel_loop3A_413, %parallel_loop3A_416, %xor3A_12 : vector<16xi1>, vector<16xi32>
        %parallel_loop3A_418 = vector.shape_cast %parallel_loop3A_417 : vector<16xi32> to vector<16x1xi32>
        %parallel_loop3A_419 = vector.shape_cast %parallel_loop3A_418 : vector<16x1xi32> to vector<16xi32>
        %parallel_loop3A_420 = tpu.dynamic_gather %parallel_loop3A_410[%parallel_loop3A_419] in [0] : vector<16xf32>, vector<16xi32> -> vector<16xf32>
        %parallel_loop3A_421 = arith.addf %parallel_loop3A_410, %parallel_loop3A_420 : vector<16xf32>
        %parallel_loop3A_422 = arith.constant 0 : i32
        %parallel_loop3A_423 = vector.broadcast %parallel_loop3A_422 : i32 to vector<16xi32>
        %parallel_loop3A_424 = arith.cmpi slt, %xor3A_15, %parallel_loop3A_423 : vector<16xi32>
        %parallel_loop3A_425 = arith.constant 16 : i32
        %parallel_loop3A_426 = vector.broadcast %parallel_loop3A_425 : i32 to vector<16xi32>
        %parallel_loop3A_427 = arith.addi %xor3A_15, %parallel_loop3A_426 : vector<16xi32>
        %parallel_loop3A_428 = arith.select %parallel_loop3A_424, %parallel_loop3A_427, %xor3A_15 : vector<16xi1>, vector<16xi32>
        %parallel_loop3A_429 = vector.shape_cast %parallel_loop3A_428 : vector<16xi32> to vector<16x1xi32>
        %parallel_loop3A_430 = vector.shape_cast %parallel_loop3A_429 : vector<16x1xi32> to vector<16xi32>
        %parallel_loop3A_431 = tpu.dynamic_gather %parallel_loop3A_421[%parallel_loop3A_430] in [0] : vector<16xf32>, vector<16xi32> -> vector<16xf32>
        %parallel_loop3A_432 = arith.addf %parallel_loop3A_421, %parallel_loop3A_431 : vector<16xf32>
        %parallel_loop3A_433 = arith.constant 1.562500e-02 : f32
        %parallel_loop3A_434 = vector.broadcast %parallel_loop3A_433 : f32 to vector<16xf32>
        %parallel_loop3A_435 = arith.mulf %parallel_loop3A_432, %parallel_loop3A_434 : vector<16xf32>
        %parallel_loop3A_436 = arith.mulf %parallel_loop3A_388, %parallel_loop3A_388 : vector<16xf32>
        %parallel_loop3A_437 = arith.subf %parallel_loop3A_435, %parallel_loop3A_436 : vector<16xf32>
        %parallel_loop3A_438 = arith.constant 0.000000e+00 : f32
        %parallel_loop3A_439 = vector.broadcast %parallel_loop3A_438 : f32 to vector<16xf32>
        %parallel_loop3A_440 = arith.maximumf %parallel_loop3A_437, %parallel_loop3A_439 : vector<16xf32>
        %parallel_loop3A_441 = arith.constant 9.99999996E-13 : f32
        %parallel_loop3A_442 = vector.broadcast %parallel_loop3A_441 : f32 to vector<16xf32>
        %parallel_loop3A_443 = arith.addf %parallel_loop3A_440, %parallel_loop3A_442 : vector<16xf32>
        %parallel_loop3A_444 = tpu.bitcast %parallel_loop3A_443 : vector<16xf32> -> vector<16xi32>
        %parallel_loop3A_445 = arith.constant 1 : i32
        %parallel_loop3A_446 = vector.broadcast %parallel_loop3A_445 : i32 to vector<16xi32>
        %parallel_loop3A_447 = arith.shrsi %parallel_loop3A_444, %parallel_loop3A_446 : vector<16xi32>
        %parallel_loop3A_448 = arith.constant 1597463007 : i32
        %parallel_loop3A_449 = vector.broadcast %parallel_loop3A_448 : i32 to vector<16xi32>
        %parallel_loop3A_450 = arith.subi %parallel_loop3A_449, %parallel_loop3A_447 : vector<16xi32>
        %parallel_loop3A_451 = tpu.bitcast %parallel_loop3A_450 : vector<16xi32> -> vector<16xf32>
        %parallel_loop3A_452 = arith.constant 5.000000e-01 : f32
        %parallel_loop3A_453 = vector.broadcast %parallel_loop3A_452 : f32 to vector<16xf32>
        %parallel_loop3A_454 = arith.mulf %parallel_loop3A_443, %parallel_loop3A_453 : vector<16xf32>
        %parallel_loop3A_455 = arith.mulf %parallel_loop3A_454, %parallel_loop3A_451 : vector<16xf32>
        %parallel_loop3A_456 = arith.mulf %parallel_loop3A_455, %parallel_loop3A_451 : vector<16xf32>
        %parallel_loop3A_457 = arith.constant 1.500000e+00 : f32
        %parallel_loop3A_458 = vector.broadcast %parallel_loop3A_457 : f32 to vector<16xf32>
        %parallel_loop3A_459 = arith.subf %parallel_loop3A_458, %parallel_loop3A_456 : vector<16xf32>
        %parallel_loop3A_460 = arith.mulf %parallel_loop3A_451, %parallel_loop3A_459 : vector<16xf32>
        %parallel_loop3A_461 = arith.mulf %parallel_loop3A_454, %parallel_loop3A_460 : vector<16xf32>
        %parallel_loop3A_462 = arith.mulf %parallel_loop3A_461, %parallel_loop3A_460 : vector<16xf32>
        %parallel_loop3A_463 = arith.constant 1.500000e+00 : f32
        %parallel_loop3A_464 = vector.broadcast %parallel_loop3A_463 : f32 to vector<16xf32>
        %parallel_loop3A_465 = arith.subf %parallel_loop3A_464, %parallel_loop3A_462 : vector<16xf32>
        %parallel_loop3A_466 = arith.mulf %parallel_loop3A_460, %parallel_loop3A_465 : vector<16xf32>
        %parallel_loop3A_467 = arith.subf %parallel_loop3A_319, %parallel_loop3A_388 : vector<16xf32>
        %parallel_loop3A_468 = arith.mulf %parallel_loop3A_467, %parallel_loop3A_466 : vector<16xf32>
        %parallel_loop3A_469 = arith.mulf %parallel_loop3A_468, %get3A_17 : vector<16xf32>
        %parallel_loop3A_470 = arith.addf %parallel_loop3A_469, %get3A_29 : vector<16xf32>
        %parallel_loop3A_471 = arith.index_cast %parallel_loop3A_315 : i32 to index
        %parallel_loop3A_472 = arith.constant 0 : index
        %parallel_loop3A_473 = tpu.vector_load %arg18[%parallel_loop3A_471, %parallel_loop3A_472] {strides = array<i32>} : memref<200x128xf32, #tpu.memory_space<vmem>>, vector<1x16xf32>,
        %parallel_loop3A_474 = vector.shape_cast %parallel_loop3A_473 : vector<1x16xf32> to vector<16xf32>
        %parallel_loop3A_475 = vector.shape_cast %parallel_loop3A_470 : vector<16xf32> to vector<1x16xf32>
        tpu.vector_store %arg18[%parallel_loop3A_471, %parallel_loop3A_472], %parallel_loop3A_475 {strides = array<i32>} : memref<200x128xf32, #tpu.memory_space<vmem>>, vector<1x16xf32>,
        %parallel_loop3A_476 = arith.subf %parallel_loop3A_323, %parallel_loop3A_388 : vector<16xf32>
        %parallel_loop3A_477 = arith.mulf %parallel_loop3A_476, %parallel_loop3A_466 : vector<16xf32>
        %parallel_loop3A_478 = arith.mulf %parallel_loop3A_477, %get3A_20 : vector<16xf32>
        %parallel_loop3A_479 = arith.addf %parallel_loop3A_478, %get3A_32 : vector<16xf32>
        %parallel_loop3A_480 = arith.index_cast %parallel_loop3A_315 : i32 to index
        %parallel_loop3A_481 = arith.constant 16 : index
        %parallel_loop3A_482 = tpu.vector_load %arg18[%parallel_loop3A_480, %parallel_loop3A_481] {strides = array<i32>} : memref<200x128xf32, #tpu.memory_space<vmem>>, vector<1x16xf32>,
        %parallel_loop3A_483 = vector.shape_cast %parallel_loop3A_482 : vector<1x16xf32> to vector<16xf32>
        %parallel_loop3A_484 = vector.shape_cast %parallel_loop3A_479 : vector<16xf32> to vector<1x16xf32>
        tpu.vector_store %arg18[%parallel_loop3A_480, %parallel_loop3A_481], %parallel_loop3A_484 {strides = array<i32>} : memref<200x128xf32, #tpu.memory_space<vmem>>, vector<1x16xf32>,
        %parallel_loop3A_485 = arith.subf %parallel_loop3A_327, %parallel_loop3A_388 : vector<16xf32>
        %parallel_loop3A_486 = arith.mulf %parallel_loop3A_485, %parallel_loop3A_466 : vector<16xf32>
        %parallel_loop3A_487 = arith.mulf %parallel_loop3A_486, %get3A_23 : vector<16xf32>
        %parallel_loop3A_488 = arith.addf %parallel_loop3A_487, %get3A_35 : vector<16xf32>
        %parallel_loop3A_489 = arith.index_cast %parallel_loop3A_315 : i32 to index
        %parallel_loop3A_490 = arith.constant 32 : index
        %parallel_loop3A_491 = tpu.vector_load %arg18[%parallel_loop3A_489, %parallel_loop3A_490] {strides = array<i32>} : memref<200x128xf32, #tpu.memory_space<vmem>>, vector<1x16xf32>,
        %parallel_loop3A_492 = vector.shape_cast %parallel_loop3A_491 : vector<1x16xf32> to vector<16xf32>
        %parallel_loop3A_493 = vector.shape_cast %parallel_loop3A_488 : vector<16xf32> to vector<1x16xf32>
        tpu.vector_store %arg18[%parallel_loop3A_489, %parallel_loop3A_490], %parallel_loop3A_493 {strides = array<i32>} : memref<200x128xf32, #tpu.memory_space<vmem>>, vector<1x16xf32>,
        %parallel_loop3A_494 = arith.subf %parallel_loop3A_331, %parallel_loop3A_388 : vector<16xf32>
        %parallel_loop3A_495 = arith.mulf %parallel_loop3A_494, %parallel_loop3A_466 : vector<16xf32>
        %parallel_loop3A_496 = arith.mulf %parallel_loop3A_495, %get3A_26 : vector<16xf32>
        %parallel_loop3A_497 = arith.addf %parallel_loop3A_496, %get3A_38 : vector<16xf32>
        %parallel_loop3A_498 = arith.index_cast %parallel_loop3A_315 : i32 to index
        %parallel_loop3A_499 = arith.constant 48 : index
        %parallel_loop3A_500 = tpu.vector_load %arg18[%parallel_loop3A_498, %parallel_loop3A_499] {strides = array<i32>} : memref<200x128xf32, #tpu.memory_space<vmem>>, vector<1x16xf32>,
        %parallel_loop3A_501 = vector.shape_cast %parallel_loop3A_500 : vector<1x16xf32> to vector<16xf32>
        %parallel_loop3A_502 = vector.shape_cast %parallel_loop3A_497 : vector<16xf32> to vector<1x16xf32>
        tpu.vector_store %arg18[%parallel_loop3A_498, %parallel_loop3A_499], %parallel_loop3A_502 {strides = array<i32>} : memref<200x128xf32, #tpu.memory_space<vmem>>, vector<1x16xf32>,
      } {sc.loop_unroll_factor = 4 : i64, sc.parallel_access}
      %add3A_226 = arith.addi %mul3A_2, %add3A_198 : i32
      %dma_start3A_227 = arith.constant 0 : i32
      %dma_start3A_228 = arith.constant 0 : i32
      %dma_start3A_229 = tpu.memref_slice %arg8[%add3A_226, %dma_start3A_227, %dma_start3A_228] : memref<4096x200x128xf32, #tpu.memory_space<hbm>> -> memref<1x200x128xf32, #tpu.memory_space<hbm>>
      %dma_start3A_230 = tpu.memref_squeeze %dma_start3A_229 : memref<1x200x128xf32, #tpu.memory_space<hbm>> -> memref<200x128xf32, #tpu.memory_space<hbm>>
      %dma_start3A_231 = arith.constant 0 : i32
      %dma_start3A_232 = arith.constant 0 : i32
      %dma_start3A_233 = tpu.memref_slice %arg8[%add3A_226, %dma_start3A_231, %dma_start3A_232] : memref<4096x200x128xf32, #tpu.memory_space<hbm>> -> memref<1x200x128xf32, #tpu.memory_space<hbm>>
      %dma_start3A_234 = tpu.memref_squeeze %dma_start3A_233 : memref<1x200x128xf32, #tpu.memory_space<hbm>> -> memref<200x128xf32, #tpu.memory_space<hbm>>
      tpu.enqueue_dma source(%arg18 : memref<200x128xf32, #tpu.memory_space<vmem>>) target(%dma_start3A_234 : memref<200x128xf32, #tpu.memory_space<hbm>>) target_semaphore(%arg37 : memref<!tpu.dma_semaphore, #tpu.memory_space<semaphore_mem>>)
      %mul3A_235 = arith.constant 4 : i32
      %mul3A_236 = arith.muli %mul3A_235, %scan3A_156 : i32
      %add3A_237 = arith.constant 2 : i32
      %add3A_238 = arith.addi %mul3A_236, %add3A_237 : i32
      %add3A_239 = arith.constant 3 : i32
      %add3A_240 = arith.addi %add3A_238, %add3A_239 : i32
      %lt3A_241 = arith.constant 128 : i32
      %lt3A_242 = arith.cmpi slt, %add3A_240, %lt3A_241 : i32
      %convert_element_type3A_243 = arith.extui %lt3A_242 : i1 to i32
      %cond3A_244 = arith.constant 0 : i32
      %cond3A_245 = arith.cmpi ne, %convert_element_type3A_243, %cond3A_244 : i32
      scf.if %cond3A_245 {
        %add3A_315 = arith.constant 3 : i32
        %add3A_316 = arith.addi %add3A_238, %add3A_315 : i32
        %add3A_317 = arith.addi %mul3A_2, %add3A_316 : i32
        %dma_start3A_318 = arith.constant 0 : i32
        %dma_start3A_319 = tpu.memref_slice %arg2[%add3A_317, %dma_start3A_318] : memref<4096x200xi32, #tpu.memory_space<hbm>> -> memref<1x200xi32, #tpu.memory_space<hbm>>
        %dma_start3A_320 = tpu.memref_squeeze %dma_start3A_319 : memref<1x200xi32, #tpu.memory_space<hbm>> -> memref<200xi32, #tpu.memory_space<hbm>>
        %dma_start3A_321 = arith.constant 0 : i32
        %dma_start3A_322 = tpu.memref_slice %arg2[%add3A_317, %dma_start3A_321] : memref<4096x200xi32, #tpu.memory_space<hbm>> -> memref<1x200xi32, #tpu.memory_space<hbm>>
        %dma_start3A_323 = tpu.memref_squeeze %dma_start3A_322 : memref<1x200xi32, #tpu.memory_space<hbm>> -> memref<200xi32, #tpu.memory_space<hbm>>
        tpu.enqueue_dma source(%dma_start3A_323 : memref<200xi32, #tpu.memory_space<hbm>>) target(%arg10 : memref<200xi32, #tpu.memory_space<vmem>>) target_semaphore(%arg25 : memref<!tpu.dma_semaphore, #tpu.memory_space<semaphore_mem>>)
        %dma_start3A_324 = arith.constant 0 : i32
        %dma_start3A_325 = tpu.memref_slice %arg3[%add3A_317, %dma_start3A_324] : memref<4096x200xi32, #tpu.memory_space<hbm>> -> memref<1x200xi32, #tpu.memory_space<hbm>>
        %dma_start3A_326 = tpu.memref_squeeze %dma_start3A_325 : memref<1x200xi32, #tpu.memory_space<hbm>> -> memref<200xi32, #tpu.memory_space<hbm>>
        %dma_start3A_327 = arith.constant 0 : i32
        %dma_start3A_328 = tpu.memref_slice %arg3[%add3A_317, %dma_start3A_327] : memref<4096x200xi32, #tpu.memory_space<hbm>> -> memref<1x200xi32, #tpu.memory_space<hbm>>
        %dma_start3A_329 = tpu.memref_squeeze %dma_start3A_328 : memref<1x200xi32, #tpu.memory_space<hbm>> -> memref<200xi32, #tpu.memory_space<hbm>>
        tpu.enqueue_dma source(%dma_start3A_329 : memref<200xi32, #tpu.memory_space<hbm>>) target(%arg14 : memref<200xi32, #tpu.memory_space<vmem>>) target_semaphore(%arg25 : memref<!tpu.dma_semaphore, #tpu.memory_space<semaphore_mem>>)
      } else {
      }
      %add3A_246 = arith.constant 2 : i32
      %add3A_247 = arith.addi %add3A_238, %add3A_246 : i32
      %lt3A_248 = arith.constant 128 : i32
      %lt3A_249 = arith.cmpi slt, %add3A_247, %lt3A_248 : i32
      %convert_element_type3A_250 = arith.extui %lt3A_249 : i1 to i32
      %cond3A_251 = arith.constant 0 : i32
      %cond3A_252 = arith.cmpi ne, %convert_element_type3A_250, %cond3A_251 : i32
      scf.if %cond3A_252 {
        %add3A_315 = arith.constant 2 : i32
        %add3A_316 = arith.addi %add3A_238, %add3A_315 : i32
        %ge3A = arith.constant 4 : i32
        %ge3A_317 = arith.cmpi sge, %add3A_316, %ge3A : i32
        %convert_element_type3A_318 = arith.extui %ge3A_317 : i1 to i32
        %cond3A_319 = arith.constant 0 : i32
        %cond3A_320 = arith.cmpi ne, %convert_element_type3A_318, %cond3A_319 : i32
        scf.if %cond3A_320 {
          %add3A_338 = arith.addi %mul3A_2, %add3A_316 : i32
          %dma_wait3A_339 = arith.constant 0 : i32
          %dma_wait3A_340 = arith.constant 0 : i32
          %dma_wait3A_341 = tpu.memref_slice %arg8[%add3A_338, %dma_wait3A_339, %dma_wait3A_340] : memref<4096x200x128xf32, #tpu.memory_space<hbm>> -> memref<1x200x128xf32, #tpu.memory_space<hbm>>
          %dma_wait3A_342 = tpu.memref_squeeze %dma_wait3A_341 : memref<1x200x128xf32, #tpu.memory_space<hbm>> -> memref<200x128xf32, #tpu.memory_space<hbm>>
          %dma_wait3A_343 = arith.constant 0 : i32
          %dma_wait3A_344 = arith.constant 0 : i32
          %dma_wait3A_345 = tpu.memref_slice %arg8[%add3A_338, %dma_wait3A_343, %dma_wait3A_344] : memref<4096x200x128xf32, #tpu.memory_space<hbm>> -> memref<1x200x128xf32, #tpu.memory_space<hbm>>
          %dma_wait3A_346 = tpu.memref_squeeze %dma_wait3A_345 : memref<1x200x128xf32, #tpu.memory_space<hbm>> -> memref<200x128xf32, #tpu.memory_space<hbm>>
          tpu.wait_dma2 semaphore(%arg36 : memref<!tpu.dma_semaphore, #tpu.memory_space<semaphore_mem>>) src(%arg17 : memref<200x128xf32, #tpu.memory_space<vmem>>) dst(%dma_wait3A_346 : memref<200x128xf32, #tpu.memory_space<hbm>>)
        } else {
        }
        %dma_wait3A_321 = arith.constant 0 : i32
        %dma_wait3A_322 = arith.constant 0 : i32
        %dma_wait3A_323 = tpu.memref_slice %arg2[%dma_wait3A_321, %dma_wait3A_322] : memref<4096x200xi32, #tpu.memory_space<hbm>> -> memref<1x200xi32, #tpu.memory_space<hbm>>
        %dma_wait3A_324 = tpu.memref_squeeze %dma_wait3A_323 : memref<1x200xi32, #tpu.memory_space<hbm>> -> memref<200xi32, #tpu.memory_space<hbm>>
        %dma_wait3A_325 = arith.constant 0 : i32
        %dma_wait3A_326 = tpu.memref_slice %arg2[%dma_wait3A_321, %dma_wait3A_325] : memref<4096x200xi32, #tpu.memory_space<hbm>> -> memref<1x200xi32, #tpu.memory_space<hbm>>
        %dma_wait3A_327 = tpu.memref_squeeze %dma_wait3A_326 : memref<1x200xi32, #tpu.memory_space<hbm>> -> memref<200xi32, #tpu.memory_space<hbm>>
        tpu.wait_dma2 semaphore(%arg24 : memref<!tpu.dma_semaphore, #tpu.memory_space<semaphore_mem>>) src(%dma_wait3A_327 : memref<200xi32, #tpu.memory_space<hbm>>) dst(%arg9 : memref<200xi32, #tpu.memory_space<vmem>>)
        %dma_wait3A_328 = arith.constant 0 : i32
        %dma_wait3A_329 = arith.constant 0 : i32
        %dma_wait3A_330 = tpu.memref_slice %arg3[%dma_wait3A_328, %dma_wait3A_329] : memref<4096x200xi32, #tpu.memory_space<hbm>> -> memref<1x200xi32, #tpu.memory_space<hbm>>
        %dma_wait3A_331 = tpu.memref_squeeze %dma_wait3A_330 : memref<1x200xi32, #tpu.memory_space<hbm>> -> memref<200xi32, #tpu.memory_space<hbm>>
        %dma_wait3A_332 = arith.constant 0 : i32
        %dma_wait3A_333 = tpu.memref_slice %arg3[%dma_wait3A_328, %dma_wait3A_332] : memref<4096x200xi32, #tpu.memory_space<hbm>> -> memref<1x200xi32, #tpu.memory_space<hbm>>
        %dma_wait3A_334 = tpu.memref_squeeze %dma_wait3A_333 : memref<1x200xi32, #tpu.memory_space<hbm>> -> memref<200xi32, #tpu.memory_space<hbm>>
        tpu.wait_dma2 semaphore(%arg24 : memref<!tpu.dma_semaphore, #tpu.memory_space<semaphore_mem>>) src(%dma_wait3A_334 : memref<200xi32, #tpu.memory_space<hbm>>) dst(%arg13 : memref<200xi32, #tpu.memory_space<vmem>>)
        %dma_start3A_335 = arith.constant 0 : i32
        %dma_start3A_336 = arith.constant 0 : i32
        %dma_start3A_337 = tpu.memref_slice %arg21[%dma_start3A_335, %dma_start3A_336] : memref<200x128xf32, #tpu.memory_space<vmem_shared>> -> memref<200x128xf32, #tpu.memory_space<vmem_shared>>
        tpu.enqueue_indirect_dma source(%dma_start3A_337 : memref<200x128xf32, #tpu.memory_space<vmem_shared>>) target(%arg17 : memref<200x128xf32, #tpu.memory_space<vmem>>) offsets(%arg13 : memref<200xi32, #tpu.memory_space<vmem>>) semaphore(%arg28 : memref<!tpu.dma_semaphore, #tpu.memory_space<semaphore_mem>>)
      } else {
      }
      %add3A_253 = arith.constant 1 : i32
      %add3A_254 = arith.addi %add3A_238, %add3A_253 : i32
      %lt3A_255 = arith.constant 128 : i32
      %lt3A_256 = arith.cmpi slt, %add3A_254, %lt3A_255 : i32
      %convert_element_type3A_257 = arith.extui %lt3A_256 : i1 to i32
      %cond3A_258 = arith.constant 0 : i32
      %cond3A_259 = arith.cmpi ne, %convert_element_type3A_257, %cond3A_258 : i32
      scf.if %cond3A_259 {
        %dma_wait3A_315 = arith.constant 0 : i32
        %dma_wait3A_316 = arith.constant 0 : i32
        %dma_wait3A_317 = tpu.memref_slice %arg21[%dma_wait3A_315, %dma_wait3A_316] : memref<200x128xf32, #tpu.memory_space<vmem_shared>> -> memref<200x128xf32, #tpu.memory_space<vmem_shared>>
        tpu.wait_indirect_dma semaphore(%arg31 : memref<!tpu.dma_semaphore, #tpu.memory_space<semaphore_mem>>) src(%dma_wait3A_317 : memref<200x128xf32, #tpu.memory_space<vmem_shared>>) dst(%arg20 : memref<200x128xf32, #tpu.memory_space<vmem>>)
        %dma_start3A_318 = arith.constant 0 : i32
        %dma_start3A_319 = arith.constant 0 : i32
        %dma_start3A_320 = tpu.memref_slice %arg4[%dma_start3A_318, %dma_start3A_319] : memref<100000x128xf32, #tpu.memory_space<hbm>> -> memref<100000x128xf32, #tpu.memory_space<hbm>>
        tpu.enqueue_indirect_dma source(%dma_start3A_320 : memref<100000x128xf32, #tpu.memory_space<hbm>>) target(%arg20 : memref<200x128xf32, #tpu.memory_space<vmem>>) offsets(%arg12 : memref<200xi32, #tpu.memory_space<vmem>>) semaphore(%arg35 : memref<!tpu.dma_semaphore, #tpu.memory_space<semaphore_mem>>) {add = true}
      } else {
      }
      %dma_wait3A_260 = arith.constant 0 : i32
      %dma_wait3A_261 = arith.constant 0 : i32
      %dma_wait3A_262 = tpu.memref_slice %arg4[%dma_wait3A_260, %dma_wait3A_261] : memref<100000x128xf32, #tpu.memory_space<hbm>> -> memref<100000x128xf32, #tpu.memory_space<hbm>>
      tpu.wait_indirect_dma semaphore(%arg34 : memref<!tpu.dma_semaphore, #tpu.memory_space<semaphore_mem>>) src(%dma_wait3A_262 : memref<100000x128xf32, #tpu.memory_space<hbm>>) dst(%arg19 : memref<200x128xf32, #tpu.memory_space<vmem>>)
      %parallel_loop3A_263 = arith.constant 0 : i32
      %parallel_loop3A_264 = arith.constant 200 : i32
      %parallel_loop3A_265 = arith.constant 1 : i32
      scf.for %parallel_loop3A_315 = %parallel_loop3A_263 to %parallel_loop3A_264 step %parallel_loop3A_265  : i32 {
        %parallel_loop3A_316 = arith.index_cast %parallel_loop3A_315 : i32 to index
        %parallel_loop3A_317 = arith.constant 0 : index
        %parallel_loop3A_318 = tpu.vector_load %arg19[%parallel_loop3A_316, %parallel_loop3A_317] {strides = array<i32>} : memref<200x128xf32, #tpu.memory_space<vmem>>, vector<1x16xf32>,
        %parallel_loop3A_319 = vector.shape_cast %parallel_loop3A_318 : vector<1x16xf32> to vector<16xf32>
        %parallel_loop3A_320 = arith.index_cast %parallel_loop3A_315 : i32 to index
        %parallel_loop3A_321 = arith.constant 16 : index
        %parallel_loop3A_322 = tpu.vector_load %arg19[%parallel_loop3A_320, %parallel_loop3A_321] {strides = array<i32>} : memref<200x128xf32, #tpu.memory_space<vmem>>, vector<1x16xf32>,
        %parallel_loop3A_323 = vector.shape_cast %parallel_loop3A_322 : vector<1x16xf32> to vector<16xf32>
        %parallel_loop3A_324 = arith.index_cast %parallel_loop3A_315 : i32 to index
        %parallel_loop3A_325 = arith.constant 32 : index
        %parallel_loop3A_326 = tpu.vector_load %arg19[%parallel_loop3A_324, %parallel_loop3A_325] {strides = array<i32>} : memref<200x128xf32, #tpu.memory_space<vmem>>, vector<1x16xf32>,
        %parallel_loop3A_327 = vector.shape_cast %parallel_loop3A_326 : vector<1x16xf32> to vector<16xf32>
        %parallel_loop3A_328 = arith.index_cast %parallel_loop3A_315 : i32 to index
        %parallel_loop3A_329 = arith.constant 48 : index
        %parallel_loop3A_330 = tpu.vector_load %arg19[%parallel_loop3A_328, %parallel_loop3A_329] {strides = array<i32>} : memref<200x128xf32, #tpu.memory_space<vmem>>, vector<1x16xf32>,
        %parallel_loop3A_331 = vector.shape_cast %parallel_loop3A_330 : vector<1x16xf32> to vector<16xf32>
        %parallel_loop3A_332 = arith.addf %parallel_loop3A_319, %parallel_loop3A_323 : vector<16xf32>
        %parallel_loop3A_333 = arith.addf %parallel_loop3A_327, %parallel_loop3A_331 : vector<16xf32>
        %parallel_loop3A_334 = arith.addf %parallel_loop3A_332, %parallel_loop3A_333 : vector<16xf32>
        %parallel_loop3A_335 = arith.mulf %parallel_loop3A_319, %parallel_loop3A_319 : vector<16xf32>
        %parallel_loop3A_336 = arith.mulf %parallel_loop3A_323, %parallel_loop3A_323 : vector<16xf32>
        %parallel_loop3A_337 = arith.addf %parallel_loop3A_335, %parallel_loop3A_336 : vector<16xf32>
        %parallel_loop3A_338 = arith.mulf %parallel_loop3A_327, %parallel_loop3A_327 : vector<16xf32>
        %parallel_loop3A_339 = arith.mulf %parallel_loop3A_331, %parallel_loop3A_331 : vector<16xf32>
        %parallel_loop3A_340 = arith.addf %parallel_loop3A_338, %parallel_loop3A_339 : vector<16xf32>
        %parallel_loop3A_341 = arith.addf %parallel_loop3A_337, %parallel_loop3A_340 : vector<16xf32>
        %parallel_loop3A_342 = arith.constant 0 : i32
        %parallel_loop3A_343 = vector.broadcast %parallel_loop3A_342 : i32 to vector<16xi32>
        %parallel_loop3A_344 = arith.cmpi slt, %xor3A_6, %parallel_loop3A_343 : vector<16xi32>
        %parallel_loop3A_345 = arith.constant 16 : i32
        %parallel_loop3A_346 = vector.broadcast %parallel_loop3A_345 : i32 to vector<16xi32>
        %parallel_loop3A_347 = arith.addi %xor3A_6, %parallel_loop3A_346 : vector<16xi32>
        %parallel_loop3A_348 = arith.select %parallel_loop3A_344, %parallel_loop3A_347, %xor3A_6 : vector<16xi1>, vector<16xi32>
        %parallel_loop3A_349 = vector.shape_cast %parallel_loop3A_348 : vector<16xi32> to vector<16x1xi32>
        %parallel_loop3A_350 = vector.shape_cast %parallel_loop3A_349 : vector<16x1xi32> to vector<16xi32>
        %parallel_loop3A_351 = tpu.dynamic_gather %parallel_loop3A_334[%parallel_loop3A_350] in [0] : vector<16xf32>, vector<16xi32> -> vector<16xf32>
        %parallel_loop3A_352 = arith.addf %parallel_loop3A_334, %parallel_loop3A_351 : vector<16xf32>
        %parallel_loop3A_353 = arith.constant 0 : i32
        %parallel_loop3A_354 = vector.broadcast %parallel_loop3A_353 : i32 to vector<16xi32>
        %parallel_loop3A_355 = arith.cmpi slt, %xor3A_9, %parallel_loop3A_354 : vector<16xi32>
        %parallel_loop3A_356 = arith.constant 16 : i32
        %parallel_loop3A_357 = vector.broadcast %parallel_loop3A_356 : i32 to vector<16xi32>
        %parallel_loop3A_358 = arith.addi %xor3A_9, %parallel_loop3A_357 : vector<16xi32>
        %parallel_loop3A_359 = arith.select %parallel_loop3A_355, %parallel_loop3A_358, %xor3A_9 : vector<16xi1>, vector<16xi32>
        %parallel_loop3A_360 = vector.shape_cast %parallel_loop3A_359 : vector<16xi32> to vector<16x1xi32>
        %parallel_loop3A_361 = vector.shape_cast %parallel_loop3A_360 : vector<16x1xi32> to vector<16xi32>
        %parallel_loop3A_362 = tpu.dynamic_gather %parallel_loop3A_352[%parallel_loop3A_361] in [0] : vector<16xf32>, vector<16xi32> -> vector<16xf32>
        %parallel_loop3A_363 = arith.addf %parallel_loop3A_352, %parallel_loop3A_362 : vector<16xf32>
        %parallel_loop3A_364 = arith.constant 0 : i32
        %parallel_loop3A_365 = vector.broadcast %parallel_loop3A_364 : i32 to vector<16xi32>
        %parallel_loop3A_366 = arith.cmpi slt, %xor3A_12, %parallel_loop3A_365 : vector<16xi32>
        %parallel_loop3A_367 = arith.constant 16 : i32
        %parallel_loop3A_368 = vector.broadcast %parallel_loop3A_367 : i32 to vector<16xi32>
        %parallel_loop3A_369 = arith.addi %xor3A_12, %parallel_loop3A_368 : vector<16xi32>
        %parallel_loop3A_370 = arith.select %parallel_loop3A_366, %parallel_loop3A_369, %xor3A_12 : vector<16xi1>, vector<16xi32>
        %parallel_loop3A_371 = vector.shape_cast %parallel_loop3A_370 : vector<16xi32> to vector<16x1xi32>
        %parallel_loop3A_372 = vector.shape_cast %parallel_loop3A_371 : vector<16x1xi32> to vector<16xi32>
        %parallel_loop3A_373 = tpu.dynamic_gather %parallel_loop3A_363[%parallel_loop3A_372] in [0] : vector<16xf32>, vector<16xi32> -> vector<16xf32>
        %parallel_loop3A_374 = arith.addf %parallel_loop3A_363, %parallel_loop3A_373 : vector<16xf32>
        %parallel_loop3A_375 = arith.constant 0 : i32
        %parallel_loop3A_376 = vector.broadcast %parallel_loop3A_375 : i32 to vector<16xi32>
        %parallel_loop3A_377 = arith.cmpi slt, %xor3A_15, %parallel_loop3A_376 : vector<16xi32>
        %parallel_loop3A_378 = arith.constant 16 : i32
        %parallel_loop3A_379 = vector.broadcast %parallel_loop3A_378 : i32 to vector<16xi32>
        %parallel_loop3A_380 = arith.addi %xor3A_15, %parallel_loop3A_379 : vector<16xi32>
        %parallel_loop3A_381 = arith.select %parallel_loop3A_377, %parallel_loop3A_380, %xor3A_15 : vector<16xi1>, vector<16xi32>
        %parallel_loop3A_382 = vector.shape_cast %parallel_loop3A_381 : vector<16xi32> to vector<16x1xi32>
        %parallel_loop3A_383 = vector.shape_cast %parallel_loop3A_382 : vector<16x1xi32> to vector<16xi32>
        %parallel_loop3A_384 = tpu.dynamic_gather %parallel_loop3A_374[%parallel_loop3A_383] in [0] : vector<16xf32>, vector<16xi32> -> vector<16xf32>
        %parallel_loop3A_385 = arith.addf %parallel_loop3A_374, %parallel_loop3A_384 : vector<16xf32>
        %parallel_loop3A_386 = arith.constant 1.562500e-02 : f32
        %parallel_loop3A_387 = vector.broadcast %parallel_loop3A_386 : f32 to vector<16xf32>
        %parallel_loop3A_388 = arith.mulf %parallel_loop3A_385, %parallel_loop3A_387 : vector<16xf32>
        %parallel_loop3A_389 = arith.constant 0 : i32
        %parallel_loop3A_390 = vector.broadcast %parallel_loop3A_389 : i32 to vector<16xi32>
        %parallel_loop3A_391 = arith.cmpi slt, %xor3A_6, %parallel_loop3A_390 : vector<16xi32>
        %parallel_loop3A_392 = arith.constant 16 : i32
        %parallel_loop3A_393 = vector.broadcast %parallel_loop3A_392 : i32 to vector<16xi32>
        %parallel_loop3A_394 = arith.addi %xor3A_6, %parallel_loop3A_393 : vector<16xi32>
        %parallel_loop3A_395 = arith.select %parallel_loop3A_391, %parallel_loop3A_394, %xor3A_6 : vector<16xi1>, vector<16xi32>
        %parallel_loop3A_396 = vector.shape_cast %parallel_loop3A_395 : vector<16xi32> to vector<16x1xi32>
        %parallel_loop3A_397 = vector.shape_cast %parallel_loop3A_396 : vector<16x1xi32> to vector<16xi32>
        %parallel_loop3A_398 = tpu.dynamic_gather %parallel_loop3A_341[%parallel_loop3A_397] in [0] : vector<16xf32>, vector<16xi32> -> vector<16xf32>
        %parallel_loop3A_399 = arith.addf %parallel_loop3A_341, %parallel_loop3A_398 : vector<16xf32>
        %parallel_loop3A_400 = arith.constant 0 : i32
        %parallel_loop3A_401 = vector.broadcast %parallel_loop3A_400 : i32 to vector<16xi32>
        %parallel_loop3A_402 = arith.cmpi slt, %xor3A_9, %parallel_loop3A_401 : vector<16xi32>
        %parallel_loop3A_403 = arith.constant 16 : i32
        %parallel_loop3A_404 = vector.broadcast %parallel_loop3A_403 : i32 to vector<16xi32>
        %parallel_loop3A_405 = arith.addi %xor3A_9, %parallel_loop3A_404 : vector<16xi32>
        %parallel_loop3A_406 = arith.select %parallel_loop3A_402, %parallel_loop3A_405, %xor3A_9 : vector<16xi1>, vector<16xi32>
        %parallel_loop3A_407 = vector.shape_cast %parallel_loop3A_406 : vector<16xi32> to vector<16x1xi32>
        %parallel_loop3A_408 = vector.shape_cast %parallel_loop3A_407 : vector<16x1xi32> to vector<16xi32>
        %parallel_loop3A_409 = tpu.dynamic_gather %parallel_loop3A_399[%parallel_loop3A_408] in [0] : vector<16xf32>, vector<16xi32> -> vector<16xf32>
        %parallel_loop3A_410 = arith.addf %parallel_loop3A_399, %parallel_loop3A_409 : vector<16xf32>
        %parallel_loop3A_411 = arith.constant 0 : i32
        %parallel_loop3A_412 = vector.broadcast %parallel_loop3A_411 : i32 to vector<16xi32>
        %parallel_loop3A_413 = arith.cmpi slt, %xor3A_12, %parallel_loop3A_412 : vector<16xi32>
        %parallel_loop3A_414 = arith.constant 16 : i32
        %parallel_loop3A_415 = vector.broadcast %parallel_loop3A_414 : i32 to vector<16xi32>
        %parallel_loop3A_416 = arith.addi %xor3A_12, %parallel_loop3A_415 : vector<16xi32>
        %parallel_loop3A_417 = arith.select %parallel_loop3A_413, %parallel_loop3A_416, %xor3A_12 : vector<16xi1>, vector<16xi32>
        %parallel_loop3A_418 = vector.shape_cast %parallel_loop3A_417 : vector<16xi32> to vector<16x1xi32>
        %parallel_loop3A_419 = vector.shape_cast %parallel_loop3A_418 : vector<16x1xi32> to vector<16xi32>
        %parallel_loop3A_420 = tpu.dynamic_gather %parallel_loop3A_410[%parallel_loop3A_419] in [0] : vector<16xf32>, vector<16xi32> -> vector<16xf32>
        %parallel_loop3A_421 = arith.addf %parallel_loop3A_410, %parallel_loop3A_420 : vector<16xf32>
        %parallel_loop3A_422 = arith.constant 0 : i32
        %parallel_loop3A_423 = vector.broadcast %parallel_loop3A_422 : i32 to vector<16xi32>
        %parallel_loop3A_424 = arith.cmpi slt, %xor3A_15, %parallel_loop3A_423 : vector<16xi32>
        %parallel_loop3A_425 = arith.constant 16 : i32
        %parallel_loop3A_426 = vector.broadcast %parallel_loop3A_425 : i32 to vector<16xi32>
        %parallel_loop3A_427 = arith.addi %xor3A_15, %parallel_loop3A_426 : vector<16xi32>
        %parallel_loop3A_428 = arith.select %parallel_loop3A_424, %parallel_loop3A_427, %xor3A_15 : vector<16xi1>, vector<16xi32>
        %parallel_loop3A_429 = vector.shape_cast %parallel_loop3A_428 : vector<16xi32> to vector<16x1xi32>
        %parallel_loop3A_430 = vector.shape_cast %parallel_loop3A_429 : vector<16x1xi32> to vector<16xi32>
        %parallel_loop3A_431 = tpu.dynamic_gather %parallel_loop3A_421[%parallel_loop3A_430] in [0] : vector<16xf32>, vector<16xi32> -> vector<16xf32>
        %parallel_loop3A_432 = arith.addf %parallel_loop3A_421, %parallel_loop3A_431 : vector<16xf32>
        %parallel_loop3A_433 = arith.constant 1.562500e-02 : f32
        %parallel_loop3A_434 = vector.broadcast %parallel_loop3A_433 : f32 to vector<16xf32>
        %parallel_loop3A_435 = arith.mulf %parallel_loop3A_432, %parallel_loop3A_434 : vector<16xf32>
        %parallel_loop3A_436 = arith.mulf %parallel_loop3A_388, %parallel_loop3A_388 : vector<16xf32>
        %parallel_loop3A_437 = arith.subf %parallel_loop3A_435, %parallel_loop3A_436 : vector<16xf32>
        %parallel_loop3A_438 = arith.constant 0.000000e+00 : f32
        %parallel_loop3A_439 = vector.broadcast %parallel_loop3A_438 : f32 to vector<16xf32>
        %parallel_loop3A_440 = arith.maximumf %parallel_loop3A_437, %parallel_loop3A_439 : vector<16xf32>
        %parallel_loop3A_441 = arith.constant 9.99999996E-13 : f32
        %parallel_loop3A_442 = vector.broadcast %parallel_loop3A_441 : f32 to vector<16xf32>
        %parallel_loop3A_443 = arith.addf %parallel_loop3A_440, %parallel_loop3A_442 : vector<16xf32>
        %parallel_loop3A_444 = tpu.bitcast %parallel_loop3A_443 : vector<16xf32> -> vector<16xi32>
        %parallel_loop3A_445 = arith.constant 1 : i32
        %parallel_loop3A_446 = vector.broadcast %parallel_loop3A_445 : i32 to vector<16xi32>
        %parallel_loop3A_447 = arith.shrsi %parallel_loop3A_444, %parallel_loop3A_446 : vector<16xi32>
        %parallel_loop3A_448 = arith.constant 1597463007 : i32
        %parallel_loop3A_449 = vector.broadcast %parallel_loop3A_448 : i32 to vector<16xi32>
        %parallel_loop3A_450 = arith.subi %parallel_loop3A_449, %parallel_loop3A_447 : vector<16xi32>
        %parallel_loop3A_451 = tpu.bitcast %parallel_loop3A_450 : vector<16xi32> -> vector<16xf32>
        %parallel_loop3A_452 = arith.constant 5.000000e-01 : f32
        %parallel_loop3A_453 = vector.broadcast %parallel_loop3A_452 : f32 to vector<16xf32>
        %parallel_loop3A_454 = arith.mulf %parallel_loop3A_443, %parallel_loop3A_453 : vector<16xf32>
        %parallel_loop3A_455 = arith.mulf %parallel_loop3A_454, %parallel_loop3A_451 : vector<16xf32>
        %parallel_loop3A_456 = arith.mulf %parallel_loop3A_455, %parallel_loop3A_451 : vector<16xf32>
        %parallel_loop3A_457 = arith.constant 1.500000e+00 : f32
        %parallel_loop3A_458 = vector.broadcast %parallel_loop3A_457 : f32 to vector<16xf32>
        %parallel_loop3A_459 = arith.subf %parallel_loop3A_458, %parallel_loop3A_456 : vector<16xf32>
        %parallel_loop3A_460 = arith.mulf %parallel_loop3A_451, %parallel_loop3A_459 : vector<16xf32>
        %parallel_loop3A_461 = arith.mulf %parallel_loop3A_454, %parallel_loop3A_460 : vector<16xf32>
        %parallel_loop3A_462 = arith.mulf %parallel_loop3A_461, %parallel_loop3A_460 : vector<16xf32>
        %parallel_loop3A_463 = arith.constant 1.500000e+00 : f32
        %parallel_loop3A_464 = vector.broadcast %parallel_loop3A_463 : f32 to vector<16xf32>
        %parallel_loop3A_465 = arith.subf %parallel_loop3A_464, %parallel_loop3A_462 : vector<16xf32>
        %parallel_loop3A_466 = arith.mulf %parallel_loop3A_460, %parallel_loop3A_465 : vector<16xf32>
        %parallel_loop3A_467 = arith.subf %parallel_loop3A_319, %parallel_loop3A_388 : vector<16xf32>
        %parallel_loop3A_468 = arith.mulf %parallel_loop3A_467, %parallel_loop3A_466 : vector<16xf32>
        %parallel_loop3A_469 = arith.mulf %parallel_loop3A_468, %get3A_17 : vector<16xf32>
        %parallel_loop3A_470 = arith.addf %parallel_loop3A_469, %get3A_29 : vector<16xf32>
        %parallel_loop3A_471 = arith.index_cast %parallel_loop3A_315 : i32 to index
        %parallel_loop3A_472 = arith.constant 0 : index
        %parallel_loop3A_473 = tpu.vector_load %arg19[%parallel_loop3A_471, %parallel_loop3A_472] {strides = array<i32>} : memref<200x128xf32, #tpu.memory_space<vmem>>, vector<1x16xf32>,
        %parallel_loop3A_474 = vector.shape_cast %parallel_loop3A_473 : vector<1x16xf32> to vector<16xf32>
        %parallel_loop3A_475 = vector.shape_cast %parallel_loop3A_470 : vector<16xf32> to vector<1x16xf32>
        tpu.vector_store %arg19[%parallel_loop3A_471, %parallel_loop3A_472], %parallel_loop3A_475 {strides = array<i32>} : memref<200x128xf32, #tpu.memory_space<vmem>>, vector<1x16xf32>,
        %parallel_loop3A_476 = arith.subf %parallel_loop3A_323, %parallel_loop3A_388 : vector<16xf32>
        %parallel_loop3A_477 = arith.mulf %parallel_loop3A_476, %parallel_loop3A_466 : vector<16xf32>
        %parallel_loop3A_478 = arith.mulf %parallel_loop3A_477, %get3A_20 : vector<16xf32>
        %parallel_loop3A_479 = arith.addf %parallel_loop3A_478, %get3A_32 : vector<16xf32>
        %parallel_loop3A_480 = arith.index_cast %parallel_loop3A_315 : i32 to index
        %parallel_loop3A_481 = arith.constant 16 : index
        %parallel_loop3A_482 = tpu.vector_load %arg19[%parallel_loop3A_480, %parallel_loop3A_481] {strides = array<i32>} : memref<200x128xf32, #tpu.memory_space<vmem>>, vector<1x16xf32>,
        %parallel_loop3A_483 = vector.shape_cast %parallel_loop3A_482 : vector<1x16xf32> to vector<16xf32>
        %parallel_loop3A_484 = vector.shape_cast %parallel_loop3A_479 : vector<16xf32> to vector<1x16xf32>
        tpu.vector_store %arg19[%parallel_loop3A_480, %parallel_loop3A_481], %parallel_loop3A_484 {strides = array<i32>} : memref<200x128xf32, #tpu.memory_space<vmem>>, vector<1x16xf32>,
        %parallel_loop3A_485 = arith.subf %parallel_loop3A_327, %parallel_loop3A_388 : vector<16xf32>
        %parallel_loop3A_486 = arith.mulf %parallel_loop3A_485, %parallel_loop3A_466 : vector<16xf32>
        %parallel_loop3A_487 = arith.mulf %parallel_loop3A_486, %get3A_23 : vector<16xf32>
        %parallel_loop3A_488 = arith.addf %parallel_loop3A_487, %get3A_35 : vector<16xf32>
        %parallel_loop3A_489 = arith.index_cast %parallel_loop3A_315 : i32 to index
        %parallel_loop3A_490 = arith.constant 32 : index
        %parallel_loop3A_491 = tpu.vector_load %arg19[%parallel_loop3A_489, %parallel_loop3A_490] {strides = array<i32>} : memref<200x128xf32, #tpu.memory_space<vmem>>, vector<1x16xf32>,
        %parallel_loop3A_492 = vector.shape_cast %parallel_loop3A_491 : vector<1x16xf32> to vector<16xf32>
        %parallel_loop3A_493 = vector.shape_cast %parallel_loop3A_488 : vector<16xf32> to vector<1x16xf32>
        tpu.vector_store %arg19[%parallel_loop3A_489, %parallel_loop3A_490], %parallel_loop3A_493 {strides = array<i32>} : memref<200x128xf32, #tpu.memory_space<vmem>>, vector<1x16xf32>,
        %parallel_loop3A_494 = arith.subf %parallel_loop3A_331, %parallel_loop3A_388 : vector<16xf32>
        %parallel_loop3A_495 = arith.mulf %parallel_loop3A_494, %parallel_loop3A_466 : vector<16xf32>
        %parallel_loop3A_496 = arith.mulf %parallel_loop3A_495, %get3A_26 : vector<16xf32>
        %parallel_loop3A_497 = arith.addf %parallel_loop3A_496, %get3A_38 : vector<16xf32>
        %parallel_loop3A_498 = arith.index_cast %parallel_loop3A_315 : i32 to index
        %parallel_loop3A_499 = arith.constant 48 : index
        %parallel_loop3A_500 = tpu.vector_load %arg19[%parallel_loop3A_498, %parallel_loop3A_499] {strides = array<i32>} : memref<200x128xf32, #tpu.memory_space<vmem>>, vector<1x16xf32>,
        %parallel_loop3A_501 = vector.shape_cast %parallel_loop3A_500 : vector<1x16xf32> to vector<16xf32>
        %parallel_loop3A_502 = vector.shape_cast %parallel_loop3A_497 : vector<16xf32> to vector<1x16xf32>
        tpu.vector_store %arg19[%parallel_loop3A_498, %parallel_loop3A_499], %parallel_loop3A_502 {strides = array<i32>} : memref<200x128xf32, #tpu.memory_space<vmem>>, vector<1x16xf32>,
      } {sc.loop_unroll_factor = 4 : i64, sc.parallel_access}
      %add3A_266 = arith.addi %mul3A_2, %add3A_238 : i32
      %dma_start3A_267 = arith.constant 0 : i32
      %dma_start3A_268 = arith.constant 0 : i32
      %dma_start3A_269 = tpu.memref_slice %arg8[%add3A_266, %dma_start3A_267, %dma_start3A_268] : memref<4096x200x128xf32, #tpu.memory_space<hbm>> -> memref<1x200x128xf32, #tpu.memory_space<hbm>>
      %dma_start3A_270 = tpu.memref_squeeze %dma_start3A_269 : memref<1x200x128xf32, #tpu.memory_space<hbm>> -> memref<200x128xf32, #tpu.memory_space<hbm>>
      %dma_start3A_271 = arith.constant 0 : i32
      %dma_start3A_272 = arith.constant 0 : i32
      %dma_start3A_273 = tpu.memref_slice %arg8[%add3A_266, %dma_start3A_271, %dma_start3A_272] : memref<4096x200x128xf32, #tpu.memory_space<hbm>> -> memref<1x200x128xf32, #tpu.memory_space<hbm>>
      %dma_start3A_274 = tpu.memref_squeeze %dma_start3A_273 : memref<1x200x128xf32, #tpu.memory_space<hbm>> -> memref<200x128xf32, #tpu.memory_space<hbm>>
      tpu.enqueue_dma source(%arg19 : memref<200x128xf32, #tpu.memory_space<vmem>>) target(%dma_start3A_274 : memref<200x128xf32, #tpu.memory_space<hbm>>) target_semaphore(%arg38 : memref<!tpu.dma_semaphore, #tpu.memory_space<semaphore_mem>>)
      %mul3A_275 = arith.constant 4 : i32
      %mul3A_276 = arith.muli %mul3A_275, %scan3A_156 : i32
      %add3A_277 = arith.constant 3 : i32
      %add3A_278 = arith.addi %mul3A_276, %add3A_277 : i32
      %add3A_279 = arith.constant 3 : i32
      %add3A_280 = arith.addi %add3A_278, %add3A_279 : i32
      %lt3A_281 = arith.constant 128 : i32
      %lt3A_282 = arith.cmpi slt, %add3A_280, %lt3A_281 : i32
      %convert_element_type3A_283 = arith.extui %lt3A_282 : i1 to i32
      %cond3A_284 = arith.constant 0 : i32
      %cond3A_285 = arith.cmpi ne, %convert_element_type3A_283, %cond3A_284 : i32
      scf.if %cond3A_285 {
        %add3A_315 = arith.constant 3 : i32
        %add3A_316 = arith.addi %add3A_278, %add3A_315 : i32
        %add3A_317 = arith.addi %mul3A_2, %add3A_316 : i32
        %dma_start3A_318 = arith.constant 0 : i32
        %dma_start3A_319 = tpu.memref_slice %arg2[%add3A_317, %dma_start3A_318] : memref<4096x200xi32, #tpu.memory_space<hbm>> -> memref<1x200xi32, #tpu.memory_space<hbm>>
        %dma_start3A_320 = tpu.memref_squeeze %dma_start3A_319 : memref<1x200xi32, #tpu.memory_space<hbm>> -> memref<200xi32, #tpu.memory_space<hbm>>
        %dma_start3A_321 = arith.constant 0 : i32
        %dma_start3A_322 = tpu.memref_slice %arg2[%add3A_317, %dma_start3A_321] : memref<4096x200xi32, #tpu.memory_space<hbm>> -> memref<1x200xi32, #tpu.memory_space<hbm>>
        %dma_start3A_323 = tpu.memref_squeeze %dma_start3A_322 : memref<1x200xi32, #tpu.memory_space<hbm>> -> memref<200xi32, #tpu.memory_space<hbm>>
        tpu.enqueue_dma source(%dma_start3A_323 : memref<200xi32, #tpu.memory_space<hbm>>) target(%arg11 : memref<200xi32, #tpu.memory_space<vmem>>) target_semaphore(%arg26 : memref<!tpu.dma_semaphore, #tpu.memory_space<semaphore_mem>>)
        %dma_start3A_324 = arith.constant 0 : i32
        %dma_start3A_325 = tpu.memref_slice %arg3[%add3A_317, %dma_start3A_324] : memref<4096x200xi32, #tpu.memory_space<hbm>> -> memref<1x200xi32, #tpu.memory_space<hbm>>
        %dma_start3A_326 = tpu.memref_squeeze %dma_start3A_325 : memref<1x200xi32, #tpu.memory_space<hbm>> -> memref<200xi32, #tpu.memory_space<hbm>>
        %dma_start3A_327 = arith.constant 0 : i32
        %dma_start3A_328 = tpu.memref_slice %arg3[%add3A_317, %dma_start3A_327] : memref<4096x200xi32, #tpu.memory_space<hbm>> -> memref<1x200xi32, #tpu.memory_space<hbm>>
        %dma_start3A_329 = tpu.memref_squeeze %dma_start3A_328 : memref<1x200xi32, #tpu.memory_space<hbm>> -> memref<200xi32, #tpu.memory_space<hbm>>
        tpu.enqueue_dma source(%dma_start3A_329 : memref<200xi32, #tpu.memory_space<hbm>>) target(%arg15 : memref<200xi32, #tpu.memory_space<vmem>>) target_semaphore(%arg26 : memref<!tpu.dma_semaphore, #tpu.memory_space<semaphore_mem>>)
      } else {
      }
      %add3A_286 = arith.constant 2 : i32
      %add3A_287 = arith.addi %add3A_278, %add3A_286 : i32
      %lt3A_288 = arith.constant 128 : i32
      %lt3A_289 = arith.cmpi slt, %add3A_287, %lt3A_288 : i32
      %convert_element_type3A_290 = arith.extui %lt3A_289 : i1 to i32
      %cond3A_291 = arith.constant 0 : i32
      %cond3A_292 = arith.cmpi ne, %convert_element_type3A_290, %cond3A_291 : i32
      scf.if %cond3A_292 {
        %add3A_315 = arith.constant 2 : i32
        %add3A_316 = arith.addi %add3A_278, %add3A_315 : i32
        %ge3A = arith.constant 4 : i32
        %ge3A_317 = arith.cmpi sge, %add3A_316, %ge3A : i32
        %convert_element_type3A_318 = arith.extui %ge3A_317 : i1 to i32
        %cond3A_319 = arith.constant 0 : i32
        %cond3A_320 = arith.cmpi ne, %convert_element_type3A_318, %cond3A_319 : i32
        scf.if %cond3A_320 {
          %add3A_338 = arith.addi %mul3A_2, %add3A_316 : i32
          %dma_wait3A_339 = arith.constant 0 : i32
          %dma_wait3A_340 = arith.constant 0 : i32
          %dma_wait3A_341 = tpu.memref_slice %arg8[%add3A_338, %dma_wait3A_339, %dma_wait3A_340] : memref<4096x200x128xf32, #tpu.memory_space<hbm>> -> memref<1x200x128xf32, #tpu.memory_space<hbm>>
          %dma_wait3A_342 = tpu.memref_squeeze %dma_wait3A_341 : memref<1x200x128xf32, #tpu.memory_space<hbm>> -> memref<200x128xf32, #tpu.memory_space<hbm>>
          %dma_wait3A_343 = arith.constant 0 : i32
          %dma_wait3A_344 = arith.constant 0 : i32
          %dma_wait3A_345 = tpu.memref_slice %arg8[%add3A_338, %dma_wait3A_343, %dma_wait3A_344] : memref<4096x200x128xf32, #tpu.memory_space<hbm>> -> memref<1x200x128xf32, #tpu.memory_space<hbm>>
          %dma_wait3A_346 = tpu.memref_squeeze %dma_wait3A_345 : memref<1x200x128xf32, #tpu.memory_space<hbm>> -> memref<200x128xf32, #tpu.memory_space<hbm>>
          tpu.wait_dma2 semaphore(%arg37 : memref<!tpu.dma_semaphore, #tpu.memory_space<semaphore_mem>>) src(%arg18 : memref<200x128xf32, #tpu.memory_space<vmem>>) dst(%dma_wait3A_346 : memref<200x128xf32, #tpu.memory_space<hbm>>)
        } else {
        }
        %dma_wait3A_321 = arith.constant 0 : i32
        %dma_wait3A_322 = arith.constant 0 : i32
        %dma_wait3A_323 = tpu.memref_slice %arg2[%dma_wait3A_321, %dma_wait3A_322] : memref<4096x200xi32, #tpu.memory_space<hbm>> -> memref<1x200xi32, #tpu.memory_space<hbm>>
        %dma_wait3A_324 = tpu.memref_squeeze %dma_wait3A_323 : memref<1x200xi32, #tpu.memory_space<hbm>> -> memref<200xi32, #tpu.memory_space<hbm>>
        %dma_wait3A_325 = arith.constant 0 : i32
        %dma_wait3A_326 = tpu.memref_slice %arg2[%dma_wait3A_321, %dma_wait3A_325] : memref<4096x200xi32, #tpu.memory_space<hbm>> -> memref<1x200xi32, #tpu.memory_space<hbm>>
        %dma_wait3A_327 = tpu.memref_squeeze %dma_wait3A_326 : memref<1x200xi32, #tpu.memory_space<hbm>> -> memref<200xi32, #tpu.memory_space<hbm>>
        tpu.wait_dma2 semaphore(%arg25 : memref<!tpu.dma_semaphore, #tpu.memory_space<semaphore_mem>>) src(%dma_wait3A_327 : memref<200xi32, #tpu.memory_space<hbm>>) dst(%arg10 : memref<200xi32, #tpu.memory_space<vmem>>)
        %dma_wait3A_328 = arith.constant 0 : i32
        %dma_wait3A_329 = arith.constant 0 : i32
        %dma_wait3A_330 = tpu.memref_slice %arg3[%dma_wait3A_328, %dma_wait3A_329] : memref<4096x200xi32, #tpu.memory_space<hbm>> -> memref<1x200xi32, #tpu.memory_space<hbm>>
        %dma_wait3A_331 = tpu.memref_squeeze %dma_wait3A_330 : memref<1x200xi32, #tpu.memory_space<hbm>> -> memref<200xi32, #tpu.memory_space<hbm>>
        %dma_wait3A_332 = arith.constant 0 : i32
        %dma_wait3A_333 = tpu.memref_slice %arg3[%dma_wait3A_328, %dma_wait3A_332] : memref<4096x200xi32, #tpu.memory_space<hbm>> -> memref<1x200xi32, #tpu.memory_space<hbm>>
        %dma_wait3A_334 = tpu.memref_squeeze %dma_wait3A_333 : memref<1x200xi32, #tpu.memory_space<hbm>> -> memref<200xi32, #tpu.memory_space<hbm>>
        tpu.wait_dma2 semaphore(%arg25 : memref<!tpu.dma_semaphore, #tpu.memory_space<semaphore_mem>>) src(%dma_wait3A_334 : memref<200xi32, #tpu.memory_space<hbm>>) dst(%arg14 : memref<200xi32, #tpu.memory_space<vmem>>)
        %dma_start3A_335 = arith.constant 0 : i32
        %dma_start3A_336 = arith.constant 0 : i32
        %dma_start3A_337 = tpu.memref_slice %arg21[%dma_start3A_335, %dma_start3A_336] : memref<200x128xf32, #tpu.memory_space<vmem_shared>> -> memref<200x128xf32, #tpu.memory_space<vmem_shared>>
        tpu.enqueue_indirect_dma source(%dma_start3A_337 : memref<200x128xf32, #tpu.memory_space<vmem_shared>>) target(%arg18 : memref<200x128xf32, #tpu.memory_space<vmem>>) offsets(%arg14 : memref<200xi32, #tpu.memory_space<vmem>>) semaphore(%arg29 : memref<!tpu.dma_semaphore, #tpu.memory_space<semaphore_mem>>)
      } else {
      }
      %add3A_293 = arith.constant 1 : i32
      %add3A_294 = arith.addi %add3A_278, %add3A_293 : i32
      %lt3A_295 = arith.constant 128 : i32
      %lt3A_296 = arith.cmpi slt, %add3A_294, %lt3A_295 : i32
      %convert_element_type3A_297 = arith.extui %lt3A_296 : i1 to i32
      %cond3A_298 = arith.constant 0 : i32
      %cond3A_299 = arith.cmpi ne, %convert_element_type3A_297, %cond3A_298 : i32
      scf.if %cond3A_299 {
        %dma_wait3A_315 = arith.constant 0 : i32
        %dma_wait3A_316 = arith.constant 0 : i32
        %dma_wait3A_317 = tpu.memref_slice %arg21[%dma_wait3A_315, %dma_wait3A_316] : memref<200x128xf32, #tpu.memory_space<vmem_shared>> -> memref<200x128xf32, #tpu.memory_space<vmem_shared>>
        tpu.wait_indirect_dma semaphore(%arg28 : memref<!tpu.dma_semaphore, #tpu.memory_space<semaphore_mem>>) src(%dma_wait3A_317 : memref<200x128xf32, #tpu.memory_space<vmem_shared>>) dst(%arg17 : memref<200x128xf32, #tpu.memory_space<vmem>>)
        %dma_start3A_318 = arith.constant 0 : i32
        %dma_start3A_319 = arith.constant 0 : i32
        %dma_start3A_320 = tpu.memref_slice %arg4[%dma_start3A_318, %dma_start3A_319] : memref<100000x128xf32, #tpu.memory_space<hbm>> -> memref<100000x128xf32, #tpu.memory_space<hbm>>
        tpu.enqueue_indirect_dma source(%dma_start3A_320 : memref<100000x128xf32, #tpu.memory_space<hbm>>) target(%arg17 : memref<200x128xf32, #tpu.memory_space<vmem>>) offsets(%arg9 : memref<200xi32, #tpu.memory_space<vmem>>) semaphore(%arg32 : memref<!tpu.dma_semaphore, #tpu.memory_space<semaphore_mem>>) {add = true}
      } else {
      }
      %dma_wait3A_300 = arith.constant 0 : i32
      %dma_wait3A_301 = arith.constant 0 : i32
      %dma_wait3A_302 = tpu.memref_slice %arg4[%dma_wait3A_300, %dma_wait3A_301] : memref<100000x128xf32, #tpu.memory_space<hbm>> -> memref<100000x128xf32, #tpu.memory_space<hbm>>
      tpu.wait_indirect_dma semaphore(%arg35 : memref<!tpu.dma_semaphore, #tpu.memory_space<semaphore_mem>>) src(%dma_wait3A_302 : memref<100000x128xf32, #tpu.memory_space<hbm>>) dst(%arg20 : memref<200x128xf32, #tpu.memory_space<vmem>>)
      %parallel_loop3A_303 = arith.constant 0 : i32
      %parallel_loop3A_304 = arith.constant 200 : i32
      %parallel_loop3A_305 = arith.constant 1 : i32
      scf.for %parallel_loop3A_315 = %parallel_loop3A_303 to %parallel_loop3A_304 step %parallel_loop3A_305  : i32 {
        %parallel_loop3A_316 = arith.index_cast %parallel_loop3A_315 : i32 to index
        %parallel_loop3A_317 = arith.constant 0 : index
        %parallel_loop3A_318 = tpu.vector_load %arg20[%parallel_loop3A_316, %parallel_loop3A_317] {strides = array<i32>} : memref<200x128xf32, #tpu.memory_space<vmem>>, vector<1x16xf32>,
        %parallel_loop3A_319 = vector.shape_cast %parallel_loop3A_318 : vector<1x16xf32> to vector<16xf32>
        %parallel_loop3A_320 = arith.index_cast %parallel_loop3A_315 : i32 to index
        %parallel_loop3A_321 = arith.constant 16 : index
        %parallel_loop3A_322 = tpu.vector_load %arg20[%parallel_loop3A_320, %parallel_loop3A_321] {strides = array<i32>} : memref<200x128xf32, #tpu.memory_space<vmem>>, vector<1x16xf32>,
        %parallel_loop3A_323 = vector.shape_cast %parallel_loop3A_322 : vector<1x16xf32> to vector<16xf32>
        %parallel_loop3A_324 = arith.index_cast %parallel_loop3A_315 : i32 to index
        %parallel_loop3A_325 = arith.constant 32 : index
        %parallel_loop3A_326 = tpu.vector_load %arg20[%parallel_loop3A_324, %parallel_loop3A_325] {strides = array<i32>} : memref<200x128xf32, #tpu.memory_space<vmem>>, vector<1x16xf32>,
        %parallel_loop3A_327 = vector.shape_cast %parallel_loop3A_326 : vector<1x16xf32> to vector<16xf32>
        %parallel_loop3A_328 = arith.index_cast %parallel_loop3A_315 : i32 to index
        %parallel_loop3A_329 = arith.constant 48 : index
        %parallel_loop3A_330 = tpu.vector_load %arg20[%parallel_loop3A_328, %parallel_loop3A_329] {strides = array<i32>} : memref<200x128xf32, #tpu.memory_space<vmem>>, vector<1x16xf32>,
        %parallel_loop3A_331 = vector.shape_cast %parallel_loop3A_330 : vector<1x16xf32> to vector<16xf32>
        %parallel_loop3A_332 = arith.addf %parallel_loop3A_319, %parallel_loop3A_323 : vector<16xf32>
        %parallel_loop3A_333 = arith.addf %parallel_loop3A_327, %parallel_loop3A_331 : vector<16xf32>
        %parallel_loop3A_334 = arith.addf %parallel_loop3A_332, %parallel_loop3A_333 : vector<16xf32>
        %parallel_loop3A_335 = arith.mulf %parallel_loop3A_319, %parallel_loop3A_319 : vector<16xf32>
        %parallel_loop3A_336 = arith.mulf %parallel_loop3A_323, %parallel_loop3A_323 : vector<16xf32>
        %parallel_loop3A_337 = arith.addf %parallel_loop3A_335, %parallel_loop3A_336 : vector<16xf32>
        %parallel_loop3A_338 = arith.mulf %parallel_loop3A_327, %parallel_loop3A_327 : vector<16xf32>
        %parallel_loop3A_339 = arith.mulf %parallel_loop3A_331, %parallel_loop3A_331 : vector<16xf32>
        %parallel_loop3A_340 = arith.addf %parallel_loop3A_338, %parallel_loop3A_339 : vector<16xf32>
        %parallel_loop3A_341 = arith.addf %parallel_loop3A_337, %parallel_loop3A_340 : vector<16xf32>
        %parallel_loop3A_342 = arith.constant 0 : i32
        %parallel_loop3A_343 = vector.broadcast %parallel_loop3A_342 : i32 to vector<16xi32>
        %parallel_loop3A_344 = arith.cmpi slt, %xor3A_6, %parallel_loop3A_343 : vector<16xi32>
        %parallel_loop3A_345 = arith.constant 16 : i32
        %parallel_loop3A_346 = vector.broadcast %parallel_loop3A_345 : i32 to vector<16xi32>
        %parallel_loop3A_347 = arith.addi %xor3A_6, %parallel_loop3A_346 : vector<16xi32>
        %parallel_loop3A_348 = arith.select %parallel_loop3A_344, %parallel_loop3A_347, %xor3A_6 : vector<16xi1>, vector<16xi32>
        %parallel_loop3A_349 = vector.shape_cast %parallel_loop3A_348 : vector<16xi32> to vector<16x1xi32>
        %parallel_loop3A_350 = vector.shape_cast %parallel_loop3A_349 : vector<16x1xi32> to vector<16xi32>
        %parallel_loop3A_351 = tpu.dynamic_gather %parallel_loop3A_334[%parallel_loop3A_350] in [0] : vector<16xf32>, vector<16xi32> -> vector<16xf32>
        %parallel_loop3A_352 = arith.addf %parallel_loop3A_334, %parallel_loop3A_351 : vector<16xf32>
        %parallel_loop3A_353 = arith.constant 0 : i32
        %parallel_loop3A_354 = vector.broadcast %parallel_loop3A_353 : i32 to vector<16xi32>
        %parallel_loop3A_355 = arith.cmpi slt, %xor3A_9, %parallel_loop3A_354 : vector<16xi32>
        %parallel_loop3A_356 = arith.constant 16 : i32
        %parallel_loop3A_357 = vector.broadcast %parallel_loop3A_356 : i32 to vector<16xi32>
        %parallel_loop3A_358 = arith.addi %xor3A_9, %parallel_loop3A_357 : vector<16xi32>
        %parallel_loop3A_359 = arith.select %parallel_loop3A_355, %parallel_loop3A_358, %xor3A_9 : vector<16xi1>, vector<16xi32>
        %parallel_loop3A_360 = vector.shape_cast %parallel_loop3A_359 : vector<16xi32> to vector<16x1xi32>
        %parallel_loop3A_361 = vector.shape_cast %parallel_loop3A_360 : vector<16x1xi32> to vector<16xi32>
        %parallel_loop3A_362 = tpu.dynamic_gather %parallel_loop3A_352[%parallel_loop3A_361] in [0] : vector<16xf32>, vector<16xi32> -> vector<16xf32>
        %parallel_loop3A_363 = arith.addf %parallel_loop3A_352, %parallel_loop3A_362 : vector<16xf32>
        %parallel_loop3A_364 = arith.constant 0 : i32
        %parallel_loop3A_365 = vector.broadcast %parallel_loop3A_364 : i32 to vector<16xi32>
        %parallel_loop3A_366 = arith.cmpi slt, %xor3A_12, %parallel_loop3A_365 : vector<16xi32>
        %parallel_loop3A_367 = arith.constant 16 : i32
        %parallel_loop3A_368 = vector.broadcast %parallel_loop3A_367 : i32 to vector<16xi32>
        %parallel_loop3A_369 = arith.addi %xor3A_12, %parallel_loop3A_368 : vector<16xi32>
        %parallel_loop3A_370 = arith.select %parallel_loop3A_366, %parallel_loop3A_369, %xor3A_12 : vector<16xi1>, vector<16xi32>
        %parallel_loop3A_371 = vector.shape_cast %parallel_loop3A_370 : vector<16xi32> to vector<16x1xi32>
        %parallel_loop3A_372 = vector.shape_cast %parallel_loop3A_371 : vector<16x1xi32> to vector<16xi32>
        %parallel_loop3A_373 = tpu.dynamic_gather %parallel_loop3A_363[%parallel_loop3A_372] in [0] : vector<16xf32>, vector<16xi32> -> vector<16xf32>
        %parallel_loop3A_374 = arith.addf %parallel_loop3A_363, %parallel_loop3A_373 : vector<16xf32>
        %parallel_loop3A_375 = arith.constant 0 : i32
        %parallel_loop3A_376 = vector.broadcast %parallel_loop3A_375 : i32 to vector<16xi32>
        %parallel_loop3A_377 = arith.cmpi slt, %xor3A_15, %parallel_loop3A_376 : vector<16xi32>
        %parallel_loop3A_378 = arith.constant 16 : i32
        %parallel_loop3A_379 = vector.broadcast %parallel_loop3A_378 : i32 to vector<16xi32>
        %parallel_loop3A_380 = arith.addi %xor3A_15, %parallel_loop3A_379 : vector<16xi32>
        %parallel_loop3A_381 = arith.select %parallel_loop3A_377, %parallel_loop3A_380, %xor3A_15 : vector<16xi1>, vector<16xi32>
        %parallel_loop3A_382 = vector.shape_cast %parallel_loop3A_381 : vector<16xi32> to vector<16x1xi32>
        %parallel_loop3A_383 = vector.shape_cast %parallel_loop3A_382 : vector<16x1xi32> to vector<16xi32>
        %parallel_loop3A_384 = tpu.dynamic_gather %parallel_loop3A_374[%parallel_loop3A_383] in [0] : vector<16xf32>, vector<16xi32> -> vector<16xf32>
        %parallel_loop3A_385 = arith.addf %parallel_loop3A_374, %parallel_loop3A_384 : vector<16xf32>
        %parallel_loop3A_386 = arith.constant 1.562500e-02 : f32
        %parallel_loop3A_387 = vector.broadcast %parallel_loop3A_386 : f32 to vector<16xf32>
        %parallel_loop3A_388 = arith.mulf %parallel_loop3A_385, %parallel_loop3A_387 : vector<16xf32>
        %parallel_loop3A_389 = arith.constant 0 : i32
        %parallel_loop3A_390 = vector.broadcast %parallel_loop3A_389 : i32 to vector<16xi32>
        %parallel_loop3A_391 = arith.cmpi slt, %xor3A_6, %parallel_loop3A_390 : vector<16xi32>
        %parallel_loop3A_392 = arith.constant 16 : i32
        %parallel_loop3A_393 = vector.broadcast %parallel_loop3A_392 : i32 to vector<16xi32>
        %parallel_loop3A_394 = arith.addi %xor3A_6, %parallel_loop3A_393 : vector<16xi32>
        %parallel_loop3A_395 = arith.select %parallel_loop3A_391, %parallel_loop3A_394, %xor3A_6 : vector<16xi1>, vector<16xi32>
        %parallel_loop3A_396 = vector.shape_cast %parallel_loop3A_395 : vector<16xi32> to vector<16x1xi32>
        %parallel_loop3A_397 = vector.shape_cast %parallel_loop3A_396 : vector<16x1xi32> to vector<16xi32>
        %parallel_loop3A_398 = tpu.dynamic_gather %parallel_loop3A_341[%parallel_loop3A_397] in [0] : vector<16xf32>, vector<16xi32> -> vector<16xf32>
        %parallel_loop3A_399 = arith.addf %parallel_loop3A_341, %parallel_loop3A_398 : vector<16xf32>
        %parallel_loop3A_400 = arith.constant 0 : i32
        %parallel_loop3A_401 = vector.broadcast %parallel_loop3A_400 : i32 to vector<16xi32>
        %parallel_loop3A_402 = arith.cmpi slt, %xor3A_9, %parallel_loop3A_401 : vector<16xi32>
        %parallel_loop3A_403 = arith.constant 16 : i32
        %parallel_loop3A_404 = vector.broadcast %parallel_loop3A_403 : i32 to vector<16xi32>
        %parallel_loop3A_405 = arith.addi %xor3A_9, %parallel_loop3A_404 : vector<16xi32>
        %parallel_loop3A_406 = arith.select %parallel_loop3A_402, %parallel_loop3A_405, %xor3A_9 : vector<16xi1>, vector<16xi32>
        %parallel_loop3A_407 = vector.shape_cast %parallel_loop3A_406 : vector<16xi32> to vector<16x1xi32>
        %parallel_loop3A_408 = vector.shape_cast %parallel_loop3A_407 : vector<16x1xi32> to vector<16xi32>
        %parallel_loop3A_409 = tpu.dynamic_gather %parallel_loop3A_399[%parallel_loop3A_408] in [0] : vector<16xf32>, vector<16xi32> -> vector<16xf32>
        %parallel_loop3A_410 = arith.addf %parallel_loop3A_399, %parallel_loop3A_409 : vector<16xf32>
        %parallel_loop3A_411 = arith.constant 0 : i32
        %parallel_loop3A_412 = vector.broadcast %parallel_loop3A_411 : i32 to vector<16xi32>
        %parallel_loop3A_413 = arith.cmpi slt, %xor3A_12, %parallel_loop3A_412 : vector<16xi32>
        %parallel_loop3A_414 = arith.constant 16 : i32
        %parallel_loop3A_415 = vector.broadcast %parallel_loop3A_414 : i32 to vector<16xi32>
        %parallel_loop3A_416 = arith.addi %xor3A_12, %parallel_loop3A_415 : vector<16xi32>
        %parallel_loop3A_417 = arith.select %parallel_loop3A_413, %parallel_loop3A_416, %xor3A_12 : vector<16xi1>, vector<16xi32>
        %parallel_loop3A_418 = vector.shape_cast %parallel_loop3A_417 : vector<16xi32> to vector<16x1xi32>
        %parallel_loop3A_419 = vector.shape_cast %parallel_loop3A_418 : vector<16x1xi32> to vector<16xi32>
        %parallel_loop3A_420 = tpu.dynamic_gather %parallel_loop3A_410[%parallel_loop3A_419] in [0] : vector<16xf32>, vector<16xi32> -> vector<16xf32>
        %parallel_loop3A_421 = arith.addf %parallel_loop3A_410, %parallel_loop3A_420 : vector<16xf32>
        %parallel_loop3A_422 = arith.constant 0 : i32
        %parallel_loop3A_423 = vector.broadcast %parallel_loop3A_422 : i32 to vector<16xi32>
        %parallel_loop3A_424 = arith.cmpi slt, %xor3A_15, %parallel_loop3A_423 : vector<16xi32>
        %parallel_loop3A_425 = arith.constant 16 : i32
        %parallel_loop3A_426 = vector.broadcast %parallel_loop3A_425 : i32 to vector<16xi32>
        %parallel_loop3A_427 = arith.addi %xor3A_15, %parallel_loop3A_426 : vector<16xi32>
        %parallel_loop3A_428 = arith.select %parallel_loop3A_424, %parallel_loop3A_427, %xor3A_15 : vector<16xi1>, vector<16xi32>
        %parallel_loop3A_429 = vector.shape_cast %parallel_loop3A_428 : vector<16xi32> to vector<16x1xi32>
        %parallel_loop3A_430 = vector.shape_cast %parallel_loop3A_429 : vector<16x1xi32> to vector<16xi32>
        %parallel_loop3A_431 = tpu.dynamic_gather %parallel_loop3A_421[%parallel_loop3A_430] in [0] : vector<16xf32>, vector<16xi32> -> vector<16xf32>
        %parallel_loop3A_432 = arith.addf %parallel_loop3A_421, %parallel_loop3A_431 : vector<16xf32>
        %parallel_loop3A_433 = arith.constant 1.562500e-02 : f32
        %parallel_loop3A_434 = vector.broadcast %parallel_loop3A_433 : f32 to vector<16xf32>
        %parallel_loop3A_435 = arith.mulf %parallel_loop3A_432, %parallel_loop3A_434 : vector<16xf32>
        %parallel_loop3A_436 = arith.mulf %parallel_loop3A_388, %parallel_loop3A_388 : vector<16xf32>
        %parallel_loop3A_437 = arith.subf %parallel_loop3A_435, %parallel_loop3A_436 : vector<16xf32>
        %parallel_loop3A_438 = arith.constant 0.000000e+00 : f32
        %parallel_loop3A_439 = vector.broadcast %parallel_loop3A_438 : f32 to vector<16xf32>
        %parallel_loop3A_440 = arith.maximumf %parallel_loop3A_437, %parallel_loop3A_439 : vector<16xf32>
        %parallel_loop3A_441 = arith.constant 9.99999996E-13 : f32
        %parallel_loop3A_442 = vector.broadcast %parallel_loop3A_441 : f32 to vector<16xf32>
        %parallel_loop3A_443 = arith.addf %parallel_loop3A_440, %parallel_loop3A_442 : vector<16xf32>
        %parallel_loop3A_444 = tpu.bitcast %parallel_loop3A_443 : vector<16xf32> -> vector<16xi32>
        %parallel_loop3A_445 = arith.constant 1 : i32
        %parallel_loop3A_446 = vector.broadcast %parallel_loop3A_445 : i32 to vector<16xi32>
        %parallel_loop3A_447 = arith.shrsi %parallel_loop3A_444, %parallel_loop3A_446 : vector<16xi32>
        %parallel_loop3A_448 = arith.constant 1597463007 : i32
        %parallel_loop3A_449 = vector.broadcast %parallel_loop3A_448 : i32 to vector<16xi32>
        %parallel_loop3A_450 = arith.subi %parallel_loop3A_449, %parallel_loop3A_447 : vector<16xi32>
        %parallel_loop3A_451 = tpu.bitcast %parallel_loop3A_450 : vector<16xi32> -> vector<16xf32>
        %parallel_loop3A_452 = arith.constant 5.000000e-01 : f32
        %parallel_loop3A_453 = vector.broadcast %parallel_loop3A_452 : f32 to vector<16xf32>
        %parallel_loop3A_454 = arith.mulf %parallel_loop3A_443, %parallel_loop3A_453 : vector<16xf32>
        %parallel_loop3A_455 = arith.mulf %parallel_loop3A_454, %parallel_loop3A_451 : vector<16xf32>
        %parallel_loop3A_456 = arith.mulf %parallel_loop3A_455, %parallel_loop3A_451 : vector<16xf32>
        %parallel_loop3A_457 = arith.constant 1.500000e+00 : f32
        %parallel_loop3A_458 = vector.broadcast %parallel_loop3A_457 : f32 to vector<16xf32>
        %parallel_loop3A_459 = arith.subf %parallel_loop3A_458, %parallel_loop3A_456 : vector<16xf32>
        %parallel_loop3A_460 = arith.mulf %parallel_loop3A_451, %parallel_loop3A_459 : vector<16xf32>
        %parallel_loop3A_461 = arith.mulf %parallel_loop3A_454, %parallel_loop3A_460 : vector<16xf32>
        %parallel_loop3A_462 = arith.mulf %parallel_loop3A_461, %parallel_loop3A_460 : vector<16xf32>
        %parallel_loop3A_463 = arith.constant 1.500000e+00 : f32
        %parallel_loop3A_464 = vector.broadcast %parallel_loop3A_463 : f32 to vector<16xf32>
        %parallel_loop3A_465 = arith.subf %parallel_loop3A_464, %parallel_loop3A_462 : vector<16xf32>
        %parallel_loop3A_466 = arith.mulf %parallel_loop3A_460, %parallel_loop3A_465 : vector<16xf32>
        %parallel_loop3A_467 = arith.subf %parallel_loop3A_319, %parallel_loop3A_388 : vector<16xf32>
        %parallel_loop3A_468 = arith.mulf %parallel_loop3A_467, %parallel_loop3A_466 : vector<16xf32>
        %parallel_loop3A_469 = arith.mulf %parallel_loop3A_468, %get3A_17 : vector<16xf32>
        %parallel_loop3A_470 = arith.addf %parallel_loop3A_469, %get3A_29 : vector<16xf32>
        %parallel_loop3A_471 = arith.index_cast %parallel_loop3A_315 : i32 to index
        %parallel_loop3A_472 = arith.constant 0 : index
        %parallel_loop3A_473 = tpu.vector_load %arg20[%parallel_loop3A_471, %parallel_loop3A_472] {strides = array<i32>} : memref<200x128xf32, #tpu.memory_space<vmem>>, vector<1x16xf32>,
        %parallel_loop3A_474 = vector.shape_cast %parallel_loop3A_473 : vector<1x16xf32> to vector<16xf32>
        %parallel_loop3A_475 = vector.shape_cast %parallel_loop3A_470 : vector<16xf32> to vector<1x16xf32>
        tpu.vector_store %arg20[%parallel_loop3A_471, %parallel_loop3A_472], %parallel_loop3A_475 {strides = array<i32>} : memref<200x128xf32, #tpu.memory_space<vmem>>, vector<1x16xf32>,
        %parallel_loop3A_476 = arith.subf %parallel_loop3A_323, %parallel_loop3A_388 : vector<16xf32>
        %parallel_loop3A_477 = arith.mulf %parallel_loop3A_476, %parallel_loop3A_466 : vector<16xf32>
        %parallel_loop3A_478 = arith.mulf %parallel_loop3A_477, %get3A_20 : vector<16xf32>
        %parallel_loop3A_479 = arith.addf %parallel_loop3A_478, %get3A_32 : vector<16xf32>
        %parallel_loop3A_480 = arith.index_cast %parallel_loop3A_315 : i32 to index
        %parallel_loop3A_481 = arith.constant 16 : index
        %parallel_loop3A_482 = tpu.vector_load %arg20[%parallel_loop3A_480, %parallel_loop3A_481] {strides = array<i32>} : memref<200x128xf32, #tpu.memory_space<vmem>>, vector<1x16xf32>,
        %parallel_loop3A_483 = vector.shape_cast %parallel_loop3A_482 : vector<1x16xf32> to vector<16xf32>
        %parallel_loop3A_484 = vector.shape_cast %parallel_loop3A_479 : vector<16xf32> to vector<1x16xf32>
        tpu.vector_store %arg20[%parallel_loop3A_480, %parallel_loop3A_481], %parallel_loop3A_484 {strides = array<i32>} : memref<200x128xf32, #tpu.memory_space<vmem>>, vector<1x16xf32>,
        %parallel_loop3A_485 = arith.subf %parallel_loop3A_327, %parallel_loop3A_388 : vector<16xf32>
        %parallel_loop3A_486 = arith.mulf %parallel_loop3A_485, %parallel_loop3A_466 : vector<16xf32>
        %parallel_loop3A_487 = arith.mulf %parallel_loop3A_486, %get3A_23 : vector<16xf32>
        %parallel_loop3A_488 = arith.addf %parallel_loop3A_487, %get3A_35 : vector<16xf32>
        %parallel_loop3A_489 = arith.index_cast %parallel_loop3A_315 : i32 to index
        %parallel_loop3A_490 = arith.constant 32 : index
        %parallel_loop3A_491 = tpu.vector_load %arg20[%parallel_loop3A_489, %parallel_loop3A_490] {strides = array<i32>} : memref<200x128xf32, #tpu.memory_space<vmem>>, vector<1x16xf32>,
        %parallel_loop3A_492 = vector.shape_cast %parallel_loop3A_491 : vector<1x16xf32> to vector<16xf32>
        %parallel_loop3A_493 = vector.shape_cast %parallel_loop3A_488 : vector<16xf32> to vector<1x16xf32>
        tpu.vector_store %arg20[%parallel_loop3A_489, %parallel_loop3A_490], %parallel_loop3A_493 {strides = array<i32>} : memref<200x128xf32, #tpu.memory_space<vmem>>, vector<1x16xf32>,
        %parallel_loop3A_494 = arith.subf %parallel_loop3A_331, %parallel_loop3A_388 : vector<16xf32>
        %parallel_loop3A_495 = arith.mulf %parallel_loop3A_494, %parallel_loop3A_466 : vector<16xf32>
        %parallel_loop3A_496 = arith.mulf %parallel_loop3A_495, %get3A_26 : vector<16xf32>
        %parallel_loop3A_497 = arith.addf %parallel_loop3A_496, %get3A_38 : vector<16xf32>
        %parallel_loop3A_498 = arith.index_cast %parallel_loop3A_315 : i32 to index
        %parallel_loop3A_499 = arith.constant 48 : index
        %parallel_loop3A_500 = tpu.vector_load %arg20[%parallel_loop3A_498, %parallel_loop3A_499] {strides = array<i32>} : memref<200x128xf32, #tpu.memory_space<vmem>>, vector<1x16xf32>,
        %parallel_loop3A_501 = vector.shape_cast %parallel_loop3A_500 : vector<1x16xf32> to vector<16xf32>
        %parallel_loop3A_502 = vector.shape_cast %parallel_loop3A_497 : vector<16xf32> to vector<1x16xf32>
        tpu.vector_store %arg20[%parallel_loop3A_498, %parallel_loop3A_499], %parallel_loop3A_502 {strides = array<i32>} : memref<200x128xf32, #tpu.memory_space<vmem>>, vector<1x16xf32>,
      } {sc.loop_unroll_factor = 4 : i64, sc.parallel_access}
      %add3A_306 = arith.addi %mul3A_2, %add3A_278 : i32
      %dma_start3A_307 = arith.constant 0 : i32
      %dma_start3A_308 = arith.constant 0 : i32
      %dma_start3A_309 = tpu.memref_slice %arg8[%add3A_306, %dma_start3A_307, %dma_start3A_308] : memref<4096x200x128xf32, #tpu.memory_space<hbm>> -> memref<1x200x128xf32, #tpu.memory_space<hbm>>
      %dma_start3A_310 = tpu.memref_squeeze %dma_start3A_309 : memref<1x200x128xf32, #tpu.memory_space<hbm>> -> memref<200x128xf32, #tpu.memory_space<hbm>>
      %dma_start3A_311 = arith.constant 0 : i32
      %dma_start3A_312 = arith.constant 0 : i32
      %dma_start3A_313 = tpu.memref_slice %arg8[%add3A_306, %dma_start3A_311, %dma_start3A_312] : memref<4096x200x128xf32, #tpu.memory_space<hbm>> -> memref<1x200x128xf32, #tpu.memory_space<hbm>>
      %dma_start3A_314 = tpu.memref_squeeze %dma_start3A_313 : memref<1x200x128xf32, #tpu.memory_space<hbm>> -> memref<200x128xf32, #tpu.memory_space<hbm>>
      tpu.enqueue_dma source(%arg20 : memref<200x128xf32, #tpu.memory_space<vmem>>) target(%dma_start3A_314 : memref<200x128xf32, #tpu.memory_space<hbm>>) target_semaphore(%arg39 : memref<!tpu.dma_semaphore, #tpu.memory_space<semaphore_mem>>)
    }
    %scan3A_123 = arith.constant 32 : i32
    %dma_wait3A_124 = arith.constant 0 : i32
    %dma_wait3A_125 = arith.constant 0 : i32
    %dma_wait3A_126 = tpu.memref_slice %arg8[%mul3A_2, %dma_wait3A_124, %dma_wait3A_125] : memref<4096x200x128xf32, #tpu.memory_space<hbm>> -> memref<1x200x128xf32, #tpu.memory_space<hbm>>
    %dma_wait3A_127 = tpu.memref_squeeze %dma_wait3A_126 : memref<1x200x128xf32, #tpu.memory_space<hbm>> -> memref<200x128xf32, #tpu.memory_space<hbm>>
    %dma_wait3A_128 = arith.constant 0 : i32
    %dma_wait3A_129 = arith.constant 0 : i32
    %dma_wait3A_130 = tpu.memref_slice %arg8[%mul3A_2, %dma_wait3A_128, %dma_wait3A_129] : memref<4096x200x128xf32, #tpu.memory_space<hbm>> -> memref<1x200x128xf32, #tpu.memory_space<hbm>>
    %dma_wait3A_131 = tpu.memref_squeeze %dma_wait3A_130 : memref<1x200x128xf32, #tpu.memory_space<hbm>> -> memref<200x128xf32, #tpu.memory_space<hbm>>
    tpu.wait_dma2 semaphore(%arg36 : memref<!tpu.dma_semaphore, #tpu.memory_space<semaphore_mem>>) src(%arg17 : memref<200x128xf32, #tpu.memory_space<vmem>>) dst(%dma_wait3A_131 : memref<200x128xf32, #tpu.memory_space<hbm>>)
    %dma_wait3A_132 = arith.constant 0 : i32
    %dma_wait3A_133 = arith.constant 0 : i32
    %dma_wait3A_134 = tpu.memref_slice %arg8[%mul3A_2, %dma_wait3A_132, %dma_wait3A_133] : memref<4096x200x128xf32, #tpu.memory_space<hbm>> -> memref<1x200x128xf32, #tpu.memory_space<hbm>>
    %dma_wait3A_135 = tpu.memref_squeeze %dma_wait3A_134 : memref<1x200x128xf32, #tpu.memory_space<hbm>> -> memref<200x128xf32, #tpu.memory_space<hbm>>
    %dma_wait3A_136 = arith.constant 0 : i32
    %dma_wait3A_137 = arith.constant 0 : i32
    %dma_wait3A_138 = tpu.memref_slice %arg8[%mul3A_2, %dma_wait3A_136, %dma_wait3A_137] : memref<4096x200x128xf32, #tpu.memory_space<hbm>> -> memref<1x200x128xf32, #tpu.memory_space<hbm>>
    %dma_wait3A_139 = tpu.memref_squeeze %dma_wait3A_138 : memref<1x200x128xf32, #tpu.memory_space<hbm>> -> memref<200x128xf32, #tpu.memory_space<hbm>>
    tpu.wait_dma2 semaphore(%arg37 : memref<!tpu.dma_semaphore, #tpu.memory_space<semaphore_mem>>) src(%arg18 : memref<200x128xf32, #tpu.memory_space<vmem>>) dst(%dma_wait3A_139 : memref<200x128xf32, #tpu.memory_space<hbm>>)
    %dma_wait3A_140 = arith.constant 0 : i32
    %dma_wait3A_141 = arith.constant 0 : i32
    %dma_wait3A_142 = tpu.memref_slice %arg8[%mul3A_2, %dma_wait3A_140, %dma_wait3A_141] : memref<4096x200x128xf32, #tpu.memory_space<hbm>> -> memref<1x200x128xf32, #tpu.memory_space<hbm>>
    %dma_wait3A_143 = tpu.memref_squeeze %dma_wait3A_142 : memref<1x200x128xf32, #tpu.memory_space<hbm>> -> memref<200x128xf32, #tpu.memory_space<hbm>>
    %dma_wait3A_144 = arith.constant 0 : i32
    %dma_wait3A_145 = arith.constant 0 : i32
    %dma_wait3A_146 = tpu.memref_slice %arg8[%mul3A_2, %dma_wait3A_144, %dma_wait3A_145] : memref<4096x200x128xf32, #tpu.memory_space<hbm>> -> memref<1x200x128xf32, #tpu.memory_space<hbm>>
    %dma_wait3A_147 = tpu.memref_squeeze %dma_wait3A_146 : memref<1x200x128xf32, #tpu.memory_space<hbm>> -> memref<200x128xf32, #tpu.memory_space<hbm>>
    tpu.wait_dma2 semaphore(%arg38 : memref<!tpu.dma_semaphore, #tpu.memory_space<semaphore_mem>>) src(%arg19 : memref<200x128xf32, #tpu.memory_space<vmem>>) dst(%dma_wait3A_147 : memref<200x128xf32, #tpu.memory_space<hbm>>)
    %dma_wait3A_148 = arith.constant 0 : i32
    %dma_wait3A_149 = arith.constant 0 : i32
    %dma_wait3A_150 = tpu.memref_slice %arg8[%mul3A_2, %dma_wait3A_148, %dma_wait3A_149] : memref<4096x200x128xf32, #tpu.memory_space<hbm>> -> memref<1x200x128xf32, #tpu.memory_space<hbm>>
    %dma_wait3A_151 = tpu.memref_squeeze %dma_wait3A_150 : memref<1x200x128xf32, #tpu.memory_space<hbm>> -> memref<200x128xf32, #tpu.memory_space<hbm>>
    %dma_wait3A_152 = arith.constant 0 : i32
    %dma_wait3A_153 = arith.constant 0 : i32
    %dma_wait3A_154 = tpu.memref_slice %arg8[%mul3A_2, %dma_wait3A_152, %dma_wait3A_153] : memref<4096x200x128xf32, #tpu.memory_space<hbm>> -> memref<1x200x128xf32, #tpu.memory_space<hbm>>
    %dma_wait3A_155 = tpu.memref_squeeze %dma_wait3A_154 : memref<1x200x128xf32, #tpu.memory_space<hbm>> -> memref<200x128xf32, #tpu.memory_space<hbm>>
    tpu.wait_dma2 semaphore(%arg39 : memref<!tpu.dma_semaphore, #tpu.memory_space<semaphore_mem>>) src(%arg20 : memref<200x128xf32, #tpu.memory_space<vmem>>) dst(%dma_wait3A_155 : memref<200x128xf32, #tpu.memory_space<hbm>>)
    return
  }
}

</mosaic_0001>

<sc_bundles>
// kernel: kernel.3.cloned.1.call-start
scs
__scs_entry_jumppad:
0x0: {  	(pc) =	sbr.rel $0x88, $3  }
0x1: {  	(tag) =	ssettag $0x0;
	lr =	simm.s32 $0x1  }
0x2: {  	[smem:$0x3F9B] =	sst lr;
	_ =	strace $0xD0000000  }
0x3: {  	_ = 	snop  }
0x4: {  	_ = 	snop  }
0x5: {  	_ = 	snop  }
0x6: {  	_ = 	snop  }
0x7: {  	_ = 	snop  }
__scs_overlays_trampoline_lowered:
0x8: {  	[smem:$0x3FAA] =	sst s0  }
0x9: {  	[smem:$0x3FAB] =	sst s1  }
0xa: {  	[smem:$0x3FAC] =	sst s2  }
0xb: {  	[smem:$0x3FAD] =	sst s3  }
0xc: {  	[smem:$0x3FAE] =	sst s4  }
0xd: {  	[smem:$0x3FAF] =	sst s5  }
0xe: {  	[smem:$0x3FB0] =	sst s6  }
0xf: {  	[smem:$0x3FB1] =	sst s7  }
0x10: {  	[smem:$0x3FB2] =	sst s8  }
0x11: {  	[smem:$0x3FB3] =	sst s9;
	s0 =	simm.s32 @!p0 $0x0  }
0x12: {  	s1 =	sld [smem:$0x3F99];
	s0 =	simm.s32 @p0 $0x1  }
0x13: {  	[smem:$0x3FB4] =	sst s0;
	s0 =	simm.s32 @!p1 $0x0  }
0x14: {  	s2 =	sld [smem:$0x3F98];
	s0 =	simm.s32 @p1 $0x1  }
0x15: {  	[smem:$0x3FB5] =	sst s0;
	s0 =	simm.s32 @!p2 $0x0  }
0x16: {  	s3 =	sld [smem:$0x3FDB];
	s0 =	simm.s32 @p2 $0x1  }
0x17: {  	s4 =	simm.s32 $0x1BF5;
	[smem:$0x3FB7] =	sst s0  }
0x18: {  	s0 =	sld [smem:$0x3F9A];
	_ =	swait.ge [sflag:s4], $0x0  }
0x19: {  	s7 =	sld [smem:$0x3F9B]  }
0x1a: {  	s8 =	sadd.s32 $0xFFFFE003, lr  }
0x1b: {  	s9 =	sadd.s32 $0xFFFFFEF7, lr;
	s5 =	simm.s32 $0xFFFFFFFF;
	p2 =	slt.u32 s8, $0xFFFFF086  }
0x1c: {  	p1 =	slt.u32 s9, $0xF7A;
	s5 =	simm.s32 @!p2 $0x0  }
0x1d: {  	s5 =	simm.s32 @p1 $0x1;
	p0 =	seq.s32 s7, s2  }
0x1e: {  	s7 =	smul.u32 @!p0 $0xF7A, s2;
	p2 =	seq.s32 @!p0 s5, $0x0  }
0x1f: {  	s9 =	smul.u32 $0xF7A, s1;
	s8 =	simm.s32 @!p0 $0x1BF5;
	p2 =	por !p2, p0  }
0x20: {  	[sflag:s8] =	ssyncset.s32 @!p0 $0xFFFFF086;
	s6 =	sadd.s32 @!p0 s3, s7;
	s7 =	simm.s32 @!p0 $0x108  }
0x21: {  	s3 =	sadd.s32 s3, s9;
	s6 =	sadd.s32 @!p0 $0x88, s6;
	s7 =	simm.s32 @p2 $0x1082  }
0x22: {  	[simem:s7], [sflag:s8] =	dma.local @!p0 [hbm:s6], $0xF7A  }
0x23: {  	s9 =	sor.u32 $0xD0000000, s2;
	s6 =	simm.s32 $0x108;
	_ =	swait.ge @!p0 [sflag:s8], $0x0  }
0x24: {  	s3 =	sadd.s32 $0x88, s3;
	s6 =	simm.s32 @!p1 $0x1082;
	[sflag:s4] =	ssyncset.s32 $0xFFFFF086  }
0x25: {  	[simem:s6], [sflag:s4] =	dma.local [hbm:s3], $0xF7A  }
0x26: {  	[smem:$0x3F9B] =	sst s1;
	(tag) =	ssettag s2;
	_ =	strace s9  }
0x27: {  	s1 =	sld [smem:$0x3FAB]  }
0x28: {  	s2 =	sld [smem:$0x3FAC]  }
0x29: {  	s4 =	sld [smem:$0x3FAE]  }
0x2a: {  	p0 =	seq.s32 s5, $0x0;
	s5 =	sld [smem:$0x3FAF]  }
0x2b: {  	s6 =	sld [smem:$0x3FB0]  }
0x2c: {  	s7 =	sld [smem:$0x3FB1]  }
0x2d: {  	s3 =	simm.s32 $0x108;
	s8 =	sld [smem:$0x3FB2]  }
0x2e: {  	s3 =	simm.s32 @!p0 $0x1082;
	s9 =	sld [smem:$0x3FB3]  }
0x2f: {  	lr =	sadd.s32 s0, s3;
	s0 =	sld [smem:$0x3FAA]  }
0x30: {  	s3 =	sld [smem:$0x3FAD]  }
0x31: {  	[smem:$0x3FB6] =	sst s10  }
0x32: {  	s10 =	sld [smem:$0x3FB4];
	_ =	sdelay $0x3  }
0x33: {  	p0 =	seq.s32 s10, $0x1;
	s10 =	sld [smem:$0x3FB6];
	_ =	sdelay $0x3  }
0x34: {  	[smem:$0x3FB6] =	sst s10  }
0x35: {  	s10 =	sld [smem:$0x3FB5];
	_ =	sdelay $0x3  }
0x36: {  	p1 =	seq.s32 s10, $0x1;
	s10 =	sld [smem:$0x3FB6];
	_ =	sdelay $0x3  }
0x37: {  	[smem:$0x3FB6] =	sst s10  }
0x38: {  	s10 =	sld [smem:$0x3FB7]  }
0x39: {  	_ = 	snop;
	(pc) =	sbr.ind lr, $3  }
0x3a: {  	_ = 	snop  }
0x3b: {  	_ = 	snop  }
0x3c: {  	p2 =	seq.s32 s10, $0x1;
	s10 =	sld [smem:$0x3FB6]  }
0x3d: {  	_ =	shalt  }
0x3e: {  	_ =	shalt  }
0x3f: {  	_ =	shalt  }
0x40: {  	_ =	shalt  }
0x41: {  	_ =	shalt  }
0x42: {  	_ =	shalt  }
0x43: {  	_ =	shalt  }
0x44: {  	_ =	shalt  }
0x45: {  	_ =	shalt  }
0x46: {  	_ =	shalt  }
0x47: {  	_ =	shalt  }
0x48: {  	_ =	shalt  }
0x49: {  	_ =	shalt  }
0x4a: {  	_ =	shalt  }
0x4b: {  	_ =	shalt  }
0x4c: {  	_ =	shalt  }
0x4d: {  	_ =	shalt  }
0x4e: {  	_ =	shalt  }
0x4f: {  	_ =	shalt  }
0x50: {  	_ =	shalt  }
0x51: {  	_ =	shalt  }
0x52: {  	_ =	shalt  }
0x53: {  	_ =	shalt  }
0x54: {  	_ =	shalt  }
0x55: {  	_ =	shalt  }
0x56: {  	_ =	shalt  }
0x57: {  	_ =	shalt  }
0x58: {  	_ =	shalt  }
0x59: {  	_ =	shalt  }
0x5a: {  	_ =	shalt  }
0x5b: {  	_ =	shalt  }
0x5c: {  	_ =	shalt  }
0x5d: {  	_ =	shalt  }
0x5e: {  	_ =	shalt  }
0x5f: {  	_ =	shalt  }
0x60: {  	_ =	shalt  }
0x61: {  	_ =	shalt  }
0x62: {  	_ =	shalt  }
0x63: {  	_ =	shalt  }
0x64: {  	_ =	shalt  }
0x65: {  	_ =	shalt  }
0x66: {  	_ =	shalt  }
0x67: {  	_ =	shalt  }
0x68: {  	_ =	shalt  }
0x69: {  	_ =	shalt  }
0x6a: {  	_ =	shalt  }
0x6b: {  	_ =	shalt  }
0x6c: {  	_ =	shalt  }
0x6d: {  	_ =	shalt  }
0x6e: {  	_ =	shalt  }
0x6f: {  	_ =	shalt  }
0x70: {  	_ =	shalt  }
0x71: {  	_ =	shalt  }
0x72: {  	_ =	shalt  }
0x73: {  	_ =	shalt  }
0x74: {  	_ =	shalt  }
0x75: {  	_ =	shalt  }
0x76: {  	_ =	shalt  }
0x77: {  	_ =	shalt  }
0x78: {  	_ =	shalt  }
0x79: {  	_ =	shalt  }
0x7a: {  	_ =	shalt  }
0x7b: {  	_ =	shalt  }
0x7c: {  	_ =	shalt  }
0x7d: {  	_ =	shalt  }
0x7e: {  	_ =	shalt  }
0x7f: {  	_ =	shalt  }
0x80: {  	_ =	shalt  }
0x81: {  	_ =	shalt  }
0x82: {  	_ =	shalt  }
0x83: {  	_ =	shalt  }
0x84: {  	_ =	shalt  }
0x85: {  	_ =	shalt  }
0x86: {  	_ =	shalt  }
0x87: {  	_ =	shalt  }
.Lfunc_end0:
.L_simem_size_0:
called_computation.1_lowered:
.L_overlay_start_0:
0x88: {  	s2 =	sld [smem:$0x3FD9]  }
0x89: {  	s3 =	sld [smem:$0x3FFE];
	_ =	sdelay $0x1  }
0x8a: {  	s1 =	srdreg.scid  }
0x8b: {  	s0 =	sand.u32 $0x1, s1  }
0x8c: {  	s17 =	sshll.u32 s0, $0xA;
	s2 =	sadd.s32 s3, s2  }
0x8d: {  	s2 =	sadd.s32 s2, s17  }
0x8e: {  	[smem:$0x3FC2] =	sst s2  }
0x8f: {  	_ = 	snop  }
0x90: {  	s2 =	sld [smem:$0x3FC5]  }
0x91: {  	s18 =	sld [smem:$0x3FC4];
	(tm) =	ssettm $0x1  }
0x92: {  	s4 =	sld [smem:$0x3FFB];
	_ =	sdelay $0x3  }
0x93: {  	_ =	strace s4  }
0x94: {  	s4 =	sld [smem:$0x3FFC];
	_ =	sdelay $0x3  }
0x95: {  	_ =	strace s4  }
0x96: {  	s4 =	sld [smem:$0x3FFD];
	_ =	sdelay $0x3  }
0x97: {  	_ =	strace s4  }
0x98: {  	_ =	strace $0x8FFFFFFF  }
0x99: {  	s19 =	sld [smem:$0x3FDB];
	_ =	sdelay $0x1  }
0x9a: {  	s5 =	simm.s32 $_scs_section_size  }
0x9b: {  	s6 =	simm.s32 $_size__tile_overlayer_lowered;
	s7 =	simm.s32 $_tile_overlayer_lowered  }
0x9c: {  	s22 =	simm.s32 $0x1BFF;
	s21 =	sshll.u32 s7, $0x1;
	s4 =	sadd.s32 s5, s19  }
0x9d: {  	s8 =	simm.s32 $0x0;
	s20 =	sshll.u32 s6, $0x1;
	s6 =	sadd.s32 s21, s4  }
0x9e: {  	[timem:s8], [sflag:s22] =	dma.local [hbm:s6], s20  }
0x9f: {  	_ =	swait.ge [sflag:s22], s20  }
0xa0: {  	s5 =	ssub.s32 $0x0, s20;
	[sflag:s22] =	ssyncset.done $0x0  }
0xa1: {  	[sflag:s22] =	ssyncadd.s32 s5;
	_ =	sdelay $0x1  }
0xa2: {  	s23 =	simm.s32 $0x1B8B  }
0xa3: {  	_ =	swait.ge [sflag:s23], $0x1  }
0xa4: {  	[sflag:s23] =	ssyncset.done $0x0  }
0xa5: {  	s25 =	simm.s32 $0x1B8E;
	s24 =	sld [smem:$0x3FFE];
	[sflag:s23] =	ssyncadd.s32 $0xFFFFFFFF  }
0xa6: {  	s26 =	simm.s32 $execute0_lowered;
	[smem:$0x3FD2] =	sst s25  }
0xa7: {  	s6 =	sshll.u32 s26, $0x1;
	_ =	strace $0x80000046;
	[dreg:$0x1] =	wrdreg $0xFFFFFFFF  }
0xa8: {  	s28 =	simm.s32 $_size_execute0_lowered;
	s4 =	sadd.s32 s4, s6;
	[dreg:$0x0] =	wrdreg $0x0  }
0xa9: {  	s6 =	sshll.u32 s28, $0x1;
	[dreg:$0x2] =	wrdreg s4  }
0xaa: {  	[dreg:$0x3] =	wrdreg s6  }
0xab: {  	[dreg:$0x4] =	wrdreg $0xC0  }
0xac: {  	_ =	task [dreg:s8], $0x5FFFF  }
0xad: {  	[dreg:$0x1] =	wrdreg $0xFFFFFFFF  }
0xae: {  	[dreg:$0x0] =	wrdreg $0x60  }
0xaf: {  	[dreg:$0x2] =	wrdreg s24  }
0xb0: {  	[dreg:$0x3] =	wrdreg s2  }
0xb1: {  	[dreg:$0x4] =	wrdreg s18  }
0xb2: {  	[dreg:$0x5] =	wrdreg $0x198000  }
0xb3: {  	[dreg:$0x6] =	wrdreg $0x9  }
0xb4: {  	_ =	task.clear_ibuf [dreg:s8], $0x7FFFF;
	_ =	strace $0x90000046  }
0xb5: {  	s29 =	simm.s32 $0x9;
	_ =	strace $0x80000048  }
0xb6: {  	_ =	swait.ge [sflag:s29], $0x1  }
0xb7: {  	[sflag:s29] =	ssyncadd.s32 $0xFFFFFFFF  }
0xb8: {  	_ =	strace $0x90000048  }
0xb9: {  	_ =	sfence  }
0xba: {  	s30 =	sld [smem:$0x0];
	_ =	sdelay $0x2  }
0xbb: {  	s31 =	sshll.u32 s1, $0xD;
	s1 =	sshrl.u32 s1, $0x2  }
0xbc: {  	s3 =	sand.u32 $0x4000, s31;
	s1 =	sadd.s32 s1, s30  }
0xbd: {  	s0 =	sor.u32 s3, s0;
	s1 =	sshll.u32 s1, $0x11  }
0xbe: {  	s0 =	sor.u32 s1, s0  }
0xbf: {  	s0 =	sadd.s32 $0x8F2B, s0  }
0xc0: {  	[sflag:s0] =	ssyncadd.remote.s32 $0x1  }
0xc1: {  	_ =	sfence.sel $0xFFFF  }
0xc2: {  	[dreg:$0x0] =	wrdreg $0xFFFFFFFF;
	(pc) =	sbr.abs _section_cstart, $3  }
0xc3: {  	[dreg:$0x1] =	wrdreg $0xFFFFFFFF  }
0xc4: {  	_ =	task.clear_ibuf [dreg:s8], $0x2FFFF;
	_ =	strace $0x9FFFFFFF  }
0xc5: {  	(tm) =	ssettm $0x7FFFFFFF  }
tec
execute0_lowered:
.L_overlay_start_1:
0x0: {  	(tag) =	ssettag $0x1  }
0x1: {  	s0 =	rddreg [dreg:$0x0]  }
0x2: {  	s3 =	rddreg [dreg:$0x3];
	s4 =	simm.s32 $0x0;
	s1 =	srdreg.scid  }
0x3: {  	s2 =	stileid.u32;
	s29 =	simm.s32 $0xC8;
	s30 =	simm.s32 $0x300  }
0x4: {  	s12 =	simm.s32 $0x4;
	s13 =	simm.s32 $0x13400;
	s14 =	simm.s32 $0x7  }
0x5: {  	s15 =	simm.s32 $0xA;
	s16 =	simm.s32 $0x8;
	s17 =	simm.s32 $0xB  }
0x6: {  	[smem:$0x7FF] =	sst s4;
	s5 =	sadd.s32 $0x800, s0;
	s1 =	sand.u32 $0x1, s1  }
0x7: {  	s6 =	sadd.s32 $0x20800, s0;
	s8 =	sshll.u32 s2, $0x8;
	s7 =	sadd.s32 $0x41600, s0  }
0x8: {  	v0 =	vimm.s32 $0xEFCDAB89;
	v1 =	vimm.s32 $0x67452301;
	s19 =	sadd.s32 $0x40800, s0;
	s10 =	sadd.s32 $0x1C8000, s0;
	p0 =	sne.s32 s2, $0x0  }
0x9: {  	v2 =	vimm.s32 $0xDCFE98BA;
	v3 =	vimm.s32 $0x54761032;
	_ =	strace $0x80000047;
	s9 =	sshll.u32 s1, $0x7;
	s1 =	ssub.s32 $0x2, s1  }
0xa: {  	v4 =	vimm.s32 $0xBA98FEDC;
	v5 =	vimm.s32 $0x32107654;
	v6 =	vimm.s32 $0xFEDCBA98;
	[dreg:$0x5] =	wrdreg s19;
	s19 =	simm.s32 $0x0;
	s8 =	sor.u32 s9, s8  }
0xb: {  	v7 =	vimm.s32 $0x76543210;
	v0 =	vunpack.c.l.s4.s8 v0;
	v1 =	vunpack.c.l.s4.s8 v1;
	s20 =	sshrl.u32 s1, $0x1;
	s9 =	simm.s32 $0x6;
	s11 =	sshll.u32 s8, $0x5  }
0xc: {  	v2 =	vunpack.c.l.s4.s8 v2;
	v3 =	vunpack.c.l.s4.s8 v3;
	v4 =	vunpack.c.l.s4.s8 v4;
	s21 =	ssub.s32 s1, s20;
	s20 =	simm.s32 $0x3;
	s22 =	sadd.s32 s5, s11  }
0xd: {  	v5 =	vunpack.c.l.s4.s8 v5;
	v6 =	vunpack.c.l.s4.s8 v6;
	v7 =	vunpack.c.l.s4.s8 v7;
	s23 =	sadd.s32 s6, s11;
	s24 =	sor.u32 $0x10, s11;
	[dreg:$0x6] =	wrdreg s22  }
0xe: {  	v0 =	vunpack.c.0.s8.s32 v0;
	v1 =	vunpack.c.0.s8.s32 v1;
	v2 =	vunpack.c.0.s8.s32 v2;
	s25 =	sor.u32 $0x20, s11;
	s0 =	smax.u32 s21, $0x1;
	[dreg:$0x7] =	wrdreg s23  }
0xf: {  	v3 =	vunpack.c.0.s8.s32 v3;
	v4 =	vunpack.c.0.s8.s32 v4;
	v5 =	vunpack.c.0.s8.s32 v5;
	s21 =	simm.s32 $0x80;
	s26 =	sadd.s32 s5, s24;
	[dreg:$0xc] =	wrdreg s0  }
0x10: {  	s11 =	simm.s32 $0x9;
	v0 =	vcombine.low v1, v0;
	v1 =	vunpack.c.0.s8.s32 v6;
	s1 =	sadd.s32 s6, s24;
	[dreg:$0x8] =	wrdreg s26  }
0x11: {  	v2 =	vcombine.low v3, v2;
	v3 =	vcombine.low v5, v4;
	v4 =	vunpack.c.0.s8.s32 v7;
	s28 =	sadd.s32 s5, s25;
	s31 =	sadd.s32 s6, s25;
	[dreg:$0x9] =	wrdreg s1  }
0x12: {  	s22 =	simm.s32 $0x400;
	s0 =	simm.s32 $0x6C00;
	[dreg:$0xa] =	wrdreg s28;
	v0 =	vand.u32 $0xF, v0;
	v5 =	vand.u32 $0xF, v1  }
0x13: {  	s24 =	simm.s32 $0xD000;
	[dreg:$0xb] =	wrdreg s31;
	s1 =	simm.s32 $0xC;
	v1 =	vand.u32 $0xF, v2;
	v2 =	vand.u32 $0xF, v3;
	v3 =	vcombine.low v5, v4  }
.LBB2_1:
0x14: {  	[dreg:$0xd] =	wrdreg s19  }
0x15: {  	s2 =	rddreg [dreg:$0x1];
	s18 =	simm.s32 $0x19E40;
	s25 =	simm.s32 $0x11  }
0x16: {  	[tilespmem:s18], [sflag:$0x11] =	stream.linear.gather [hbm4b:s2+s4], $0x80, $0x38;
	[tilespmem:$0x19F40] =	vst v63  }
0x17: {  	_ =	swait.ge [sflag:s25], $0x80  }
0x18: {  	[sflag:s25] =	ssyncset.done $0x0  }
0x19: {  	[sflag:s25] =	ssyncadd.s32 $0xFFFFFF80  }
0x1a: {  	s28 =	simm.s32 $0x19EC0;
	s26 =	rddreg [dreg:$0x2]  }
0x1b: {  	[tilespmem:s28], [sflag:$0x11] =	stream.linear.gather [hbm4b:s26+s4], $0x80, $0x38;
	[tilespmem:$0x19F40] =	vst v63  }
0x1c: {  	_ =	swait.ge [sflag:s25], $0x80  }
0x1d: {  	s2 =	simm.s32 @!p0 $0x0;
	[sflag:s25] =	ssyncset.done $0x0  }
0x1e: {  	s18 =	simm.s32 @!p0 $0x800;
	s19 =	rddreg [dreg:$0x5];
	[sflag:s25] =	ssyncadd.s32 $0xFFFFFF80  }
0x1f: {  	[tilespmem:s18], [sflag:$0x11] =	stream.linear.gather @!p0 [hbm4b:s19+s2], $0x6400, $0x38;
	[tilespmem:$0x19F40] =	vst v63  }
0x20: {  	s2 =	simm.s32 @!p0 $0x11  }
0x21: {  	_ =	swait.ge @!p0 [sflag:s2], $0x6400  }
0x22: {  	[sflag:s2] =	ssyncset.done @!p0 $0x0  }
0x23: {  	[sflag:s2] =	ssyncadd.s32 @!p0 $0xFFFF9C00  }
0x24: {  	[spmem:s3] =	stream.linear.scatter @!p0 [tilespmem:s18], [sflag:$0x11], $0x6400, $0x38;
	[tilespmem:$0x19F40] =	vst v63  }
0x25: {  	_ =	swait.ge @!p0 [sflag:s2], $0x6400  }
0x26: {  	[sflag:s2] =	ssyncset.done @!p0 $0x0  }
0x27: {  	[sflag:s2] =	ssyncadd.s32 @!p0 $0xFFFF9C00  }
0x28: {  	[bflag:$0x0] =	sbarrier.arrive $0xFFFF  }
0x29: {  	v4 =	vld [tilespmem:$0x19E40]  }
0x2a: {  	v5 =	vld [tilespmem:$0x19E50]  }
0x2b: {  	v6 =	vld [tilespmem:$0x19E60]  }
0x2c: {  	v7 =	vld [tilespmem:$0x19E70]  }
0x2d: {  	v8 =	vld [tilespmem:$0x19EC0]  }
0x2e: {  	v9 =	vld [tilespmem:$0x19ED0]  }
0x2f: {  	v10 =	vld [tilespmem:$0x19EE0];
	s23 =	rddreg [dreg:$0x6]  }
0x30: {  	v11 =	vld [tilespmem:$0x19EF0];
	[tilespmem:s4], [sflag:$0x1] =	stream.strided.gather [hbm4b:s23+s21], $0x100, s22, s21, $0x38  }
0x31: {  	s25 =	rddreg [dreg:$0x7]  }
0x32: {  	[tilespmem:s22], [sflag:$0x1] =	stream.strided.gather [hbm4b:s25+s21], $0x100, s22, s21, $0x38;
	[tilespmem:$0x19F40] =	vst v63  }
0x33: {  	s28 =	simm.s32 $0x100;
	s26 =	rddreg [dreg:$0x8]  }
0x34: {  	[tilespmem:s28], [sflag:$0x2] =	stream.strided.gather [hbm4b:s26+s21], $0x100, s22, s21, $0x38;
	[tilespmem:$0x19F40] =	vst v63  }
0x35: {  	s18 =	simm.s32 $0x500;
	s19 =	rddreg [dreg:$0x9]  }
0x36: {  	[tilespmem:s18], [sflag:$0x2] =	stream.strided.gather [hbm4b:s19+s21], $0x100, s22, s21, $0x38;
	[tilespmem:$0x19F40] =	vst v63  }
0x37: {  	s23 =	rddreg [dreg:$0xa];
	s25 =	simm.s32 $0x200  }
0x38: {  	[tilespmem:s25], [sflag:$0x3] =	stream.strided.gather [hbm4b:s23+s21], $0x100, s22, s21, $0x38;
	[tilespmem:$0x19F40] =	vst v63  }
0x39: {  	s26 =	rddreg [dreg:$0xb];
	s28 =	simm.s32 $0x600;
	s23 =	simm.s32 $0x1  }
0x3a: {  	[tilespmem:s28], [sflag:$0x3] =	stream.strided.gather [hbm4b:s26+s21], $0x100, s22, s21, $0x38;
	[tilespmem:$0x19F40] =	vst v63  }
0x3b: {  	_ =	swait.ge [sflag:s23], $0x100  }
0x3c: {  	[sflag:s23] =	ssyncset.done $0x0  }
0x3d: {  	[sflag:s23] =	ssyncadd.s32 $0xFFFFFF00  }
0x3e: {  	_ =	swait.ge [sflag:s23], $0x100  }
0x3f: {  	[sflag:s23] =	ssyncset.done $0x0  }
0x40: {  	s25 =	simm.s32 $0x800;
	s26 =	simm.s32 $0x2;
	[sflag:s23] =	ssyncadd.s32 $0xFFFFFF00  }
0x41: {  	[tilespmem:s25], [sflag:$0x5] =	stream.indirect.gather [spmem:s3], $0x80, s22, s29, $0xb8;
	[tilespmem:$0x19F40] =	vst v63  }
0x42: {  	_ =	swait.ge [sflag:s26], $0x100  }
0x43: {  	[sflag:s26] =	ssyncset.done $0x0  }
0x44: {  	[sflag:s26] =	ssyncadd.s32 $0xFFFFFF00  }
0x45: {  	_ =	swait.ge [sflag:s26], $0x100  }
0x46: {  	[sflag:s26] =	ssyncset.done $0x0  }
0x47: {  	s28 =	simm.s32 $0x5;
	[sflag:s26] =	ssyncadd.s32 $0xFFFFFF00  }
0x48: {  	[tilespmem:s0], [sflag:$0x6] =	stream.indirect.gather [spmem:s3], $0x80, s18, s29, $0xb8;
	[tilespmem:$0x19F40] =	vst v63  }
0x49: {  	_ =	swait.ge [sflag:s28], $0x6400  }
0x4a: {  	[sflag:s28] =	ssyncset.done $0x0  }
0x4b: {  	s31 =	simm.s32 $0x0;
	[sflag:s28] =	ssyncadd.s32 $0xFFFF9C00  }
0x4c: {  	[tilespmem:s25], [sflag:$0x9] =	stream.indirect.gather.add.f32 [hbm:s7], $0x80, s4, s29, $0xb8;
	[tilespmem:$0x19F40] =	vst v63  }
.LBB2_2:
0x4d: {  	s23 =	sshll.u32 s31, $0x2  }
0x4e: {  	s28 =	sshllo.u32 s31, $0x2;
	s26 =	sor.u32 s8, s23  }
0x4f: {  	s18 =	sshll.u32 s28, $0x4;
	s2 =	sshll.u32 s26, $0x5  }
0x50: {  	s18 =	sand.u32 $0x70, s18;
	s2 =	sand.u32 $0x1FF00, s2  }
0x51: {  	s2 =	sor.u32 s18, s2  }
0x52: {  	s18 =	sadd.s32 s5, s2  }
0x53: {  	[tilespmem:s30], [sflag:$0x4] =	stream.strided.gather [hbm4b:s18+s21], $0x100, s22, s21, $0x38;
	[tilespmem:$0x19F40] =	vst v63  }
0x54: {  	s25 =	simm.s32 $0x700;
	p1 =	seq.s32 s31, $0x0;
	s2 =	sadd.s32 s6, s2  }
0x55: {  	[tilespmem:s25], [sflag:$0x4] =	stream.strided.gather [hbm4b:s2+s21], $0x100, s22, s21, $0x38;
	[tilespmem:$0x19F40] =	vst v63  }
0x56: {  	s2 =	simm.s32 @!p1 $0xF  }
0x57: {  	_ =	swait.ge @!p1 [sflag:s2], $0x6400  }
0x58: {  	[sflag:s2] =	ssyncset.done @!p1 $0x0  }
0x59: {  	[sflag:s2] =	ssyncadd.s32 @!p1 $0xFFFF9C00  }
0x5a: {  	_ =	swait.ge [sflag:s20], $0x100  }
0x5b: {  	[sflag:s20] =	ssyncset.done $0x0  }
0x5c: {  	[sflag:s20] =	ssyncadd.s32 $0xFFFFFF00  }
0x5d: {  	_ =	swait.ge [sflag:s20], $0x100  }
0x5e: {  	[sflag:s20] =	ssyncset.done $0x0  }
0x5f: {  	s19 =	simm.s32 $0x600;
	[sflag:s20] =	ssyncadd.s32 $0xFFFFFF00  }
0x60: {  	[tilespmem:s24], [sflag:$0x7] =	stream.indirect.gather [spmem:s3], $0x80, s19, s29, $0xb8;
	[tilespmem:$0x19F40] =	vst v63  }
0x61: {  	_ =	swait.ge [sflag:s9], $0x6400  }
0x62: {  	[sflag:s9] =	ssyncset.done $0x0  }
0x63: {  	s25 =	simm.s32 $0x100;
	[sflag:s9] =	ssyncadd.s32 $0xFFFF9C00  }
0x64: {  	[tilespmem:s0], [sflag:$0xA] =	stream.indirect.gather.add.f32 [hbm:s7], $0x80, s25, s29, $0xb8;
	[tilespmem:$0x19F40] =	vst v63  }
0x65: {  	_ =	swait.ge [sflag:s11], $0x6400  }
0x66: {  	[sflag:s11] =	ssyncset.done $0x0  }
0x67: {  	s30 =	simm.s32 $0x900;
	[sflag:s11] =	ssyncadd.s32 $0xFFFF9C00  }
0x68: {  	v16 =	vld [tilespmem:s30+$0x80]  }
0x69: {  	v14 =	vld [tilespmem:s30+$0x90]  }
0x6a: {  	v12 =	vld [tilespmem:s30+$0xA0]  }
0x6b: {  	v26 =	vld [tilespmem:s30+$0xB0]  }
0x6c: {  	v25 =	vld [tilespmem:s30+$0xFFFFFF10]  }
0x6d: {  	v24 =	vld [tilespmem:s30+$0xFFFFFF20]  }
0x6e: {  	v23 =	vld [tilespmem:s30+$0xFFFFFF30]  }
0x6f: {  	v22 =	vld [tilespmem:s30+$0xFFFFFF80]  }
0x70: {  	v21 =	vld [tilespmem:s30+$0xFFFFFF90];
	v13 =	vmul.f32 v16, v16;
	v19 =	vmul.f32 v14, v14  }
0x71: {  	v15 =	vld [tilespmem:s30+$0xFFFFFFA0];
	v20 =	vmul.f32 v12, v12;
	v27 =	vmul.f32 v26, v26  }
0x72: {  	v18 =	vld [tilespmem:s30+$0xFFFFFFB0];
	v28 =	vadd.f32 v14, v16;
	v29 =	vadd.f32 v26, v12;
	v30 =	vmul.f32 v25, v25  }
0x73: {  	v17 =	vld [tilespmem:s30+$0x0];
	v31 =	vmul.f32 v24, v24;
	v32 =	vadd.f32 v23, v24;
	v13 =	vadd.f32 v19, v13  }
0x74: {  	v33 =	vmul.f32 v22, v22;
	v27 =	vadd.f32 v27, v20;
	v28 =	vadd.f32 v29, v28;
	v20 =	vld [tilespmem:s30+$0x10]  }
0x75: {  	v35 =	vadd.f32 v21, v22;
	v37 =	vmul.f32 v21, v21;
	v29 =	vmul.f32 v23, v23;
	v19 =	vld [tilespmem:s30+$0x20]  }
0x76: {  	v39 =	vmul.f32 v15, v15;
	v34 =	vadd.f32 v27, v13;
	v36 =	vperm.xlane v28, v0;
	v13 =	vld [tilespmem:s30+$0x30]  }
0x77: {  	v53 =	vmul.f32 v18, v18;
	v29 =	vadd.f32 v29, v31;
	v27 =	vld [tilespmem:s30+$0xFFFFFF00];
	v31 =	vadd.f32 v18, v15  }
0x78: {  	v54 =	vmul.f32 v17, v17;
	v33 =	vadd.f32 v37, v33;
	v28 =	vadd.f32 v28, v36  }
0x79: {  	v38 =	vperm.xlane v34, v0;
	v31 =	vadd.f32 v31, v35;
	v36 =	vadd.f32 v53, v39  }
0x7a: {  	v55 =	vadd.f32 v20, v17;
	v56 =	vmul.f32 v20, v20;
	v43 =	vmul.f32 v19, v19  }
0x7b: {  	v34 =	vadd.f32 v38, v34;
	v40 =	vperm.xlane v28, v1;
	v33 =	vadd.f32 v36, v33  }
0x7c: {  	v60 =	vperm.xlane v31, v0;
	v41 =	vadd.f32 v13, v19;
	v57 =	vadd.f32 v25, v27  }
0x7d: {  	v44 =	vmul.f32 v27, v27;
	v35 =	vadd.f32 v56, v54;
	v28 =	vadd.f32 v28, v40  }
0x7e: {  	v45 =	vmul.f32 v13, v13;
	v31 =	vadd.f32 v31, v60;
	v32 =	vadd.f32 v32, v57  }
0x7f: {  	v42 =	vperm.xlane v34, v1;
	v30 =	vadd.f32 v30, v44;
	v38 =	vadd.f32 v41, v55  }
0x80: {  	v62 =	vadd.f32 v45, v43;
	v43 =	vperm.xlane v33, v0;
	v58 =	vperm.xlane v28, v2  }
0x81: {  	v34 =	vadd.f32 v42, v34;
	v46 =	vperm.xlane v31, v1;
	v61 =	vperm.xlane v32, v0  }
0x82: {  	v29 =	vadd.f32 v29, v30;
	v63 =	vperm.xlane v38, v0;
	v33 =	vadd.f32 v43, v33  }
0x83: {  	v59 =	vperm.xlane v34, v2;
	v28 =	vadd.f32 v28, v58;
	v31 =	vadd.f32 v31, v46  }
0x84: {  	v32 =	vadd.f32 v32, v61;
	v36 =	vadd.f32 v38, v63;
	v49 =	vperm.xlane v33, v1  }
0x85: {  	v34 =	vadd.f32 v59, v34;
	v30 =	vperm.xlane v28, v3;
	v51 =	vperm.xlane v31, v2  }
0x86: {  	v35 =	vadd.f32 v62, v35;
	v44 =	vperm.xlane v32, v1;
	v47 =	vperm.xlane v36, v1  }
0x87: {  	v33 =	vadd.f32 v49, v33;
	v42 =	vperm.xlane v34, v3;
	v28 =	vadd.f32 v28, v30  }
0x88: {  	v30 =	vperm.xlane v29, v0;
	v31 =	vadd.f32 v31, v51;
	v32 =	vadd.f32 v32, v44  }
0x89: {  	v36 =	vadd.f32 v36, v47;
	v56 =	vperm.xlane v33, v2;
	v34 =	vadd.f32 v42, v34  }
0x8a: {  	v28 =	vmul.f32 $1.562500000e-02, v28;
	v29 =	vadd.f32 v30, v29;
	v30 =	vperm.xlane v35, v0  }
0x8b: {  	v60 =	vperm.xlane v31, v3;
	v38 =	vperm.xlane v32, v2  }
0x8c: {  	v52 =	vperm.xlane v36, v2;
	v33 =	vadd.f32 v56, v33;
	v34 =	vmul.f32 $1.562500000e-02, v34  }
0x8d: {  	v45 =	vmul.f32 v28, v28;
	v30 =	vadd.f32 v30, v35;
	v31 =	vadd.f32 v31, v60  }
0x8e: {  	v48 =	vperm.xlane v29, v1;
	v32 =	vadd.f32 v32, v38;
	v36 =	vadd.f32 v36, v52  }
0x8f: {  	v63 =	vperm.xlane v33, v3;
	v34 =	vsub.f32 v34, v45;
	v50 =	vperm.xlane v30, v1  }
0x90: {  	v29 =	vadd.f32 v48, v29;
	v31 =	vmul.f32 $1.562500000e-02, v31;
	v58 =	vperm.xlane v32, v3  }
0x91: {  	v61 =	vperm.xlane v36, v3;
	v33 =	vadd.f32 v63, v33;
	v30 =	vadd.f32 v50, v30  }
0x92: {  	v34 =	vmax.f32 v34, $0.0e+00;
	v54 =	vperm.xlane v29, v2;
	v44 =	vmul.f32 v31, v31  }
0x93: {  	v34 =	vadd.f32 $9.999999960e-13, v34;
	v32 =	vadd.f32 v32, v58;
	v59 =	vperm.xlane v30, v2  }
0x94: {  	v36 =	vadd.f32 v36, v61;
	v33 =	vmul.f32 $1.562500000e-02, v33;
	v29 =	vadd.f32 v54, v29  }
0x95: {  	v53 =	vshra.s32 v34, $0x1;
	v34 =	vmul.f32 $5.000000000e-01, v34;
	v30 =	vadd.f32 v59, v30  }
0x96: {  	v32 =	vmul.f32 $1.562500000e-02, v32;
	v62 =	vperm.xlane v29, v3  }
0x97: {  	v36 =	vmul.f32 $1.562500000e-02, v36;
	v42 =	vperm.xlane v30, v3  }
0x98: {  	v33 =	vsub.f32 v33, v44;
	v55 =	vsub.s32 $0x5F3759DF, v53;
	v29 =	vadd.f32 v62, v29  }
0x99: {  	v57 =	vmul.f32 v55, v34;
	v43 =	vmul.f32 v32, v32;
	v30 =	vadd.f32 v42, v30  }
0x9a: {  	v45 =	vmul.f32 v36, v36;
	v29 =	vmul.f32 $1.562500000e-02, v29  }
0x9b: {  	v33 =	vmax.f32 v33, $0.0e+00;
	v37 =	vmul.f32 v55, v57;
	v30 =	vmul.f32 $1.562500000e-02, v30  }
0x9c: {  	v33 =	vadd.f32 $9.999999960e-13, v33;
	v29 =	vsub.f32 v29, v43  }
0x9d: {  	v37 =	vsub.f32 $1.500000000e+00, v37;
	v30 =	vsub.f32 v30, v45  }
0x9e: {  	v47 =	vshra.s32 v33, $0x1;
	v29 =	vmax.f32 v29, $0.0e+00  }
0x9f: {  	v35 =	vmul.f32 v55, v37;
	v29 =	vadd.f32 $9.999999960e-13, v29;
	v30 =	vmax.f32 v30, $0.0e+00  }
0xa0: {  	v33 =	vmul.f32 $5.000000000e-01, v33;
	v38 =	vsub.s32 $0x5F3759DF, v47;
	v30 =	vadd.f32 $9.999999960e-13, v30  }
0xa1: {  	v34 =	vmul.f32 v35, v34;
	v46 =	vshra.s32 v29, $0x1;
	v29 =	vmul.f32 $5.000000000e-01, v29  }
0xa2: {  	v37 =	vsub.s32 $0x5F3759DF, v46;
	v48 =	vshra.s32 v30, $0x1;
	v30 =	vmul.f32 $5.000000000e-01, v30  }
0xa3: {  	v34 =	vmul.f32 v34, v35;
	v49 =	vmul.f32 v37, v29;
	v39 =	vsub.s32 $0x5F3759DF, v48  }
0xa4: {  	v50 =	vmul.f32 v38, v33;
	v51 =	vmul.f32 v39, v30  }
0xa5: {  	v34 =	vsub.f32 $1.500000000e+00, v34;
	v40 =	vmul.f32 v37, v49  }
0xa6: {  	v26 =	vsub.f32 v26, v28;
	v41 =	vmul.f32 v38, v50;
	v42 =	vmul.f32 v39, v51  }
0xa7: {  	v16 =	vsub.f32 v16, v28;
	v34 =	vmul.f32 v34, v35;
	v52 =	vsub.f32 $1.500000000e+00, v40  }
0xa8: {  	v53 =	vsub.f32 $1.500000000e+00, v41;
	v54 =	vsub.f32 $1.500000000e+00, v42  }
0xa9: {  	v14 =	vsub.f32 v14, v28;
	v26 =	vmul.f32 v34, v26;
	v35 =	vmul.f32 v37, v52  }
0xaa: {  	v28 =	vsub.f32 v12, v28;
	v55 =	vmul.f32 v38, v53;
	v56 =	vmul.f32 v39, v54  }
0xab: {  	v22 =	vsub.f32 v22, v31;
	v57 =	vmul.f32 v26, v7;
	v26 =	vmul.f32 v35, v29  }
0xac: {  	v58 =	vsub.f32 v21, v31;
	v29 =	vmul.f32 v55, v33;
	v30 =	vmul.f32 v56, v30  }
0xad: {  	v27 =	vsub.f32 v27, v32;
	v25 =	vsub.f32 v25, v32;
	v21 =	vmul.f32 v26, v35  }
0xae: {  	v24 =	vsub.f32 v24, v32;
	v26 =	vmul.f32 v29, v55;
	v29 =	vmul.f32 v30, v56  }
0xaf: {  	s19 =	simm.s32 $0xB00;
	v41 =	vmul.f32 v34, v16;
	v42 =	vmul.f32 v34, v14;
	v21 =	vsub.f32 $1.500000000e+00, v21  }
0xb0: {  	v12 =	vld [tilespmem:s19+$0x80];
	v16 =	vmul.f32 v34, v28;
	v26 =	vsub.f32 $1.500000000e+00, v26;
	v29 =	vsub.f32 $1.500000000e+00, v29  }
0xb1: {  	v60 =	vsub.f32 v13, v36;
	v13 =	vld [tilespmem:s19+$0xFFFFFF90];
	v42 =	vmul.f32 v42, v5;
	v28 =	vmul.f32 v21, v35  }
0xb2: {  	v23 =	vsub.f32 v23, v32;
	v14 =	vld [tilespmem:s19+$0x90];
	v26 =	vmul.f32 v26, v55;
	v59 =	vmul.f32 v29, v56  }
0xb3: {  	v30 =	vsub.f32 v15, v31;
	v15 =	vld [tilespmem:s19+$0xA0];
	v37 =	vmul.f32 v28, v27;
	v43 =	vmul.f32 v28, v25  }
0xb4: {  	v18 =	vsub.f32 v18, v31;
	v44 =	vmul.f32 v28, v24;
	v45 =	vmul.f32 v28, v23  }
0xb5: {  	v17 =	vsub.f32 v17, v36;
	v46 =	vmul.f32 v26, v22;
	v40 =	vmul.f32 v26, v58  }
0xb6: {  	v20 =	vsub.f32 v20, v36;
	v21 =	vld [tilespmem:s19+$0xB0];
	v39 =	vmul.f32 v26, v30;
	v38 =	vmul.f32 v26, v18  }
0xb7: {  	v19 =	vsub.f32 v19, v36;
	v29 =	vld [tilespmem:s19+$0xFFFFFF20];
	v25 =	vmul.f32 v12, v12;
	v28 =	vmul.f32 v14, v14  }
0xb8: {  	v36 =	vadd.f32 v42, v9;
	v27 =	vld [tilespmem:s19+$0xFFFFFF30];
	v58 =	vmul.f32 v13, v13;
	v61 =	vmul.f32 v15, v15  }
0xb9: {  	v22 =	vadd.f32 v14, v12;
	v18 =	vld [tilespmem:s19+$0xFFFFFF80];
	v35 =	vmul.f32 v59, v17;
	v30 =	vmul.f32 v59, v20  }
0xba: {  	v24 =	vld [tilespmem:s19+$0xFFFFFFA0];
	v25 =	vadd.f32 v28, v25;
	v37 =	vmul.f32 v37, v4;
	v43 =	vmul.f32 v43, v5  }
0xbb: {  	v26 =	vld [tilespmem:s19+$0xFFFFFFB0];
	v17 =	vadd.f32 v57, v11;
	v42 =	vmul.f32 v44, v6;
	v23 =	vadd.f32 v21, v15  }
0xbc: {  	v51 =	vld [tilespmem:s19+$0xFFFFFF00];
	v47 =	vmul.f32 v21, v21;
	v37 =	vadd.f32 v37, v8;
	v43 =	vadd.f32 v43, v9  }
0xbd: {  	v31 =	vld [tilespmem:s19+$0xFFFFFF10];
	v20 =	vmul.f32 v59, v19;
	v42 =	vadd.f32 v42, v10;
	v48 =	vadd.f32 v23, v22  }
0xbe: {  	v28 =	vadd.f32 v47, v61;
	v22 =	vmul.f32 v59, v60;
	v62 =	vmul.f32 v29, v29  }
0xbf: {  	v57 =	vmul.f32 v27, v27;
	v47 =	vadd.f32 v27, v29;
	v49 =	vmul.f32 v18, v18  }
0xc0: {  	v19 =	vld [tilespmem:s19+$0x10];
	v50 =	vadd.f32 v13, v18;
	v59 =	vmul.f32 v24, v24;
	v54 =	vadd.f32 v26, v24  }
0xc1: {  	v23 =	vld [tilespmem:s19+$0x0];
	v60 =	vmul.f32 v26, v26;
	v63 =	vadd.f32 v28, v25;
	v53 =	vadd.f32 v57, v62  }
0xc2: {  	v28 =	vperm.xlane v48, v0;
	v25 =	vld [tilespmem:s19+$0x20];
	v49 =	vadd.f32 v58, v49;
	v62 =	vadd.f32 v31, v51  }
0xc3: {  	v50 =	vadd.f32 v54, v50;
	v56 =	vadd.f32 v60, v59;
	v57 =	vmul.f32 v41, v4  }
0xc4: {  	v48 =	vadd.f32 v48, v28;
	v52 =	vperm.xlane v63, v0;
	v28 =	vld [tilespmem:s19+$0x30];
	v47 =	vadd.f32 v47, v62  }
0xc5: {  	v32 =	vmul.f32 v31, v31;
	v33 =	vadd.f32 v57, v8;
	v49 =	vadd.f32 v56, v49  }
0xc6: {  	v55 =	vperm.xlane v48, v1;
	v34 =	vadd.f32 v52, v63;
	v63 =	vmul.f32 v51, v51  }
0xc7: {  	v60 =	vmul.f32 v23, v23;
	v52 =	vadd.f32 v19, v23;
	v62 =	vmul.f32 v25, v25  }
0xc8: {  	v48 =	vadd.f32 v48, v55;
	v61 =	vperm.xlane v34, v1;
	v55 =	vadd.f32 v32, v63  }
0xc9: {  	v32 =	vmul.f32 v46, v4;
	v58 =	vadd.f32 v28, v25;
	v63 =	vmul.f32 v28, v28  }
0xca: {  	v41 =	vadd.f32 v61, v34;
	v59 =	vperm.xlane v48, v2;
	v61 =	vmul.f32 v19, v19  }
0xcb: {  	v34 =	vmul.f32 v45, v7;
	v45 =	vadd.f32 v53, v55;
	v32 =	vadd.f32 v32, v8  }
0xcc: {  	v52 =	vadd.f32 v58, v52;
	v48 =	vadd.f32 v48, v59;
	v59 =	vperm.xlane v41, v2  }
0xcd: {  	v58 =	vadd.f32 v63, v62;
	v57 =	vadd.f32 v61, v60;
	v60 =	vperm.xlane v47, v0  }
0xce: {  	v61 =	vperm.xlane v50, v0;
	v41 =	vadd.f32 v59, v41;
	v62 =	vperm.xlane v48, v3  }
0xcf: {  	v44 =	vadd.f32 v58, v57;
	v46 =	vadd.f32 v47, v60;
	v57 =	vperm.xlane v52, v0  }
0xd0: {  	v58 =	vperm.xlane v45, v0;
	v50 =	vadd.f32 v50, v61;
	v59 =	vperm.xlane v49, v0  }
0xd1: {  	v63 =	vperm.xlane v41, v3;
	v48 =	vadd.f32 v48, v62;
	v52 =	vadd.f32 v52, v57  }
0xd2: {  	v60 =	vperm.xlane v46, v1;
	v45 =	vadd.f32 v58, v45;
	v61 =	vperm.xlane v44, v0  }
0xd3: {  	v49 =	vadd.f32 v59, v49;
	v47 =	vadd.f32 v63, v41;
	v41 =	vmul.f32 $1.562500000e-02, v48  }
0xd4: {  	v63 =	vperm.xlane v50, v1;
	v44 =	vadd.f32 v61, v44;
	v57 =	vperm.xlane v52, v1  }
0xd5: {  	v46 =	vadd.f32 v46, v60;
	v58 =	vperm.xlane v45, v1;
	v59 =	vperm.xlane v49, v1  }
0xd6: {  	v47 =	vmul.f32 $1.562500000e-02, v47;
	v50 =	vadd.f32 v50, v63;
	v52 =	vadd.f32 v52, v57  }
0xd7: {  	v62 =	vmul.f32 v41, v41;
	v45 =	vadd.f32 v58, v45;
	v49 =	vadd.f32 v59, v49  }
0xd8: {  	v61 =	vperm.xlane v44, v1;
	v21 =	vsub.f32 v21, v41;
	v12 =	vsub.f32 v12, v41  }
0xd9: {  	v60 =	vperm.xlane v46, v2;
	v14 =	vsub.f32 v14, v41;
	v47 =	vsub.f32 v47, v62  }
0xda: {  	v62 =	vperm.xlane v50, v2;
	v63 =	vperm.xlane v52, v2;
	v44 =	vadd.f32 v61, v44  }
0xdb: {  	v46 =	vadd.f32 v46, v60;
	v58 =	vperm.xlane v45, v2;
	v59 =	vperm.xlane v49, v2  }
0xdc: {  	v47 =	vmax.f32 v47, $0.0e+00;
	v48 =	vadd.f32 v50, v62;
	v52 =	vadd.f32 v52, v63  }
0xdd: {  	v60 =	vperm.xlane v46, v3;
	v45 =	vadd.f32 v58, v45;
	v62 =	vperm.xlane v44, v2  }
0xde: {  	v40 =	vmul.f32 v40, v5;
	v49 =	vadd.f32 v59, v49;
	v47 =	vadd.f32 $9.999999960e-13, v47  }
0xdf: {  	v46 =	vadd.f32 v46, v60;
	v63 =	vperm.xlane v48, v3;
	v44 =	vadd.f32 v62, v44  }
0xe0: {  	v58 =	vperm.xlane v45, v3;
	v57 =	vshra.s32 v47, $0x1;
	v47 =	vmul.f32 $5.000000000e-01, v47  }
0xe1: {  	v59 =	vperm.xlane v49, v3;
	v50 =	vsub.s32 $0x5F3759DF, v57;
	v57 =	vperm.xlane v52, v3  }
0xe2: {  	v48 =	vadd.f32 v48, v63;
	v45 =	vadd.f32 v58, v45;
	v61 =	vmul.f32 v50, v47  }
0xe3: {  	v60 =	vperm.xlane v44, v3;
	v46 =	vmul.f32 $1.562500000e-02, v46;
	v49 =	vadd.f32 v59, v49  }
0xe4: {  	v52 =	vadd.f32 v52, v57;
	v48 =	vmul.f32 $1.562500000e-02, v48;
	v55 =	vmul.f32 v50, v61  }
0xe5: {  	v45 =	vmul.f32 $1.562500000e-02, v45;
	v44 =	vadd.f32 v60, v44;
	v49 =	vmul.f32 $1.562500000e-02, v49  }
0xe6: {  	v61 =	vmul.f32 v46, v46;
	v52 =	vmul.f32 $1.562500000e-02, v52;
	v55 =	vsub.f32 $1.500000000e+00, v55  }
0xe7: {  	v54 =	vsub.f32 v31, v46;
	v31 =	vmul.f32 v48, v48;
	v44 =	vmul.f32 $1.562500000e-02, v44  }
0xe8: {  	v15 =	vsub.f32 v15, v41;
	v62 =	vmul.f32 v52, v52;
	v50 =	vmul.f32 v50, v55  }
0xe9: {  	v39 =	vmul.f32 v39, v6;
	v45 =	vsub.f32 v45, v61;
	v31 =	vsub.f32 v49, v31  }
0xea: {  	v49 =	vsub.f32 v29, v46;
	v29 =	vsub.f32 v44, v62;
	v47 =	vmul.f32 v50, v47  }
0xeb: {  	v38 =	vmul.f32 v38, v7;
	v51 =	vsub.f32 v51, v46;
	v46 =	vsub.f32 v27, v46  }
0xec: {  	v45 =	vmax.f32 v45, $0.0e+00;
	v29 =	vmax.f32 v29, $0.0e+00;
	v47 =	vmul.f32 v47, v50  }
0xed: {  	v31 =	vmax.f32 v31, $0.0e+00;
	v45 =	vadd.f32 $9.999999960e-13, v45;
	v27 =	vadd.f32 $9.999999960e-13, v29  }
0xee: {  	v35 =	vmul.f32 v35, v4;
	v31 =	vadd.f32 $9.999999960e-13, v31;
	v47 =	vsub.f32 $1.500000000e+00, v47  }
0xef: {  	v29 =	vshra.s32 v45, $0x1;
	v45 =	vmul.f32 $5.000000000e-01, v45;
	v61 =	vmul.f32 $5.000000000e-01, v27  }
0xf0: {  	v63 =	vsub.s32 $0x5F3759DF, v29;
	v44 =	vmul.f32 v47, v50;
	v47 =	vmul.f32 v30, v5  }
0xf1: {  	v30 =	vshra.s32 v31, $0x1;
	v50 =	vmul.f32 $5.000000000e-01, v31;
	v31 =	vshra.s32 v27, $0x1  }
0xf2: {  	v27 =	vmul.f32 v63, v45;
	v60 =	vsub.s32 $0x5F3759DF, v30;
	v62 =	vsub.s32 $0x5F3759DF, v31  }
0xf3: {  	v58 =	vsub.f32 v18, v48;
	v29 =	vmul.f32 v60, v50;
	v18 =	vmul.f32 v62, v61  }
0xf4: {  	v59 =	vsub.f32 v13, v48;
	v13 =	vmul.f32 v20, v6;
	v20 =	vmul.f32 v63, v27  }
0xf5: {  	v24 =	vsub.f32 v24, v48;
	v31 =	vmul.f32 v60, v29;
	v18 =	vmul.f32 v62, v18  }
0xf6: {  	v21 =	vmul.f32 v44, v21;
	v27 =	vmul.f32 v22, v7;
	v20 =	vsub.f32 $1.500000000e+00, v20  }
0xf7: {  	v29 =	vmul.f32 v16, v6;
	v16 =	vsub.f32 $1.500000000e+00, v31;
	v18 =	vsub.f32 $1.500000000e+00, v18  }
0xf8: {  	v30 =	vsub.f32 v23, v52;
	v23 =	vmul.f32 v44, v12;
	v20 =	vmul.f32 v63, v20  }
0xf9: {  	[tilespmem:s30+$0x90] =	vst v36;
	v26 =	vsub.f32 v26, v48;
	v16 =	vmul.f32 v60, v16;
	v18 =	vmul.f32 v62, v18  }
0xfa: {  	[tilespmem:s30+$0xB0] =	vst v17;
	v25 =	vsub.f32 v25, v52;
	v21 =	vmul.f32 v21, v7;
	v17 =	vmul.f32 v20, v45  }
0xfb: {  	[tilespmem:s30+$0xFFFFFF00] =	vst v37;
	v31 =	vsub.f32 v19, v52;
	v19 =	vmul.f32 v16, v50;
	v22 =	vmul.f32 v18, v61  }
0xfc: {  	[tilespmem:s30+$0xFFFFFF10] =	vst v43;
	v28 =	vsub.f32 v28, v52;
	v14 =	vmul.f32 v44, v14;
	v17 =	vmul.f32 v17, v20  }
0xfd: {  	[tilespmem:s30+$0xFFFFFF20] =	vst v42;
	v21 =	vadd.f32 v21, v11;
	v19 =	vmul.f32 v19, v16;
	v22 =	vmul.f32 v22, v18  }
0xfe: {  	[tilespmem:s30+$0x80] =	vst v33;
	v12 =	vmul.f32 v44, v15;
	v63 =	vadd.f32 v34, v11;
	v17 =	vsub.f32 $1.500000000e+00, v17  }
0xff: {  	[tilespmem:s30+$0xFFFFFF80] =	vst v32;
	v23 =	vmul.f32 v23, v4;
	v15 =	vsub.f32 $1.500000000e+00, v19;
	v19 =	vsub.f32 $1.500000000e+00, v22  }
0x100: {  	[tilespmem:s19+$0xB0] =	vst v21;
	v20 =	vmul.f32 v17, v20;
	v22 =	vmul.f32 v14, v5;
	v14 =	vadd.f32 v40, v9  }
0x101: {  	[tilespmem:s30+$0xFFFFFF30] =	vst v63;
	v17 =	vmul.f32 v15, v16;
	v19 =	vmul.f32 v19, v18;
	v15 =	vadd.f32 v39, v10  }
0x102: {  	v34 =	vmul.f32 v20, v51;
	v33 =	vmul.f32 v20, v54;
	[tilespmem:s30+$0xFFFFFF90] =	vst v14;
	v14 =	vadd.f32 v38, v11  }
0x103: {  	v32 =	vmul.f32 v20, v49;
	v21 =	vmul.f32 v20, v46;
	v18 =	vadd.f32 v35, v8;
	[tilespmem:s30+$0xFFFFFFA0] =	vst v15  }
0x104: {  	s18 =	simm.s32 $0xD00;
	s2 =	simm.s32 $0x4;
	s25 =	sor.u32 $0x2, s23;
	v20 =	vmul.f32 v17, v58;
	v16 =	vmul.f32 v17, v59;
	[tilespmem:s30+$0xFFFFFFB0] =	vst v14;
	v15 =	vadd.f32 v47, v9  }
.LBB2_3:
0x105: {  	v14 =	vld [tilespmem:s18+$0x80];
	v37 =	vmul.f32 v17, v24;
	v26 =	vmul.f32 v17, v26;
	[tilespmem:s30+$0x0] =	vst v18;
	v13 =	vadd.f32 v13, v10  }
0x106: {  	v30 =	vmul.f32 v19, v30;
	v31 =	vmul.f32 v19, v31;
	v17 =	vld [tilespmem:s18+$0x90];
	[tilespmem:s30+$0x10] =	vst v15;
	v15 =	vadd.f32 v27, v11  }
0x107: {  	v38 =	vmul.f32 v19, v25;
	v27 =	vmul.f32 v19, v28;
	v19 =	vadd.f32 v23, v8;
	v18 =	vld [tilespmem:s18+$0xA0];
	[tilespmem:s30+$0x20] =	vst v13  }
0x108: {  	v25 =	vmul.f32 v33, v5;
	v28 =	vadd.f32 v22, v9;
	v13 =	vmul.f32 v34, v4;
	v24 =	vld [tilespmem:s18+$0xB0];
	[tilespmem:s30+$0x30] =	vst v15  }
0x109: {  	s2 =	sadd.s32 $0x4, s2;
	v33 =	vmul.f32 v32, v6;
	v22 =	vmul.f32 v21, v7;
	v15 =	vadd.f32 v29, v10;
	v36 =	vld [tilespmem:s18+$0xFFFFFF10];
	[tilespmem:s19+$0x80] =	vst v19  }
0x10a: {  	p1 =	slt.u32 s2, $0xC4;
	v23 =	vmul.f32 v20, v4;
	v13 =	vadd.f32 v13, v8;
	v19 =	vmul.f32 v16, v5;
	v35 =	vld [tilespmem:s18+$0xFFFFFF20];
	[tilespmem:s19+$0x90] =	vst v28  }
0x10b: {  	v21 =	vmul.f32 v37, v6;
	v16 =	vmul.f32 v26, v7;
	v28 =	vadd.f32 v25, v9;
	v32 =	vld [tilespmem:s18+$0xFFFFFF30];
	[tilespmem:s30+$0xA0] =	vst v15;
	s30 =	smov.u32 s19;
	s19 =	smov.u32 s18  }
0x10c: {  	v20 =	vmul.f32 v30, v4;
	v34 =	vadd.f32 v17, v14;
	v15 =	vmul.f32 v31, v5;
	v25 =	vld [tilespmem:s18+$0xFFFFFF80];
	[tilespmem:s30+$0xFFFFFF00] =	vst v13  }
0x10d: {  	v31 =	vmul.f32 v14, v14;
	v37 =	vmul.f32 v17, v17;
	v26 =	vld [tilespmem:s18+$0xFFFFFF90];
	v13 =	vadd.f32 v24, v18;
	[tilespmem:s30+$0xFFFFFF10] =	vst v28  }
0x10e: {  	v33 =	vadd.f32 v33, v10;
	v39 =	vmul.f32 v18, v18;
	v40 =	vmul.f32 v24, v24;
	v28 =	vld [tilespmem:s18+$0xFFFFFFA0]  }
0x10f: {  	v41 =	vmul.f32 v36, v36;
	v42 =	vmul.f32 v35, v35;
	v29 =	vld [tilespmem:s18+$0xFFFFFFB0];
	v43 =	vadd.f32 v13, v34  }
0x110: {  	v37 =	vadd.f32 v37, v31;
	v39 =	vadd.f32 v40, v39;
	v34 =	vmul.f32 v32, v32;
	v30 =	vld [tilespmem:s18+$0x0];
	[tilespmem:s30+$0xFFFFFF20] =	vst v33  }
0x111: {  	v13 =	vmul.f32 v38, v6;
	v40 =	vadd.f32 v32, v35;
	v44 =	vmul.f32 v25, v25;
	v31 =	vld [tilespmem:s18+$0x10]  }
0x112: {  	v37 =	vadd.f32 v39, v37;
	v39 =	vperm.xlane v43, v0;
	v45 =	vadd.f32 v26, v25;
	v33 =	vld [tilespmem:s18+$0x20]  }
0x113: {  	v42 =	vadd.f32 v34, v42;
	v46 =	vmul.f32 v26, v26;
	v47 =	vmul.f32 v28, v28;
	v34 =	vld [tilespmem:s18+$0x30]  }
0x114: {  	v39 =	vadd.f32 v43, v39;
	v43 =	vperm.xlane v37, v0;
	v38 =	vld [tilespmem:s18+$0xFFFFFF00];
	v48 =	vadd.f32 v29, v28  }
0x115: {  	v44 =	vadd.f32 v46, v44;
	v46 =	vmul.f32 v29, v29;
	v49 =	vmul.f32 v30, v30  }
0x116: {  	v51 =	vperm.xlane v39, v1;
	v37 =	vadd.f32 v43, v37;
	v50 =	vadd.f32 v31, v30  }
0x117: {  	v43 =	vadd.f32 v48, v45;
	v45 =	vmul.f32 v31, v31;
	v48 =	vmul.f32 v33, v33  }
0x118: {  	v39 =	vadd.f32 v39, v51;
	v51 =	vperm.xlane v37, v1;
	v52 =	vadd.f32 v34, v33  }
0x119: {  	v55 =	vmul.f32 v34, v34;
	v53 =	vadd.f32 v36, v38;
	v54 =	vmul.f32 v38, v38  }
0x11a: {  	v46 =	vadd.f32 v46, v47;
	v47 =	vperm.xlane v39, v2;
	v37 =	vadd.f32 v51, v37  }
0x11b: {  	v51 =	vperm.xlane v43, v0;
	v40 =	vadd.f32 v40, v53;
	v41 =	vadd.f32 v41, v54  }
0x11c: {  	v50 =	vadd.f32 v52, v50;
	v39 =	vadd.f32 v39, v47;
	v47 =	vperm.xlane v37, v2  }
0x11d: {  	v45 =	vadd.f32 v45, v49;
	v48 =	vadd.f32 v55, v48;
	v52 =	vperm.xlane v40, v0  }
0x11e: {  	v41 =	vadd.f32 v42, v41;
	v42 =	vperm.xlane v39, v3;
	v47 =	vadd.f32 v47, v37  }
0x11f: {  	v44 =	vadd.f32 v46, v44;
	v45 =	vadd.f32 v48, v45;
	v37 =	vperm.xlane v50, v0  }
0x120: {  	v40 =	vadd.f32 v40, v52;
	v39 =	vadd.f32 v39, v42;
	v42 =	vperm.xlane v47, v3  }
0x121: {  	v43 =	vadd.f32 v43, v51;
	v48 =	vperm.xlane v44, v0;
	v46 =	vperm.xlane v41, v0  }
0x122: {  	v49 =	vadd.f32 v50, v37;
	v37 =	vmul.f32 $1.562500000e-02, v39;
	v39 =	vadd.f32 v42, v47  }
0x123: {  	v42 =	vperm.xlane v40, v1;
	v41 =	vadd.f32 v46, v41;
	v46 =	vperm.xlane v45, v0  }
0x124: {  	v44 =	vadd.f32 v48, v44;
	v39 =	vmul.f32 $1.562500000e-02, v39;
	v47 =	vmul.f32 v37, v37  }
0x125: {  	v48 =	vperm.xlane v43, v1;
	v50 =	vperm.xlane v49, v1;
	v45 =	vadd.f32 v46, v45  }
0x126: {  	v40 =	vadd.f32 v40, v42;
	v42 =	vperm.xlane v41, v1;
	v39 =	vsub.f32 v39, v47  }
0x127: {  	v43 =	vadd.f32 v43, v48;
	v46 =	vperm.xlane v44, v1;
	v47 =	vadd.f32 v49, v50  }
0x128: {  	v48 =	vperm.xlane v40, v2;
	v49 =	vperm.xlane v45, v1;
	v39 =	vmax.f32 v39, $0.0e+00  }
0x129: {  	v41 =	vadd.f32 v42, v41;
	v42 =	vperm.xlane v43, v2;
	v39 =	vadd.f32 $9.999999960e-13, v39  }
0x12a: {  	v44 =	vadd.f32 v46, v44;
	v46 =	vperm.xlane v47, v2;
	v45 =	vadd.f32 v49, v45  }
0x12b: {  	v40 =	vadd.f32 v40, v48;
	v48 =	vshra.s32 v39, $0x1;
	v39 =	vmul.f32 $5.000000000e-01, v39  }
0x12c: {  	v49 =	vperm.xlane v41, v2;
	v42 =	vadd.f32 v43, v42;
	v43 =	vsub.s32 $0x5F3759DF, v48  }
0x12d: {  	v46 =	vadd.f32 v47, v46;
	v48 =	vperm.xlane v44, v2;
	v47 =	vmul.f32 v43, v39  }
0x12e: {  	v50 =	vperm.xlane v40, v3;
	v41 =	vadd.f32 v49, v41;
	v49 =	vperm.xlane v45, v2  }
0x12f: {  	v51 =	vperm.xlane v42, v3;
	v44 =	vadd.f32 v48, v44;
	v47 =	vmul.f32 v43, v47  }
0x130: {  	v40 =	vadd.f32 v40, v50;
	v45 =	vadd.f32 v49, v45;
	v48 =	vperm.xlane v46, v3  }
0x131: {  	v49 =	vperm.xlane v41, v3;
	v42 =	vadd.f32 v42, v51;
	v47 =	vsub.f32 $1.500000000e+00, v47  }
0x132: {  	v50 =	vperm.xlane v44, v3;
	v46 =	vadd.f32 v46, v48;
	v48 =	vperm.xlane v45, v3  }
0x133: {  	v40 =	vmul.f32 $1.562500000e-02, v40;
	v41 =	vadd.f32 v49, v41;
	v43 =	vmul.f32 v43, v47  }
0x134: {  	v42 =	vmul.f32 $1.562500000e-02, v42;
	v44 =	vadd.f32 v50, v44;
	v46 =	vmul.f32 $1.562500000e-02, v46  }
0x135: {  	v41 =	vmul.f32 $1.562500000e-02, v41;
	v45 =	vadd.f32 v48, v45;
	v39 =	vmul.f32 v43, v39  }
0x136: {  	v38 =	vsub.f32 v38, v40;
	v47 =	vmul.f32 v40, v40;
	v44 =	vmul.f32 $1.562500000e-02, v44  }
0x137: {  	v36 =	vsub.f32 v36, v40;
	v48 =	vmul.f32 v42, v42;
	v39 =	vmul.f32 v39, v43  }
0x138: {  	v45 =	vmul.f32 $1.562500000e-02, v45;
	v41 =	vsub.f32 v41, v47;
	v47 =	vmul.f32 v46, v46  }
0x139: {  	v27 =	vmul.f32 v27, v7;
	v44 =	vsub.f32 v44, v48;
	v39 =	vsub.f32 $1.500000000e+00, v39  }
0x13a: {  	v35 =	vsub.f32 v35, v40;
	v41 =	vmax.f32 v41, $0.0e+00;
	v45 =	vsub.f32 v45, v47  }
0x13b: {  	v24 =	vsub.f32 v24, v37;
	v44 =	vmax.f32 v44, $0.0e+00;
	v39 =	vmul.f32 v39, v43  }
0x13c: {  	v41 =	vadd.f32 $9.999999960e-13, v41;
	v43 =	vadd.f32 $9.999999960e-13, v44;
	v44 =	vmax.f32 v45, $0.0e+00  }
0x13d: {  	v40 =	vsub.f32 v32, v40;
	v32 =	vadd.f32 $9.999999960e-13, v44;
	v24 =	vmul.f32 v39, v24  }
0x13e: {  	v44 =	vshra.s32 v41, $0x1;
	v41 =	vmul.f32 $5.000000000e-01, v41;
	v45 =	vshra.s32 v43, $0x1  }
0x13f: {  	v43 =	vmul.f32 $5.000000000e-01, v43;
	v47 =	vshra.s32 v32, $0x1;
	v24 =	vmul.f32 v24, v7  }
0x140: {  	v44 =	vsub.s32 $0x5F3759DF, v44;
	v45 =	vsub.s32 $0x5F3759DF, v45;
	v32 =	vmul.f32 $5.000000000e-01, v32  }
0x141: {  	v48 =	vmul.f32 v44, v41;
	v47 =	vsub.s32 $0x5F3759DF, v47;
	v49 =	vadd.f32 v24, v11  }
0x142: {  	v51 =	vsub.f32 v25, v42;
	v50 =	vmul.f32 v45, v43;
	v25 =	vmul.f32 v47, v32  }
0x143: {  	v52 =	vsub.f32 v26, v42;
	v48 =	vmul.f32 v44, v48;
	v24 =	vsub.f32 v28, v42;
	[tilespmem:s18+$0xB0] =	vst v49  }
0x144: {  	v26 =	vsub.f32 v29, v42;
	v28 =	vmul.f32 v45, v50;
	v25 =	vmul.f32 v47, v25  }
0x145: {  	v29 =	vmul.f32 v12, v6;
	v30 =	vsub.f32 v30, v46;
	v42 =	vsub.f32 $1.500000000e+00, v48  }
0x146: {  	v12 =	vsub.f32 $1.500000000e+00, v28;
	v28 =	vsub.f32 $1.500000000e+00, v25  }
0x147: {  	v31 =	vsub.f32 v31, v46;
	v42 =	vmul.f32 v44, v42;
	v25 =	vsub.f32 v33, v46  }
0x148: {  	v33 =	vmul.f32 v45, v12;
	v44 =	vmul.f32 v47, v28;
	v28 =	vsub.f32 v34, v46  }
0x149: {  	v14 =	vsub.f32 v14, v37;
	v17 =	vsub.f32 v17, v37;
	v12 =	vmul.f32 v42, v41  }
0x14a: {  	v18 =	vsub.f32 v18, v37;
	v34 =	vmul.f32 v33, v43;
	v32 =	vmul.f32 v44, v32  }
0x14b: {  	v22 =	vadd.f32 v22, v11;
	v14 =	vmul.f32 v39, v14;
	v12 =	vmul.f32 v12, v42  }
0x14c: {  	v37 =	vadd.f32 v23, v8;
	v34 =	vmul.f32 v34, v33;
	v32 =	vmul.f32 v32, v44  }
0x14d: {  	v17 =	vmul.f32 v39, v17;
	v41 =	vsub.f32 $1.500000000e+00, v12;
	v12 =	vmul.f32 v39, v18;
	[tilespmem:s30+$0xFFFFFF30] =	vst v22  }
0x14e: {  	v23 =	vmul.f32 v14, v4;
	v18 =	vsub.f32 $1.500000000e+00, v34;
	v32 =	vsub.f32 $1.500000000e+00, v32;
	[tilespmem:s30+$0xFFFFFF80] =	vst v37  }
.Ltmp0:
0x14f: {  	v14 =	vmul.f32 v41, v42;
	v22 =	vmul.f32 v17, v5;
	v37 =	vadd.f32 v19, v9;
	(pc) =	sbr.rel @p1 .LBB2_3-.Ltmp0, $4  }
0x150: {  	v17 =	vmul.f32 v18, v33;
	v18 =	vadd.f32 v21, v10;
	v19 =	vmul.f32 v32, v44  }
0x151: {  	v34 =	vmul.f32 v14, v38;
	v33 =	vmul.f32 v14, v36;
	v36 =	vadd.f32 v16, v11;
	[tilespmem:s30+$0xFFFFFF90] =	vst v37  }
0x152: {  	v21 =	vmul.f32 v14, v40;
	v32 =	vmul.f32 v14, v35;
	[tilespmem:s30+$0xFFFFFFA0] =	vst v18;
	v18 =	vadd.f32 v20, v8  }
0x153: {  	v15 =	vadd.f32 v15, v9;
	s18 =	sadd.s32 $0x200, s18;
	v16 =	vmul.f32 v17, v52;
	v20 =	vmul.f32 v17, v51;
	[tilespmem:s30+$0xFFFFFFB0] =	vst v36  }
0x154: {  	[tilespmem:s30+$0x0] =	vst v18;
	v13 =	vadd.f32 v13, v10  }
0x155: {  	v14 =	vadd.f32 v27, v11;
	[tilespmem:s30+$0x10] =	vst v15  }
0x156: {  	v18 =	vadd.f32 v22, v9;
	v12 =	vmul.f32 v12, v6;
	[tilespmem:s30+$0x20] =	vst v13  }
0x157: {  	v15 =	vadd.f32 v23, v8;
	[tilespmem:s30+$0x30] =	vst v14  }
0x158: {  	v13 =	vmul.f32 v34, v4;
	[tilespmem:s19+$0x90] =	vst v18;
	v12 =	vadd.f32 v12, v10  }
0x159: {  	v14 =	vmul.f32 v33, v5;
	[tilespmem:s19+$0x80] =	vst v15;
	v15 =	vadd.f32 v29, v10  }
0x15a: {  	v22 =	vmul.f32 v32, v6;
	v13 =	vadd.f32 v13, v8;
	[tilespmem:s19+$0xA0] =	vst v12  }
0x15b: {  	v18 =	vmul.f32 v21, v7;
	v14 =	vadd.f32 v14, v9;
	[tilespmem:s30+$0xA0] =	vst v15  }
0x15c: {  	v20 =	vmul.f32 v20, v4;
	v15 =	vmul.f32 v17, v24;
	[tilespmem:s19+$0xFFFFFF00] =	vst v13;
	v13 =	vadd.f32 v22, v10  }
0x15d: {  	v16 =	vmul.f32 v16, v5;
	v17 =	vmul.f32 v17, v26;
	[tilespmem:s19+$0xFFFFFF10] =	vst v14;
	v14 =	vadd.f32 v18, v11  }
0x15e: {  	v18 =	vmul.f32 v19, v30;
	v15 =	vmul.f32 v15, v6;
	[tilespmem:s19+$0xFFFFFF20] =	vst v13;
	v13 =	vadd.f32 v20, v8  }
0x15f: {  	v17 =	vmul.f32 v17, v7;
	v20 =	vmul.f32 v19, v31;
	[tilespmem:s19+$0xFFFFFF30] =	vst v14;
	v14 =	vadd.f32 v16, v9  }
0x160: {  	v16 =	vmul.f32 v19, v25;
	v18 =	vmul.f32 v18, v4;
	[tilespmem:s19+$0xFFFFFF80] =	vst v13;
	v13 =	vadd.f32 v15, v10  }
0x161: {  	v15 =	vmul.f32 v19, v28;
	v19 =	vmul.f32 v20, v5;
	[tilespmem:s19+$0xFFFFFF90] =	vst v14;
	v14 =	vadd.f32 v17, v11  }
0x162: {  	v16 =	vmul.f32 v16, v6;
	[tilespmem:s19+$0xFFFFFFA0] =	vst v13;
	v13 =	vadd.f32 v18, v8  }
0x163: {  	v15 =	vmul.f32 v15, v7;
	[tilespmem:s19+$0xFFFFFFB0] =	vst v14;
	v14 =	vadd.f32 v19, v9  }
0x164: {  	[tilespmem:s19+$0x0] =	vst v13;
	v13 =	vadd.f32 v16, v10  }
0x165: {  	s2 =	smul.u32 $0xC80, s26;
	[tilespmem:s19+$0x10] =	vst v14;
	v14 =	vadd.f32 v15, v11  }
0x166: {  	[tilespmem:s19+$0x20] =	vst v13  }
0x167: {  	s18 =	simm.s32 $0x800;
	p1 =	seq.s32 s31, $0x1F;
	s2 =	sadd.s32 s10, s2;
	[tilespmem:s19+$0x30] =	vst v14  }
0x168: {  	[hbm4b:s2+s4] =	stream.linear.scatter [tilespmem:s18], [sflag:$0xD], $0x6400, $0x38;
	[tilespmem:$0x19F40] =	vst v63  }
0x169: {  	s2 =	sadd.s32 @!p1 $0x4, s23  }
0x16a: {  	s18 =	sadd.s32 @!p1 s8, s2  }
0x16b: {  	s2 =	sshll.u32 @!p1 s2, $0x4;
	s18 =	sshll.u32 @!p1 s18, $0x5  }
0x16c: {  	s2 =	sand.u32 @!p1 $0x40, s2;
	s18 =	sand.u32 @!p1 $0x3FF00, s18  }
0x16d: {  	s26 =	simm.s32 @!p1 $0x400;
	p2 =	seq.s32 @!p1 s31, $0x0;
	s2 =	sor.u32 @!p1 s2, s18  }
0x16e: {  	s30 =	simm.s32 @!p1 $0x0;
	s19 =	simm.s32 @!p1 $0x80;
	s18 =	sadd.s32 @!p1 s5, s2  }
0x16f: {  	[tilespmem:s30], [sflag:$0x1] =	stream.strided.gather @!p1 [hbm4b:s18+s19], $0x100, s26, s19, $0x38;
	[tilespmem:$0x19F40] =	vst v63  }
0x170: {  	p2 =	por p1, !p2;
	s2 =	sadd.s32 @!p1 s6, s2  }
0x171: {  	[tilespmem:s26], [sflag:$0x1] =	stream.strided.gather @!p1 [hbm4b:s2+s19], $0x100, s26, s19, $0x38;
	[tilespmem:$0x19F40] =	vst v63  }
0x172: {  	s2 =	simm.s32 @p2 $0x10  }
0x173: {  	_ =	swait.ge @p2 [sflag:s2], $0x6400  }
0x174: {  	[sflag:s2] =	ssyncset.done @p2 $0x0  }
0x175: {  	[sflag:s2] =	ssyncadd.s32 @p2 $0xFFFF9C00  }
0x176: {  	_ =	swait.ge [sflag:s12], $0x100  }
0x177: {  	[sflag:s12] =	ssyncset.done $0x0  }
0x178: {  	[sflag:s12] =	ssyncadd.s32 $0xFFFFFF00  }
0x179: {  	_ =	swait.ge [sflag:s12], $0x100  }
0x17a: {  	[sflag:s12] =	ssyncset.done $0x0  }
0x17b: {  	s19 =	simm.s32 $0x700;
	[sflag:s12] =	ssyncadd.s32 $0xFFFFFF00  }
0x17c: {  	[tilespmem:s13], [sflag:$0x8] =	stream.indirect.gather [spmem:s3], $0x80, s19, s29, $0xb8;
	[tilespmem:$0x19F40] =	vst v63  }
0x17d: {  	_ =	swait.ge [sflag:s14], $0x6400  }
0x17e: {  	[sflag:s14] =	ssyncset.done $0x0  }
0x17f: {  	s26 =	simm.s32 $0x200;
	[sflag:s14] =	ssyncadd.s32 $0xFFFF9C00  }
0x180: {  	[tilespmem:s24], [sflag:$0xB] =	stream.indirect.gather.add.f32 [hbm:s7], $0x80, s26, s29, $0xb8;
	[tilespmem:$0x19F40] =	vst v63  }
0x181: {  	_ =	swait.ge [sflag:s15], $0x6400  }
0x182: {  	[sflag:s15] =	ssyncset.done $0x0  }
0x183: {  	s26 =	simm.s32 $0x6D00;
	[sflag:s15] =	ssyncadd.s32 $0xFFFF9C00  }
0x184: {  	v16 =	vld [tilespmem:s26+$0x80]  }
0x185: {  	v14 =	vld [tilespmem:s26+$0x90]  }
0x186: {  	v12 =	vld [tilespmem:s26+$0xA0]  }
0x187: {  	v26 =	vld [tilespmem:s26+$0xB0]  }
0x188: {  	v25 =	vld [tilespmem:s26+$0xFFFFFF10]  }
0x189: {  	v24 =	vld [tilespmem:s26+$0xFFFFFF20]  }
0x18a: {  	v23 =	vld [tilespmem:s26+$0xFFFFFF30]  }
0x18b: {  	v22 =	vld [tilespmem:s26+$0xFFFFFF80]  }
0x18c: {  	v21 =	vld [tilespmem:s26+$0xFFFFFF90];
	v13 =	vmul.f32 v16, v16;
	v19 =	vmul.f32 v14, v14  }
0x18d: {  	v15 =	vld [tilespmem:s26+$0xFFFFFFA0];
	v20 =	vmul.f32 v12, v12;
	v27 =	vmul.f32 v26, v26  }
0x18e: {  	v18 =	vld [tilespmem:s26+$0xFFFFFFB0];
	v28 =	vadd.f32 v14, v16;
	v29 =	vadd.f32 v26, v12;
	v30 =	vmul.f32 v25, v25  }
0x18f: {  	v17 =	vld [tilespmem:s26+$0x0];
	v31 =	vmul.f32 v24, v24;
	v50 =	vadd.f32 v23, v24;
	v13 =	vadd.f32 v19, v13  }
0x190: {  	v51 =	vmul.f32 v22, v22;
	v27 =	vadd.f32 v27, v20;
	v28 =	vadd.f32 v29, v28;
	v20 =	vld [tilespmem:s26+$0x10]  }
0x191: {  	v35 =	vadd.f32 v21, v22;
	v37 =	vmul.f32 v21, v21;
	v29 =	vmul.f32 v23, v23;
	v19 =	vld [tilespmem:s26+$0x20]  }
0x192: {  	v39 =	vmul.f32 v15, v15;
	v52 =	vadd.f32 v27, v13;
	v36 =	vperm.xlane v28, v0;
	v13 =	vld [tilespmem:s26+$0x30]  }
0x193: {  	v53 =	vmul.f32 v18, v18;
	v29 =	vadd.f32 v29, v31;
	v27 =	vld [tilespmem:s26+$0xFFFFFF00];
	v31 =	vadd.f32 v18, v15  }
0x194: {  	v54 =	vmul.f32 v17, v17;
	v33 =	vadd.f32 v37, v51;
	v28 =	vadd.f32 v28, v36  }
0x195: {  	v38 =	vperm.xlane v52, v0;
	v31 =	vadd.f32 v31, v35;
	v36 =	vadd.f32 v53, v39  }
0x196: {  	v55 =	vadd.f32 v20, v17;
	v56 =	vmul.f32 v20, v20;
	v43 =	vmul.f32 v19, v19  }
0x197: {  	v34 =	vadd.f32 v38, v52;
	v40 =	vperm.xlane v28, v1;
	v33 =	vadd.f32 v36, v33  }
0x198: {  	v60 =	vperm.xlane v31, v0;
	v41 =	vadd.f32 v13, v19;
	v57 =	vadd.f32 v25, v27  }
0x199: {  	v44 =	vmul.f32 v27, v27;
	v35 =	vadd.f32 v56, v54;
	v28 =	vadd.f32 v28, v40  }
0x19a: {  	v45 =	vmul.f32 v13, v13;
	v31 =	vadd.f32 v31, v60;
	v32 =	vadd.f32 v50, v57  }
0x19b: {  	v42 =	vperm.xlane v34, v1;
	v30 =	vadd.f32 v30, v44;
	v38 =	vadd.f32 v41, v55  }
0x19c: {  	v62 =	vadd.f32 v45, v43;
	v43 =	vperm.xlane v33, v0;
	v58 =	vperm.xlane v28, v2  }
0x19d: {  	v34 =	vadd.f32 v42, v34;
	v46 =	vperm.xlane v31, v1;
	v61 =	vperm.xlane v32, v0  }
0x19e: {  	v29 =	vadd.f32 v29, v30;
	v63 =	vperm.xlane v38, v0;
	v33 =	vadd.f32 v43, v33  }
0x19f: {  	v59 =	vperm.xlane v34, v2;
	v28 =	vadd.f32 v28, v58;
	v31 =	vadd.f32 v31, v46  }
0x1a0: {  	v32 =	vadd.f32 v32, v61;
	v36 =	vadd.f32 v38, v63;
	v49 =	vperm.xlane v33, v1  }
0x1a1: {  	v34 =	vadd.f32 v59, v34;
	v30 =	vperm.xlane v28, v3;
	v51 =	vperm.xlane v31, v2  }
0x1a2: {  	v35 =	vadd.f32 v62, v35;
	v44 =	vperm.xlane v32, v1;
	v47 =	vperm.xlane v36, v1  }
0x1a3: {  	v33 =	vadd.f32 v49, v33;
	v42 =	vperm.xlane v34, v3;
	v28 =	vadd.f32 v28, v30  }
0x1a4: {  	v30 =	vperm.xlane v29, v0;
	v31 =	vadd.f32 v31, v51;
	v32 =	vadd.f32 v32, v44  }
0x1a5: {  	v36 =	vadd.f32 v36, v47;
	v56 =	vperm.xlane v33, v2;
	v34 =	vadd.f32 v42, v34  }
0x1a6: {  	v28 =	vmul.f32 $1.562500000e-02, v28;
	v29 =	vadd.f32 v30, v29;
	v30 =	vperm.xlane v35, v0  }
0x1a7: {  	v60 =	vperm.xlane v31, v3;
	v38 =	vperm.xlane v32, v2  }
0x1a8: {  	v52 =	vperm.xlane v36, v2;
	v33 =	vadd.f32 v56, v33;
	v34 =	vmul.f32 $1.562500000e-02, v34  }
0x1a9: {  	v45 =	vmul.f32 v28, v28;
	v30 =	vadd.f32 v30, v35;
	v31 =	vadd.f32 v31, v60  }
0x1aa: {  	v48 =	vperm.xlane v29, v1;
	v32 =	vadd.f32 v32, v38;
	v36 =	vadd.f32 v36, v52  }
0x1ab: {  	v63 =	vperm.xlane v33, v3;
	v34 =	vsub.f32 v34, v45;
	v50 =	vperm.xlane v30, v1  }
0x1ac: {  	v29 =	vadd.f32 v48, v29;
	v31 =	vmul.f32 $1.562500000e-02, v31;
	v58 =	vperm.xlane v32, v3  }
0x1ad: {  	v61 =	vperm.xlane v36, v3;
	v33 =	vadd.f32 v63, v33;
	v30 =	vadd.f32 v50, v30  }
0x1ae: {  	v34 =	vmax.f32 v34, $0.0e+00;
	v54 =	vperm.xlane v29, v2;
	v44 =	vmul.f32 v31, v31  }
0x1af: {  	v34 =	vadd.f32 $9.999999960e-13, v34;
	v32 =	vadd.f32 v32, v58;
	v59 =	vperm.xlane v30, v2  }
0x1b0: {  	v36 =	vadd.f32 v36, v61;
	v33 =	vmul.f32 $1.562500000e-02, v33;
	v29 =	vadd.f32 v54, v29  }
0x1b1: {  	v53 =	vshra.s32 v34, $0x1;
	v34 =	vmul.f32 $5.000000000e-01, v34;
	v30 =	vadd.f32 v59, v30  }
0x1b2: {  	v32 =	vmul.f32 $1.562500000e-02, v32;
	v62 =	vperm.xlane v29, v3  }
0x1b3: {  	v36 =	vmul.f32 $1.562500000e-02, v36;
	v42 =	vperm.xlane v30, v3  }
0x1b4: {  	v33 =	vsub.f32 v33, v44;
	v55 =	vsub.s32 $0x5F3759DF, v53;
	v29 =	vadd.f32 v62, v29  }
0x1b5: {  	v57 =	vmul.f32 v55, v34;
	v43 =	vmul.f32 v32, v32;
	v30 =	vadd.f32 v42, v30  }
0x1b6: {  	v45 =	vmul.f32 v36, v36;
	v29 =	vmul.f32 $1.562500000e-02, v29  }
0x1b7: {  	v33 =	vmax.f32 v33, $0.0e+00;
	v37 =	vmul.f32 v55, v57;
	v30 =	vmul.f32 $1.562500000e-02, v30  }
0x1b8: {  	v33 =	vadd.f32 $9.999999960e-13, v33;
	v29 =	vsub.f32 v29, v43  }
0x1b9: {  	v37 =	vsub.f32 $1.500000000e+00, v37;
	v30 =	vsub.f32 v30, v45  }
0x1ba: {  	v47 =	vshra.s32 v33, $0x1;
	v29 =	vmax.f32 v29, $0.0e+00  }
0x1bb: {  	v35 =	vmul.f32 v55, v37;
	v29 =	vadd.f32 $9.999999960e-13, v29;
	v30 =	vmax.f32 v30, $0.0e+00  }
0x1bc: {  	v33 =	vmul.f32 $5.000000000e-01, v33;
	v38 =	vsub.s32 $0x5F3759DF, v47;
	v30 =	vadd.f32 $9.999999960e-13, v30  }
0x1bd: {  	v34 =	vmul.f32 v35, v34;
	v46 =	vshra.s32 v29, $0x1;
	v29 =	vmul.f32 $5.000000000e-01, v29  }
0x1be: {  	v37 =	vsub.s32 $0x5F3759DF, v46;
	v48 =	vshra.s32 v30, $0x1;
	v30 =	vmul.f32 $5.000000000e-01, v30  }
0x1bf: {  	v34 =	vmul.f32 v34, v35;
	v49 =	vmul.f32 v37, v29;
	v39 =	vsub.s32 $0x5F3759DF, v48  }
0x1c0: {  	v50 =	vmul.f32 v38, v33;
	v51 =	vmul.f32 v39, v30  }
0x1c1: {  	v34 =	vsub.f32 $1.500000000e+00, v34;
	v40 =	vmul.f32 v37, v49  }
0x1c2: {  	v26 =	vsub.f32 v26, v28;
	v41 =	vmul.f32 v38, v50;
	v42 =	vmul.f32 v39, v51  }
0x1c3: {  	v16 =	vsub.f32 v16, v28;
	v34 =	vmul.f32 v34, v35;
	v52 =	vsub.f32 $1.500000000e+00, v40  }
0x1c4: {  	v53 =	vsub.f32 $1.500000000e+00, v41;
	v54 =	vsub.f32 $1.500000000e+00, v42  }
0x1c5: {  	v14 =	vsub.f32 v14, v28;
	v26 =	vmul.f32 v34, v26;
	v35 =	vmul.f32 v37, v52  }
0x1c6: {  	v28 =	vsub.f32 v12, v28;
	v55 =	vmul.f32 v38, v53;
	v56 =	vmul.f32 v39, v54  }
0x1c7: {  	v22 =	vsub.f32 v22, v31;
	v57 =	vmul.f32 v26, v7;
	v26 =	vmul.f32 v35, v29  }
0x1c8: {  	v58 =	vsub.f32 v21, v31;
	v29 =	vmul.f32 v55, v33;
	v30 =	vmul.f32 v56, v30  }
0x1c9: {  	v27 =	vsub.f32 v27, v32;
	v25 =	vsub.f32 v25, v32;
	v21 =	vmul.f32 v26, v35  }
0x1ca: {  	v24 =	vsub.f32 v24, v32;
	v26 =	vmul.f32 v29, v55;
	v29 =	vmul.f32 v30, v56  }
0x1cb: {  	s30 =	simm.s32 $0x6F00;
	v41 =	vmul.f32 v34, v16;
	v42 =	vmul.f32 v34, v14;
	v21 =	vsub.f32 $1.500000000e+00, v21  }
0x1cc: {  	v12 =	vld [tilespmem:s30+$0x80];
	v16 =	vmul.f32 v34, v28;
	v26 =	vsub.f32 $1.500000000e+00, v26;
	v29 =	vsub.f32 $1.500000000e+00, v29  }
0x1cd: {  	v60 =	vsub.f32 v13, v36;
	v13 =	vld [tilespmem:s30+$0xFFFFFF90];
	v42 =	vmul.f32 v42, v5;
	v28 =	vmul.f32 v21, v35  }
0x1ce: {  	v23 =	vsub.f32 v23, v32;
	v14 =	vld [tilespmem:s30+$0x90];
	v26 =	vmul.f32 v26, v55;
	v59 =	vmul.f32 v29, v56  }
0x1cf: {  	v30 =	vsub.f32 v15, v31;
	v15 =	vld [tilespmem:s30+$0xA0];
	v37 =	vmul.f32 v28, v27;
	v43 =	vmul.f32 v28, v25  }
0x1d0: {  	v18 =	vsub.f32 v18, v31;
	v44 =	vmul.f32 v28, v24;
	v45 =	vmul.f32 v28, v23  }
0x1d1: {  	v17 =	vsub.f32 v17, v36;
	v46 =	vmul.f32 v26, v22;
	v40 =	vmul.f32 v26, v58  }
0x1d2: {  	v20 =	vsub.f32 v20, v36;
	v21 =	vld [tilespmem:s30+$0xB0];
	v39 =	vmul.f32 v26, v30;
	v38 =	vmul.f32 v26, v18  }
0x1d3: {  	v19 =	vsub.f32 v19, v36;
	v29 =	vld [tilespmem:s30+$0xFFFFFF20];
	v25 =	vmul.f32 v12, v12;
	v28 =	vmul.f32 v14, v14  }
0x1d4: {  	v36 =	vadd.f32 v42, v9;
	v27 =	vld [tilespmem:s30+$0xFFFFFF30];
	v58 =	vmul.f32 v13, v13;
	v61 =	vmul.f32 v15, v15  }
0x1d5: {  	v22 =	vadd.f32 v14, v12;
	v18 =	vld [tilespmem:s30+$0xFFFFFF80];
	v35 =	vmul.f32 v59, v17;
	v30 =	vmul.f32 v59, v20  }
0x1d6: {  	v24 =	vld [tilespmem:s30+$0xFFFFFFA0];
	v25 =	vadd.f32 v28, v25;
	v37 =	vmul.f32 v37, v4;
	v43 =	vmul.f32 v43, v5  }
0x1d7: {  	v26 =	vld [tilespmem:s30+$0xFFFFFFB0];
	v17 =	vadd.f32 v57, v11;
	v42 =	vmul.f32 v44, v6;
	v23 =	vadd.f32 v21, v15  }
0x1d8: {  	v51 =	vld [tilespmem:s30+$0xFFFFFF00];
	v47 =	vmul.f32 v21, v21;
	v37 =	vadd.f32 v37, v8;
	v43 =	vadd.f32 v43, v9  }
0x1d9: {  	v31 =	vld [tilespmem:s30+$0xFFFFFF10];
	v20 =	vmul.f32 v59, v19;
	v42 =	vadd.f32 v42, v10;
	v48 =	vadd.f32 v23, v22  }
0x1da: {  	v28 =	vadd.f32 v47, v61;
	v22 =	vmul.f32 v59, v60;
	v62 =	vmul.f32 v29, v29  }
0x1db: {  	v57 =	vmul.f32 v27, v27;
	v47 =	vadd.f32 v27, v29;
	v49 =	vmul.f32 v18, v18  }
0x1dc: {  	v19 =	vld [tilespmem:s30+$0x10];
	v50 =	vadd.f32 v13, v18;
	v59 =	vmul.f32 v24, v24;
	v54 =	vadd.f32 v26, v24  }
0x1dd: {  	v23 =	vld [tilespmem:s30+$0x0];
	v60 =	vmul.f32 v26, v26;
	v63 =	vadd.f32 v28, v25;
	v53 =	vadd.f32 v57, v62  }
0x1de: {  	v28 =	vperm.xlane v48, v0;
	v25 =	vld [tilespmem:s30+$0x20];
	v49 =	vadd.f32 v58, v49;
	v62 =	vadd.f32 v31, v51  }
0x1df: {  	v50 =	vadd.f32 v54, v50;
	v56 =	vadd.f32 v60, v59;
	v57 =	vmul.f32 v41, v4  }
0x1e0: {  	v48 =	vadd.f32 v48, v28;
	v52 =	vperm.xlane v63, v0;
	v28 =	vld [tilespmem:s30+$0x30];
	v47 =	vadd.f32 v47, v62  }
0x1e1: {  	v32 =	vmul.f32 v31, v31;
	v33 =	vadd.f32 v57, v8;
	v49 =	vadd.f32 v56, v49  }
0x1e2: {  	v55 =	vperm.xlane v48, v1;
	v34 =	vadd.f32 v52, v63;
	v63 =	vmul.f32 v51, v51  }
0x1e3: {  	v60 =	vmul.f32 v23, v23;
	v52 =	vadd.f32 v19, v23;
	v62 =	vmul.f32 v25, v25  }
0x1e4: {  	v48 =	vadd.f32 v48, v55;
	v61 =	vperm.xlane v34, v1;
	v55 =	vadd.f32 v32, v63  }
0x1e5: {  	v32 =	vmul.f32 v46, v4;
	v58 =	vadd.f32 v28, v25;
	v63 =	vmul.f32 v28, v28  }
0x1e6: {  	v41 =	vadd.f32 v61, v34;
	v59 =	vperm.xlane v48, v2;
	v61 =	vmul.f32 v19, v19  }
0x1e7: {  	v34 =	vmul.f32 v45, v7;
	v45 =	vadd.f32 v53, v55;
	v32 =	vadd.f32 v32, v8  }
0x1e8: {  	v52 =	vadd.f32 v58, v52;
	v48 =	vadd.f32 v48, v59;
	v59 =	vperm.xlane v41, v2  }
0x1e9: {  	v58 =	vadd.f32 v63, v62;
	v57 =	vadd.f32 v61, v60;
	v60 =	vperm.xlane v47, v0  }
0x1ea: {  	v61 =	vperm.xlane v50, v0;
	v41 =	vadd.f32 v59, v41;
	v62 =	vperm.xlane v48, v3  }
0x1eb: {  	v44 =	vadd.f32 v58, v57;
	v46 =	vadd.f32 v47, v60;
	v57 =	vperm.xlane v52, v0  }
0x1ec: {  	v58 =	vperm.xlane v45, v0;
	v50 =	vadd.f32 v50, v61;
	v59 =	vperm.xlane v49, v0  }
0x1ed: {  	v63 =	vperm.xlane v41, v3;
	v48 =	vadd.f32 v48, v62;
	v52 =	vadd.f32 v52, v57  }
0x1ee: {  	v60 =	vperm.xlane v46, v1;
	v45 =	vadd.f32 v58, v45;
	v61 =	vperm.xlane v44, v0  }
0x1ef: {  	v49 =	vadd.f32 v59, v49;
	v47 =	vadd.f32 v63, v41;
	v41 =	vmul.f32 $1.562500000e-02, v48  }
0x1f0: {  	v63 =	vperm.xlane v50, v1;
	v44 =	vadd.f32 v61, v44;
	v57 =	vperm.xlane v52, v1  }
0x1f1: {  	v46 =	vadd.f32 v46, v60;
	v58 =	vperm.xlane v45, v1;
	v59 =	vperm.xlane v49, v1  }
0x1f2: {  	v47 =	vmul.f32 $1.562500000e-02, v47;
	v50 =	vadd.f32 v50, v63;
	v52 =	vadd.f32 v52, v57  }
0x1f3: {  	v62 =	vmul.f32 v41, v41;
	v45 =	vadd.f32 v58, v45;
	v49 =	vadd.f32 v59, v49  }
0x1f4: {  	v61 =	vperm.xlane v44, v1;
	v21 =	vsub.f32 v21, v41;
	v12 =	vsub.f32 v12, v41  }
0x1f5: {  	v60 =	vperm.xlane v46, v2;
	v14 =	vsub.f32 v14, v41;
	v47 =	vsub.f32 v47, v62  }
0x1f6: {  	v62 =	vperm.xlane v50, v2;
	v63 =	vperm.xlane v52, v2;
	v44 =	vadd.f32 v61, v44  }
0x1f7: {  	v46 =	vadd.f32 v46, v60;
	v58 =	vperm.xlane v45, v2;
	v59 =	vperm.xlane v49, v2  }
0x1f8: {  	v47 =	vmax.f32 v47, $0.0e+00;
	v48 =	vadd.f32 v50, v62;
	v52 =	vadd.f32 v52, v63  }
0x1f9: {  	v60 =	vperm.xlane v46, v3;
	v45 =	vadd.f32 v58, v45;
	v62 =	vperm.xlane v44, v2  }
0x1fa: {  	v40 =	vmul.f32 v40, v5;
	v49 =	vadd.f32 v59, v49;
	v47 =	vadd.f32 $9.999999960e-13, v47  }
0x1fb: {  	v46 =	vadd.f32 v46, v60;
	v63 =	vperm.xlane v48, v3;
	v44 =	vadd.f32 v62, v44  }
0x1fc: {  	v58 =	vperm.xlane v45, v3;
	v57 =	vshra.s32 v47, $0x1;
	v47 =	vmul.f32 $5.000000000e-01, v47  }
0x1fd: {  	v59 =	vperm.xlane v49, v3;
	v50 =	vsub.s32 $0x5F3759DF, v57;
	v57 =	vperm.xlane v52, v3  }
0x1fe: {  	v48 =	vadd.f32 v48, v63;
	v45 =	vadd.f32 v58, v45;
	v61 =	vmul.f32 v50, v47  }
0x1ff: {  	v60 =	vperm.xlane v44, v3;
	v46 =	vmul.f32 $1.562500000e-02, v46;
	v49 =	vadd.f32 v59, v49  }
0x200: {  	v52 =	vadd.f32 v52, v57;
	v48 =	vmul.f32 $1.562500000e-02, v48;
	v55 =	vmul.f32 v50, v61  }
0x201: {  	v45 =	vmul.f32 $1.562500000e-02, v45;
	v44 =	vadd.f32 v60, v44;
	v49 =	vmul.f32 $1.562500000e-02, v49  }
0x202: {  	v61 =	vmul.f32 v46, v46;
	v52 =	vmul.f32 $1.562500000e-02, v52;
	v55 =	vsub.f32 $1.500000000e+00, v55  }
0x203: {  	v54 =	vsub.f32 v31, v46;
	v31 =	vmul.f32 v48, v48;
	v44 =	vmul.f32 $1.562500000e-02, v44  }
0x204: {  	v15 =	vsub.f32 v15, v41;
	v62 =	vmul.f32 v52, v52;
	v50 =	vmul.f32 v50, v55  }
0x205: {  	v39 =	vmul.f32 v39, v6;
	v45 =	vsub.f32 v45, v61;
	v31 =	vsub.f32 v49, v31  }
0x206: {  	v49 =	vsub.f32 v29, v46;
	v29 =	vsub.f32 v44, v62;
	v47 =	vmul.f32 v50, v47  }
0x207: {  	v38 =	vmul.f32 v38, v7;
	v51 =	vsub.f32 v51, v46;
	v46 =	vsub.f32 v27, v46  }
0x208: {  	v45 =	vmax.f32 v45, $0.0e+00;
	v29 =	vmax.f32 v29, $0.0e+00;
	v47 =	vmul.f32 v47, v50  }
0x209: {  	v31 =	vmax.f32 v31, $0.0e+00;
	v45 =	vadd.f32 $9.999999960e-13, v45;
	v27 =	vadd.f32 $9.999999960e-13, v29  }
0x20a: {  	v35 =	vmul.f32 v35, v4;
	v31 =	vadd.f32 $9.999999960e-13, v31;
	v47 =	vsub.f32 $1.500000000e+00, v47  }
0x20b: {  	v29 =	vshra.s32 v45, $0x1;
	v45 =	vmul.f32 $5.000000000e-01, v45;
	v61 =	vmul.f32 $5.000000000e-01, v27  }
0x20c: {  	v63 =	vsub.s32 $0x5F3759DF, v29;
	v44 =	vmul.f32 v47, v50;
	v47 =	vmul.f32 v30, v5  }
0x20d: {  	v30 =	vshra.s32 v31, $0x1;
	v50 =	vmul.f32 $5.000000000e-01, v31;
	v31 =	vshra.s32 v27, $0x1  }
0x20e: {  	v27 =	vmul.f32 v63, v45;
	v60 =	vsub.s32 $0x5F3759DF, v30;
	v62 =	vsub.s32 $0x5F3759DF, v31  }
0x20f: {  	v58 =	vsub.f32 v18, v48;
	v29 =	vmul.f32 v60, v50;
	v18 =	vmul.f32 v62, v61  }
0x210: {  	v59 =	vsub.f32 v13, v48;
	v13 =	vmul.f32 v20, v6;
	v20 =	vmul.f32 v63, v27  }
0x211: {  	v24 =	vsub.f32 v24, v48;
	v31 =	vmul.f32 v60, v29;
	v18 =	vmul.f32 v62, v18  }
0x212: {  	v21 =	vmul.f32 v44, v21;
	v27 =	vmul.f32 v22, v7;
	v20 =	vsub.f32 $1.500000000e+00, v20  }
0x213: {  	v29 =	vmul.f32 v16, v6;
	v16 =	vsub.f32 $1.500000000e+00, v31;
	v18 =	vsub.f32 $1.500000000e+00, v18  }
0x214: {  	v30 =	vsub.f32 v23, v52;
	v23 =	vmul.f32 v44, v12;
	v20 =	vmul.f32 v63, v20  }
0x215: {  	[tilespmem:s26+$0x90] =	vst v36;
	v26 =	vsub.f32 v26, v48;
	v16 =	vmul.f32 v60, v16;
	v18 =	vmul.f32 v62, v18  }
0x216: {  	[tilespmem:s26+$0xB0] =	vst v17;
	v25 =	vsub.f32 v25, v52;
	v21 =	vmul.f32 v21, v7;
	v17 =	vmul.f32 v20, v45  }
0x217: {  	[tilespmem:s26+$0xFFFFFF00] =	vst v37;
	v31 =	vsub.f32 v19, v52;
	v19 =	vmul.f32 v16, v50;
	v22 =	vmul.f32 v18, v61  }
0x218: {  	[tilespmem:s26+$0xFFFFFF10] =	vst v43;
	v28 =	vsub.f32 v28, v52;
	v14 =	vmul.f32 v44, v14;
	v17 =	vmul.f32 v17, v20  }
0x219: {  	[tilespmem:s26+$0xFFFFFF20] =	vst v42;
	v21 =	vadd.f32 v21, v11;
	v19 =	vmul.f32 v19, v16;
	v22 =	vmul.f32 v22, v18  }
0x21a: {  	[tilespmem:s26+$0x80] =	vst v33;
	v12 =	vmul.f32 v44, v15;
	v63 =	vadd.f32 v34, v11;
	v17 =	vsub.f32 $1.500000000e+00, v17  }
0x21b: {  	[tilespmem:s26+$0xFFFFFF80] =	vst v32;
	v23 =	vmul.f32 v23, v4;
	v15 =	vsub.f32 $1.500000000e+00, v19;
	v19 =	vsub.f32 $1.500000000e+00, v22  }
0x21c: {  	[tilespmem:s30+$0xB0] =	vst v21;
	v20 =	vmul.f32 v17, v20;
	v22 =	vmul.f32 v14, v5;
	v14 =	vadd.f32 v40, v9  }
0x21d: {  	[tilespmem:s26+$0xFFFFFF30] =	vst v63;
	v17 =	vmul.f32 v15, v16;
	v19 =	vmul.f32 v19, v18;
	v15 =	vadd.f32 v39, v10  }
0x21e: {  	v34 =	vmul.f32 v20, v51;
	v33 =	vmul.f32 v20, v54;
	[tilespmem:s26+$0xFFFFFF90] =	vst v14;
	v14 =	vadd.f32 v38, v11  }
0x21f: {  	v32 =	vmul.f32 v20, v49;
	v21 =	vmul.f32 v20, v46;
	v18 =	vadd.f32 v35, v8;
	[tilespmem:s26+$0xFFFFFFA0] =	vst v15  }
0x220: {  	s18 =	simm.s32 $0x7100;
	s2 =	simm.s32 $0x4;
	s19 =	sor.u32 $0x1, s23;
	v20 =	vmul.f32 v17, v58;
	v16 =	vmul.f32 v17, v59;
	[tilespmem:s26+$0xFFFFFFB0] =	vst v14;
	v15 =	vadd.f32 v47, v9  }
.LBB2_5:
0x221: {  	v14 =	vld [tilespmem:s18+$0x80];
	v37 =	vmul.f32 v17, v24;
	v26 =	vmul.f32 v17, v26;
	[tilespmem:s26+$0x0] =	vst v18;
	v13 =	vadd.f32 v13, v10  }
0x222: {  	v30 =	vmul.f32 v19, v30;
	v31 =	vmul.f32 v19, v31;
	v17 =	vld [tilespmem:s18+$0x90];
	[tilespmem:s26+$0x10] =	vst v15;
	v15 =	vadd.f32 v27, v11  }
0x223: {  	v38 =	vmul.f32 v19, v25;
	v27 =	vmul.f32 v19, v28;
	v19 =	vadd.f32 v23, v8;
	v18 =	vld [tilespmem:s18+$0xA0];
	[tilespmem:s26+$0x20] =	vst v13  }
0x224: {  	v25 =	vmul.f32 v33, v5;
	v28 =	vadd.f32 v22, v9;
	v13 =	vmul.f32 v34, v4;
	v24 =	vld [tilespmem:s18+$0xB0];
	[tilespmem:s26+$0x30] =	vst v15  }
0x225: {  	s2 =	sadd.s32 $0x4, s2;
	v33 =	vmul.f32 v32, v6;
	v22 =	vmul.f32 v21, v7;
	v15 =	vadd.f32 v29, v10;
	v36 =	vld [tilespmem:s18+$0xFFFFFF10];
	[tilespmem:s30+$0x80] =	vst v19  }
0x226: {  	p2 =	slt.u32 s2, $0xC4;
	v23 =	vmul.f32 v20, v4;
	v13 =	vadd.f32 v13, v8;
	v19 =	vmul.f32 v16, v5;
	v35 =	vld [tilespmem:s18+$0xFFFFFF20];
	[tilespmem:s30+$0x90] =	vst v28  }
0x227: {  	v21 =	vmul.f32 v37, v6;
	v16 =	vmul.f32 v26, v7;
	v28 =	vadd.f32 v25, v9;
	v32 =	vld [tilespmem:s18+$0xFFFFFF30];
	[tilespmem:s26+$0xA0] =	vst v15;
	s26 =	smov.u32 s30;
	s30 =	smov.u32 s18  }
0x228: {  	v20 =	vmul.f32 v30, v4;
	v34 =	vadd.f32 v17, v14;
	v15 =	vmul.f32 v31, v5;
	v25 =	vld [tilespmem:s18+$0xFFFFFF80];
	[tilespmem:s26+$0xFFFFFF00] =	vst v13  }
0x229: {  	v31 =	vmul.f32 v14, v14;
	v37 =	vmul.f32 v17, v17;
	v26 =	vld [tilespmem:s18+$0xFFFFFF90];
	v13 =	vadd.f32 v24, v18;
	[tilespmem:s26+$0xFFFFFF10] =	vst v28  }
0x22a: {  	v33 =	vadd.f32 v33, v10;
	v39 =	vmul.f32 v18, v18;
	v40 =	vmul.f32 v24, v24;
	v28 =	vld [tilespmem:s18+$0xFFFFFFA0]  }
0x22b: {  	v41 =	vmul.f32 v36, v36;
	v42 =	vmul.f32 v35, v35;
	v29 =	vld [tilespmem:s18+$0xFFFFFFB0];
	v43 =	vadd.f32 v13, v34  }
0x22c: {  	v37 =	vadd.f32 v37, v31;
	v39 =	vadd.f32 v40, v39;
	v34 =	vmul.f32 v32, v32;
	v30 =	vld [tilespmem:s18+$0x0];
	[tilespmem:s26+$0xFFFFFF20] =	vst v33  }
0x22d: {  	v13 =	vmul.f32 v38, v6;
	v40 =	vadd.f32 v32, v35;
	v44 =	vmul.f32 v25, v25;
	v31 =	vld [tilespmem:s18+$0x10]  }
0x22e: {  	v37 =	vadd.f32 v39, v37;
	v39 =	vperm.xlane v43, v0;
	v45 =	vadd.f32 v26, v25;
	v33 =	vld [tilespmem:s18+$0x20]  }
0x22f: {  	v42 =	vadd.f32 v34, v42;
	v46 =	vmul.f32 v26, v26;
	v47 =	vmul.f32 v28, v28;
	v34 =	vld [tilespmem:s18+$0x30]  }
0x230: {  	v39 =	vadd.f32 v43, v39;
	v43 =	vperm.xlane v37, v0;
	v38 =	vld [tilespmem:s18+$0xFFFFFF00];
	v48 =	vadd.f32 v29, v28  }
0x231: {  	v44 =	vadd.f32 v46, v44;
	v46 =	vmul.f32 v29, v29;
	v49 =	vmul.f32 v30, v30  }
0x232: {  	v51 =	vperm.xlane v39, v1;
	v37 =	vadd.f32 v43, v37;
	v50 =	vadd.f32 v31, v30  }
0x233: {  	v43 =	vadd.f32 v48, v45;
	v45 =	vmul.f32 v31, v31;
	v48 =	vmul.f32 v33, v33  }
0x234: {  	v39 =	vadd.f32 v39, v51;
	v51 =	vperm.xlane v37, v1;
	v52 =	vadd.f32 v34, v33  }
0x235: {  	v55 =	vmul.f32 v34, v34;
	v53 =	vadd.f32 v36, v38;
	v54 =	vmul.f32 v38, v38  }
0x236: {  	v46 =	vadd.f32 v46, v47;
	v47 =	vperm.xlane v39, v2;
	v37 =	vadd.f32 v51, v37  }
0x237: {  	v51 =	vperm.xlane v43, v0;
	v40 =	vadd.f32 v40, v53;
	v41 =	vadd.f32 v41, v54  }
0x238: {  	v50 =	vadd.f32 v52, v50;
	v39 =	vadd.f32 v39, v47;
	v47 =	vperm.xlane v37, v2  }
0x239: {  	v45 =	vadd.f32 v45, v49;
	v48 =	vadd.f32 v55, v48;
	v52 =	vperm.xlane v40, v0  }
0x23a: {  	v41 =	vadd.f32 v42, v41;
	v42 =	vperm.xlane v39, v3;
	v47 =	vadd.f32 v47, v37  }
0x23b: {  	v44 =	vadd.f32 v46, v44;
	v45 =	vadd.f32 v48, v45;
	v37 =	vperm.xlane v50, v0  }
0x23c: {  	v40 =	vadd.f32 v40, v52;
	v39 =	vadd.f32 v39, v42;
	v42 =	vperm.xlane v47, v3  }
0x23d: {  	v43 =	vadd.f32 v43, v51;
	v48 =	vperm.xlane v44, v0;
	v46 =	vperm.xlane v41, v0  }
0x23e: {  	v49 =	vadd.f32 v50, v37;
	v37 =	vmul.f32 $1.562500000e-02, v39;
	v39 =	vadd.f32 v42, v47  }
0x23f: {  	v42 =	vperm.xlane v40, v1;
	v41 =	vadd.f32 v46, v41;
	v46 =	vperm.xlane v45, v0  }
0x240: {  	v44 =	vadd.f32 v48, v44;
	v39 =	vmul.f32 $1.562500000e-02, v39;
	v47 =	vmul.f32 v37, v37  }
0x241: {  	v48 =	vperm.xlane v43, v1;
	v50 =	vperm.xlane v49, v1;
	v45 =	vadd.f32 v46, v45  }
0x242: {  	v40 =	vadd.f32 v40, v42;
	v42 =	vperm.xlane v41, v1;
	v39 =	vsub.f32 v39, v47  }
0x243: {  	v43 =	vadd.f32 v43, v48;
	v46 =	vperm.xlane v44, v1;
	v47 =	vadd.f32 v49, v50  }
0x244: {  	v48 =	vperm.xlane v40, v2;
	v49 =	vperm.xlane v45, v1;
	v39 =	vmax.f32 v39, $0.0e+00  }
0x245: {  	v41 =	vadd.f32 v42, v41;
	v42 =	vperm.xlane v43, v2;
	v39 =	vadd.f32 $9.999999960e-13, v39  }
0x246: {  	v44 =	vadd.f32 v46, v44;
	v46 =	vperm.xlane v47, v2;
	v45 =	vadd.f32 v49, v45  }
0x247: {  	v40 =	vadd.f32 v40, v48;
	v48 =	vshra.s32 v39, $0x1;
	v39 =	vmul.f32 $5.000000000e-01, v39  }
0x248: {  	v49 =	vperm.xlane v41, v2;
	v42 =	vadd.f32 v43, v42;
	v43 =	vsub.s32 $0x5F3759DF, v48  }
0x249: {  	v46 =	vadd.f32 v47, v46;
	v48 =	vperm.xlane v44, v2;
	v47 =	vmul.f32 v43, v39  }
0x24a: {  	v50 =	vperm.xlane v40, v3;
	v41 =	vadd.f32 v49, v41;
	v49 =	vperm.xlane v45, v2  }
0x24b: {  	v51 =	vperm.xlane v42, v3;
	v44 =	vadd.f32 v48, v44;
	v47 =	vmul.f32 v43, v47  }
0x24c: {  	v40 =	vadd.f32 v40, v50;
	v45 =	vadd.f32 v49, v45;
	v48 =	vperm.xlane v46, v3  }
0x24d: {  	v49 =	vperm.xlane v41, v3;
	v42 =	vadd.f32 v42, v51;
	v47 =	vsub.f32 $1.500000000e+00, v47  }
0x24e: {  	v50 =	vperm.xlane v44, v3;
	v46 =	vadd.f32 v46, v48;
	v48 =	vperm.xlane v45, v3  }
0x24f: {  	v40 =	vmul.f32 $1.562500000e-02, v40;
	v41 =	vadd.f32 v49, v41;
	v43 =	vmul.f32 v43, v47  }
0x250: {  	v42 =	vmul.f32 $1.562500000e-02, v42;
	v44 =	vadd.f32 v50, v44;
	v46 =	vmul.f32 $1.562500000e-02, v46  }
0x251: {  	v41 =	vmul.f32 $1.562500000e-02, v41;
	v45 =	vadd.f32 v48, v45;
	v39 =	vmul.f32 v43, v39  }
0x252: {  	v38 =	vsub.f32 v38, v40;
	v47 =	vmul.f32 v40, v40;
	v44 =	vmul.f32 $1.562500000e-02, v44  }
0x253: {  	v36 =	vsub.f32 v36, v40;
	v48 =	vmul.f32 v42, v42;
	v39 =	vmul.f32 v39, v43  }
0x254: {  	v45 =	vmul.f32 $1.562500000e-02, v45;
	v41 =	vsub.f32 v41, v47;
	v47 =	vmul.f32 v46, v46  }
0x255: {  	v27 =	vmul.f32 v27, v7;
	v44 =	vsub.f32 v44, v48;
	v39 =	vsub.f32 $1.500000000e+00, v39  }
0x256: {  	v35 =	vsub.f32 v35, v40;
	v41 =	vmax.f32 v41, $0.0e+00;
	v45 =	vsub.f32 v45, v47  }
0x257: {  	v24 =	vsub.f32 v24, v37;
	v44 =	vmax.f32 v44, $0.0e+00;
	v39 =	vmul.f32 v39, v43  }
0x258: {  	v41 =	vadd.f32 $9.999999960e-13, v41;
	v43 =	vadd.f32 $9.999999960e-13, v44;
	v44 =	vmax.f32 v45, $0.0e+00  }
0x259: {  	v40 =	vsub.f32 v32, v40;
	v32 =	vadd.f32 $9.999999960e-13, v44;
	v24 =	vmul.f32 v39, v24  }
0x25a: {  	v44 =	vshra.s32 v41, $0x1;
	v41 =	vmul.f32 $5.000000000e-01, v41;
	v45 =	vshra.s32 v43, $0x1  }
0x25b: {  	v43 =	vmul.f32 $5.000000000e-01, v43;
	v47 =	vshra.s32 v32, $0x1;
	v24 =	vmul.f32 v24, v7  }
0x25c: {  	v44 =	vsub.s32 $0x5F3759DF, v44;
	v45 =	vsub.s32 $0x5F3759DF, v45;
	v32 =	vmul.f32 $5.000000000e-01, v32  }
0x25d: {  	v48 =	vmul.f32 v44, v41;
	v47 =	vsub.s32 $0x5F3759DF, v47;
	v49 =	vadd.f32 v24, v11  }
0x25e: {  	v51 =	vsub.f32 v25, v42;
	v50 =	vmul.f32 v45, v43;
	v25 =	vmul.f32 v47, v32  }
0x25f: {  	v52 =	vsub.f32 v26, v42;
	v48 =	vmul.f32 v44, v48;
	v24 =	vsub.f32 v28, v42;
	[tilespmem:s18+$0xB0] =	vst v49  }
0x260: {  	v26 =	vsub.f32 v29, v42;
	v28 =	vmul.f32 v45, v50;
	v25 =	vmul.f32 v47, v25  }
0x261: {  	v29 =	vmul.f32 v12, v6;
	v30 =	vsub.f32 v30, v46;
	v42 =	vsub.f32 $1.500000000e+00, v48  }
0x262: {  	v12 =	vsub.f32 $1.500000000e+00, v28;
	v28 =	vsub.f32 $1.500000000e+00, v25  }
0x263: {  	v31 =	vsub.f32 v31, v46;
	v42 =	vmul.f32 v44, v42;
	v25 =	vsub.f32 v33, v46  }
0x264: {  	v33 =	vmul.f32 v45, v12;
	v44 =	vmul.f32 v47, v28;
	v28 =	vsub.f32 v34, v46  }
0x265: {  	v14 =	vsub.f32 v14, v37;
	v17 =	vsub.f32 v17, v37;
	v12 =	vmul.f32 v42, v41  }
0x266: {  	v18 =	vsub.f32 v18, v37;
	v34 =	vmul.f32 v33, v43;
	v32 =	vmul.f32 v44, v32  }
0x267: {  	v22 =	vadd.f32 v22, v11;
	v14 =	vmul.f32 v39, v14;
	v12 =	vmul.f32 v12, v42  }
0x268: {  	v37 =	vadd.f32 v23, v8;
	v34 =	vmul.f32 v34, v33;
	v32 =	vmul.f32 v32, v44  }
0x269: {  	v17 =	vmul.f32 v39, v17;
	v41 =	vsub.f32 $1.500000000e+00, v12;
	v12 =	vmul.f32 v39, v18;
	[tilespmem:s26+$0xFFFFFF30] =	vst v22  }
0x26a: {  	v23 =	vmul.f32 v14, v4;
	v18 =	vsub.f32 $1.500000000e+00, v34;
	v32 =	vsub.f32 $1.500000000e+00, v32;
	[tilespmem:s26+$0xFFFFFF80] =	vst v37  }
.Ltmp1:
0x26b: {  	v14 =	vmul.f32 v41, v42;
	v22 =	vmul.f32 v17, v5;
	v37 =	vadd.f32 v19, v9;
	(pc) =	sbr.rel @p2 .LBB2_5-.Ltmp1, $4  }
0x26c: {  	v17 =	vmul.f32 v18, v33;
	v18 =	vadd.f32 v21, v10;
	v19 =	vmul.f32 v32, v44  }
0x26d: {  	v34 =	vmul.f32 v14, v38;
	v33 =	vmul.f32 v14, v36;
	v36 =	vadd.f32 v16, v11;
	[tilespmem:s26+$0xFFFFFF90] =	vst v37  }
0x26e: {  	v21 =	vmul.f32 v14, v40;
	v32 =	vmul.f32 v14, v35;
	[tilespmem:s26+$0xFFFFFFA0] =	vst v18;
	v18 =	vadd.f32 v20, v8  }
0x26f: {  	v15 =	vadd.f32 v15, v9;
	s18 =	sadd.s32 $0x200, s18;
	v16 =	vmul.f32 v17, v52;
	v20 =	vmul.f32 v17, v51;
	[tilespmem:s26+$0xFFFFFFB0] =	vst v36  }
0x270: {  	[tilespmem:s26+$0x0] =	vst v18;
	v13 =	vadd.f32 v13, v10  }
0x271: {  	v14 =	vadd.f32 v27, v11;
	[tilespmem:s26+$0x10] =	vst v15  }
0x272: {  	v18 =	vadd.f32 v22, v9;
	v12 =	vmul.f32 v12, v6;
	[tilespmem:s26+$0x20] =	vst v13  }
0x273: {  	v15 =	vadd.f32 v23, v8;
	[tilespmem:s26+$0x30] =	vst v14  }
0x274: {  	v13 =	vmul.f32 v34, v4;
	[tilespmem:s30+$0x90] =	vst v18;
	v12 =	vadd.f32 v12, v10  }
0x275: {  	v14 =	vmul.f32 v33, v5;
	[tilespmem:s30+$0x80] =	vst v15;
	v15 =	vadd.f32 v29, v10  }
0x276: {  	v22 =	vmul.f32 v32, v6;
	v13 =	vadd.f32 v13, v8;
	[tilespmem:s30+$0xA0] =	vst v12  }
0x277: {  	v18 =	vmul.f32 v21, v7;
	v14 =	vadd.f32 v14, v9;
	[tilespmem:s26+$0xA0] =	vst v15  }
0x278: {  	v20 =	vmul.f32 v20, v4;
	v15 =	vmul.f32 v17, v24;
	[tilespmem:s30+$0xFFFFFF00] =	vst v13;
	v13 =	vadd.f32 v22, v10  }
0x279: {  	v16 =	vmul.f32 v16, v5;
	v17 =	vmul.f32 v17, v26;
	[tilespmem:s30+$0xFFFFFF10] =	vst v14;
	v14 =	vadd.f32 v18, v11  }
0x27a: {  	v18 =	vmul.f32 v19, v30;
	v15 =	vmul.f32 v15, v6;
	[tilespmem:s30+$0xFFFFFF20] =	vst v13;
	v13 =	vadd.f32 v20, v8  }
0x27b: {  	v17 =	vmul.f32 v17, v7;
	v20 =	vmul.f32 v19, v31;
	[tilespmem:s30+$0xFFFFFF30] =	vst v14;
	v14 =	vadd.f32 v16, v9  }
0x27c: {  	v16 =	vmul.f32 v19, v25;
	v18 =	vmul.f32 v18, v4;
	[tilespmem:s30+$0xFFFFFF80] =	vst v13;
	v13 =	vadd.f32 v15, v10  }
0x27d: {  	v15 =	vmul.f32 v19, v28;
	v19 =	vmul.f32 v20, v5;
	[tilespmem:s30+$0xFFFFFF90] =	vst v14;
	v14 =	vadd.f32 v17, v11  }
0x27e: {  	v16 =	vmul.f32 v16, v6;
	[tilespmem:s30+$0xFFFFFFA0] =	vst v13;
	v13 =	vadd.f32 v18, v8  }
0x27f: {  	v15 =	vmul.f32 v15, v7;
	[tilespmem:s30+$0xFFFFFFB0] =	vst v14;
	v14 =	vadd.f32 v19, v9  }
0x280: {  	s2 =	sadd.s32 s8, s19;
	[tilespmem:s30+$0x0] =	vst v13;
	v13 =	vadd.f32 v16, v10  }
0x281: {  	s2 =	smul.u32 $0xC80, s2;
	[tilespmem:s30+$0x10] =	vst v14;
	v14 =	vadd.f32 v15, v11  }
0x282: {  	[tilespmem:s30+$0x20] =	vst v13  }
0x283: {  	s2 =	sadd.s32 s10, s2;
	[tilespmem:s30+$0x30] =	vst v14  }
0x284: {  	[hbm4b:s2+s4] =	stream.linear.scatter [tilespmem:s0], [sflag:$0xE], $0x6400, $0x38;
	[tilespmem:$0x19F40] =	vst v63  }
0x285: {  	s2 =	sadd.s32 @!p1 $0x5, s23  }
0x286: {  	s18 =	sadd.s32 @!p1 s8, s2  }
0x287: {  	s2 =	sshll.u32 @!p1 s2, $0x4;
	s18 =	sshll.u32 @!p1 s18, $0x5  }
0x288: {  	s2 =	sand.u32 @!p1 $0x50, s2;
	s18 =	sand.u32 @!p1 $0x3FF00, s18  }
0x289: {  	s19 =	simm.s32 @!p1 $0x80;
	s2 =	sor.u32 @!p1 s2, s18  }
0x28a: {  	s26 =	simm.s32 @!p1 $0x400;
	s30 =	simm.s32 @!p1 $0x100;
	s18 =	sadd.s32 @!p1 s5, s2  }
0x28b: {  	[tilespmem:s30], [sflag:$0x2] =	stream.strided.gather @!p1 [hbm4b:s18+s19], $0x100, s26, s19, $0x38;
	[tilespmem:$0x19F40] =	vst v63  }
0x28c: {  	s2 =	sadd.s32 @!p1 s6, s2;
	s18 =	simm.s32 @!p1 $0x500  }
0x28d: {  	[tilespmem:s18], [sflag:$0x2] =	stream.strided.gather @!p1 [hbm4b:s2+s19], $0x100, s26, s19, $0x38;
	[tilespmem:$0x19F40] =	vst v63  }
0x28e: {  	s2 =	simm.s32 @!p1 $0xD  }
0x28f: {  	_ =	swait.ge @!p1 [sflag:s2], $0x6400  }
0x290: {  	[sflag:s2] =	ssyncset.done @!p1 $0x0  }
0x291: {  	[sflag:s2] =	ssyncadd.s32 @!p1 $0xFFFF9C00;
	s2 =	simm.s32 @!p1 $0x1  }
0x292: {  	_ =	swait.ge @!p1 [sflag:s2], $0x100  }
0x293: {  	[sflag:s2] =	ssyncset.done @!p1 $0x0  }
0x294: {  	[sflag:s2] =	ssyncadd.s32 @!p1 $0xFFFFFF00  }
0x295: {  	_ =	swait.ge @!p1 [sflag:s2], $0x100  }
0x296: {  	[sflag:s2] =	ssyncset.done @!p1 $0x0  }
0x297: {  	s18 =	simm.s32 @!p1 $0x800;
	[sflag:s2] =	ssyncadd.s32 @!p1 $0xFFFFFF00;
	s2 =	simm.s32 @!p1 $0xC8  }
0x298: {  	[tilespmem:s18], [sflag:$0x5] =	stream.indirect.gather @!p1 [spmem:s3], $0x80, s26, s2, $0xb8;
	[tilespmem:$0x19F40] =	vst v63  }
0x299: {  	_ =	swait.ge [sflag:s16], $0x6400  }
0x29a: {  	[sflag:s16] =	ssyncset.done $0x0  }
0x29b: {  	s30 =	simm.s32 $0x300;
	[sflag:s16] =	ssyncadd.s32 $0xFFFF9C00  }
0x29c: {  	[tilespmem:s13], [sflag:$0xC] =	stream.indirect.gather.add.f32 [hbm:s7], $0x80, s30, s29, $0xb8;
	[tilespmem:$0x19F40] =	vst v63  }
0x29d: {  	_ =	swait.ge [sflag:s17], $0x6400  }
0x29e: {  	[sflag:s17] =	ssyncset.done $0x0  }
0x29f: {  	s26 =	simm.s32 $0xD100;
	[sflag:s17] =	ssyncadd.s32 $0xFFFF9C00  }
0x2a0: {  	v16 =	vld [tilespmem:s26+$0x80]  }
0x2a1: {  	v14 =	vld [tilespmem:s26+$0x90]  }
0x2a2: {  	v12 =	vld [tilespmem:s26+$0xA0]  }
0x2a3: {  	v26 =	vld [tilespmem:s26+$0xB0]  }
0x2a4: {  	v25 =	vld [tilespmem:s26+$0xFFFFFF10]  }
0x2a5: {  	v24 =	vld [tilespmem:s26+$0xFFFFFF20]  }
0x2a6: {  	v23 =	vld [tilespmem:s26+$0xFFFFFF30]  }
0x2a7: {  	v22 =	vld [tilespmem:s26+$0xFFFFFF80]  }
0x2a8: {  	v21 =	vld [tilespmem:s26+$0xFFFFFF90];
	v13 =	vmul.f32 v16, v16;
	v19 =	vmul.f32 v14, v14  }
0x2a9: {  	v15 =	vld [tilespmem:s26+$0xFFFFFFA0];
	v20 =	vmul.f32 v12, v12;
	v27 =	vmul.f32 v26, v26  }
0x2aa: {  	v18 =	vld [tilespmem:s26+$0xFFFFFFB0];
	v28 =	vadd.f32 v14, v16;
	v29 =	vadd.f32 v26, v12;
	v30 =	vmul.f32 v25, v25  }
0x2ab: {  	v17 =	vld [tilespmem:s26+$0x0];
	v31 =	vmul.f32 v24, v24;
	v50 =	vadd.f32 v23, v24;
	v13 =	vadd.f32 v19, v13  }
0x2ac: {  	v51 =	vmul.f32 v22, v22;
	v27 =	vadd.f32 v27, v20;
	v28 =	vadd.f32 v29, v28;
	v20 =	vld [tilespmem:s26+$0x10]  }
0x2ad: {  	v35 =	vadd.f32 v21, v22;
	v37 =	vmul.f32 v21, v21;
	v29 =	vmul.f32 v23, v23;
	v19 =	vld [tilespmem:s26+$0x20]  }
0x2ae: {  	v39 =	vmul.f32 v15, v15;
	v52 =	vadd.f32 v27, v13;
	v36 =	vperm.xlane v28, v0;
	v13 =	vld [tilespmem:s26+$0x30]  }
0x2af: {  	v53 =	vmul.f32 v18, v18;
	v29 =	vadd.f32 v29, v31;
	v27 =	vld [tilespmem:s26+$0xFFFFFF00];
	v31 =	vadd.f32 v18, v15  }
0x2b0: {  	v54 =	vmul.f32 v17, v17;
	v33 =	vadd.f32 v37, v51;
	v28 =	vadd.f32 v28, v36  }
0x2b1: {  	v38 =	vperm.xlane v52, v0;
	v31 =	vadd.f32 v31, v35;
	v36 =	vadd.f32 v53, v39  }
0x2b2: {  	v55 =	vadd.f32 v20, v17;
	v56 =	vmul.f32 v20, v20;
	v43 =	vmul.f32 v19, v19  }
0x2b3: {  	v34 =	vadd.f32 v38, v52;
	v40 =	vperm.xlane v28, v1;
	v33 =	vadd.f32 v36, v33  }
0x2b4: {  	v60 =	vperm.xlane v31, v0;
	v41 =	vadd.f32 v13, v19;
	v57 =	vadd.f32 v25, v27  }
0x2b5: {  	v44 =	vmul.f32 v27, v27;
	v35 =	vadd.f32 v56, v54;
	v28 =	vadd.f32 v28, v40  }
0x2b6: {  	v45 =	vmul.f32 v13, v13;
	v31 =	vadd.f32 v31, v60;
	v32 =	vadd.f32 v50, v57  }
0x2b7: {  	v42 =	vperm.xlane v34, v1;
	v30 =	vadd.f32 v30, v44;
	v38 =	vadd.f32 v41, v55  }
0x2b8: {  	v62 =	vadd.f32 v45, v43;
	v43 =	vperm.xlane v33, v0;
	v58 =	vperm.xlane v28, v2  }
0x2b9: {  	v34 =	vadd.f32 v42, v34;
	v46 =	vperm.xlane v31, v1;
	v61 =	vperm.xlane v32, v0  }
0x2ba: {  	v29 =	vadd.f32 v29, v30;
	v63 =	vperm.xlane v38, v0;
	v33 =	vadd.f32 v43, v33  }
0x2bb: {  	v59 =	vperm.xlane v34, v2;
	v28 =	vadd.f32 v28, v58;
	v31 =	vadd.f32 v31, v46  }
0x2bc: {  	v32 =	vadd.f32 v32, v61;
	v36 =	vadd.f32 v38, v63;
	v49 =	vperm.xlane v33, v1  }
0x2bd: {  	v34 =	vadd.f32 v59, v34;
	v30 =	vperm.xlane v28, v3;
	v51 =	vperm.xlane v31, v2  }
0x2be: {  	v35 =	vadd.f32 v62, v35;
	v44 =	vperm.xlane v32, v1;
	v47 =	vperm.xlane v36, v1  }
0x2bf: {  	v33 =	vadd.f32 v49, v33;
	v42 =	vperm.xlane v34, v3;
	v28 =	vadd.f32 v28, v30  }
0x2c0: {  	v30 =	vperm.xlane v29, v0;
	v31 =	vadd.f32 v31, v51;
	v32 =	vadd.f32 v32, v44  }
0x2c1: {  	v36 =	vadd.f32 v36, v47;
	v56 =	vperm.xlane v33, v2;
	v34 =	vadd.f32 v42, v34  }
0x2c2: {  	v28 =	vmul.f32 $1.562500000e-02, v28;
	v29 =	vadd.f32 v30, v29;
	v30 =	vperm.xlane v35, v0  }
0x2c3: {  	v60 =	vperm.xlane v31, v3;
	v38 =	vperm.xlane v32, v2  }
0x2c4: {  	v52 =	vperm.xlane v36, v2;
	v33 =	vadd.f32 v56, v33;
	v34 =	vmul.f32 $1.562500000e-02, v34  }
0x2c5: {  	v45 =	vmul.f32 v28, v28;
	v30 =	vadd.f32 v30, v35;
	v31 =	vadd.f32 v31, v60  }
0x2c6: {  	v48 =	vperm.xlane v29, v1;
	v32 =	vadd.f32 v32, v38;
	v36 =	vadd.f32 v36, v52  }
0x2c7: {  	v63 =	vperm.xlane v33, v3;
	v34 =	vsub.f32 v34, v45;
	v50 =	vperm.xlane v30, v1  }
0x2c8: {  	v29 =	vadd.f32 v48, v29;
	v31 =	vmul.f32 $1.562500000e-02, v31;
	v58 =	vperm.xlane v32, v3  }
0x2c9: {  	v61 =	vperm.xlane v36, v3;
	v33 =	vadd.f32 v63, v33;
	v30 =	vadd.f32 v50, v30  }
0x2ca: {  	v34 =	vmax.f32 v34, $0.0e+00;
	v54 =	vperm.xlane v29, v2;
	v44 =	vmul.f32 v31, v31  }
0x2cb: {  	v34 =	vadd.f32 $9.999999960e-13, v34;
	v32 =	vadd.f32 v32, v58;
	v59 =	vperm.xlane v30, v2  }
0x2cc: {  	v36 =	vadd.f32 v36, v61;
	v33 =	vmul.f32 $1.562500000e-02, v33;
	v29 =	vadd.f32 v54, v29  }
0x2cd: {  	v53 =	vshra.s32 v34, $0x1;
	v34 =	vmul.f32 $5.000000000e-01, v34;
	v30 =	vadd.f32 v59, v30  }
0x2ce: {  	v32 =	vmul.f32 $1.562500000e-02, v32;
	v62 =	vperm.xlane v29, v3  }
0x2cf: {  	v36 =	vmul.f32 $1.562500000e-02, v36;
	v42 =	vperm.xlane v30, v3  }
0x2d0: {  	v33 =	vsub.f32 v33, v44;
	v55 =	vsub.s32 $0x5F3759DF, v53;
	v29 =	vadd.f32 v62, v29  }
0x2d1: {  	v57 =	vmul.f32 v55, v34;
	v43 =	vmul.f32 v32, v32;
	v30 =	vadd.f32 v42, v30  }
0x2d2: {  	v45 =	vmul.f32 v36, v36;
	v29 =	vmul.f32 $1.562500000e-02, v29  }
0x2d3: {  	v33 =	vmax.f32 v33, $0.0e+00;
	v37 =	vmul.f32 v55, v57;
	v30 =	vmul.f32 $1.562500000e-02, v30  }
0x2d4: {  	v33 =	vadd.f32 $9.999999960e-13, v33;
	v29 =	vsub.f32 v29, v43  }
0x2d5: {  	v37 =	vsub.f32 $1.500000000e+00, v37;
	v30 =	vsub.f32 v30, v45  }
0x2d6: {  	v47 =	vshra.s32 v33, $0x1;
	v29 =	vmax.f32 v29, $0.0e+00  }
0x2d7: {  	v35 =	vmul.f32 v55, v37;
	v29 =	vadd.f32 $9.999999960e-13, v29;
	v30 =	vmax.f32 v30, $0.0e+00  }
0x2d8: {  	v33 =	vmul.f32 $5.000000000e-01, v33;
	v38 =	vsub.s32 $0x5F3759DF, v47;
	v30 =	vadd.f32 $9.999999960e-13, v30  }
0x2d9: {  	v34 =	vmul.f32 v35, v34;
	v46 =	vshra.s32 v29, $0x1;
	v29 =	vmul.f32 $5.000000000e-01, v29  }
0x2da: {  	v37 =	vsub.s32 $0x5F3759DF, v46;
	v48 =	vshra.s32 v30, $0x1;
	v30 =	vmul.f32 $5.000000000e-01, v30  }
0x2db: {  	v34 =	vmul.f32 v34, v35;
	v49 =	vmul.f32 v37, v29;
	v39 =	vsub.s32 $0x5F3759DF, v48  }
0x2dc: {  	v50 =	vmul.f32 v38, v33;
	v51 =	vmul.f32 v39, v30  }
0x2dd: {  	v34 =	vsub.f32 $1.500000000e+00, v34;
	v40 =	vmul.f32 v37, v49  }
0x2de: {  	v26 =	vsub.f32 v26, v28;
	v41 =	vmul.f32 v38, v50;
	v42 =	vmul.f32 v39, v51  }
0x2df: {  	v16 =	vsub.f32 v16, v28;
	v34 =	vmul.f32 v34, v35;
	v52 =	vsub.f32 $1.500000000e+00, v40  }
0x2e0: {  	v53 =	vsub.f32 $1.500000000e+00, v41;
	v54 =	vsub.f32 $1.500000000e+00, v42  }
0x2e1: {  	v14 =	vsub.f32 v14, v28;
	v26 =	vmul.f32 v34, v26;
	v35 =	vmul.f32 v37, v52  }
0x2e2: {  	v28 =	vsub.f32 v12, v28;
	v55 =	vmul.f32 v38, v53;
	v56 =	vmul.f32 v39, v54  }
0x2e3: {  	v22 =	vsub.f32 v22, v31;
	v57 =	vmul.f32 v26, v7;
	v26 =	vmul.f32 v35, v29  }
0x2e4: {  	v58 =	vsub.f32 v21, v31;
	v29 =	vmul.f32 v55, v33;
	v30 =	vmul.f32 v56, v30  }
0x2e5: {  	v27 =	vsub.f32 v27, v32;
	v25 =	vsub.f32 v25, v32;
	v21 =	vmul.f32 v26, v35  }
0x2e6: {  	v24 =	vsub.f32 v24, v32;
	v26 =	vmul.f32 v29, v55;
	v29 =	vmul.f32 v30, v56  }
0x2e7: {  	s19 =	simm.s32 $0xD300;
	v41 =	vmul.f32 v34, v16;
	v42 =	vmul.f32 v34, v14;
	v21 =	vsub.f32 $1.500000000e+00, v21  }
0x2e8: {  	v12 =	vld [tilespmem:s19+$0x80];
	v16 =	vmul.f32 v34, v28;
	v26 =	vsub.f32 $1.500000000e+00, v26;
	v29 =	vsub.f32 $1.500000000e+00, v29  }
0x2e9: {  	v60 =	vsub.f32 v13, v36;
	v13 =	vld [tilespmem:s19+$0xFFFFFF90];
	v42 =	vmul.f32 v42, v5;
	v28 =	vmul.f32 v21, v35  }
0x2ea: {  	v23 =	vsub.f32 v23, v32;
	v14 =	vld [tilespmem:s19+$0x90];
	v26 =	vmul.f32 v26, v55;
	v59 =	vmul.f32 v29, v56  }
0x2eb: {  	v30 =	vsub.f32 v15, v31;
	v15 =	vld [tilespmem:s19+$0xA0];
	v37 =	vmul.f32 v28, v27;
	v43 =	vmul.f32 v28, v25  }
0x2ec: {  	v18 =	vsub.f32 v18, v31;
	v44 =	vmul.f32 v28, v24;
	v45 =	vmul.f32 v28, v23  }
0x2ed: {  	v17 =	vsub.f32 v17, v36;
	v46 =	vmul.f32 v26, v22;
	v40 =	vmul.f32 v26, v58  }
0x2ee: {  	v20 =	vsub.f32 v20, v36;
	v21 =	vld [tilespmem:s19+$0xB0];
	v39 =	vmul.f32 v26, v30;
	v38 =	vmul.f32 v26, v18  }
0x2ef: {  	v19 =	vsub.f32 v19, v36;
	v29 =	vld [tilespmem:s19+$0xFFFFFF20];
	v25 =	vmul.f32 v12, v12;
	v28 =	vmul.f32 v14, v14  }
0x2f0: {  	v36 =	vadd.f32 v42, v9;
	v27 =	vld [tilespmem:s19+$0xFFFFFF30];
	v58 =	vmul.f32 v13, v13;
	v61 =	vmul.f32 v15, v15  }
0x2f1: {  	v22 =	vadd.f32 v14, v12;
	v18 =	vld [tilespmem:s19+$0xFFFFFF80];
	v35 =	vmul.f32 v59, v17;
	v30 =	vmul.f32 v59, v20  }
0x2f2: {  	v24 =	vld [tilespmem:s19+$0xFFFFFFA0];
	v25 =	vadd.f32 v28, v25;
	v37 =	vmul.f32 v37, v4;
	v43 =	vmul.f32 v43, v5  }
0x2f3: {  	v26 =	vld [tilespmem:s19+$0xFFFFFFB0];
	v17 =	vadd.f32 v57, v11;
	v42 =	vmul.f32 v44, v6;
	v23 =	vadd.f32 v21, v15  }
0x2f4: {  	v51 =	vld [tilespmem:s19+$0xFFFFFF00];
	v47 =	vmul.f32 v21, v21;
	v37 =	vadd.f32 v37, v8;
	v43 =	vadd.f32 v43, v9  }
0x2f5: {  	v31 =	vld [tilespmem:s19+$0xFFFFFF10];
	v20 =	vmul.f32 v59, v19;
	v42 =	vadd.f32 v42, v10;
	v48 =	vadd.f32 v23, v22  }
0x2f6: {  	v28 =	vadd.f32 v47, v61;
	v22 =	vmul.f32 v59, v60;
	v62 =	vmul.f32 v29, v29  }
0x2f7: {  	v57 =	vmul.f32 v27, v27;
	v47 =	vadd.f32 v27, v29;
	v49 =	vmul.f32 v18, v18  }
0x2f8: {  	v19 =	vld [tilespmem:s19+$0x10];
	v50 =	vadd.f32 v13, v18;
	v59 =	vmul.f32 v24, v24;
	v54 =	vadd.f32 v26, v24  }
0x2f9: {  	v23 =	vld [tilespmem:s19+$0x0];
	v60 =	vmul.f32 v26, v26;
	v63 =	vadd.f32 v28, v25;
	v53 =	vadd.f32 v57, v62  }
0x2fa: {  	v28 =	vperm.xlane v48, v0;
	v25 =	vld [tilespmem:s19+$0x20];
	v49 =	vadd.f32 v58, v49;
	v62 =	vadd.f32 v31, v51  }
0x2fb: {  	v50 =	vadd.f32 v54, v50;
	v56 =	vadd.f32 v60, v59;
	v57 =	vmul.f32 v41, v4  }
0x2fc: {  	v48 =	vadd.f32 v48, v28;
	v52 =	vperm.xlane v63, v0;
	v28 =	vld [tilespmem:s19+$0x30];
	v47 =	vadd.f32 v47, v62  }
0x2fd: {  	v32 =	vmul.f32 v31, v31;
	v33 =	vadd.f32 v57, v8;
	v49 =	vadd.f32 v56, v49  }
0x2fe: {  	v55 =	vperm.xlane v48, v1;
	v34 =	vadd.f32 v52, v63;
	v63 =	vmul.f32 v51, v51  }
0x2ff: {  	v60 =	vmul.f32 v23, v23;
	v52 =	vadd.f32 v19, v23;
	v62 =	vmul.f32 v25, v25  }
0x300: {  	v48 =	vadd.f32 v48, v55;
	v61 =	vperm.xlane v34, v1;
	v55 =	vadd.f32 v32, v63  }
0x301: {  	v32 =	vmul.f32 v46, v4;
	v58 =	vadd.f32 v28, v25;
	v63 =	vmul.f32 v28, v28  }
0x302: {  	v41 =	vadd.f32 v61, v34;
	v59 =	vperm.xlane v48, v2;
	v61 =	vmul.f32 v19, v19  }
0x303: {  	v34 =	vmul.f32 v45, v7;
	v45 =	vadd.f32 v53, v55;
	v32 =	vadd.f32 v32, v8  }
0x304: {  	v52 =	vadd.f32 v58, v52;
	v48 =	vadd.f32 v48, v59;
	v59 =	vperm.xlane v41, v2  }
0x305: {  	v58 =	vadd.f32 v63, v62;
	v57 =	vadd.f32 v61, v60;
	v60 =	vperm.xlane v47, v0  }
0x306: {  	v61 =	vperm.xlane v50, v0;
	v41 =	vadd.f32 v59, v41;
	v62 =	vperm.xlane v48, v3  }
0x307: {  	v44 =	vadd.f32 v58, v57;
	v46 =	vadd.f32 v47, v60;
	v57 =	vperm.xlane v52, v0  }
0x308: {  	v58 =	vperm.xlane v45, v0;
	v50 =	vadd.f32 v50, v61;
	v59 =	vperm.xlane v49, v0  }
0x309: {  	v63 =	vperm.xlane v41, v3;
	v48 =	vadd.f32 v48, v62;
	v52 =	vadd.f32 v52, v57  }
0x30a: {  	v60 =	vperm.xlane v46, v1;
	v45 =	vadd.f32 v58, v45;
	v61 =	vperm.xlane v44, v0  }
0x30b: {  	v49 =	vadd.f32 v59, v49;
	v47 =	vadd.f32 v63, v41;
	v41 =	vmul.f32 $1.562500000e-02, v48  }
0x30c: {  	v63 =	vperm.xlane v50, v1;
	v44 =	vadd.f32 v61, v44;
	v57 =	vperm.xlane v52, v1  }
0x30d: {  	v46 =	vadd.f32 v46, v60;
	v58 =	vperm.xlane v45, v1;
	v59 =	vperm.xlane v49, v1  }
0x30e: {  	v47 =	vmul.f32 $1.562500000e-02, v47;
	v50 =	vadd.f32 v50, v63;
	v52 =	vadd.f32 v52, v57  }
0x30f: {  	v62 =	vmul.f32 v41, v41;
	v45 =	vadd.f32 v58, v45;
	v49 =	vadd.f32 v59, v49  }
0x310: {  	v61 =	vperm.xlane v44, v1;
	v21 =	vsub.f32 v21, v41;
	v12 =	vsub.f32 v12, v41  }
0x311: {  	v60 =	vperm.xlane v46, v2;
	v14 =	vsub.f32 v14, v41;
	v47 =	vsub.f32 v47, v62  }
0x312: {  	v62 =	vperm.xlane v50, v2;
	v63 =	vperm.xlane v52, v2;
	v44 =	vadd.f32 v61, v44  }
0x313: {  	v46 =	vadd.f32 v46, v60;
	v58 =	vperm.xlane v45, v2;
	v59 =	vperm.xlane v49, v2  }
0x314: {  	v47 =	vmax.f32 v47, $0.0e+00;
	v48 =	vadd.f32 v50, v62;
	v52 =	vadd.f32 v52, v63  }
0x315: {  	v60 =	vperm.xlane v46, v3;
	v45 =	vadd.f32 v58, v45;
	v62 =	vperm.xlane v44, v2  }
0x316: {  	v40 =	vmul.f32 v40, v5;
	v49 =	vadd.f32 v59, v49;
	v47 =	vadd.f32 $9.999999960e-13, v47  }
0x317: {  	v46 =	vadd.f32 v46, v60;
	v63 =	vperm.xlane v48, v3;
	v44 =	vadd.f32 v62, v44  }
0x318: {  	v58 =	vperm.xlane v45, v3;
	v57 =	vshra.s32 v47, $0x1;
	v47 =	vmul.f32 $5.000000000e-01, v47  }
0x319: {  	v59 =	vperm.xlane v49, v3;
	v50 =	vsub.s32 $0x5F3759DF, v57;
	v57 =	vperm.xlane v52, v3  }
0x31a: {  	v48 =	vadd.f32 v48, v63;
	v45 =	vadd.f32 v58, v45;
	v61 =	vmul.f32 v50, v47  }
0x31b: {  	v60 =	vperm.xlane v44, v3;
	v46 =	vmul.f32 $1.562500000e-02, v46;
	v49 =	vadd.f32 v59, v49  }
0x31c: {  	v52 =	vadd.f32 v52, v57;
	v48 =	vmul.f32 $1.562500000e-02, v48;
	v55 =	vmul.f32 v50, v61  }
0x31d: {  	v45 =	vmul.f32 $1.562500000e-02, v45;
	v44 =	vadd.f32 v60, v44;
	v49 =	vmul.f32 $1.562500000e-02, v49  }
0x31e: {  	v61 =	vmul.f32 v46, v46;
	v52 =	vmul.f32 $1.562500000e-02, v52;
	v55 =	vsub.f32 $1.500000000e+00, v55  }
0x31f: {  	v54 =	vsub.f32 v31, v46;
	v31 =	vmul.f32 v48, v48;
	v44 =	vmul.f32 $1.562500000e-02, v44  }
0x320: {  	v15 =	vsub.f32 v15, v41;
	v62 =	vmul.f32 v52, v52;
	v50 =	vmul.f32 v50, v55  }
0x321: {  	v39 =	vmul.f32 v39, v6;
	v45 =	vsub.f32 v45, v61;
	v31 =	vsub.f32 v49, v31  }
0x322: {  	v49 =	vsub.f32 v29, v46;
	v29 =	vsub.f32 v44, v62;
	v47 =	vmul.f32 v50, v47  }
0x323: {  	v38 =	vmul.f32 v38, v7;
	v51 =	vsub.f32 v51, v46;
	v46 =	vsub.f32 v27, v46  }
0x324: {  	v45 =	vmax.f32 v45, $0.0e+00;
	v29 =	vmax.f32 v29, $0.0e+00;
	v47 =	vmul.f32 v47, v50  }
0x325: {  	v31 =	vmax.f32 v31, $0.0e+00;
	v45 =	vadd.f32 $9.999999960e-13, v45;
	v27 =	vadd.f32 $9.999999960e-13, v29  }
0x326: {  	v35 =	vmul.f32 v35, v4;
	v31 =	vadd.f32 $9.999999960e-13, v31;
	v47 =	vsub.f32 $1.500000000e+00, v47  }
0x327: {  	v29 =	vshra.s32 v45, $0x1;
	v45 =	vmul.f32 $5.000000000e-01, v45;
	v61 =	vmul.f32 $5.000000000e-01, v27  }
0x328: {  	v63 =	vsub.s32 $0x5F3759DF, v29;
	v44 =	vmul.f32 v47, v50;
	v47 =	vmul.f32 v30, v5  }
0x329: {  	v30 =	vshra.s32 v31, $0x1;
	v50 =	vmul.f32 $5.000000000e-01, v31;
	v31 =	vshra.s32 v27, $0x1  }
0x32a: {  	v27 =	vmul.f32 v63, v45;
	v60 =	vsub.s32 $0x5F3759DF, v30;
	v62 =	vsub.s32 $0x5F3759DF, v31  }
0x32b: {  	v58 =	vsub.f32 v18, v48;
	v29 =	vmul.f32 v60, v50;
	v18 =	vmul.f32 v62, v61  }
0x32c: {  	v59 =	vsub.f32 v13, v48;
	v13 =	vmul.f32 v20, v6;
	v20 =	vmul.f32 v63, v27  }
0x32d: {  	v24 =	vsub.f32 v24, v48;
	v31 =	vmul.f32 v60, v29;
	v18 =	vmul.f32 v62, v18  }
0x32e: {  	v21 =	vmul.f32 v44, v21;
	v27 =	vmul.f32 v22, v7;
	v20 =	vsub.f32 $1.500000000e+00, v20  }
0x32f: {  	v29 =	vmul.f32 v16, v6;
	v16 =	vsub.f32 $1.500000000e+00, v31;
	v18 =	vsub.f32 $1.500000000e+00, v18  }
0x330: {  	v30 =	vsub.f32 v23, v52;
	v23 =	vmul.f32 v44, v12;
	v20 =	vmul.f32 v63, v20  }
0x331: {  	[tilespmem:s26+$0x90] =	vst v36;
	v26 =	vsub.f32 v26, v48;
	v16 =	vmul.f32 v60, v16;
	v18 =	vmul.f32 v62, v18  }
0x332: {  	[tilespmem:s26+$0xB0] =	vst v17;
	v25 =	vsub.f32 v25, v52;
	v21 =	vmul.f32 v21, v7;
	v17 =	vmul.f32 v20, v45  }
0x333: {  	[tilespmem:s26+$0xFFFFFF00] =	vst v37;
	v31 =	vsub.f32 v19, v52;
	v19 =	vmul.f32 v16, v50;
	v22 =	vmul.f32 v18, v61  }
0x334: {  	[tilespmem:s26+$0xFFFFFF10] =	vst v43;
	v28 =	vsub.f32 v28, v52;
	v14 =	vmul.f32 v44, v14;
	v17 =	vmul.f32 v17, v20  }
0x335: {  	[tilespmem:s26+$0xFFFFFF20] =	vst v42;
	v21 =	vadd.f32 v21, v11;
	v19 =	vmul.f32 v19, v16;
	v22 =	vmul.f32 v22, v18  }
0x336: {  	[tilespmem:s26+$0x80] =	vst v33;
	v12 =	vmul.f32 v44, v15;
	v63 =	vadd.f32 v34, v11;
	v17 =	vsub.f32 $1.500000000e+00, v17  }
0x337: {  	[tilespmem:s26+$0xFFFFFF80] =	vst v32;
	v23 =	vmul.f32 v23, v4;
	v15 =	vsub.f32 $1.500000000e+00, v19;
	v19 =	vsub.f32 $1.500000000e+00, v22  }
0x338: {  	[tilespmem:s19+$0xB0] =	vst v21;
	v20 =	vmul.f32 v17, v20;
	v22 =	vmul.f32 v14, v5;
	v14 =	vadd.f32 v40, v9  }
0x339: {  	[tilespmem:s26+$0xFFFFFF30] =	vst v63;
	v17 =	vmul.f32 v15, v16;
	v19 =	vmul.f32 v19, v18;
	v15 =	vadd.f32 v39, v10  }
0x33a: {  	v34 =	vmul.f32 v20, v51;
	v33 =	vmul.f32 v20, v54;
	[tilespmem:s26+$0xFFFFFF90] =	vst v14;
	v14 =	vadd.f32 v38, v11  }
0x33b: {  	v32 =	vmul.f32 v20, v49;
	v21 =	vmul.f32 v20, v46;
	v18 =	vadd.f32 v35, v8;
	[tilespmem:s26+$0xFFFFFFA0] =	vst v15  }
0x33c: {  	s2 =	simm.s32 $0x4;
	s18 =	simm.s32 $0xD500;
	v20 =	vmul.f32 v17, v58;
	v16 =	vmul.f32 v17, v59;
	[tilespmem:s26+$0xFFFFFFB0] =	vst v14;
	v15 =	vadd.f32 v47, v9  }
.LBB2_7:
0x33d: {  	v14 =	vld [tilespmem:s18+$0x80];
	v37 =	vmul.f32 v17, v24;
	v26 =	vmul.f32 v17, v26;
	[tilespmem:s26+$0x0] =	vst v18;
	v13 =	vadd.f32 v13, v10  }
0x33e: {  	v30 =	vmul.f32 v19, v30;
	v31 =	vmul.f32 v19, v31;
	v17 =	vld [tilespmem:s18+$0x90];
	[tilespmem:s26+$0x10] =	vst v15;
	v15 =	vadd.f32 v27, v11  }
0x33f: {  	v38 =	vmul.f32 v19, v25;
	v27 =	vmul.f32 v19, v28;
	v19 =	vadd.f32 v23, v8;
	v18 =	vld [tilespmem:s18+$0xA0];
	[tilespmem:s26+$0x20] =	vst v13  }
0x340: {  	v25 =	vmul.f32 v33, v5;
	v28 =	vadd.f32 v22, v9;
	v13 =	vmul.f32 v34, v4;
	v24 =	vld [tilespmem:s18+$0xB0];
	[tilespmem:s26+$0x30] =	vst v15  }
0x341: {  	s2 =	sadd.s32 $0x4, s2;
	v33 =	vmul.f32 v32, v6;
	v22 =	vmul.f32 v21, v7;
	v15 =	vadd.f32 v29, v10;
	v36 =	vld [tilespmem:s18+$0xFFFFFF10];
	[tilespmem:s19+$0x80] =	vst v19  }
0x342: {  	p2 =	slt.u32 s2, $0xC4;
	v23 =	vmul.f32 v20, v4;
	v13 =	vadd.f32 v13, v8;
	v19 =	vmul.f32 v16, v5;
	v35 =	vld [tilespmem:s18+$0xFFFFFF20];
	[tilespmem:s19+$0x90] =	vst v28  }
0x343: {  	v21 =	vmul.f32 v37, v6;
	v16 =	vmul.f32 v26, v7;
	v28 =	vadd.f32 v25, v9;
	v32 =	vld [tilespmem:s18+$0xFFFFFF30];
	[tilespmem:s26+$0xA0] =	vst v15;
	s26 =	smov.u32 s19;
	s19 =	smov.u32 s18  }
0x344: {  	v20 =	vmul.f32 v30, v4;
	v34 =	vadd.f32 v17, v14;
	v15 =	vmul.f32 v31, v5;
	v25 =	vld [tilespmem:s18+$0xFFFFFF80];
	[tilespmem:s26+$0xFFFFFF00] =	vst v13  }
0x345: {  	v31 =	vmul.f32 v14, v14;
	v37 =	vmul.f32 v17, v17;
	v26 =	vld [tilespmem:s18+$0xFFFFFF90];
	v13 =	vadd.f32 v24, v18;
	[tilespmem:s26+$0xFFFFFF10] =	vst v28  }
0x346: {  	v33 =	vadd.f32 v33, v10;
	v39 =	vmul.f32 v18, v18;
	v40 =	vmul.f32 v24, v24;
	v28 =	vld [tilespmem:s18+$0xFFFFFFA0]  }
0x347: {  	v41 =	vmul.f32 v36, v36;
	v42 =	vmul.f32 v35, v35;
	v29 =	vld [tilespmem:s18+$0xFFFFFFB0];
	v43 =	vadd.f32 v13, v34  }
0x348: {  	v37 =	vadd.f32 v37, v31;
	v39 =	vadd.f32 v40, v39;
	v34 =	vmul.f32 v32, v32;
	v30 =	vld [tilespmem:s18+$0x0];
	[tilespmem:s26+$0xFFFFFF20] =	vst v33  }
0x349: {  	v13 =	vmul.f32 v38, v6;
	v40 =	vadd.f32 v32, v35;
	v44 =	vmul.f32 v25, v25;
	v31 =	vld [tilespmem:s18+$0x10]  }
0x34a: {  	v37 =	vadd.f32 v39, v37;
	v39 =	vperm.xlane v43, v0;
	v45 =	vadd.f32 v26, v25;
	v33 =	vld [tilespmem:s18+$0x20]  }
0x34b: {  	v42 =	vadd.f32 v34, v42;
	v46 =	vmul.f32 v26, v26;
	v47 =	vmul.f32 v28, v28;
	v34 =	vld [tilespmem:s18+$0x30]  }
0x34c: {  	v39 =	vadd.f32 v43, v39;
	v43 =	vperm.xlane v37, v0;
	v38 =	vld [tilespmem:s18+$0xFFFFFF00];
	v48 =	vadd.f32 v29, v28  }
0x34d: {  	v44 =	vadd.f32 v46, v44;
	v46 =	vmul.f32 v29, v29;
	v49 =	vmul.f32 v30, v30  }
0x34e: {  	v51 =	vperm.xlane v39, v1;
	v37 =	vadd.f32 v43, v37;
	v50 =	vadd.f32 v31, v30  }
0x34f: {  	v43 =	vadd.f32 v48, v45;
	v45 =	vmul.f32 v31, v31;
	v48 =	vmul.f32 v33, v33  }
0x350: {  	v39 =	vadd.f32 v39, v51;
	v51 =	vperm.xlane v37, v1;
	v52 =	vadd.f32 v34, v33  }
0x351: {  	v55 =	vmul.f32 v34, v34;
	v53 =	vadd.f32 v36, v38;
	v54 =	vmul.f32 v38, v38  }
0x352: {  	v46 =	vadd.f32 v46, v47;
	v47 =	vperm.xlane v39, v2;
	v37 =	vadd.f32 v51, v37  }
0x353: {  	v51 =	vperm.xlane v43, v0;
	v40 =	vadd.f32 v40, v53;
	v41 =	vadd.f32 v41, v54  }
0x354: {  	v50 =	vadd.f32 v52, v50;
	v39 =	vadd.f32 v39, v47;
	v47 =	vperm.xlane v37, v2  }
0x355: {  	v45 =	vadd.f32 v45, v49;
	v48 =	vadd.f32 v55, v48;
	v52 =	vperm.xlane v40, v0  }
0x356: {  	v41 =	vadd.f32 v42, v41;
	v42 =	vperm.xlane v39, v3;
	v47 =	vadd.f32 v47, v37  }
0x357: {  	v44 =	vadd.f32 v46, v44;
	v45 =	vadd.f32 v48, v45;
	v37 =	vperm.xlane v50, v0  }
0x358: {  	v40 =	vadd.f32 v40, v52;
	v39 =	vadd.f32 v39, v42;
	v42 =	vperm.xlane v47, v3  }
0x359: {  	v43 =	vadd.f32 v43, v51;
	v48 =	vperm.xlane v44, v0;
	v46 =	vperm.xlane v41, v0  }
0x35a: {  	v49 =	vadd.f32 v50, v37;
	v37 =	vmul.f32 $1.562500000e-02, v39;
	v39 =	vadd.f32 v42, v47  }
0x35b: {  	v42 =	vperm.xlane v40, v1;
	v41 =	vadd.f32 v46, v41;
	v46 =	vperm.xlane v45, v0  }
0x35c: {  	v44 =	vadd.f32 v48, v44;
	v39 =	vmul.f32 $1.562500000e-02, v39;
	v47 =	vmul.f32 v37, v37  }
0x35d: {  	v48 =	vperm.xlane v43, v1;
	v50 =	vperm.xlane v49, v1;
	v45 =	vadd.f32 v46, v45  }
0x35e: {  	v40 =	vadd.f32 v40, v42;
	v42 =	vperm.xlane v41, v1;
	v39 =	vsub.f32 v39, v47  }
0x35f: {  	v43 =	vadd.f32 v43, v48;
	v46 =	vperm.xlane v44, v1;
	v47 =	vadd.f32 v49, v50  }
0x360: {  	v48 =	vperm.xlane v40, v2;
	v49 =	vperm.xlane v45, v1;
	v39 =	vmax.f32 v39, $0.0e+00  }
0x361: {  	v41 =	vadd.f32 v42, v41;
	v42 =	vperm.xlane v43, v2;
	v39 =	vadd.f32 $9.999999960e-13, v39  }
0x362: {  	v44 =	vadd.f32 v46, v44;
	v46 =	vperm.xlane v47, v2;
	v45 =	vadd.f32 v49, v45  }
0x363: {  	v40 =	vadd.f32 v40, v48;
	v48 =	vshra.s32 v39, $0x1;
	v39 =	vmul.f32 $5.000000000e-01, v39  }
0x364: {  	v49 =	vperm.xlane v41, v2;
	v42 =	vadd.f32 v43, v42;
	v43 =	vsub.s32 $0x5F3759DF, v48  }
0x365: {  	v46 =	vadd.f32 v47, v46;
	v48 =	vperm.xlane v44, v2;
	v47 =	vmul.f32 v43, v39  }
0x366: {  	v50 =	vperm.xlane v40, v3;
	v41 =	vadd.f32 v49, v41;
	v49 =	vperm.xlane v45, v2  }
0x367: {  	v51 =	vperm.xlane v42, v3;
	v44 =	vadd.f32 v48, v44;
	v47 =	vmul.f32 v43, v47  }
0x368: {  	v40 =	vadd.f32 v40, v50;
	v45 =	vadd.f32 v49, v45;
	v48 =	vperm.xlane v46, v3  }
0x369: {  	v49 =	vperm.xlane v41, v3;
	v42 =	vadd.f32 v42, v51;
	v47 =	vsub.f32 $1.500000000e+00, v47  }
0x36a: {  	v50 =	vperm.xlane v44, v3;
	v46 =	vadd.f32 v46, v48;
	v48 =	vperm.xlane v45, v3  }
0x36b: {  	v40 =	vmul.f32 $1.562500000e-02, v40;
	v41 =	vadd.f32 v49, v41;
	v43 =	vmul.f32 v43, v47  }
0x36c: {  	v42 =	vmul.f32 $1.562500000e-02, v42;
	v44 =	vadd.f32 v50, v44;
	v46 =	vmul.f32 $1.562500000e-02, v46  }
0x36d: {  	v41 =	vmul.f32 $1.562500000e-02, v41;
	v45 =	vadd.f32 v48, v45;
	v39 =	vmul.f32 v43, v39  }
0x36e: {  	v38 =	vsub.f32 v38, v40;
	v47 =	vmul.f32 v40, v40;
	v44 =	vmul.f32 $1.562500000e-02, v44  }
0x36f: {  	v36 =	vsub.f32 v36, v40;
	v48 =	vmul.f32 v42, v42;
	v39 =	vmul.f32 v39, v43  }
0x370: {  	v45 =	vmul.f32 $1.562500000e-02, v45;
	v41 =	vsub.f32 v41, v47;
	v47 =	vmul.f32 v46, v46  }
0x371: {  	v27 =	vmul.f32 v27, v7;
	v44 =	vsub.f32 v44, v48;
	v39 =	vsub.f32 $1.500000000e+00, v39  }
0x372: {  	v35 =	vsub.f32 v35, v40;
	v41 =	vmax.f32 v41, $0.0e+00;
	v45 =	vsub.f32 v45, v47  }
0x373: {  	v24 =	vsub.f32 v24, v37;
	v44 =	vmax.f32 v44, $0.0e+00;
	v39 =	vmul.f32 v39, v43  }
0x374: {  	v41 =	vadd.f32 $9.999999960e-13, v41;
	v43 =	vadd.f32 $9.999999960e-13, v44;
	v44 =	vmax.f32 v45, $0.0e+00  }
0x375: {  	v40 =	vsub.f32 v32, v40;
	v32 =	vadd.f32 $9.999999960e-13, v44;
	v24 =	vmul.f32 v39, v24  }
0x376: {  	v44 =	vshra.s32 v41, $0x1;
	v41 =	vmul.f32 $5.000000000e-01, v41;
	v45 =	vshra.s32 v43, $0x1  }
0x377: {  	v43 =	vmul.f32 $5.000000000e-01, v43;
	v47 =	vshra.s32 v32, $0x1;
	v24 =	vmul.f32 v24, v7  }
0x378: {  	v44 =	vsub.s32 $0x5F3759DF, v44;
	v45 =	vsub.s32 $0x5F3759DF, v45;
	v32 =	vmul.f32 $5.000000000e-01, v32  }
0x379: {  	v48 =	vmul.f32 v44, v41;
	v47 =	vsub.s32 $0x5F3759DF, v47;
	v49 =	vadd.f32 v24, v11  }
0x37a: {  	v51 =	vsub.f32 v25, v42;
	v50 =	vmul.f32 v45, v43;
	v25 =	vmul.f32 v47, v32  }
0x37b: {  	v52 =	vsub.f32 v26, v42;
	v48 =	vmul.f32 v44, v48;
	v24 =	vsub.f32 v28, v42;
	[tilespmem:s18+$0xB0] =	vst v49  }
0x37c: {  	v26 =	vsub.f32 v29, v42;
	v28 =	vmul.f32 v45, v50;
	v25 =	vmul.f32 v47, v25  }
0x37d: {  	v29 =	vmul.f32 v12, v6;
	v30 =	vsub.f32 v30, v46;
	v42 =	vsub.f32 $1.500000000e+00, v48  }
0x37e: {  	v12 =	vsub.f32 $1.500000000e+00, v28;
	v28 =	vsub.f32 $1.500000000e+00, v25  }
0x37f: {  	v31 =	vsub.f32 v31, v46;
	v42 =	vmul.f32 v44, v42;
	v25 =	vsub.f32 v33, v46  }
0x380: {  	v33 =	vmul.f32 v45, v12;
	v44 =	vmul.f32 v47, v28;
	v28 =	vsub.f32 v34, v46  }
0x381: {  	v14 =	vsub.f32 v14, v37;
	v17 =	vsub.f32 v17, v37;
	v12 =	vmul.f32 v42, v41  }
0x382: {  	v18 =	vsub.f32 v18, v37;
	v34 =	vmul.f32 v33, v43;
	v32 =	vmul.f32 v44, v32  }
0x383: {  	v22 =	vadd.f32 v22, v11;
	v14 =	vmul.f32 v39, v14;
	v12 =	vmul.f32 v12, v42  }
0x384: {  	v37 =	vadd.f32 v23, v8;
	v34 =	vmul.f32 v34, v33;
	v32 =	vmul.f32 v32, v44  }
0x385: {  	v17 =	vmul.f32 v39, v17;
	v41 =	vsub.f32 $1.500000000e+00, v12;
	v12 =	vmul.f32 v39, v18;
	[tilespmem:s26+$0xFFFFFF30] =	vst v22  }
0x386: {  	v23 =	vmul.f32 v14, v4;
	v18 =	vsub.f32 $1.500000000e+00, v34;
	v32 =	vsub.f32 $1.500000000e+00, v32;
	[tilespmem:s26+$0xFFFFFF80] =	vst v37  }
.Ltmp2:
0x387: {  	v14 =	vmul.f32 v41, v42;
	v22 =	vmul.f32 v17, v5;
	v37 =	vadd.f32 v19, v9;
	(pc) =	sbr.rel @p2 .LBB2_7-.Ltmp2, $4  }
0x388: {  	v17 =	vmul.f32 v18, v33;
	v18 =	vadd.f32 v21, v10;
	v19 =	vmul.f32 v32, v44  }
0x389: {  	v34 =	vmul.f32 v14, v38;
	v33 =	vmul.f32 v14, v36;
	v36 =	vadd.f32 v16, v11;
	[tilespmem:s26+$0xFFFFFF90] =	vst v37  }
0x38a: {  	v21 =	vmul.f32 v14, v40;
	v32 =	vmul.f32 v14, v35;
	[tilespmem:s26+$0xFFFFFFA0] =	vst v18;
	v18 =	vadd.f32 v20, v8  }
0x38b: {  	v15 =	vadd.f32 v15, v9;
	s18 =	sadd.s32 $0x200, s18;
	v16 =	vmul.f32 v17, v52;
	v20 =	vmul.f32 v17, v51;
	[tilespmem:s26+$0xFFFFFFB0] =	vst v36  }
0x38c: {  	[tilespmem:s26+$0x0] =	vst v18;
	v13 =	vadd.f32 v13, v10  }
0x38d: {  	v14 =	vadd.f32 v27, v11;
	[tilespmem:s26+$0x10] =	vst v15  }
0x38e: {  	v18 =	vadd.f32 v22, v9;
	v12 =	vmul.f32 v12, v6;
	[tilespmem:s26+$0x20] =	vst v13  }
0x38f: {  	v15 =	vadd.f32 v23, v8;
	[tilespmem:s26+$0x30] =	vst v14  }
0x390: {  	v13 =	vmul.f32 v34, v4;
	[tilespmem:s19+$0x90] =	vst v18;
	v12 =	vadd.f32 v12, v10  }
0x391: {  	v14 =	vmul.f32 v33, v5;
	[tilespmem:s19+$0x80] =	vst v15;
	v15 =	vadd.f32 v29, v10  }
0x392: {  	v22 =	vmul.f32 v32, v6;
	v13 =	vadd.f32 v13, v8;
	[tilespmem:s19+$0xA0] =	vst v12  }
0x393: {  	v18 =	vmul.f32 v21, v7;
	v14 =	vadd.f32 v14, v9;
	[tilespmem:s26+$0xA0] =	vst v15  }
0x394: {  	v20 =	vmul.f32 v20, v4;
	v15 =	vmul.f32 v17, v24;
	[tilespmem:s19+$0xFFFFFF00] =	vst v13;
	v13 =	vadd.f32 v22, v10  }
0x395: {  	v16 =	vmul.f32 v16, v5;
	v17 =	vmul.f32 v17, v26;
	[tilespmem:s19+$0xFFFFFF10] =	vst v14;
	v14 =	vadd.f32 v18, v11  }
0x396: {  	v18 =	vmul.f32 v19, v30;
	v15 =	vmul.f32 v15, v6;
	[tilespmem:s19+$0xFFFFFF20] =	vst v13;
	v13 =	vadd.f32 v20, v8  }
0x397: {  	v17 =	vmul.f32 v17, v7;
	v20 =	vmul.f32 v19, v31;
	[tilespmem:s19+$0xFFFFFF30] =	vst v14;
	v14 =	vadd.f32 v16, v9  }
0x398: {  	v16 =	vmul.f32 v19, v25;
	v18 =	vmul.f32 v18, v4;
	[tilespmem:s19+$0xFFFFFF80] =	vst v13;
	v13 =	vadd.f32 v15, v10  }
0x399: {  	v15 =	vmul.f32 v19, v28;
	v19 =	vmul.f32 v20, v5;
	[tilespmem:s19+$0xFFFFFF90] =	vst v14;
	v14 =	vadd.f32 v17, v11  }
0x39a: {  	v16 =	vmul.f32 v16, v6;
	[tilespmem:s19+$0xFFFFFFA0] =	vst v13;
	v13 =	vadd.f32 v18, v8  }
0x39b: {  	v15 =	vmul.f32 v15, v7;
	[tilespmem:s19+$0xFFFFFFB0] =	vst v14;
	v14 =	vadd.f32 v19, v9  }
0x39c: {  	s2 =	sadd.s32 s8, s25;
	[tilespmem:s19+$0x0] =	vst v13;
	v13 =	vadd.f32 v16, v10  }
0x39d: {  	s2 =	smul.u32 $0xC80, s2;
	[tilespmem:s19+$0x10] =	vst v14;
	v14 =	vadd.f32 v15, v11  }
0x39e: {  	[tilespmem:s19+$0x20] =	vst v13  }
0x39f: {  	s2 =	sadd.s32 s10, s2;
	[tilespmem:s19+$0x30] =	vst v14  }
0x3a0: {  	[hbm4b:s2+s4] =	stream.linear.scatter [tilespmem:s24], [sflag:$0xF], $0x6400, $0x38;
	[tilespmem:$0x19F40] =	vst v63  }
0x3a1: {  	s2 =	sadd.s32 @!p1 $0x6, s23  }
0x3a2: {  	s18 =	sadd.s32 @!p1 s8, s2  }
0x3a3: {  	s2 =	sshll.u32 @!p1 s2, $0x4;
	s18 =	sshll.u32 @!p1 s18, $0x5  }
0x3a4: {  	s2 =	sand.u32 @!p1 $0x60, s2;
	s18 =	sand.u32 @!p1 $0x3FF00, s18  }
0x3a5: {  	s25 =	simm.s32 @!p1 $0x200;
	s2 =	sor.u32 @!p1 s2, s18  }
0x3a6: {  	s19 =	simm.s32 @!p1 $0x80;
	s23 =	simm.s32 @!p1 $0x400;
	s18 =	sadd.s32 @!p1 s5, s2  }
0x3a7: {  	[tilespmem:s25], [sflag:$0x3] =	stream.strided.gather @!p1 [hbm4b:s18+s19], $0x100, s23, s19, $0x38;
	[tilespmem:$0x19F40] =	vst v63  }
0x3a8: {  	s2 =	sadd.s32 @!p1 s6, s2;
	s18 =	simm.s32 @!p1 $0x600  }
0x3a9: {  	[tilespmem:s18], [sflag:$0x3] =	stream.strided.gather @!p1 [hbm4b:s2+s19], $0x100, s23, s19, $0x38;
	[tilespmem:$0x19F40] =	vst v63  }
0x3aa: {  	s2 =	simm.s32 @!p1 $0xE  }
0x3ab: {  	_ =	swait.ge @!p1 [sflag:s2], $0x6400  }
0x3ac: {  	[sflag:s2] =	ssyncset.done @!p1 $0x0  }
0x3ad: {  	[sflag:s2] =	ssyncadd.s32 @!p1 $0xFFFF9C00;
	s2 =	simm.s32 @!p1 $0x2  }
0x3ae: {  	_ =	swait.ge @!p1 [sflag:s2], $0x100  }
0x3af: {  	[sflag:s2] =	ssyncset.done @!p1 $0x0  }
0x3b0: {  	[sflag:s2] =	ssyncadd.s32 @!p1 $0xFFFFFF00  }
0x3b1: {  	_ =	swait.ge @!p1 [sflag:s2], $0x100  }
0x3b2: {  	s18 =	simm.s32 @!p1 $0x500;
	[sflag:s2] =	ssyncset.done @!p1 $0x0  }
0x3b3: {  	s19 =	simm.s32 @!p1 $0x6C00;
	[sflag:s2] =	ssyncadd.s32 @!p1 $0xFFFFFF00;
	s2 =	simm.s32 @!p1 $0xC8  }
0x3b4: {  	[tilespmem:s19], [sflag:$0x6] =	stream.indirect.gather @!p1 [spmem:s3], $0x80, s18, s2, $0xb8;
	[tilespmem:$0x19F40] =	vst v63  }
0x3b5: {  	s18 =	simm.s32 @!p1 $0x5  }
0x3b6: {  	_ =	swait.ge @!p1 [sflag:s18], $0x6400  }
0x3b7: {  	[sflag:s18] =	ssyncset.done @!p1 $0x0  }
0x3b8: {  	s19 =	simm.s32 @!p1 $0x800;
	[sflag:s18] =	ssyncadd.s32 @!p1 $0xFFFF9C00;
	s18 =	simm.s32 @!p1 $0x0  }
0x3b9: {  	[tilespmem:s19], [sflag:$0x9] =	stream.indirect.gather.add.f32 @!p1 [hbm:s7], $0x80, s18, s2, $0xb8;
	[tilespmem:$0x19F40] =	vst v63  }
0x3ba: {  	_ =	swait.ge [sflag:s1], $0x6400  }
0x3bb: {  	[sflag:s1] =	ssyncset.done $0x0  }
0x3bc: {  	s23 =	simm.s32 $0x13500;
	[sflag:s1] =	ssyncadd.s32 $0xFFFF9C00  }
0x3bd: {  	v16 =	vld [tilespmem:s23+$0x80]  }
0x3be: {  	v14 =	vld [tilespmem:s23+$0x90]  }
0x3bf: {  	v12 =	vld [tilespmem:s23+$0xA0]  }
0x3c0: {  	v26 =	vld [tilespmem:s23+$0xB0]  }
0x3c1: {  	v25 =	vld [tilespmem:s23+$0xFFFFFF10]  }
0x3c2: {  	v24 =	vld [tilespmem:s23+$0xFFFFFF20]  }
0x3c3: {  	v23 =	vld [tilespmem:s23+$0xFFFFFF30]  }
0x3c4: {  	v22 =	vld [tilespmem:s23+$0xFFFFFF80]  }
0x3c5: {  	v21 =	vld [tilespmem:s23+$0xFFFFFF90];
	v13 =	vmul.f32 v16, v16;
	v19 =	vmul.f32 v14, v14  }
0x3c6: {  	v15 =	vld [tilespmem:s23+$0xFFFFFFA0];
	v20 =	vmul.f32 v12, v12;
	v27 =	vmul.f32 v26, v26  }
0x3c7: {  	v18 =	vld [tilespmem:s23+$0xFFFFFFB0];
	v28 =	vadd.f32 v14, v16;
	v29 =	vadd.f32 v26, v12;
	v30 =	vmul.f32 v25, v25  }
0x3c8: {  	v17 =	vld [tilespmem:s23+$0x0];
	v31 =	vmul.f32 v24, v24;
	v50 =	vadd.f32 v23, v24;
	v13 =	vadd.f32 v19, v13  }
0x3c9: {  	v51 =	vmul.f32 v22, v22;
	v27 =	vadd.f32 v27, v20;
	v28 =	vadd.f32 v29, v28;
	v20 =	vld [tilespmem:s23+$0x10]  }
0x3ca: {  	v35 =	vadd.f32 v21, v22;
	v37 =	vmul.f32 v21, v21;
	v29 =	vmul.f32 v23, v23;
	v19 =	vld [tilespmem:s23+$0x20]  }
0x3cb: {  	v39 =	vmul.f32 v15, v15;
	v52 =	vadd.f32 v27, v13;
	v36 =	vperm.xlane v28, v0;
	v13 =	vld [tilespmem:s23+$0x30]  }
0x3cc: {  	v53 =	vmul.f32 v18, v18;
	v29 =	vadd.f32 v29, v31;
	v27 =	vld [tilespmem:s23+$0xFFFFFF00];
	v31 =	vadd.f32 v18, v15  }
0x3cd: {  	v54 =	vmul.f32 v17, v17;
	v33 =	vadd.f32 v37, v51;
	v28 =	vadd.f32 v28, v36  }
0x3ce: {  	v38 =	vperm.xlane v52, v0;
	v31 =	vadd.f32 v31, v35;
	v36 =	vadd.f32 v53, v39  }
0x3cf: {  	v55 =	vadd.f32 v20, v17;
	v56 =	vmul.f32 v20, v20;
	v43 =	vmul.f32 v19, v19  }
0x3d0: {  	v34 =	vadd.f32 v38, v52;
	v40 =	vperm.xlane v28, v1;
	v33 =	vadd.f32 v36, v33  }
0x3d1: {  	v60 =	vperm.xlane v31, v0;
	v41 =	vadd.f32 v13, v19;
	v57 =	vadd.f32 v25, v27  }
0x3d2: {  	v44 =	vmul.f32 v27, v27;
	v35 =	vadd.f32 v56, v54;
	v28 =	vadd.f32 v28, v40  }
0x3d3: {  	v45 =	vmul.f32 v13, v13;
	v31 =	vadd.f32 v31, v60;
	v32 =	vadd.f32 v50, v57  }
0x3d4: {  	v42 =	vperm.xlane v34, v1;
	v30 =	vadd.f32 v30, v44;
	v38 =	vadd.f32 v41, v55  }
0x3d5: {  	v62 =	vadd.f32 v45, v43;
	v43 =	vperm.xlane v33, v0;
	v58 =	vperm.xlane v28, v2  }
0x3d6: {  	v34 =	vadd.f32 v42, v34;
	v46 =	vperm.xlane v31, v1;
	v61 =	vperm.xlane v32, v0  }
0x3d7: {  	v29 =	vadd.f32 v29, v30;
	v63 =	vperm.xlane v38, v0;
	v33 =	vadd.f32 v43, v33  }
0x3d8: {  	v59 =	vperm.xlane v34, v2;
	v28 =	vadd.f32 v28, v58;
	v31 =	vadd.f32 v31, v46  }
0x3d9: {  	v32 =	vadd.f32 v32, v61;
	v36 =	vadd.f32 v38, v63;
	v49 =	vperm.xlane v33, v1  }
0x3da: {  	v34 =	vadd.f32 v59, v34;
	v30 =	vperm.xlane v28, v3;
	v51 =	vperm.xlane v31, v2  }
0x3db: {  	v35 =	vadd.f32 v62, v35;
	v44 =	vperm.xlane v32, v1;
	v47 =	vperm.xlane v36, v1  }
0x3dc: {  	v33 =	vadd.f32 v49, v33;
	v42 =	vperm.xlane v34, v3;
	v28 =	vadd.f32 v28, v30  }
0x3dd: {  	v30 =	vperm.xlane v29, v0;
	v31 =	vadd.f32 v31, v51;
	v32 =	vadd.f32 v32, v44  }
0x3de: {  	v36 =	vadd.f32 v36, v47;
	v56 =	vperm.xlane v33, v2;
	v34 =	vadd.f32 v42, v34  }
0x3df: {  	v28 =	vmul.f32 $1.562500000e-02, v28;
	v29 =	vadd.f32 v30, v29;
	v30 =	vperm.xlane v35, v0  }
0x3e0: {  	v60 =	vperm.xlane v31, v3;
	v38 =	vperm.xlane v32, v2  }
0x3e1: {  	v52 =	vperm.xlane v36, v2;
	v33 =	vadd.f32 v56, v33;
	v34 =	vmul.f32 $1.562500000e-02, v34  }
0x3e2: {  	v45 =	vmul.f32 v28, v28;
	v30 =	vadd.f32 v30, v35;
	v31 =	vadd.f32 v31, v60  }
0x3e3: {  	v48 =	vperm.xlane v29, v1;
	v32 =	vadd.f32 v32, v38;
	v36 =	vadd.f32 v36, v52  }
0x3e4: {  	v63 =	vperm.xlane v33, v3;
	v34 =	vsub.f32 v34, v45;
	v50 =	vperm.xlane v30, v1  }
0x3e5: {  	v29 =	vadd.f32 v48, v29;
	v31 =	vmul.f32 $1.562500000e-02, v31;
	v58 =	vperm.xlane v32, v3  }
0x3e6: {  	v61 =	vperm.xlane v36, v3;
	v33 =	vadd.f32 v63, v33;
	v30 =	vadd.f32 v50, v30  }
0x3e7: {  	v34 =	vmax.f32 v34, $0.0e+00;
	v54 =	vperm.xlane v29, v2;
	v44 =	vmul.f32 v31, v31  }
0x3e8: {  	v34 =	vadd.f32 $9.999999960e-13, v34;
	v32 =	vadd.f32 v32, v58;
	v59 =	vperm.xlane v30, v2  }
0x3e9: {  	v36 =	vadd.f32 v36, v61;
	v33 =	vmul.f32 $1.562500000e-02, v33;
	v29 =	vadd.f32 v54, v29  }
0x3ea: {  	v53 =	vshra.s32 v34, $0x1;
	v34 =	vmul.f32 $5.000000000e-01, v34;
	v30 =	vadd.f32 v59, v30  }
0x3eb: {  	v32 =	vmul.f32 $1.562500000e-02, v32;
	v62 =	vperm.xlane v29, v3  }
0x3ec: {  	v36 =	vmul.f32 $1.562500000e-02, v36;
	v42 =	vperm.xlane v30, v3  }
0x3ed: {  	v33 =	vsub.f32 v33, v44;
	v55 =	vsub.s32 $0x5F3759DF, v53;
	v29 =	vadd.f32 v62, v29  }
0x3ee: {  	v57 =	vmul.f32 v55, v34;
	v43 =	vmul.f32 v32, v32;
	v30 =	vadd.f32 v42, v30  }
0x3ef: {  	v45 =	vmul.f32 v36, v36;
	v29 =	vmul.f32 $1.562500000e-02, v29  }
0x3f0: {  	v33 =	vmax.f32 v33, $0.0e+00;
	v37 =	vmul.f32 v55, v57;
	v30 =	vmul.f32 $1.562500000e-02, v30  }
0x3f1: {  	v33 =	vadd.f32 $9.999999960e-13, v33;
	v29 =	vsub.f32 v29, v43  }
0x3f2: {  	v37 =	vsub.f32 $1.500000000e+00, v37;
	v30 =	vsub.f32 v30, v45  }
0x3f3: {  	v47 =	vshra.s32 v33, $0x1;
	v29 =	vmax.f32 v29, $0.0e+00  }
0x3f4: {  	v35 =	vmul.f32 v55, v37;
	v29 =	vadd.f32 $9.999999960e-13, v29;
	v30 =	vmax.f32 v30, $0.0e+00  }
0x3f5: {  	v33 =	vmul.f32 $5.000000000e-01, v33;
	v38 =	vsub.s32 $0x5F3759DF, v47;
	v30 =	vadd.f32 $9.999999960e-13, v30  }
0x3f6: {  	v34 =	vmul.f32 v35, v34;
	v46 =	vshra.s32 v29, $0x1;
	v29 =	vmul.f32 $5.000000000e-01, v29  }
0x3f7: {  	v37 =	vsub.s32 $0x5F3759DF, v46;
	v48 =	vshra.s32 v30, $0x1;
	v30 =	vmul.f32 $5.000000000e-01, v30  }
0x3f8: {  	v34 =	vmul.f32 v34, v35;
	v49 =	vmul.f32 v37, v29;
	v39 =	vsub.s32 $0x5F3759DF, v48  }
0x3f9: {  	v50 =	vmul.f32 v38, v33;
	v51 =	vmul.f32 v39, v30  }
0x3fa: {  	v34 =	vsub.f32 $1.500000000e+00, v34;
	v40 =	vmul.f32 v37, v49  }
0x3fb: {  	v26 =	vsub.f32 v26, v28;
	v41 =	vmul.f32 v38, v50;
	v42 =	vmul.f32 v39, v51  }
0x3fc: {  	v16 =	vsub.f32 v16, v28;
	v34 =	vmul.f32 v34, v35;
	v52 =	vsub.f32 $1.500000000e+00, v40  }
0x3fd: {  	v53 =	vsub.f32 $1.500000000e+00, v41;
	v54 =	vsub.f32 $1.500000000e+00, v42  }
0x3fe: {  	v14 =	vsub.f32 v14, v28;
	v26 =	vmul.f32 v34, v26;
	v35 =	vmul.f32 v37, v52  }
0x3ff: {  	v28 =	vsub.f32 v12, v28;
	v55 =	vmul.f32 v38, v53;
	v56 =	vmul.f32 v39, v54  }
0x400: {  	v22 =	vsub.f32 v22, v31;
	v57 =	vmul.f32 v26, v7;
	v26 =	vmul.f32 v35, v29  }
0x401: {  	v58 =	vsub.f32 v21, v31;
	v29 =	vmul.f32 v55, v33;
	v30 =	vmul.f32 v56, v30  }
0x402: {  	v27 =	vsub.f32 v27, v32;
	v25 =	vsub.f32 v25, v32;
	v21 =	vmul.f32 v26, v35  }
0x403: {  	v24 =	vsub.f32 v24, v32;
	v26 =	vmul.f32 v29, v55;
	v29 =	vmul.f32 v30, v56  }
0x404: {  	s19 =	simm.s32 $0x13700;
	v41 =	vmul.f32 v34, v16;
	v42 =	vmul.f32 v34, v14;
	v21 =	vsub.f32 $1.500000000e+00, v21  }
0x405: {  	v12 =	vld [tilespmem:s19+$0x80];
	v16 =	vmul.f32 v34, v28;
	v26 =	vsub.f32 $1.500000000e+00, v26;
	v29 =	vsub.f32 $1.500000000e+00, v29  }
0x406: {  	v60 =	vsub.f32 v13, v36;
	v13 =	vld [tilespmem:s19+$0xFFFFFF90];
	v42 =	vmul.f32 v42, v5;
	v28 =	vmul.f32 v21, v35  }
0x407: {  	v23 =	vsub.f32 v23, v32;
	v14 =	vld [tilespmem:s19+$0x90];
	v26 =	vmul.f32 v26, v55;
	v59 =	vmul.f32 v29, v56  }
0x408: {  	v30 =	vsub.f32 v15, v31;
	v15 =	vld [tilespmem:s19+$0xA0];
	v37 =	vmul.f32 v28, v27;
	v43 =	vmul.f32 v28, v25  }
0x409: {  	v18 =	vsub.f32 v18, v31;
	v44 =	vmul.f32 v28, v24;
	v45 =	vmul.f32 v28, v23  }
0x40a: {  	v17 =	vsub.f32 v17, v36;
	v46 =	vmul.f32 v26, v22;
	v40 =	vmul.f32 v26, v58  }
0x40b: {  	v20 =	vsub.f32 v20, v36;
	v21 =	vld [tilespmem:s19+$0xB0];
	v39 =	vmul.f32 v26, v30;
	v38 =	vmul.f32 v26, v18  }
0x40c: {  	v19 =	vsub.f32 v19, v36;
	v29 =	vld [tilespmem:s19+$0xFFFFFF20];
	v25 =	vmul.f32 v12, v12;
	v28 =	vmul.f32 v14, v14  }
0x40d: {  	v36 =	vadd.f32 v42, v9;
	v27 =	vld [tilespmem:s19+$0xFFFFFF30];
	v58 =	vmul.f32 v13, v13;
	v61 =	vmul.f32 v15, v15  }
0x40e: {  	v22 =	vadd.f32 v14, v12;
	v18 =	vld [tilespmem:s19+$0xFFFFFF80];
	v35 =	vmul.f32 v59, v17;
	v30 =	vmul.f32 v59, v20  }
0x40f: {  	v24 =	vld [tilespmem:s19+$0xFFFFFFA0];
	v25 =	vadd.f32 v28, v25;
	v37 =	vmul.f32 v37, v4;
	v43 =	vmul.f32 v43, v5  }
0x410: {  	v26 =	vld [tilespmem:s19+$0xFFFFFFB0];
	v17 =	vadd.f32 v57, v11;
	v42 =	vmul.f32 v44, v6;
	v23 =	vadd.f32 v21, v15  }
0x411: {  	v51 =	vld [tilespmem:s19+$0xFFFFFF00];
	v47 =	vmul.f32 v21, v21;
	v37 =	vadd.f32 v37, v8;
	v43 =	vadd.f32 v43, v9  }
0x412: {  	v31 =	vld [tilespmem:s19+$0xFFFFFF10];
	v20 =	vmul.f32 v59, v19;
	v42 =	vadd.f32 v42, v10;
	v48 =	vadd.f32 v23, v22  }
0x413: {  	v28 =	vadd.f32 v47, v61;
	v22 =	vmul.f32 v59, v60;
	v62 =	vmul.f32 v29, v29  }
0x414: {  	v57 =	vmul.f32 v27, v27;
	v47 =	vadd.f32 v27, v29;
	v49 =	vmul.f32 v18, v18  }
0x415: {  	v19 =	vld [tilespmem:s19+$0x10];
	v50 =	vadd.f32 v13, v18;
	v59 =	vmul.f32 v24, v24;
	v54 =	vadd.f32 v26, v24  }
0x416: {  	v23 =	vld [tilespmem:s19+$0x0];
	v60 =	vmul.f32 v26, v26;
	v63 =	vadd.f32 v28, v25;
	v53 =	vadd.f32 v57, v62  }
0x417: {  	v28 =	vperm.xlane v48, v0;
	v25 =	vld [tilespmem:s19+$0x20];
	v49 =	vadd.f32 v58, v49;
	v62 =	vadd.f32 v31, v51  }
0x418: {  	v50 =	vadd.f32 v54, v50;
	v56 =	vadd.f32 v60, v59;
	v57 =	vmul.f32 v41, v4  }
0x419: {  	v48 =	vadd.f32 v48, v28;
	v52 =	vperm.xlane v63, v0;
	v28 =	vld [tilespmem:s19+$0x30];
	v47 =	vadd.f32 v47, v62  }
0x41a: {  	v32 =	vmul.f32 v31, v31;
	v33 =	vadd.f32 v57, v8;
	v49 =	vadd.f32 v56, v49  }
0x41b: {  	v55 =	vperm.xlane v48, v1;
	v34 =	vadd.f32 v52, v63;
	v63 =	vmul.f32 v51, v51  }
0x41c: {  	v60 =	vmul.f32 v23, v23;
	v52 =	vadd.f32 v19, v23;
	v62 =	vmul.f32 v25, v25  }
0x41d: {  	v48 =	vadd.f32 v48, v55;
	v61 =	vperm.xlane v34, v1;
	v55 =	vadd.f32 v32, v63  }
0x41e: {  	v32 =	vmul.f32 v46, v4;
	v58 =	vadd.f32 v28, v25;
	v63 =	vmul.f32 v28, v28  }
0x41f: {  	v41 =	vadd.f32 v61, v34;
	v59 =	vperm.xlane v48, v2;
	v61 =	vmul.f32 v19, v19  }
0x420: {  	v34 =	vmul.f32 v45, v7;
	v45 =	vadd.f32 v53, v55;
	v32 =	vadd.f32 v32, v8  }
0x421: {  	v52 =	vadd.f32 v58, v52;
	v48 =	vadd.f32 v48, v59;
	v59 =	vperm.xlane v41, v2  }
0x422: {  	v58 =	vadd.f32 v63, v62;
	v57 =	vadd.f32 v61, v60;
	v60 =	vperm.xlane v47, v0  }
0x423: {  	v61 =	vperm.xlane v50, v0;
	v41 =	vadd.f32 v59, v41;
	v62 =	vperm.xlane v48, v3  }
0x424: {  	v44 =	vadd.f32 v58, v57;
	v46 =	vadd.f32 v47, v60;
	v57 =	vperm.xlane v52, v0  }
0x425: {  	v58 =	vperm.xlane v45, v0;
	v50 =	vadd.f32 v50, v61;
	v59 =	vperm.xlane v49, v0  }
0x426: {  	v63 =	vperm.xlane v41, v3;
	v48 =	vadd.f32 v48, v62;
	v52 =	vadd.f32 v52, v57  }
0x427: {  	v60 =	vperm.xlane v46, v1;
	v45 =	vadd.f32 v58, v45;
	v61 =	vperm.xlane v44, v0  }
0x428: {  	v49 =	vadd.f32 v59, v49;
	v47 =	vadd.f32 v63, v41;
	v41 =	vmul.f32 $1.562500000e-02, v48  }
0x429: {  	v63 =	vperm.xlane v50, v1;
	v44 =	vadd.f32 v61, v44;
	v57 =	vperm.xlane v52, v1  }
0x42a: {  	v46 =	vadd.f32 v46, v60;
	v58 =	vperm.xlane v45, v1;
	v59 =	vperm.xlane v49, v1  }
0x42b: {  	v47 =	vmul.f32 $1.562500000e-02, v47;
	v50 =	vadd.f32 v50, v63;
	v52 =	vadd.f32 v52, v57  }
0x42c: {  	v62 =	vmul.f32 v41, v41;
	v45 =	vadd.f32 v58, v45;
	v49 =	vadd.f32 v59, v49  }
0x42d: {  	v61 =	vperm.xlane v44, v1;
	v21 =	vsub.f32 v21, v41;
	v12 =	vsub.f32 v12, v41  }
0x42e: {  	v60 =	vperm.xlane v46, v2;
	v14 =	vsub.f32 v14, v41;
	v47 =	vsub.f32 v47, v62  }
0x42f: {  	v62 =	vperm.xlane v50, v2;
	v63 =	vperm.xlane v52, v2;
	v44 =	vadd.f32 v61, v44  }
0x430: {  	v46 =	vadd.f32 v46, v60;
	v58 =	vperm.xlane v45, v2;
	v59 =	vperm.xlane v49, v2  }
0x431: {  	v47 =	vmax.f32 v47, $0.0e+00;
	v48 =	vadd.f32 v50, v62;
	v52 =	vadd.f32 v52, v63  }
0x432: {  	v60 =	vperm.xlane v46, v3;
	v45 =	vadd.f32 v58, v45;
	v62 =	vperm.xlane v44, v2  }
0x433: {  	v40 =	vmul.f32 v40, v5;
	v49 =	vadd.f32 v59, v49;
	v47 =	vadd.f32 $9.999999960e-13, v47  }
0x434: {  	v46 =	vadd.f32 v46, v60;
	v63 =	vperm.xlane v48, v3;
	v44 =	vadd.f32 v62, v44  }
0x435: {  	v58 =	vperm.xlane v45, v3;
	v57 =	vshra.s32 v47, $0x1;
	v47 =	vmul.f32 $5.000000000e-01, v47  }
0x436: {  	v59 =	vperm.xlane v49, v3;
	v50 =	vsub.s32 $0x5F3759DF, v57;
	v57 =	vperm.xlane v52, v3  }
0x437: {  	v48 =	vadd.f32 v48, v63;
	v45 =	vadd.f32 v58, v45;
	v61 =	vmul.f32 v50, v47  }
0x438: {  	v60 =	vperm.xlane v44, v3;
	v46 =	vmul.f32 $1.562500000e-02, v46;
	v49 =	vadd.f32 v59, v49  }
0x439: {  	v52 =	vadd.f32 v52, v57;
	v48 =	vmul.f32 $1.562500000e-02, v48;
	v55 =	vmul.f32 v50, v61  }
0x43a: {  	v45 =	vmul.f32 $1.562500000e-02, v45;
	v44 =	vadd.f32 v60, v44;
	v49 =	vmul.f32 $1.562500000e-02, v49  }
0x43b: {  	v61 =	vmul.f32 v46, v46;
	v52 =	vmul.f32 $1.562500000e-02, v52;
	v55 =	vsub.f32 $1.500000000e+00, v55  }
0x43c: {  	v54 =	vsub.f32 v31, v46;
	v31 =	vmul.f32 v48, v48;
	v44 =	vmul.f32 $1.562500000e-02, v44  }
0x43d: {  	v15 =	vsub.f32 v15, v41;
	v62 =	vmul.f32 v52, v52;
	v50 =	vmul.f32 v50, v55  }
0x43e: {  	v39 =	vmul.f32 v39, v6;
	v45 =	vsub.f32 v45, v61;
	v31 =	vsub.f32 v49, v31  }
0x43f: {  	v49 =	vsub.f32 v29, v46;
	v29 =	vsub.f32 v44, v62;
	v47 =	vmul.f32 v50, v47  }
0x440: {  	v38 =	vmul.f32 v38, v7;
	v51 =	vsub.f32 v51, v46;
	v46 =	vsub.f32 v27, v46  }
0x441: {  	v45 =	vmax.f32 v45, $0.0e+00;
	v29 =	vmax.f32 v29, $0.0e+00;
	v47 =	vmul.f32 v47, v50  }
0x442: {  	v31 =	vmax.f32 v31, $0.0e+00;
	v45 =	vadd.f32 $9.999999960e-13, v45;
	v27 =	vadd.f32 $9.999999960e-13, v29  }
0x443: {  	v35 =	vmul.f32 v35, v4;
	v31 =	vadd.f32 $9.999999960e-13, v31;
	v47 =	vsub.f32 $1.500000000e+00, v47  }
0x444: {  	v29 =	vshra.s32 v45, $0x1;
	v45 =	vmul.f32 $5.000000000e-01, v45;
	v61 =	vmul.f32 $5.000000000e-01, v27  }
0x445: {  	v63 =	vsub.s32 $0x5F3759DF, v29;
	v44 =	vmul.f32 v47, v50;
	v47 =	vmul.f32 v30, v5  }
0x446: {  	v30 =	vshra.s32 v31, $0x1;
	v50 =	vmul.f32 $5.000000000e-01, v31;
	v31 =	vshra.s32 v27, $0x1  }
0x447: {  	v27 =	vmul.f32 v63, v45;
	v60 =	vsub.s32 $0x5F3759DF, v30;
	v62 =	vsub.s32 $0x5F3759DF, v31  }
0x448: {  	v58 =	vsub.f32 v18, v48;
	v29 =	vmul.f32 v60, v50;
	v18 =	vmul.f32 v62, v61  }
0x449: {  	v59 =	vsub.f32 v13, v48;
	v13 =	vmul.f32 v20, v6;
	v20 =	vmul.f32 v63, v27  }
0x44a: {  	v24 =	vsub.f32 v24, v48;
	v31 =	vmul.f32 v60, v29;
	v18 =	vmul.f32 v62, v18  }
0x44b: {  	v21 =	vmul.f32 v44, v21;
	v27 =	vmul.f32 v22, v7;
	v20 =	vsub.f32 $1.500000000e+00, v20  }
0x44c: {  	v29 =	vmul.f32 v16, v6;
	v16 =	vsub.f32 $1.500000000e+00, v31;
	v18 =	vsub.f32 $1.500000000e+00, v18  }
0x44d: {  	v30 =	vsub.f32 v23, v52;
	v23 =	vmul.f32 v44, v12;
	v20 =	vmul.f32 v63, v20  }
0x44e: {  	[tilespmem:s23+$0x90] =	vst v36;
	v26 =	vsub.f32 v26, v48;
	v16 =	vmul.f32 v60, v16;
	v18 =	vmul.f32 v62, v18  }
0x44f: {  	[tilespmem:s23+$0xB0] =	vst v17;
	v25 =	vsub.f32 v25, v52;
	v21 =	vmul.f32 v21, v7;
	v17 =	vmul.f32 v20, v45  }
0x450: {  	[tilespmem:s23+$0xFFFFFF00] =	vst v37;
	v31 =	vsub.f32 v19, v52;
	v19 =	vmul.f32 v16, v50;
	v22 =	vmul.f32 v18, v61  }
0x451: {  	[tilespmem:s23+$0xFFFFFF10] =	vst v43;
	v28 =	vsub.f32 v28, v52;
	v14 =	vmul.f32 v44, v14;
	v17 =	vmul.f32 v17, v20  }
0x452: {  	[tilespmem:s23+$0xFFFFFF20] =	vst v42;
	v21 =	vadd.f32 v21, v11;
	v19 =	vmul.f32 v19, v16;
	v22 =	vmul.f32 v22, v18  }
0x453: {  	[tilespmem:s23+$0x80] =	vst v33;
	v12 =	vmul.f32 v44, v15;
	v63 =	vadd.f32 v34, v11;
	v17 =	vsub.f32 $1.500000000e+00, v17  }
0x454: {  	[tilespmem:s23+$0xFFFFFF80] =	vst v32;
	v23 =	vmul.f32 v23, v4;
	v15 =	vsub.f32 $1.500000000e+00, v19;
	v19 =	vsub.f32 $1.500000000e+00, v22  }
0x455: {  	[tilespmem:s19+$0xB0] =	vst v21;
	v20 =	vmul.f32 v17, v20;
	v22 =	vmul.f32 v14, v5;
	v14 =	vadd.f32 v40, v9  }
0x456: {  	[tilespmem:s23+$0xFFFFFF30] =	vst v63;
	v17 =	vmul.f32 v15, v16;
	v19 =	vmul.f32 v19, v18;
	v15 =	vadd.f32 v39, v10  }
0x457: {  	v34 =	vmul.f32 v20, v51;
	v33 =	vmul.f32 v20, v54;
	[tilespmem:s23+$0xFFFFFF90] =	vst v14;
	v14 =	vadd.f32 v38, v11  }
0x458: {  	v32 =	vmul.f32 v20, v49;
	v21 =	vmul.f32 v20, v46;
	v18 =	vadd.f32 v35, v8;
	[tilespmem:s23+$0xFFFFFFA0] =	vst v15  }
0x459: {  	s2 =	simm.s32 $0x4;
	s18 =	simm.s32 $0x13900;
	v20 =	vmul.f32 v17, v58;
	v16 =	vmul.f32 v17, v59;
	[tilespmem:s23+$0xFFFFFFB0] =	vst v14;
	v15 =	vadd.f32 v47, v9  }
.LBB2_9:
0x45a: {  	v14 =	vld [tilespmem:s18+$0x80];
	v37 =	vmul.f32 v17, v24;
	v26 =	vmul.f32 v17, v26;
	[tilespmem:s23+$0x0] =	vst v18;
	v13 =	vadd.f32 v13, v10  }
0x45b: {  	v30 =	vmul.f32 v19, v30;
	v31 =	vmul.f32 v19, v31;
	v17 =	vld [tilespmem:s18+$0x90];
	[tilespmem:s23+$0x10] =	vst v15;
	v15 =	vadd.f32 v27, v11  }
0x45c: {  	v38 =	vmul.f32 v19, v25;
	v27 =	vmul.f32 v19, v28;
	v19 =	vadd.f32 v23, v8;
	v18 =	vld [tilespmem:s18+$0xA0];
	[tilespmem:s23+$0x20] =	vst v13  }
0x45d: {  	v25 =	vmul.f32 v33, v5;
	v28 =	vadd.f32 v22, v9;
	v13 =	vmul.f32 v34, v4;
	v24 =	vld [tilespmem:s18+$0xB0];
	[tilespmem:s23+$0x30] =	vst v15  }
0x45e: {  	s2 =	sadd.s32 $0x4, s2;
	v33 =	vmul.f32 v32, v6;
	v22 =	vmul.f32 v21, v7;
	v15 =	vadd.f32 v29, v10;
	v36 =	vld [tilespmem:s18+$0xFFFFFF10];
	[tilespmem:s19+$0x80] =	vst v19  }
0x45f: {  	p1 =	slt.u32 s2, $0xC4;
	v23 =	vmul.f32 v20, v4;
	v13 =	vadd.f32 v13, v8;
	v19 =	vmul.f32 v16, v5;
	v35 =	vld [tilespmem:s18+$0xFFFFFF20];
	[tilespmem:s19+$0x90] =	vst v28  }
0x460: {  	v21 =	vmul.f32 v37, v6;
	v16 =	vmul.f32 v26, v7;
	v28 =	vadd.f32 v25, v9;
	v32 =	vld [tilespmem:s18+$0xFFFFFF30];
	[tilespmem:s23+$0xA0] =	vst v15;
	s23 =	smov.u32 s19;
	s19 =	smov.u32 s18  }
0x461: {  	v20 =	vmul.f32 v30, v4;
	v34 =	vadd.f32 v17, v14;
	v15 =	vmul.f32 v31, v5;
	v25 =	vld [tilespmem:s18+$0xFFFFFF80];
	[tilespmem:s23+$0xFFFFFF00] =	vst v13  }
0x462: {  	v31 =	vmul.f32 v14, v14;
	v37 =	vmul.f32 v17, v17;
	v26 =	vld [tilespmem:s18+$0xFFFFFF90];
	v13 =	vadd.f32 v24, v18;
	[tilespmem:s23+$0xFFFFFF10] =	vst v28  }
0x463: {  	v33 =	vadd.f32 v33, v10;
	v39 =	vmul.f32 v18, v18;
	v40 =	vmul.f32 v24, v24;
	v28 =	vld [tilespmem:s18+$0xFFFFFFA0]  }
0x464: {  	v41 =	vmul.f32 v36, v36;
	v42 =	vmul.f32 v35, v35;
	v29 =	vld [tilespmem:s18+$0xFFFFFFB0];
	v43 =	vadd.f32 v13, v34  }
0x465: {  	v37 =	vadd.f32 v37, v31;
	v39 =	vadd.f32 v40, v39;
	v34 =	vmul.f32 v32, v32;
	v30 =	vld [tilespmem:s18+$0x0];
	[tilespmem:s23+$0xFFFFFF20] =	vst v33  }
0x466: {  	v13 =	vmul.f32 v38, v6;
	v40 =	vadd.f32 v32, v35;
	v44 =	vmul.f32 v25, v25;
	v31 =	vld [tilespmem:s18+$0x10]  }
0x467: {  	v37 =	vadd.f32 v39, v37;
	v39 =	vperm.xlane v43, v0;
	v45 =	vadd.f32 v26, v25;
	v33 =	vld [tilespmem:s18+$0x20]  }
0x468: {  	v42 =	vadd.f32 v34, v42;
	v46 =	vmul.f32 v26, v26;
	v47 =	vmul.f32 v28, v28;
	v34 =	vld [tilespmem:s18+$0x30]  }
0x469: {  	v39 =	vadd.f32 v43, v39;
	v43 =	vperm.xlane v37, v0;
	v38 =	vld [tilespmem:s18+$0xFFFFFF00];
	v48 =	vadd.f32 v29, v28  }
0x46a: {  	v44 =	vadd.f32 v46, v44;
	v46 =	vmul.f32 v29, v29;
	v49 =	vmul.f32 v30, v30  }
0x46b: {  	v51 =	vperm.xlane v39, v1;
	v37 =	vadd.f32 v43, v37;
	v50 =	vadd.f32 v31, v30  }
0x46c: {  	v43 =	vadd.f32 v48, v45;
	v45 =	vmul.f32 v31, v31;
	v48 =	vmul.f32 v33, v33  }
0x46d: {  	v39 =	vadd.f32 v39, v51;
	v51 =	vperm.xlane v37, v1;
	v52 =	vadd.f32 v34, v33  }
0x46e: {  	v55 =	vmul.f32 v34, v34;
	v53 =	vadd.f32 v36, v38;
	v54 =	vmul.f32 v38, v38  }
0x46f: {  	v46 =	vadd.f32 v46, v47;
	v47 =	vperm.xlane v39, v2;
	v37 =	vadd.f32 v51, v37  }
0x470: {  	v51 =	vperm.xlane v43, v0;
	v40 =	vadd.f32 v40, v53;
	v41 =	vadd.f32 v41, v54  }
0x471: {  	v50 =	vadd.f32 v52, v50;
	v39 =	vadd.f32 v39, v47;
	v47 =	vperm.xlane v37, v2  }
0x472: {  	v45 =	vadd.f32 v45, v49;
	v48 =	vadd.f32 v55, v48;
	v52 =	vperm.xlane v40, v0  }
0x473: {  	v41 =	vadd.f32 v42, v41;
	v42 =	vperm.xlane v39, v3;
	v47 =	vadd.f32 v47, v37  }
0x474: {  	v44 =	vadd.f32 v46, v44;
	v45 =	vadd.f32 v48, v45;
	v37 =	vperm.xlane v50, v0  }
0x475: {  	v40 =	vadd.f32 v40, v52;
	v39 =	vadd.f32 v39, v42;
	v42 =	vperm.xlane v47, v3  }
0x476: {  	v43 =	vadd.f32 v43, v51;
	v48 =	vperm.xlane v44, v0;
	v46 =	vperm.xlane v41, v0  }
0x477: {  	v49 =	vadd.f32 v50, v37;
	v37 =	vmul.f32 $1.562500000e-02, v39;
	v39 =	vadd.f32 v42, v47  }
0x478: {  	v42 =	vperm.xlane v40, v1;
	v41 =	vadd.f32 v46, v41;
	v46 =	vperm.xlane v45, v0  }
0x479: {  	v44 =	vadd.f32 v48, v44;
	v39 =	vmul.f32 $1.562500000e-02, v39;
	v47 =	vmul.f32 v37, v37  }
0x47a: {  	v48 =	vperm.xlane v43, v1;
	v50 =	vperm.xlane v49, v1;
	v45 =	vadd.f32 v46, v45  }
0x47b: {  	v40 =	vadd.f32 v40, v42;
	v42 =	vperm.xlane v41, v1;
	v39 =	vsub.f32 v39, v47  }
0x47c: {  	v43 =	vadd.f32 v43, v48;
	v46 =	vperm.xlane v44, v1;
	v47 =	vadd.f32 v49, v50  }
0x47d: {  	v48 =	vperm.xlane v40, v2;
	v49 =	vperm.xlane v45, v1;
	v39 =	vmax.f32 v39, $0.0e+00  }
0x47e: {  	v41 =	vadd.f32 v42, v41;
	v42 =	vperm.xlane v43, v2;
	v39 =	vadd.f32 $9.999999960e-13, v39  }
0x47f: {  	v44 =	vadd.f32 v46, v44;
	v46 =	vperm.xlane v47, v2;
	v45 =	vadd.f32 v49, v45  }
0x480: {  	v40 =	vadd.f32 v40, v48;
	v48 =	vshra.s32 v39, $0x1;
	v39 =	vmul.f32 $5.000000000e-01, v39  }
0x481: {  	v49 =	vperm.xlane v41, v2;
	v42 =	vadd.f32 v43, v42;
	v43 =	vsub.s32 $0x5F3759DF, v48  }
0x482: {  	v46 =	vadd.f32 v47, v46;
	v48 =	vperm.xlane v44, v2;
	v47 =	vmul.f32 v43, v39  }
0x483: {  	v50 =	vperm.xlane v40, v3;
	v41 =	vadd.f32 v49, v41;
	v49 =	vperm.xlane v45, v2  }
0x484: {  	v51 =	vperm.xlane v42, v3;
	v44 =	vadd.f32 v48, v44;
	v47 =	vmul.f32 v43, v47  }
0x485: {  	v40 =	vadd.f32 v40, v50;
	v45 =	vadd.f32 v49, v45;
	v48 =	vperm.xlane v46, v3  }
0x486: {  	v49 =	vperm.xlane v41, v3;
	v42 =	vadd.f32 v42, v51;
	v47 =	vsub.f32 $1.500000000e+00, v47  }
0x487: {  	v50 =	vperm.xlane v44, v3;
	v46 =	vadd.f32 v46, v48;
	v48 =	vperm.xlane v45, v3  }
0x488: {  	v40 =	vmul.f32 $1.562500000e-02, v40;
	v41 =	vadd.f32 v49, v41;
	v43 =	vmul.f32 v43, v47  }
0x489: {  	v42 =	vmul.f32 $1.562500000e-02, v42;
	v44 =	vadd.f32 v50, v44;
	v46 =	vmul.f32 $1.562500000e-02, v46  }
0x48a: {  	v41 =	vmul.f32 $1.562500000e-02, v41;
	v45 =	vadd.f32 v48, v45;
	v39 =	vmul.f32 v43, v39  }
0x48b: {  	v38 =	vsub.f32 v38, v40;
	v47 =	vmul.f32 v40, v40;
	v44 =	vmul.f32 $1.562500000e-02, v44  }
0x48c: {  	v36 =	vsub.f32 v36, v40;
	v48 =	vmul.f32 v42, v42;
	v39 =	vmul.f32 v39, v43  }
0x48d: {  	v45 =	vmul.f32 $1.562500000e-02, v45;
	v41 =	vsub.f32 v41, v47;
	v47 =	vmul.f32 v46, v46  }
0x48e: {  	v27 =	vmul.f32 v27, v7;
	v44 =	vsub.f32 v44, v48;
	v39 =	vsub.f32 $1.500000000e+00, v39  }
0x48f: {  	v35 =	vsub.f32 v35, v40;
	v41 =	vmax.f32 v41, $0.0e+00;
	v45 =	vsub.f32 v45, v47  }
0x490: {  	v24 =	vsub.f32 v24, v37;
	v44 =	vmax.f32 v44, $0.0e+00;
	v39 =	vmul.f32 v39, v43  }
0x491: {  	v41 =	vadd.f32 $9.999999960e-13, v41;
	v43 =	vadd.f32 $9.999999960e-13, v44;
	v44 =	vmax.f32 v45, $0.0e+00  }
0x492: {  	v40 =	vsub.f32 v32, v40;
	v32 =	vadd.f32 $9.999999960e-13, v44;
	v24 =	vmul.f32 v39, v24  }
0x493: {  	v44 =	vshra.s32 v41, $0x1;
	v41 =	vmul.f32 $5.000000000e-01, v41;
	v45 =	vshra.s32 v43, $0x1  }
0x494: {  	v43 =	vmul.f32 $5.000000000e-01, v43;
	v47 =	vshra.s32 v32, $0x1;
	v24 =	vmul.f32 v24, v7  }
0x495: {  	v44 =	vsub.s32 $0x5F3759DF, v44;
	v45 =	vsub.s32 $0x5F3759DF, v45;
	v32 =	vmul.f32 $5.000000000e-01, v32  }
0x496: {  	v48 =	vmul.f32 v44, v41;
	v47 =	vsub.s32 $0x5F3759DF, v47;
	v49 =	vadd.f32 v24, v11  }
0x497: {  	v51 =	vsub.f32 v25, v42;
	v50 =	vmul.f32 v45, v43;
	v25 =	vmul.f32 v47, v32  }
0x498: {  	v52 =	vsub.f32 v26, v42;
	v48 =	vmul.f32 v44, v48;
	v24 =	vsub.f32 v28, v42;
	[tilespmem:s18+$0xB0] =	vst v49  }
0x499: {  	v26 =	vsub.f32 v29, v42;
	v28 =	vmul.f32 v45, v50;
	v25 =	vmul.f32 v47, v25  }
0x49a: {  	v29 =	vmul.f32 v12, v6;
	v30 =	vsub.f32 v30, v46;
	v42 =	vsub.f32 $1.500000000e+00, v48  }
0x49b: {  	v12 =	vsub.f32 $1.500000000e+00, v28;
	v28 =	vsub.f32 $1.500000000e+00, v25  }
0x49c: {  	v31 =	vsub.f32 v31, v46;
	v42 =	vmul.f32 v44, v42;
	v25 =	vsub.f32 v33, v46  }
0x49d: {  	v33 =	vmul.f32 v45, v12;
	v44 =	vmul.f32 v47, v28;
	v28 =	vsub.f32 v34, v46  }
0x49e: {  	v14 =	vsub.f32 v14, v37;
	v17 =	vsub.f32 v17, v37;
	v12 =	vmul.f32 v42, v41  }
0x49f: {  	v18 =	vsub.f32 v18, v37;
	v34 =	vmul.f32 v33, v43;
	v32 =	vmul.f32 v44, v32  }
0x4a0: {  	v22 =	vadd.f32 v22, v11;
	v14 =	vmul.f32 v39, v14;
	v12 =	vmul.f32 v12, v42  }
0x4a1: {  	v37 =	vadd.f32 v23, v8;
	v34 =	vmul.f32 v34, v33;
	v32 =	vmul.f32 v32, v44  }
0x4a2: {  	v17 =	vmul.f32 v39, v17;
	v41 =	vsub.f32 $1.500000000e+00, v12;
	v12 =	vmul.f32 v39, v18;
	[tilespmem:s23+$0xFFFFFF30] =	vst v22  }
0x4a3: {  	v23 =	vmul.f32 v14, v4;
	v18 =	vsub.f32 $1.500000000e+00, v34;
	v32 =	vsub.f32 $1.500000000e+00, v32;
	[tilespmem:s23+$0xFFFFFF80] =	vst v37  }
.Ltmp3:
0x4a4: {  	v14 =	vmul.f32 v41, v42;
	v22 =	vmul.f32 v17, v5;
	v37 =	vadd.f32 v19, v9;
	(pc) =	sbr.rel @p1 .LBB2_9-.Ltmp3, $4  }
0x4a5: {  	v17 =	vmul.f32 v18, v33;
	v18 =	vadd.f32 v21, v10;
	v19 =	vmul.f32 v32, v44  }
0x4a6: {  	v34 =	vmul.f32 v14, v38;
	v33 =	vmul.f32 v14, v36;
	v36 =	vadd.f32 v16, v11;
	[tilespmem:s23+$0xFFFFFF90] =	vst v37  }
0x4a7: {  	v21 =	vmul.f32 v14, v40;
	v32 =	vmul.f32 v14, v35;
	[tilespmem:s23+$0xFFFFFFA0] =	vst v18;
	v18 =	vadd.f32 v20, v8  }
0x4a8: {  	v15 =	vadd.f32 v15, v9;
	s18 =	sadd.s32 $0x200, s18;
	v16 =	vmul.f32 v17, v52;
	v20 =	vmul.f32 v17, v51;
	[tilespmem:s23+$0xFFFFFFB0] =	vst v36  }
0x4a9: {  	[tilespmem:s23+$0x0] =	vst v18;
	v13 =	vadd.f32 v13, v10  }
0x4aa: {  	v14 =	vadd.f32 v27, v11;
	[tilespmem:s23+$0x10] =	vst v15  }
0x4ab: {  	v40 =	vadd.f32 v23, v8;
	[tilespmem:s23+$0x20] =	vst v13  }
0x4ac: {  	v41 =	vmul.f32 v34, v4;
	v42 =	vadd.f32 v22, v9;
	[tilespmem:s23+$0x30] =	vst v14  }
0x4ad: {  	v43 =	vmul.f32 v33, v5;
	v44 =	vadd.f32 v29, v10;
	[tilespmem:s19+$0x80] =	vst v40  }
0x4ae: {  	v45 =	vmul.f32 v32, v6;
	v13 =	vadd.f32 v41, v8;
	[tilespmem:s19+$0x90] =	vst v42  }
0x4af: {  	v46 =	vmul.f32 v21, v7;
	v14 =	vadd.f32 v43, v9;
	[tilespmem:s23+$0xA0] =	vst v44  }
0x4b0: {  	v12 =	vmul.f32 v12, v6;
	v48 =	vadd.f32 v45, v10;
	[tilespmem:s19+$0xFFFFFF00] =	vst v13  }
0x4b1: {  	v47 =	vmul.f32 v17, v24;
	v20 =	vmul.f32 v20, v4;
	v50 =	vadd.f32 v46, v11;
	[tilespmem:s19+$0xFFFFFF10] =	vst v14  }
0x4b2: {  	v49 =	vmul.f32 v17, v26;
	v16 =	vmul.f32 v16, v5;
	v12 =	vadd.f32 v12, v10;
	[tilespmem:s19+$0xFFFFFF20] =	vst v48  }
0x4b3: {  	v51 =	vmul.f32 v19, v30;
	v15 =	vmul.f32 v47, v6;
	v52 =	vadd.f32 v20, v8;
	[tilespmem:s19+$0xFFFFFF30] =	vst v50  }
0x4b4: {  	v53 =	vmul.f32 v19, v31;
	v17 =	vmul.f32 v49, v7;
	v54 =	vadd.f32 v16, v9;
	[tilespmem:s19+$0xA0] =	vst v12  }
0x4b5: {  	v55 =	vmul.f32 v19, v25;
	v18 =	vmul.f32 v51, v4;
	v56 =	vadd.f32 v15, v10;
	[tilespmem:s19+$0xFFFFFF80] =	vst v52  }
0x4b6: {  	v57 =	vmul.f32 v19, v28;
	v58 =	vmul.f32 v53, v5;
	v59 =	vadd.f32 v17, v11;
	[tilespmem:s19+$0xFFFFFF90] =	vst v54  }
0x4b7: {  	s31 =	sadd.s32 $0x1, s31;
	v16 =	vmul.f32 v55, v6;
	v60 =	vadd.f32 v18, v8;
	[tilespmem:s19+$0xFFFFFFA0] =	vst v56  }
0x4b8: {  	p1 =	sne.s32 s31, $0x20;
	v15 =	vmul.f32 v57, v7;
	v61 =	vadd.f32 v58, v9;
	[tilespmem:s19+$0xFFFFFFB0] =	vst v59  }
.Ltmp4:
0x4b9: {  	s2 =	sadd.s32 s8, s28;
	v62 =	vadd.f32 v16, v10;
	[tilespmem:s19+$0x0] =	vst v60;
	(pc) =	sbr.rel @p1 .LBB2_2-.Ltmp4, $4  }
0x4ba: {  	s2 =	smul.u32 $0xC80, s2;
	[tilespmem:s19+$0x10] =	vst v61;
	v63 =	vadd.f32 v15, v11  }
0x4bb: {  	[tilespmem:s19+$0x20] =	vst v62  }
0x4bc: {  	s2 =	sadd.s32 s10, s2;
	[tilespmem:s19+$0x30] =	vst v63  }
0x4bd: {  	[hbm4b:s2+s4] =	stream.linear.scatter [tilespmem:s13], [sflag:$0x10], $0x6400, $0x38;
	[tilespmem:$0x19F40] =	vst v63  }
0x4be: {  	s2 =	simm.s32 $0xD  }
0x4bf: {  	_ =	swait.ge [sflag:s2], $0x6400  }
0x4c0: {  	[sflag:s2] =	ssyncset.done $0x0  }
0x4c1: {  	s26 =	simm.s32 $0xE;
	[sflag:s2] =	ssyncadd.s32 $0xFFFF9C00  }
0x4c2: {  	_ =	swait.ge [sflag:s26], $0x6400  }
0x4c3: {  	[sflag:s26] =	ssyncset.done $0x0  }
0x4c4: {  	s28 =	simm.s32 $0xF;
	[sflag:s26] =	ssyncadd.s32 $0xFFFF9C00  }
0x4c5: {  	_ =	swait.ge [sflag:s28], $0x6400  }
0x4c6: {  	[sflag:s28] =	ssyncset.done $0x0  }
0x4c7: {  	s18 =	simm.s32 $0x10;
	[sflag:s28] =	ssyncadd.s32 $0xFFFF9C00  }
0x4c8: {  	_ =	swait.ge [sflag:s18], $0x6400  }
0x4c9: {  	s19 =	rddreg [dreg:$0xd]  }
0x4ca: {  	s31 =	rddreg [dreg:$0xc];
	s19 =	sadd.s32 $0x1, s19  }
0x4cb: {  	p1 =	sne.s32 s19, s31  }
.Ltmp5:
0x4cc: {  	_ = 	snop;
	(pc) =	sbr.rel @p1 .LBB2_1-.Ltmp5, $3  }
0x4cd: {  	_ =	sdelay $0x1  }
0x4ce: {  	[sflag:s18] =	ssyncset.done $0x0  }
0x4cf: {  	[sflag:s18] =	ssyncadd.s32 $0xFFFF9C00  }
0x4d0: {  	_ =	sfence.sel $0x180000  }
0x4d1: {  	[bflag:$0x0] =	sbarrier.arrive $0xFFFF  }
0x4d2: {  	_ =	strace $0x90000047  }
0x4d3: {  	[bflag:$0x2] =	sbarrier.arrive $0xFFFF  }
0x4d4: {  	s0 =	rddreg [dreg:$0x4]  }
0x4d5: {  	s0 =	sadd.s32 @!p0 $0x100000, s0  }
0x4d6: {  	[sflag:s0] =	ssyncadd.tile.s32 @!p0 $0x1;
	_ =	shalt  }
.Lfunc_end2:
_tile_overlayer_lowered:
.L_overlay_start_2:
0x4d7: {  	(tag) =	ssettag $0x2  }
0x4d8: {  	s0 =	rddreg [dreg:$0x0];
	s2 =	stileid.u32  }
0x4d9: {  	s1 =	rddreg [dreg:$0x1];
	p0 =	sne.s32 s2, $0x0  }
0x4da: {  	s3 =	rddreg [dreg:$0x2];
	[bflag:$0x3] =	sbarrier.arrive $0xFFFF;
	s2 =	simm.s32 @!p0 $0x1C11  }
0x4db: {  	[timem:s3], [sflag:s2] =	dma.local @!p0 [hbm:s0], s1  }
0x4dc: {  	s0 =	simm.s32 @!p0 $0x11  }
0x4dd: {  	_ =	swait.ge @!p0 [sflag:s0], s1  }
0x4de: {  	s1 =	ssub.s32 @!p0 $0x0, s1;
	[sflag:s0] =	ssyncset.done @!p0 $0x0  }
0x4df: {  	[sflag:s0] =	ssyncadd.s32 @!p0 s1  }
0x4e0: {  	[bflag:$0x3] =	sbarrier.arrive $0xFFFF  }
0x4e1: {  	_ =	shalt  }

// kernel: sparse-core-data-format-call.cloned.1.call-start
scs
called_computation_lowered:
.L_overlay_start_0:
0x0: {  	s2 =	sld [smem:$0x3FD9]  }
0x1: {  	s3 =	sld [smem:$0x3FFE];
	_ =	sdelay $0x1  }
0x2: {  	s1 =	srdreg.scid  }
0x3: {  	s0 =	sand.u32 $0x1, s1  }
0x4: {  	s18 =	sshll.u32 s0, $0xA;
	s2 =	sadd.s32 s3, s2  }
0x5: {  	s2 =	sadd.s32 s2, s18  }
0x6: {  	[smem:$0x3FC2] =	sst s2  }
0x7: {  	_ = 	snop  }
0x8: {  	s2 =	sld [smem:$0x3FD0];
	(tm) =	ssettm $0x1  }
0x9: {  	s19 =	sld [smem:$0x3FFB];
	_ =	sdelay $0x3  }
0xa: {  	_ =	strace s19  }
0xb: {  	s3 =	sld [smem:$0x3FFC];
	_ =	sdelay $0x3  }
0xc: {  	_ =	strace s3  }
0xd: {  	s3 =	sld [smem:$0x3FFD];
	_ =	sdelay $0x3  }
0xe: {  	_ =	strace s3  }
0xf: {  	_ =	strace $0x8FFFFFFF  }
0x10: {  	s20 =	sld [smem:$0x3FDB];
	_ =	sdelay $0x1  }
0x11: {  	s4 =	simm.s32 $_scs_section_size  }
0x12: {  	s5 =	simm.s32 $_size__tile_overlayer_lowered;
	s6 =	simm.s32 $_tile_overlayer_lowered  }
0x13: {  	s23 =	simm.s32 $0x1BFF;
	s22 =	sshll.u32 s6, $0x1;
	s3 =	sadd.s32 s4, s20  }
0x14: {  	s7 =	simm.s32 $0x0;
	s21 =	sshll.u32 s5, $0x1;
	s5 =	sadd.s32 s22, s3  }
0x15: {  	[timem:s7], [sflag:s23] =	dma.local [hbm:s5], s21  }
0x16: {  	_ =	swait.ge [sflag:s23], s21  }
0x17: {  	s4 =	ssub.s32 $0x0, s21;
	[sflag:s23] =	ssyncset.done $0x0  }
0x18: {  	[sflag:s23] =	ssyncadd.s32 s4;
	_ =	sdelay $0x1  }
0x19: {  	s24 =	simm.s32 $0x1B8B  }
0x1a: {  	_ =	swait.ge [sflag:s24], $0x1  }
0x1b: {  	[sflag:s24] =	ssyncset.done $0x0  }
0x1c: {  	s26 =	simm.s32 $0x1B8E;
	s25 =	sld [smem:$0x3FFE];
	[sflag:s24] =	ssyncadd.s32 $0xFFFFFFFF  }
0x1d: {  	s27 =	simm.s32 $execute0_lowered;
	[smem:$0x3FD2] =	sst s26  }
0x1e: {  	s5 =	sshll.u32 s27, $0x1;
	_ =	strace $0x80000049;
	[dreg:$0x1] =	wrdreg $0xFFFFFFFF  }
0x1f: {  	s28 =	simm.s32 $_size_execute0_lowered;
	s3 =	sadd.s32 s3, s5;
	[dreg:$0x0] =	wrdreg $0x0  }
0x20: {  	s5 =	sshll.u32 s28, $0x1;
	[dreg:$0x2] =	wrdreg s3  }
0x21: {  	[dreg:$0x3] =	wrdreg s5  }
0x22: {  	[dreg:$0x4] =	wrdreg $0xC0  }
0x23: {  	_ =	task [dreg:s7], $0x5FFFF  }
0x24: {  	[dreg:$0x1] =	wrdreg $0xFFFFFFFF  }
0x25: {  	[dreg:$0x0] =	wrdreg $0x60  }
0x26: {  	[dreg:$0x2] =	wrdreg s25  }
0x27: {  	[dreg:$0x3] =	wrdreg s2  }
0x28: {  	[dreg:$0x4] =	wrdreg $0x9  }
0x29: {  	_ =	task.clear_ibuf [dreg:s7], $0x5FFFF;
	_ =	strace $0x90000049  }
0x2a: {  	s29 =	simm.s32 $0x9;
	_ =	strace $0x8000004B  }
0x2b: {  	_ =	swait.ge [sflag:s29], $0x1  }
0x2c: {  	[sflag:s29] =	ssyncadd.s32 $0xFFFFFFFF  }
0x2d: {  	_ =	strace $0x9000004B  }
0x2e: {  	_ =	sfence  }
0x2f: {  	s30 =	sld [smem:$0x0];
	_ =	sdelay $0x2  }
0x30: {  	s31 =	sshll.u32 s1, $0xD;
	s1 =	sshrl.u32 s1, $0x2  }
0x31: {  	s3 =	sand.u32 $0x4000, s31;
	s1 =	sadd.s32 s1, s30  }
0x32: {  	s0 =	sor.u32 s3, s0;
	s1 =	sshll.u32 s1, $0x11  }
0x33: {  	s0 =	sor.u32 s1, s0  }
0x34: {  	s0 =	sadd.s32 $0x8F2B, s0  }
0x35: {  	[sflag:s0] =	ssyncadd.remote.s32 $0x1  }
0x36: {  	_ =	sfence.sel $0xFFFF  }
0x37: {  	[dreg:$0x0] =	wrdreg $0xFFFFFFFF;
	(pc) =	sbr.abs _section_cstart, $3  }
0x38: {  	[dreg:$0x1] =	wrdreg $0xFFFFFFFF  }
0x39: {  	_ =	task.clear_ibuf [dreg:s7], $0x2FFFF;
	_ =	strace $0x9FFFFFFF  }
0x3a: {  	(tm) =	ssettm $0x7FFFFFFF  }
0x3b: {  	_ =	shalt  }
tec
execute0_lowered:
.L_overlay_start_1:
0x0: {  	(tag) =	ssettag $0x1  }
0x1: {  	s0 =	srdreg.scid  }
0x2: {  	s1 =	sshll.u32 s0, $0x4  }
0x3: {  	s0 =	stileid.u32;
	s1 =	sand.u32 $0x10, s1  }
0x4: {  	s1 =	sor.u32 s0, s1  }
0x5: {  	s6 =	rddreg [dreg:$0x0];
	s4 =	simm.s32 $0x1;
	s2 =	sshll.u32 s1, $0x7  }
0x6: {  	s7 =	simm.s32 $0x2;
	s12 =	simm.s32 $0x0;
	s1 =	ssub.s32 $0x1000, s2  }
0x7: {  	s8 =	simm.s32 $0x8000;
	s13 =	simm.s32 $0x0;
	s3 =	sand.u32 $0xF80, s1  }
0x8: {  	s9 =	simm.s32 $0x0;
	s5 =	sshrl.u32 s1, $0xC;
	p0 =	sne.s32 s3, $0x0  }
.Ltmp0:
0x9: {  	s1 =	rddreg [dreg:$0x2];
	s4 =	simm.s32 @!p0 $0x0;
	(pc) =	sbr.rel .LBB1_1-.Ltmp0, $4  }
0xa: {  	s11 =	simm.s32 $0x0;
	s3 =	rddreg [dreg:$0x1];
	s5 =	sadd.s32 s4, s5  }
0xb: {  	_ =	strace $0x8000004A;
	s4 =	simm.s32 $0x1;
	s5 =	smul.u32 $0xC8, s5  }
0xc: {  	s6 =	sadd.s32 $0x1C8000, s6;
	s10 =	smov.u32 s2;
	[sflag:s4] =	ssyncpa.u1 $0x0  }
0xd: {  	p0 =	por $0x0, $0x0;
	[sflag:s7] =	ssyncpa.u1 $0x0;
	s7 =	sor.u32 $0x1, s5  }
.LBB1_4:
0xe: {  	s16 =	sshll.u32 s13, $0x3;
	s17 =	sand.u32 $0x78, s13  }
0xf: {  	s30 =	sand.u32 $0x7E00, s13;
	s12 =	sshll.u32 s12, $0xF;
	s16 =	sand.u32 $0xC00, s16  }
0x10: {  	[tilespmem:s15+$0x810 ss:$0x81] =	vst.msk $0xffff, v2;
	s31 =	sand.u32 $0x7, s13;
	s16 =	sor.u32 s17, s16;
	s17 =	sadd.s32 s3, s30  }
0x11: {  	[tilespmem:s15+$0x1020 ss:$0x81] =	vst.msk $0xffff, v0;
	s13 =	sshll.u32 s31, $0x12;
	s12 =	sadd.s32 s12, s17;
	s16 =	sshrl.u32 s16, $0x3  }
0x12: {  	[tilespmem:s15+$0x0 ss:$0x81] =	vst.msk $0xffff, v1;
	s13 =	sor.u32 $0x400, s13;
	s12 =	sadd.s32 s16, s12  }
0x13: {  	[hbm4b:s12+s13] =	stream.strided.scatter [tilespmem:s14], [sflag:$0x2], $0x2000, s8, s13, $0x20;
	[tilespmem:$0x8080] =	vst v63  }
.LBB1_5:
0x14: {  	s14 =	sadd.s32 $0x1, s9  }
0x15: {  	s12 =	sadd.s32 $0x1000, s10;
	s16 =	smov.u32 s10;
	p2 =	sgt.s32 s14, $0xC7  }
0x16: {  	s16 =	smov.u32 @p2 s12  }
0x17: {  	s14 =	simm.s32 @p2 $0x0;
	p2 =	sgt.s32 s16, $0xFFF  }
0x18: {  	s16 =	smov.u32 @p2 s2;
	p2 =	sne.s32 s11, s7  }
.Ltmp1:
0x19: {  	p1 =	slt.u32 s11, $0x2;
	(pc) =	sbr.rel @!p2 .LBB1_6-.Ltmp1, $4  }
0x1a: {  	s15 =	simm.s32 @!p1 $0x2  }
0x1b: {  	s13 =	smov.u32 s10;
	p0 =	por !p0, !p0;
	_ =	swait.ge @!p1 [sflag:s15], $0x2000  }
0x1c: {  	s12 =	smov.u32 s9;
	[sflag:s15] =	ssyncset.done @!p1 $0x0;
	s9 =	smov.u32 s14  }
0x1d: {  	s11 =	sadd.s32 $0x1, s11;
	[sflag:s15] =	ssyncadd.s32 @!p1 $0xFFFFE000;
	s10 =	smov.u32 s16  }
.LBB1_1:
0x1e: {  	p1 =	sge.u32 s11, s5  }
0x1f: {  	s14 =	sand.u32 @!p1 $0x1FFFFFF, s9  }
0x20: {  	s15 =	smulhi.u32 @!p1 $0x147AE15, s14;
	_ =	sdelay $0x1  }
0x21: {  	s15 =	smul.u32 @!p1 $0xC8, s15  }
0x22: {  	s16 =	sxor.u32 @!p1 $0xFFFFFFFF, s11;
	s17 =	smul.u32 @!p1 $0xC80, s10  }
0x23: {  	s31 =	sadd.s32 $0xFFFFFFFF, s11;
	s16 =	sshll.u32 @!p1 s16, $0xD;
	s14 =	ssub.s32 @!p1 s14, s15  }
0x24: {  	s15 =	sand.u32 @!p1 $0x2000, s16;
	s16 =	sadd.s32 @!p1 s6, s17;
	s14 =	sshll.u32 @!p1 s14, $0x4  }
0x25: {  	s17 =	simm.s32 @!p1 $0x6400;
	s14 =	sadd.s32 @!p1 s14, s16;
	s16 =	simm.s32 @!p1 $0x40  }
0x26: {  	[tilespmem:s15], [sflag:$0x1] =	stream.strided.gather @!p1 [hbm4b:s14+s16], $0x2000, s17, s16, $0x38;
	[tilespmem:$0x8080] =	vst v63  }
0x27: {  	p1 =	sge.u32 s31, s5  }
.Ltmp2:
0x28: {  	_ = 	snop;
	(pc) =	sbr.rel @p1 .LBB1_5-.Ltmp2, $1  }
0x29: {  	_ =	sdelay $0x3  }
0x2a: {  	s14 =	simm.s32 $0x1  }
0x2b: {  	_ =	swait.ge [sflag:s4], $0x2000;
	s14 =	simm.s32 @!p0 $0x0  }
0x2c: {  	[sflag:s4] =	ssyncset.done $0x0;
	s15 =	sshll.u32 s14, $0xD  }
0x2d: {  	[sflag:s4] =	ssyncadd.s32 $0xFFFFE000;
	s18 =	sor.u32 $0x20, s15  }
0x2e: {  	s14 =	smul.u32 $0x8100, s14;
	v3 =	vld [tilespmem:s18+$0x10]  }
0x2f: {  	s30 =	sand.u32 $0x1, s11;
	v2 =	vld [tilespmem:s18+$0xFFFFFFF0]  }
0x30: {  	s15 =	smul.u32 $0x8100, s30;
	s14 =	sshrl.u32 s14, $0x2;
	v0 =	vld [tilespmem:s18+$0x0]  }
0x31: {  	v1 =	vld [tilespmem:s18+$0xFFFFFFE0];
	s16 =	sor.u32 $0x4000, s14  }
0x32: {  	s31 =	sshrl.u32 s15, $0x2;
	s15 =	sadd.s32 $0x0, s16  }
0x33: {  	s17 =	simm.s32 $0x4;
	s18 =	sadd.s32 $0x40, s18;
	s14 =	sor.u32 $0x4000, s31;
	[tilespmem:s15+$0x1830 ss:$0x81] =	vst.msk $0xffff, v3  }
.LBB1_3:
0x34: {  	v3 =	vld [tilespmem:s18+$0x10];
	p1 =	sne.s32 s17, $0x1FC;
	[tilespmem:s15+$0x810 ss:$0x81] =	vst.msk $0xffff, v2;
	s19 =	smov.u32 s17;
	s17 =	sadd.s32 $0x4, s17  }
.Ltmp3:
0x35: {  	v2 =	vld [tilespmem:s18+$0xFFFFFFF0];
	[tilespmem:s15+$0x1020 ss:$0x81] =	vst.msk $0xffff, v0;
	(pc) =	sbr.rel @p1 .LBB1_3-.Ltmp3, $4  }
0x36: {  	v0 =	vld [tilespmem:s18+$0x0];
	[tilespmem:s15+$0x0 ss:$0x81] =	vst.msk $0xffff, v1  }
0x37: {  	s15 =	sshra.s32 s19, $0x2;
	v1 =	vld [tilespmem:s18+$0xFFFFFFE0]  }
0x38: {  	s15 =	sadd.s32 s15, s16  }
0x39: {  	s18 =	sadd.s32 $0x40, s18;
	[tilespmem:s15+$0x1830 ss:$0x81] =	vst.msk $0xffff, v3  }
.Ltmp4:
0x3a: {  	_ = 	snop;
	(pc) =	sbr.rel .LBB1_4-.Ltmp4, $1  }
0x3b: {  	_ =	sdelay $0x3  }
.LBB1_6:
0x3c: {  	_ =	sfence.sel $0x180000  }
0x3d: {  	s2 =	simm.s32 $0x1;
	[bflag:$0x0] =	sbarrier.arrive $0xFFFF  }
0x3e: {  	s31 =	simm.s32 $0x2;
	[sflag:s2] =	ssyncpa.u1 $0x1  }
0x3f: {  	[sflag:s31] =	ssyncpa.u1 $0x1  }
0x40: {  	p0 =	sne.s32 s0, $0x0;
	_ =	strace $0x9000004A  }
0x41: {  	s0 =	sadd.s32 @!p0 $0x100000, s1;
	[bflag:$0x2] =	sbarrier.arrive $0xFFFF  }
0x42: {  	[sflag:s0] =	ssyncadd.tile.s32 @!p0 $0x1;
	_ =	shalt  }
.Lfunc_end1:
_tile_overlayer_lowered:
.L_overlay_start_2:
0x43: {  	(tag) =	ssettag $0x2  }
0x44: {  	s0 =	rddreg [dreg:$0x0];
	s2 =	stileid.u32  }
0x45: {  	s1 =	rddreg [dreg:$0x1];
	p0 =	sne.s32 s2, $0x0  }
0x46: {  	s3 =	rddreg [dreg:$0x2];
	[bflag:$0x3] =	sbarrier.arrive $0xFFFF;
	s2 =	simm.s32 @!p0 $0x1C01  }
0x47: {  	[timem:s3], [sflag:s2] =	dma.local @!p0 [hbm:s0], s1  }
0x48: {  	s0 =	simm.s32 @!p0 $0x1  }
0x49: {  	_ =	swait.ge @!p0 [sflag:s0], s1  }
0x4a: {  	s1 =	ssub.s32 @!p0 $0x0, s1;
	[sflag:s0] =	ssyncset.done @!p0 $0x0  }
0x4b: {  	[sflag:s0] =	ssyncadd.s32 @!p0 s1  }
0x4c: {  	[bflag:$0x3] =	sbarrier.arrive $0xFFFF  }
0x4d: {  	_ =	shalt  }

</sc_bundles>
